<compile_context>
chip_gen: v7x
topology: tpu7x:2x2x1
jax: 0.10.2.dev20260603
libtpu: 0.0.44.dev20260713+nightly
codegen_flags: <defaults>
</compile_context>

<pallas_src>
import jax
import jax.numpy as jnp
from jax import lax
from jax.experimental import pallas as pl
from jax.experimental.pallas import tpu as pltpu
from jax.experimental.pallas import tpu_sc as plsc

N_NODES = 10000
N_EDGES = 320000
DIM = 128
H = 8
HD = 16
SCALE = HD ** (-0.5)

NC = 2
NS = 16
W = 64
E_PAD = 327680
WPW = E_PAD // (NS * W)
NP = 10240
NHALF = NP // 2
ACC_R = NHALF + 128
PACK = 16
PACC_R = NHALF // PACK + 8


def _qkv_body(x_ref, w_ref, bq_ref, bkv_ref, q_ref, k_ref, v_ref):
    acc = lax.dot_general(x_ref[...], w_ref[...], (((1,), (1,)), ((), ())),
                          preferred_element_type=jnp.float32)
    q_ref[...] = (acc[:, :DIM] + bq_ref[...]) * SCALE
    kv = acc[:, DIM:] + bkv_ref[...]
    k_ref[...] = kv[:, :DIM]
    v_ref[...] = kv[:, DIM:]


def _qkv(x_pad, w_cat, bq, bkv):
    blk = 1024
    grid = NP // blk
    return pl.pallas_call(
        _qkv_body,
        grid=(grid,),
        in_specs=[
            pl.BlockSpec((blk, DIM), lambda i: (i, 0)),
            pl.BlockSpec((3 * DIM, DIM), lambda i: (0, 0)),
            pl.BlockSpec((1, DIM), lambda i: (0, 0)),
            pl.BlockSpec((1, 2 * DIM), lambda i: (0, 0)),
        ],
        out_specs=[
            pl.BlockSpec((blk, DIM), lambda i: (i, 0)),
            pl.BlockSpec((blk, DIM), lambda i: (i, 0)),
            pl.BlockSpec((blk, DIM), lambda i: (i, 0)),
        ],
        out_shape=[
            jax.ShapeDtypeStruct((NP, DIM), jnp.float32),
            jax.ShapeDtypeStruct((NP, DIM), jnp.float32),
            jax.ShapeDtypeStruct((NP, DIM), jnp.float32),
        ],
    )(x_pad, w_cat, bq, bkv)


def _bias_body(ea_ref, we_ref, be_ref, o_ref):
    o_ref[...] = lax.dot_general(ea_ref[...], we_ref[...], (((1,), (1,)), ((), ())),
                                 preferred_element_type=jnp.float32) + be_ref[...]


def _edge_bias(ea_pad, We, be):
    blk = 8192
    grid = E_PAD // blk
    return pl.pallas_call(
        _bias_body,
        grid=(grid,),
        in_specs=[
            pl.BlockSpec((blk, 4), lambda i: (i, 0)),
            pl.BlockSpec((H, 4), lambda i: (0, 0)),
            pl.BlockSpec((1, H), lambda i: (0, 0)),
        ],
        out_specs=pl.BlockSpec((blk, H), lambda i: (i, 0)),
        out_shape=jax.ShapeDtypeStruct((E_PAD, H), jnp.float32),
    )(ea_pad, We, be)


_GDN = lax.GatherDimensionNumbers(
    offset_dims=(), collapsed_slice_dims=(0,), start_index_map=(0,))


def _lane_bcast(vec, lane_vec):
    return lax.gather(vec, lane_vec[:, None], _GDN, (1,),
                      mode=lax.GatherScatterMode.PROMISE_IN_BOUNDS)


def _sc_body(q_hbm, k_hbm, v_hbm, bias_hbm, idx2_hbm,
             out_wv_hbm,
             q_rows0, k_rows0, v_rows0, bias_v0, idx_v0, wv_buf0, dloc_v0,
             p_stage0, prow_v0, m8_v0,
             q_rows1, k_rows1, v_rows1, bias_v1, idx_v1, wv_buf1, dloc_v1,
             p_stage1, prow_v1, m8_v1,
             acc_sh, accp_sh, sem0, sem1, sem_sc0, sem_sc1, sem_p0, sem_p1):
    c = lax.axis_index("c")
    s = lax.axis_index("s")
    half_lo = c * NHALF
    zero16 = jnp.zeros((16,), jnp.float32)
    iota16 = lax.iota(jnp.int32, 16)
    bufs = ((q_rows0, k_rows0, v_rows0, bias_v0, idx_v0, wv_buf0, dloc_v0,
             p_stage0, prow_v0, m8_v0, sem0, sem_sc0, sem_p0),
            (q_rows1, k_rows1, v_rows1, bias_v1, idx_v1, wv_buf1, dloc_v1,
             p_stage1, prow_v1, m8_v1, sem1, sem_sc1, sem_p1))

    @pl.loop(0, W)
    def _zr(r):
        for cc in range(0, DIM, 16):
            wv_buf0[r, pl.ds(cc, 16)] = zero16
            p_stage0[r, pl.ds(cc, 16)] = zero16
            p_stage1[r, pl.ds(cc, 16)] = zero16

    @pl.loop(0, ACC_R // (NS * 32))
    def _za(i):
        pltpu.sync_copy(
            wv_buf0.at[pl.ds(0, 32)],
            acc_sh.at[pl.ds((s * (ACC_R // (NS * 32)) + i) * 32, 32)])

    @pl.when(s == 0)
    def _zp():
        @pl.loop(0, PACC_R // 8)
        def _zpi(i):
            pltpu.sync_copy(wv_buf0.at[pl.ds(0, 8)], accp_sh.at[pl.ds(i * 8, 8)])

    plsc.subcore_barrier()

    def prefetch(w, b):
        q_r, k_r, v_r, bias_b, idx_b, wv_b, dloc_b, p_st, prow_b, m8_b, \
            sem, sem_sc, sem_p = bufs[b]
        row = s * WPW + w
        pltpu.sync_copy(idx2_hbm.at[pl.ds(row, 1)], idx_b)
        pltpu.async_copy(q_hbm.at[idx_b.at[0].at[pl.ds(W, W)]], q_r, sem)
        pltpu.async_copy(k_hbm.at[idx_b.at[0].at[pl.ds(0, W)]], k_r, sem)
        pltpu.async_copy(v_hbm.at[idx_b.at[0].at[pl.ds(0, W)]], v_r, sem)
        pltpu.async_copy(bias_hbm.at[pl.ds(row * W * H, W * H)],
                         bias_b.at[pl.ds(0, W * H)], sem)

    def wait_bufs(b):
        q_r, k_r, v_r, bias_b, idx_b, wv_b, dloc_b, p_st, prow_b, m8_b, \
            sem, sem_sc, sem_p = bufs[b]
        pltpu.make_async_copy(q_hbm.at[idx_b.at[0].at[pl.ds(W, W)]], q_r, sem).wait()
        pltpu.make_async_copy(k_hbm.at[idx_b.at[0].at[pl.ds(0, W)]], k_r, sem).wait()
        pltpu.make_async_copy(v_hbm.at[idx_b.at[0].at[pl.ds(0, W)]], v_r, sem).wait()
        pltpu.make_async_copy(bias_hbm.at[pl.ds(0, W * H)],
                              bias_b.at[pl.ds(0, W * H)], sem).wait()

    def process(t, w, b):
        q_r, k_r, v_r, bias_b, idx_b, wv_b, dloc_b, p_st, prow_b, m8_b, \
            sem, sem_sc, sem_p = bufs[b]

        @pl.when(t >= 1)
        def _wsc():
            pltpu.make_async_copy(wv_b, acc_sh.at[dloc_b.at[0]], sem_sc).wait()
            pltpu.make_async_copy(p_st, accp_sh.at[prow_b.at[0]], sem_p).wait()

            @pl.loop(0, W // 16)
            def _pz(g):
                rows_vec = iota16 + g * 16
                m8 = m8_v_read = m8_b[0, pl.ds(g * 16, 16)]
                for h in range(H):
                    plsc.store_scatter(p_st, [rows_vec, m8 + h], zero16)

        @pl.loop(0, W // 16)
        def _pr(j):
            dv = idx_b[0, pl.ds(W + j * 16, 16)]
            loc = dv - half_lo
            inh = (loc >= 0) & (loc < NHALF)
            dloc_b[0, pl.ds(j * 16, 16)] = jnp.where(inh, loc, NHALF)
            prow_b[0, pl.ds(j * 16, 16)] = jnp.where(
                inh, lax.shift_right_logical(loc, 4), NHALF // PACK)
            m8_b[0, pl.ds(j * 16, 16)] = (loc & 15) * 8

        idx15 = jnp.full((16,), 15, jnp.int32)
        zero16i = jnp.zeros((16,), jnp.int32)
        lt8 = iota16 < 8

        @plsc.parallel_loop(0, W, unroll=3)
        def _edge(e):
            g = lax.shift_right_logical(e, 4)
            m8vec = m8_b[0, pl.ds(g * 16, 16)]
            m8b = _lane_bcast(m8vec, zero16i + (e & 15))
            bb = bias_b[pl.ds(e * H, 16)]
            logits = jnp.zeros((16,), jnp.float32)
            for h in range(H):
                qv = q_r[e, pl.ds(h * HD, HD)]
                kv = k_r[e, pl.ds(h * HD, HD)]
                sv = plsc.cumsum(qv * kv)
                tot = _lane_bcast(sv, idx15)
                logits = jnp.where(iota16 == h, tot, logits)
            pv = jnp.exp(logits + bb)
            plsc.store_scatter(p_st, [zero16i + e, m8b + iota16], pv, mask=lt8)
            for h in range(H):
                pb = _lane_bcast(pv, jnp.full((16,), h, jnp.int32))
                wv_b[e, pl.ds(h * HD, HD)] = pb * v_r[e, pl.ds(h * HD, HD)]

        pltpu.async_copy(wv_b, acc_sh.at[dloc_b.at[0]], sem_sc, add=True)
        pltpu.async_copy(p_st, accp_sh.at[prow_b.at[0]], sem_p, add=True)

    prefetch(0, 0)

    @pl.loop(0, WPW // 2)
    def _win(t):
        w0 = t * 2
        prefetch(w0 + 1, 1)
        wait_bufs(0)
        process(t, w0, 0)

        @pl.when(t < WPW // 2 - 1)
        def _pf():
            prefetch(w0 + 2, 0)

        wait_bufs(1)
        process(t, w0 + 1, 1)

    pltpu.make_async_copy(wv_buf0, acc_sh.at[dloc_v0.at[0]], sem_sc0).wait()
    pltpu.make_async_copy(wv_buf1, acc_sh.at[dloc_v1.at[0]], sem_sc1).wait()
    pltpu.make_async_copy(p_stage0, accp_sh.at[prow_v0.at[0]], sem_p0).wait()
    pltpu.make_async_copy(p_stage1, accp_sh.at[prow_v1.at[0]], sem_p1).wait()

    plsc.subcore_barrier()

    pltpu.sync_copy(accp_sh.at[pl.ds(s * (NHALF // NS // PACK), NHALF // NS // PACK)],
                    p_stage0.at[pl.ds(0, NHALF // NS // PACK)])

    @pl.loop(0, NHALF // (NS * 32))
    def _fin(i):
        r0 = s * (NHALF // NS) + i * 32
        pltpu.sync_copy(acc_sh.at[pl.ds(r0, 32)], wv_buf0.at[pl.ds(0, 32)])

        zero16i = jnp.zeros((16,), jnp.int32)

        @pl.loop(0, 32)
        def _row(r):
            pr_v = zero16i + (i * 2 + lax.shift_right_logical(r, 4))
            cb = (r & 15) * 8
            for h in range(H):
                den = jnp.maximum(
                    plsc.load_gather(p_stage0, [pr_v, zero16i + (cb + h)]), 1e-6)
                wv_buf0[r, pl.ds(h * HD, HD)] = (
                    wv_buf0[r, pl.ds(h * HD, HD)] / den)

        pltpu.sync_copy(wv_buf0.at[pl.ds(0, 32)],
                        out_wv_hbm.at[c].at[pl.ds(r0, 32)])


def _sc_edge_pass(q_tab, k_tab, v_tab, bias, idx2):
    mesh = plsc.VectorSubcoreMesh(core_axis_name="c", subcore_axis_name="s",
                                  num_cores=NC)
    run = pl.kernel(
        _sc_body,
        out_type=jax.ShapeDtypeStruct((NC, NHALF, DIM), jnp.float32),
        mesh=mesh,
        compiler_params=pltpu.CompilerParams(needs_layout_passes=False),
        scratch_types=(
            [t for _ in range(2) for t in (
                pltpu.VMEM((W, DIM), jnp.float32),
                pltpu.VMEM((W, DIM), jnp.float32),
                pltpu.VMEM((W, DIM), jnp.float32),
                pltpu.VMEM((W * H + 16,), jnp.float32),
                pltpu.VMEM((1, 2 * W), jnp.int32),
                pltpu.VMEM((W, DIM), jnp.float32),
                pltpu.VMEM((1, W), jnp.int32),
                pltpu.VMEM((W, DIM), jnp.float32),
                pltpu.VMEM((1, W), jnp.int32),
                pltpu.VMEM((1, W), jnp.int32),
            )]
            + [
                pltpu.VMEM_SHARED((ACC_R, DIM), jnp.float32),
                pltpu.VMEM_SHARED((PACC_R, DIM), jnp.float32),
                pltpu.SemaphoreType.DMA,
                pltpu.SemaphoreType.DMA,
                pltpu.SemaphoreType.DMA,
                pltpu.SemaphoreType.DMA,
                pltpu.SemaphoreType.DMA,
                pltpu.SemaphoreType.DMA,
            ]),
    )
    return run(q_tab, k_tab, v_tab, bias, idx2)


def _final_body(acc_ref, wo_ref, bo_ref, gnw_ref, gnb_ref, o_ref):
    a = acc_ref[0]
    blk = a.shape[0]
    o = lax.dot_general(a, wo_ref[...], (((1,), (1,)), ((), ())),
                        preferred_element_type=jnp.float32) + bo_ref[...]
    g3 = o.reshape(blk, H, HD)
    mean = jnp.mean(g3, axis=-1, keepdims=True)
    var = jnp.mean((g3 - mean) ** 2, axis=-1, keepdims=True)
    gn = (g3 - mean) * lax.rsqrt(var + 1e-5)
    o_ref[...] = gn.reshape(blk, DIM) * gnw_ref[...] + gnb_ref[...]


def _finalize(acc_wv, Wo, bo, gn_w, gn_b):
    blk = 512
    grid = NP // blk
    half_blks = NHALF // blk
    return pl.pallas_call(
        _final_body,
        grid=(grid,),
        in_specs=[
            pl.BlockSpec((1, blk, DIM),
                         lambda i: (i // half_blks, i % half_blks, 0)),
            pl.BlockSpec((DIM, DIM), lambda i: (0, 0)),
            pl.BlockSpec((1, DIM), lambda i: (0, 0)),
            pl.BlockSpec((1, DIM), lambda i: (0, 0)),
            pl.BlockSpec((1, DIM), lambda i: (0, 0)),
        ],
        out_specs=pl.BlockSpec((blk, DIM), lambda i: (i, 0)),
        out_shape=jax.ShapeDtypeStruct((NP, DIM), jnp.float32),
    )(acc_wv, Wo, bo, gn_w, gn_b)


def kernel(x, edge_index, edge_attr, Wq, bq, Wk, bk, Wv, bv, We, be, Wo, bo,
           gn_w, gn_b):
    x_pad = jnp.concatenate(
        [x, jnp.zeros((NP - N_NODES, DIM), jnp.float32)], axis=0)
    w_cat = jnp.concatenate([Wq, Wk, Wv], axis=0)
    bkv = jnp.concatenate([bk, bv], axis=0).reshape(1, 2 * DIM)
    q_tab, k_tab, v_tab = _qkv(x_pad, w_cat, bq.reshape(1, DIM), bkv)

    src = edge_index[0].astype(jnp.int32)
    dst = edge_index[1].astype(jnp.int32)
    pad_idx = jnp.full((E_PAD - N_EDGES,), N_NODES, jnp.int32)
    src2 = jnp.concatenate([src, pad_idx]).reshape(E_PAD // W, W)
    dst2 = jnp.concatenate([dst, pad_idx]).reshape(E_PAD // W, W)
    idx2 = jnp.concatenate([src2, dst2], axis=1)
    ea_pad = jnp.concatenate(
        [edge_attr, jnp.zeros((E_PAD - N_EDGES, 4), jnp.float32)], axis=0)
    bias = _edge_bias(ea_pad, We, be.reshape(1, H)).reshape(E_PAD * H)

    acc_wv = _sc_edge_pass(q_tab, k_tab, v_tab, bias, idx2)
    out = _finalize(acc_wv, Wo, bo.reshape(1, DIM), gn_w.reshape(1, DIM),
                    gn_b.reshape(1, DIM))
    return out[:N_NODES]

# --- scband reference (transcript-rebuilt; emitter-appended) ---
"""Pipeline reference for scband-graph-attention-79517024518470 (READ-ONLY COPY).

The authoritative reference and input builder live on the scoring server;
editing this copy changes nothing except your own understanding.
"""

import jax, jax.numpy as jnp
import numpy as np

N_NODES = 10000
N_EDGES = 320000
DIM = 128
NUM_HEADS = 8
HEAD_DIM = DIM // NUM_HEADS
EDGE_DIM = 4
SCALE = HEAD_DIM ** (-0.5)


def setup_inputs(seed: int = 0) -> dict:
    key = jax.random.key(seed)
    ks = jax.random.split(key, 16)
    x = jax.random.normal(ks[0], (N_NODES, DIM), dtype=jnp.float32)
    edge_index = jax.random.randint(ks[1], (2, N_EDGES), 0, N_NODES, dtype=jnp.int64 if jax.config.jax_enable_x64 else jnp.int32)
    edge_attr = jax.random.normal(ks[2], (N_EDGES, EDGE_DIM), dtype=jnp.float32)
    s = 0.05
    return {
        'x': x,
        'edge_index': edge_index,
        'edge_attr': edge_attr,
        'Wq': jax.random.normal(ks[3], (DIM, DIM), dtype=jnp.float32) * s,
        'bq': jnp.zeros((DIM,), dtype=jnp.float32),
        'Wk': jax.random.normal(ks[4], (DIM, DIM), dtype=jnp.float32) * s,
        'bk': jnp.zeros((DIM,), dtype=jnp.float32),
        'Wv': jax.random.normal(ks[5], (DIM, DIM), dtype=jnp.float32) * s,
        'bv': jnp.zeros((DIM,), dtype=jnp.float32),
        'We': jax.random.normal(ks[6], (NUM_HEADS, EDGE_DIM), dtype=jnp.float32) * s,
        'be': jnp.zeros((NUM_HEADS,), dtype=jnp.float32),
        'Wo': jax.random.normal(ks[7], (DIM, DIM), dtype=jnp.float32) * s,
        'bo': jnp.zeros((DIM,), dtype=jnp.float32),
        'gn_w': jnp.ones((DIM,), dtype=jnp.float32),
        'gn_b': jnp.zeros((DIM,), dtype=jnp.float32),
    }


def reference(x, edge_index, edge_attr, Wq, bq, Wk, bk, Wv, bv, We, be, Wo, bo, gn_w, gn_b):
    N, D = x.shape
    H, Hd = NUM_HEADS, HEAD_DIM
    src = edge_index[0]
    dst = edge_index[1]
    q = (x @ Wq.T + bq).reshape(N, H, Hd)
    k = (x @ Wk.T + bk).reshape(N, H, Hd)
    v = (x @ Wv.T + bv).reshape(N, H, Hd)
    q_dst = jnp.take(q, dst, axis=0)
    k_src = jnp.take(k, src, axis=0)
    attn = (q_dst * k_src).sum(axis=-1) * SCALE
    edge_bias = edge_attr @ We.T + be
    attn = attn + edge_bias
    attn_max = jax.ops.segment_max(attn, dst, num_segments=N)
    attn_max = jnp.where(jnp.isneginf(attn_max), 0.0, attn_max)
    attn = jnp.exp(attn - jnp.take(attn_max, dst, axis=0))
    attn_sum = jax.ops.segment_sum(attn, dst, num_segments=N)
    attn = attn / jnp.clip(jnp.take(attn_sum, dst, axis=0), 1e-06, None)
    v_src = jnp.take(v, src, axis=0)
    weighted_v = attn[..., None] * v_src
    out = jax.ops.segment_sum(weighted_v, dst, num_segments=N)
    out = out.reshape(N, D)
    out = out @ Wo.T + bo
    # GroupNorm(8, D) on [N, D]
    g = out.reshape(N, 8, D // 8)
    mean = g.mean(axis=-1, keepdims=True)
    var = ((g - mean) ** 2).mean(axis=-1, keepdims=True)
    g = (g - mean) / jnp.sqrt(var + 1e-05)
    out = g.reshape(N, D) * gn_w + gn_b
    return out

if __name__ == "__main__":
    import jax
    _d = setup_inputs()
    print(jax.jit(kernel)(*tuple(_d.values())))

</pallas_src>

<mosaic_0001>
#map = affine_map<(d0, d1) -> (0, 0)>
#map1 = affine_map<(d0, d1) -> (0)>
#map2 = affine_map<(d0, d1) -> (0, 0, 0)>
module attributes {stable_mosaic.version = 14 : i64} {
  func.func @_sc_body(%arg0: i32, %arg1: i32, %arg2: memref<10240x128xf32, #tpu.memory_space<hbm>>, %arg3: memref<10240x128xf32, #tpu.memory_space<hbm>>, %arg4: memref<10240x128xf32, #tpu.memory_space<hbm>>, %arg5: memref<2621440xf32, #tpu.memory_space<hbm>>, %arg6: memref<5120x128xi32, #tpu.memory_space<hbm>>, %arg7: memref<2x5120x128xf32, #tpu.memory_space<hbm>>, %arg8: memref<64x128xf32, #tpu.memory_space<vmem>>, %arg9: memref<64x128xf32, #tpu.memory_space<vmem>>, %arg10: memref<64x128xf32, #tpu.memory_space<vmem>>, %arg11: memref<528xf32, #tpu.memory_space<vmem>>, %arg12: memref<1x128xi32, #tpu.memory_space<vmem>>, %arg13: memref<64x128xf32, #tpu.memory_space<vmem>>, %arg14: memref<1x64xi32, #tpu.memory_space<vmem>>, %arg15: memref<64x128xf32, #tpu.memory_space<vmem>>, %arg16: memref<1x64xi32, #tpu.memory_space<vmem>>, %arg17: memref<1x64xi32, #tpu.memory_space<vmem>>, %arg18: memref<64x128xf32, #tpu.memory_space<vmem>>, %arg19: memref<64x128xf32, #tpu.memory_space<vmem>>, %arg20: memref<64x128xf32, #tpu.memory_space<vmem>>, %arg21: memref<528xf32, #tpu.memory_space<vmem>>, %arg22: memref<1x128xi32, #tpu.memory_space<vmem>>, %arg23: memref<64x128xf32, #tpu.memory_space<vmem>>, %arg24: memref<1x64xi32, #tpu.memory_space<vmem>>, %arg25: memref<64x128xf32, #tpu.memory_space<vmem>>, %arg26: memref<1x64xi32, #tpu.memory_space<vmem>>, %arg27: memref<1x64xi32, #tpu.memory_space<vmem>>, %arg28: memref<5248x128xf32, #tpu.memory_space<vmem_shared>>, %arg29: memref<328x128xf32, #tpu.memory_space<vmem_shared>>, %arg30: memref<!tpu.dma_semaphore, #tpu.memory_space<semaphore_mem>>, %arg31: memref<!tpu.dma_semaphore, #tpu.memory_space<semaphore_mem>>, %arg32: memref<!tpu.dma_semaphore, #tpu.memory_space<semaphore_mem>>, %arg33: memref<!tpu.dma_semaphore, #tpu.memory_space<semaphore_mem>>, %arg34: memref<!tpu.dma_semaphore, #tpu.memory_space<semaphore_mem>>, %arg35: memref<!tpu.dma_semaphore, #tpu.memory_space<semaphore_mem>>) attributes {dimension_semantics = [#tpu.dimension_semantics<core_parallel>, #tpu.dimension_semantics<subcore_parallel>], iteration_bounds = array<i64: 2, 16>, scalar_prefetch = 0 : i64, scratch_operands = 28 : i64, tpu.core_type = #tpu.core_type<sc_vector_subcore>, window_params = [{transform_indices = #map}, {transform_indices = #map}, {transform_indices = #map}, {transform_indices = #map1}, {transform_indices = #map}, {transform_indices = #map2}]} {
    %mul3A = arith.constant 5120 : i32
    %mul3A_0 = arith.muli %arg0, %mul3A : i32
    %broadcast_in_dim3A = arith.constant 0.000000e+00 : f32
    %broadcast_in_dim3A_1 = vector.broadcast %broadcast_in_dim3A : f32 to vector<16xf32>
    %iota3A = tpu.iota {dimensions = array<i32: 0>} : vector<16xi32>
    %scan3A = arith.constant 0 : i32
    %scan3A_2 = arith.constant 64 : i32
    %scan3A_3 = arith.addi %scan3A, %scan3A_2 : i32
    %scan3A_4 = arith.constant 1 : i32
    scf.for %scan3A_92 = %scan3A to %scan3A_3 step %scan3A_4  : i32 {
      %mul3A_93 = arith.constant 1 : i32
      %mul3A_94 = arith.muli %scan3A_92, %mul3A_93 : i32
      %add3A_95 = arith.constant 0 : i32
      %add3A_96 = arith.addi %add3A_95, %mul3A_94 : i32
      %swap3A = arith.index_cast %add3A_96 : i32 to index
      %swap3A_97 = arith.constant 0 : index
      %swap3A_98 = tpu.vector_load %arg13[%swap3A, %swap3A_97] {strides = array<i32>} : memref<64x128xf32, #tpu.memory_space<vmem>>, vector<16xf32>,
      tpu.vector_store %arg13[%swap3A, %swap3A_97], %broadcast_in_dim3A_1 {strides = array<i32>} : memref<64x128xf32, #tpu.memory_space<vmem>>, vector<16xf32>,
      %swap3A_99 = arith.index_cast %add3A_96 : i32 to index
      %swap3A_100 = arith.constant 0 : index
      %swap3A_101 = tpu.vector_load %arg15[%swap3A_99, %swap3A_100] {strides = array<i32>} : memref<64x128xf32, #tpu.memory_space<vmem>>, vector<16xf32>,
      tpu.vector_store %arg15[%swap3A_99, %swap3A_100], %broadcast_in_dim3A_1 {strides = array<i32>} : memref<64x128xf32, #tpu.memory_space<vmem>>, vector<16xf32>,
      %swap3A_102 = arith.index_cast %add3A_96 : i32 to index
      %swap3A_103 = arith.constant 0 : index
      %swap3A_104 = tpu.vector_load %arg25[%swap3A_102, %swap3A_103] {strides = array<i32>} : memref<64x128xf32, #tpu.memory_space<vmem>>, vector<16xf32>,
      tpu.vector_store %arg25[%swap3A_102, %swap3A_103], %broadcast_in_dim3A_1 {strides = array<i32>} : memref<64x128xf32, #tpu.memory_space<vmem>>, vector<16xf32>,
      %swap3A_105 = arith.index_cast %add3A_96 : i32 to index
      %swap3A_106 = arith.constant 16 : index
      %swap3A_107 = tpu.vector_load %arg13[%swap3A_105, %swap3A_106] {strides = array<i32>} : memref<64x128xf32, #tpu.memory_space<vmem>>, vector<16xf32>,
      tpu.vector_store %arg13[%swap3A_105, %swap3A_106], %broadcast_in_dim3A_1 {strides = array<i32>} : memref<64x128xf32, #tpu.memory_space<vmem>>, vector<16xf32>,
      %swap3A_108 = arith.index_cast %add3A_96 : i32 to index
      %swap3A_109 = arith.constant 16 : index
      %swap3A_110 = tpu.vector_load %arg15[%swap3A_108, %swap3A_109] {strides = array<i32>} : memref<64x128xf32, #tpu.memory_space<vmem>>, vector<16xf32>,
      tpu.vector_store %arg15[%swap3A_108, %swap3A_109], %broadcast_in_dim3A_1 {strides = array<i32>} : memref<64x128xf32, #tpu.memory_space<vmem>>, vector<16xf32>,
      %swap3A_111 = arith.index_cast %add3A_96 : i32 to index
      %swap3A_112 = arith.constant 16 : index
      %swap3A_113 = tpu.vector_load %arg25[%swap3A_111, %swap3A_112] {strides = array<i32>} : memref<64x128xf32, #tpu.memory_space<vmem>>, vector<16xf32>,
      tpu.vector_store %arg25[%swap3A_111, %swap3A_112], %broadcast_in_dim3A_1 {strides = array<i32>} : memref<64x128xf32, #tpu.memory_space<vmem>>, vector<16xf32>,
      %swap3A_114 = arith.index_cast %add3A_96 : i32 to index
      %swap3A_115 = arith.constant 32 : index
      %swap3A_116 = tpu.vector_load %arg13[%swap3A_114, %swap3A_115] {strides = array<i32>} : memref<64x128xf32, #tpu.memory_space<vmem>>, vector<16xf32>,
      tpu.vector_store %arg13[%swap3A_114, %swap3A_115], %broadcast_in_dim3A_1 {strides = array<i32>} : memref<64x128xf32, #tpu.memory_space<vmem>>, vector<16xf32>,
      %swap3A_117 = arith.index_cast %add3A_96 : i32 to index
      %swap3A_118 = arith.constant 32 : index
      %swap3A_119 = tpu.vector_load %arg15[%swap3A_117, %swap3A_118] {strides = array<i32>} : memref<64x128xf32, #tpu.memory_space<vmem>>, vector<16xf32>,
      tpu.vector_store %arg15[%swap3A_117, %swap3A_118], %broadcast_in_dim3A_1 {strides = array<i32>} : memref<64x128xf32, #tpu.memory_space<vmem>>, vector<16xf32>,
      %swap3A_120 = arith.index_cast %add3A_96 : i32 to index
      %swap3A_121 = arith.constant 32 : index
      %swap3A_122 = tpu.vector_load %arg25[%swap3A_120, %swap3A_121] {strides = array<i32>} : memref<64x128xf32, #tpu.memory_space<vmem>>, vector<16xf32>,
      tpu.vector_store %arg25[%swap3A_120, %swap3A_121], %broadcast_in_dim3A_1 {strides = array<i32>} : memref<64x128xf32, #tpu.memory_space<vmem>>, vector<16xf32>,
      %swap3A_123 = arith.index_cast %add3A_96 : i32 to index
      %swap3A_124 = arith.constant 48 : index
      %swap3A_125 = tpu.vector_load %arg13[%swap3A_123, %swap3A_124] {strides = array<i32>} : memref<64x128xf32, #tpu.memory_space<vmem>>, vector<16xf32>,
      tpu.vector_store %arg13[%swap3A_123, %swap3A_124], %broadcast_in_dim3A_1 {strides = array<i32>} : memref<64x128xf32, #tpu.memory_space<vmem>>, vector<16xf32>,
      %swap3A_126 = arith.index_cast %add3A_96 : i32 to index
      %swap3A_127 = arith.constant 48 : index
      %swap3A_128 = tpu.vector_load %arg15[%swap3A_126, %swap3A_127] {strides = array<i32>} : memref<64x128xf32, #tpu.memory_space<vmem>>, vector<16xf32>,
      tpu.vector_store %arg15[%swap3A_126, %swap3A_127], %broadcast_in_dim3A_1 {strides = array<i32>} : memref<64x128xf32, #tpu.memory_space<vmem>>, vector<16xf32>,
      %swap3A_129 = arith.index_cast %add3A_96 : i32 to index
      %swap3A_130 = arith.constant 48 : index
      %swap3A_131 = tpu.vector_load %arg25[%swap3A_129, %swap3A_130] {strides = array<i32>} : memref<64x128xf32, #tpu.memory_space<vmem>>, vector<16xf32>,
      tpu.vector_store %arg25[%swap3A_129, %swap3A_130], %broadcast_in_dim3A_1 {strides = array<i32>} : memref<64x128xf32, #tpu.memory_space<vmem>>, vector<16xf32>,
      %swap3A_132 = arith.index_cast %add3A_96 : i32 to index
      %swap3A_133 = arith.constant 64 : index
      %swap3A_134 = tpu.vector_load %arg13[%swap3A_132, %swap3A_133] {strides = array<i32>} : memref<64x128xf32, #tpu.memory_space<vmem>>, vector<16xf32>,
      tpu.vector_store %arg13[%swap3A_132, %swap3A_133], %broadcast_in_dim3A_1 {strides = array<i32>} : memref<64x128xf32, #tpu.memory_space<vmem>>, vector<16xf32>,
      %swap3A_135 = arith.index_cast %add3A_96 : i32 to index
      %swap3A_136 = arith.constant 64 : index
      %swap3A_137 = tpu.vector_load %arg15[%swap3A_135, %swap3A_136] {strides = array<i32>} : memref<64x128xf32, #tpu.memory_space<vmem>>, vector<16xf32>,
      tpu.vector_store %arg15[%swap3A_135, %swap3A_136], %broadcast_in_dim3A_1 {strides = array<i32>} : memref<64x128xf32, #tpu.memory_space<vmem>>, vector<16xf32>,
      %swap3A_138 = arith.index_cast %add3A_96 : i32 to index
      %swap3A_139 = arith.constant 64 : index
      %swap3A_140 = tpu.vector_load %arg25[%swap3A_138, %swap3A_139] {strides = array<i32>} : memref<64x128xf32, #tpu.memory_space<vmem>>, vector<16xf32>,
      tpu.vector_store %arg25[%swap3A_138, %swap3A_139], %broadcast_in_dim3A_1 {strides = array<i32>} : memref<64x128xf32, #tpu.memory_space<vmem>>, vector<16xf32>,
      %swap3A_141 = arith.index_cast %add3A_96 : i32 to index
      %swap3A_142 = arith.constant 80 : index
      %swap3A_143 = tpu.vector_load %arg13[%swap3A_141, %swap3A_142] {strides = array<i32>} : memref<64x128xf32, #tpu.memory_space<vmem>>, vector<16xf32>,
      tpu.vector_store %arg13[%swap3A_141, %swap3A_142], %broadcast_in_dim3A_1 {strides = array<i32>} : memref<64x128xf32, #tpu.memory_space<vmem>>, vector<16xf32>,
      %swap3A_144 = arith.index_cast %add3A_96 : i32 to index
      %swap3A_145 = arith.constant 80 : index
      %swap3A_146 = tpu.vector_load %arg15[%swap3A_144, %swap3A_145] {strides = array<i32>} : memref<64x128xf32, #tpu.memory_space<vmem>>, vector<16xf32>,
      tpu.vector_store %arg15[%swap3A_144, %swap3A_145], %broadcast_in_dim3A_1 {strides = array<i32>} : memref<64x128xf32, #tpu.memory_space<vmem>>, vector<16xf32>,
      %swap3A_147 = arith.index_cast %add3A_96 : i32 to index
      %swap3A_148 = arith.constant 80 : index
      %swap3A_149 = tpu.vector_load %arg25[%swap3A_147, %swap3A_148] {strides = array<i32>} : memref<64x128xf32, #tpu.memory_space<vmem>>, vector<16xf32>,
      tpu.vector_store %arg25[%swap3A_147, %swap3A_148], %broadcast_in_dim3A_1 {strides = array<i32>} : memref<64x128xf32, #tpu.memory_space<vmem>>, vector<16xf32>,
      %swap3A_150 = arith.index_cast %add3A_96 : i32 to index
      %swap3A_151 = arith.constant 96 : index
      %swap3A_152 = tpu.vector_load %arg13[%swap3A_150, %swap3A_151] {strides = array<i32>} : memref<64x128xf32, #tpu.memory_space<vmem>>, vector<16xf32>,
      tpu.vector_store %arg13[%swap3A_150, %swap3A_151], %broadcast_in_dim3A_1 {strides = array<i32>} : memref<64x128xf32, #tpu.memory_space<vmem>>, vector<16xf32>,
      %swap3A_153 = arith.index_cast %add3A_96 : i32 to index
      %swap3A_154 = arith.constant 96 : index
      %swap3A_155 = tpu.vector_load %arg15[%swap3A_153, %swap3A_154] {strides = array<i32>} : memref<64x128xf32, #tpu.memory_space<vmem>>, vector<16xf32>,
      tpu.vector_store %arg15[%swap3A_153, %swap3A_154], %broadcast_in_dim3A_1 {strides = array<i32>} : memref<64x128xf32, #tpu.memory_space<vmem>>, vector<16xf32>,
      %swap3A_156 = arith.index_cast %add3A_96 : i32 to index
      %swap3A_157 = arith.constant 96 : index
      %swap3A_158 = tpu.vector_load %arg25[%swap3A_156, %swap3A_157] {strides = array<i32>} : memref<64x128xf32, #tpu.memory_space<vmem>>, vector<16xf32>,
      tpu.vector_store %arg25[%swap3A_156, %swap3A_157], %broadcast_in_dim3A_1 {strides = array<i32>} : memref<64x128xf32, #tpu.memory_space<vmem>>, vector<16xf32>,
      %swap3A_159 = arith.index_cast %add3A_96 : i32 to index
      %swap3A_160 = arith.constant 112 : index
      %swap3A_161 = tpu.vector_load %arg13[%swap3A_159, %swap3A_160] {strides = array<i32>} : memref<64x128xf32, #tpu.memory_space<vmem>>, vector<16xf32>,
      tpu.vector_store %arg13[%swap3A_159, %swap3A_160], %broadcast_in_dim3A_1 {strides = array<i32>} : memref<64x128xf32, #tpu.memory_space<vmem>>, vector<16xf32>,
      %swap3A_162 = arith.index_cast %add3A_96 : i32 to index
      %swap3A_163 = arith.constant 112 : index
      %swap3A_164 = tpu.vector_load %arg15[%swap3A_162, %swap3A_163] {strides = array<i32>} : memref<64x128xf32, #tpu.memory_space<vmem>>, vector<16xf32>,
      tpu.vector_store %arg15[%swap3A_162, %swap3A_163], %broadcast_in_dim3A_1 {strides = array<i32>} : memref<64x128xf32, #tpu.memory_space<vmem>>, vector<16xf32>,
      %swap3A_165 = arith.index_cast %add3A_96 : i32 to index
      %swap3A_166 = arith.constant 112 : index
      %swap3A_167 = tpu.vector_load %arg25[%swap3A_165, %swap3A_166] {strides = array<i32>} : memref<64x128xf32, #tpu.memory_space<vmem>>, vector<16xf32>,
      tpu.vector_store %arg25[%swap3A_165, %swap3A_166], %broadcast_in_dim3A_1 {strides = array<i32>} : memref<64x128xf32, #tpu.memory_space<vmem>>, vector<16xf32>,
    }
    %scan3A_5 = arith.constant 64 : i32
    %scan3A_6 = arith.constant 0 : i32
    %scan3A_7 = arith.constant 10 : i32
    %scan3A_8 = arith.addi %scan3A_6, %scan3A_7 : i32
    %scan3A_9 = arith.constant 1 : i32
    scf.for %scan3A_92 = %scan3A_6 to %scan3A_8 step %scan3A_9  : i32 {
      %mul3A_93 = arith.constant 1 : i32
      %mul3A_94 = arith.muli %scan3A_92, %mul3A_93 : i32
      %add3A_95 = arith.constant 0 : i32
      %add3A_96 = arith.addi %add3A_95, %mul3A_94 : i32
      %mul3A_97 = arith.constant 10 : i32
      %mul3A_98 = arith.muli %arg1, %mul3A_97 : i32
      %add3A_99 = arith.addi %mul3A_98, %add3A_96 : i32
      %mul3A_100 = arith.constant 32 : i32
      %mul3A_101 = arith.muli %add3A_99, %mul3A_100 : i32
      "tpu.region"() ({
        %run_scoped3A = tpu.sem_alloc : memref<!tpu.dma_semaphore, #tpu.memory_space<semaphore_mem>>
        %dma_start3A_102 = arith.constant 0 : i32
        %dma_start3A_103 = arith.constant 0 : i32
        %dma_start3A_104 = tpu.memref_slice %arg13[%dma_start3A_102, %dma_start3A_103] : memref<64x128xf32, #tpu.memory_space<vmem>> -> memref<32x128xf32, #tpu.memory_space<vmem>>
        %dma_start3A_105 = arith.constant 0 : i32
        %dma_start3A_106 = tpu.memref_slice %arg28[%mul3A_101, %dma_start3A_105] : memref<5248x128xf32, #tpu.memory_space<vmem_shared>> -> memref<32x128xf32, #tpu.memory_space<vmem_shared>>
        %dma_start3A_107 = arith.constant 0 : i32
        %dma_start3A_108 = tpu.memref_slice %arg28[%mul3A_101, %dma_start3A_107] : memref<5248x128xf32, #tpu.memory_space<vmem_shared>> -> memref<32x128xf32, #tpu.memory_space<vmem_shared>>
        %dma_start3A_109 = arith.constant 0 : i32
        %dma_start3A_110 = arith.constant 0 : i32
        %dma_start3A_111 = tpu.memref_slice %arg13[%dma_start3A_109, %dma_start3A_110] : memref<64x128xf32, #tpu.memory_space<vmem>> -> memref<32x128xf32, #tpu.memory_space<vmem>>
        tpu.enqueue_dma source(%dma_start3A_111 : memref<32x128xf32, #tpu.memory_space<vmem>>) target(%dma_start3A_108 : memref<32x128xf32, #tpu.memory_space<vmem_shared>>) target_semaphore(%run_scoped3A : memref<!tpu.dma_semaphore, #tpu.memory_space<semaphore_mem>>)
        %dma_wait3A_112 = arith.constant 0 : i32
        %dma_wait3A_113 = arith.constant 0 : i32
        %dma_wait3A_114 = tpu.memref_slice %arg13[%dma_wait3A_112, %dma_wait3A_113] : memref<64x128xf32, #tpu.memory_space<vmem>> -> memref<32x128xf32, #tpu.memory_space<vmem>>
        %dma_wait3A_115 = arith.constant 0 : i32
        %dma_wait3A_116 = tpu.memref_slice %arg28[%mul3A_101, %dma_wait3A_115] : memref<5248x128xf32, #tpu.memory_space<vmem_shared>> -> memref<32x128xf32, #tpu.memory_space<vmem_shared>>
        %dma_wait3A_117 = arith.constant 0 : i32
        %dma_wait3A_118 = tpu.memref_slice %arg28[%mul3A_101, %dma_wait3A_117] : memref<5248x128xf32, #tpu.memory_space<vmem_shared>> -> memref<32x128xf32, #tpu.memory_space<vmem_shared>>
        %dma_wait3A_119 = arith.constant 0 : i32
        %dma_wait3A_120 = arith.constant 0 : i32
        %dma_wait3A_121 = tpu.memref_slice %arg13[%dma_wait3A_119, %dma_wait3A_120] : memref<64x128xf32, #tpu.memory_space<vmem>> -> memref<32x128xf32, #tpu.memory_space<vmem>>
        tpu.wait_dma2 semaphore(%run_scoped3A : memref<!tpu.dma_semaphore, #tpu.memory_space<semaphore_mem>>) src(%dma_wait3A_121 : memref<32x128xf32, #tpu.memory_space<vmem>>) dst(%dma_wait3A_118 : memref<32x128xf32, #tpu.memory_space<vmem_shared>>)
        tpu.yield
      }) : () -> ()
    }
    %scan3A_10 = arith.constant 10 : i32
    %eq3A = arith.constant 0 : i32
    %eq3A_11 = arith.cmpi eq, %arg1, %eq3A : i32
    %convert_element_type3A = arith.extui %eq3A_11 : i1 to i32
    %cond3A = arith.constant 0 : i32
    %cond3A_12 = arith.cmpi ne, %convert_element_type3A, %cond3A : i32
    scf.if %cond3A_12 {
      %scan3A_92 = arith.constant 0 : i32
      %scan3A_93 = arith.constant 41 : i32
      %scan3A_94 = arith.addi %scan3A_92, %scan3A_93 : i32
      %scan3A_95 = arith.constant 1 : i32
      scf.for %scan3A_97 = %scan3A_92 to %scan3A_94 step %scan3A_95  : i32 {
        %mul3A_98 = arith.constant 1 : i32
        %mul3A_99 = arith.muli %scan3A_97, %mul3A_98 : i32
        %add3A_100 = arith.constant 0 : i32
        %add3A_101 = arith.addi %add3A_100, %mul3A_99 : i32
        %mul3A_102 = arith.constant 8 : i32
        %mul3A_103 = arith.muli %add3A_101, %mul3A_102 : i32
        "tpu.region"() ({
          %run_scoped3A = tpu.sem_alloc : memref<!tpu.dma_semaphore, #tpu.memory_space<semaphore_mem>>
          %dma_start3A_104 = arith.constant 0 : i32
          %dma_start3A_105 = arith.constant 0 : i32
          %dma_start3A_106 = tpu.memref_slice %arg13[%dma_start3A_104, %dma_start3A_105] : memref<64x128xf32, #tpu.memory_space<vmem>> -> memref<8x128xf32, #tpu.memory_space<vmem>>
          %dma_start3A_107 = arith.constant 0 : i32
          %dma_start3A_108 = tpu.memref_slice %arg29[%mul3A_103, %dma_start3A_107] : memref<328x128xf32, #tpu.memory_space<vmem_shared>> -> memref<8x128xf32, #tpu.memory_space<vmem_shared>>
          %dma_start3A_109 = arith.constant 0 : i32
          %dma_start3A_110 = tpu.memref_slice %arg29[%mul3A_103, %dma_start3A_109] : memref<328x128xf32, #tpu.memory_space<vmem_shared>> -> memref<8x128xf32, #tpu.memory_space<vmem_shared>>
          %dma_start3A_111 = arith.constant 0 : i32
          %dma_start3A_112 = arith.constant 0 : i32
          %dma_start3A_113 = tpu.memref_slice %arg13[%dma_start3A_111, %dma_start3A_112] : memref<64x128xf32, #tpu.memory_space<vmem>> -> memref<8x128xf32, #tpu.memory_space<vmem>>
          tpu.enqueue_dma source(%dma_start3A_113 : memref<8x128xf32, #tpu.memory_space<vmem>>) target(%dma_start3A_110 : memref<8x128xf32, #tpu.memory_space<vmem_shared>>) target_semaphore(%run_scoped3A : memref<!tpu.dma_semaphore, #tpu.memory_space<semaphore_mem>>)
          %dma_wait3A_114 = arith.constant 0 : i32
          %dma_wait3A_115 = arith.constant 0 : i32
          %dma_wait3A_116 = tpu.memref_slice %arg13[%dma_wait3A_114, %dma_wait3A_115] : memref<64x128xf32, #tpu.memory_space<vmem>> -> memref<8x128xf32, #tpu.memory_space<vmem>>
          %dma_wait3A_117 = arith.constant 0 : i32
          %dma_wait3A_118 = tpu.memref_slice %arg29[%mul3A_103, %dma_wait3A_117] : memref<328x128xf32, #tpu.memory_space<vmem_shared>> -> memref<8x128xf32, #tpu.memory_space<vmem_shared>>
          %dma_wait3A_119 = arith.constant 0 : i32
          %dma_wait3A_120 = tpu.memref_slice %arg29[%mul3A_103, %dma_wait3A_119] : memref<328x128xf32, #tpu.memory_space<vmem_shared>> -> memref<8x128xf32, #tpu.memory_space<vmem_shared>>
          %dma_wait3A_121 = arith.constant 0 : i32
          %dma_wait3A_122 = arith.constant 0 : i32
          %dma_wait3A_123 = tpu.memref_slice %arg13[%dma_wait3A_121, %dma_wait3A_122] : memref<64x128xf32, #tpu.memory_space<vmem>> -> memref<8x128xf32, #tpu.memory_space<vmem>>
          tpu.wait_dma2 semaphore(%run_scoped3A : memref<!tpu.dma_semaphore, #tpu.memory_space<semaphore_mem>>) src(%dma_wait3A_123 : memref<8x128xf32, #tpu.memory_space<vmem>>) dst(%dma_wait3A_120 : memref<8x128xf32, #tpu.memory_space<vmem_shared>>)
          tpu.yield
        }) : () -> ()
      }
      %scan3A_96 = arith.constant 41 : i32
    } else {
    }
    %barrier3A = arith.constant 0 : index
    tpu.barrier barrier_id(%barrier3A)
    %mul3A_13 = arith.constant 320 : i32
    %mul3A_14 = arith.muli %arg1, %mul3A_13 : i32
    %add3A = arith.constant 0 : i32
    %add3A_15 = arith.addi %mul3A_14, %add3A : i32
    "tpu.region"() ({
      %run_scoped3A = tpu.sem_alloc : memref<!tpu.dma_semaphore, #tpu.memory_space<semaphore_mem>>
      %dma_start3A_92 = arith.constant 0 : i32
      %dma_start3A_93 = tpu.memref_slice %arg6[%add3A_15, %dma_start3A_92] : memref<5120x128xi32, #tpu.memory_space<hbm>> -> memref<1x128xi32, #tpu.memory_space<hbm>>
      %dma_start3A_94 = arith.constant 0 : i32
      %dma_start3A_95 = tpu.memref_slice %arg6[%add3A_15, %dma_start3A_94] : memref<5120x128xi32, #tpu.memory_space<hbm>> -> memref<1x128xi32, #tpu.memory_space<hbm>>
      tpu.enqueue_dma source(%dma_start3A_95 : memref<1x128xi32, #tpu.memory_space<hbm>>) target(%arg12 : memref<1x128xi32, #tpu.memory_space<vmem>>) target_semaphore(%run_scoped3A : memref<!tpu.dma_semaphore, #tpu.memory_space<semaphore_mem>>)
      %dma_wait3A_96 = arith.constant 0 : i32
      %dma_wait3A_97 = tpu.memref_slice %arg6[%add3A_15, %dma_wait3A_96] : memref<5120x128xi32, #tpu.memory_space<hbm>> -> memref<1x128xi32, #tpu.memory_space<hbm>>
      %dma_wait3A_98 = arith.constant 0 : i32
      %dma_wait3A_99 = tpu.memref_slice %arg6[%add3A_15, %dma_wait3A_98] : memref<5120x128xi32, #tpu.memory_space<hbm>> -> memref<1x128xi32, #tpu.memory_space<hbm>>
      tpu.wait_dma2 semaphore(%run_scoped3A : memref<!tpu.dma_semaphore, #tpu.memory_space<semaphore_mem>>) src(%dma_wait3A_99 : memref<1x128xi32, #tpu.memory_space<hbm>>) dst(%arg12 : memref<1x128xi32, #tpu.memory_space<vmem>>)
      tpu.yield
    }) : () -> ()
    %dma_start3A = arith.constant 0 : i32
    %dma_start3A_16 = arith.constant 0 : i32
    %dma_start3A_17 = tpu.memref_slice %arg12[%dma_start3A, %dma_start3A_16] : memref<1x128xi32, #tpu.memory_space<vmem>> -> memref<1x128xi32, #tpu.memory_space<vmem>>
    %dma_start3A_18 = tpu.memref_squeeze %dma_start3A_17 : memref<1x128xi32, #tpu.memory_space<vmem>> -> memref<128xi32, #tpu.memory_space<vmem>>
    %dma_start3A_19 = arith.constant 64 : i32
    %dma_start3A_20 = tpu.memref_slice %dma_start3A_18[%dma_start3A_19] : memref<128xi32, #tpu.memory_space<vmem>> -> memref<64xi32, #tpu.memory_space<vmem>>
    %dma_start3A_21 = arith.constant 0 : i32
    %dma_start3A_22 = arith.constant 0 : i32
    %dma_start3A_23 = tpu.memref_slice %arg2[%dma_start3A_21, %dma_start3A_22] : memref<10240x128xf32, #tpu.memory_space<hbm>> -> memref<10240x128xf32, #tpu.memory_space<hbm>>
    tpu.enqueue_indirect_dma source(%dma_start3A_23 : memref<10240x128xf32, #tpu.memory_space<hbm>>) target(%arg8 : memref<64x128xf32, #tpu.memory_space<vmem>>) offsets(%dma_start3A_20 : memref<64xi32, #tpu.memory_space<vmem>>) semaphore(%arg30 : memref<!tpu.dma_semaphore, #tpu.memory_space<semaphore_mem>>)
    %dma_start3A_24 = arith.constant 0 : i32
    %dma_start3A_25 = arith.constant 0 : i32
    %dma_start3A_26 = tpu.memref_slice %arg12[%dma_start3A_24, %dma_start3A_25] : memref<1x128xi32, #tpu.memory_space<vmem>> -> memref<1x128xi32, #tpu.memory_space<vmem>>
    %dma_start3A_27 = tpu.memref_squeeze %dma_start3A_26 : memref<1x128xi32, #tpu.memory_space<vmem>> -> memref<128xi32, #tpu.memory_space<vmem>>
    %dma_start3A_28 = arith.constant 0 : i32
    %dma_start3A_29 = tpu.memref_slice %dma_start3A_27[%dma_start3A_28] : memref<128xi32, #tpu.memory_space<vmem>> -> memref<64xi32, #tpu.memory_space<vmem>>
    %dma_start3A_30 = arith.constant 0 : i32
    %dma_start3A_31 = arith.constant 0 : i32
    %dma_start3A_32 = tpu.memref_slice %arg3[%dma_start3A_30, %dma_start3A_31] : memref<10240x128xf32, #tpu.memory_space<hbm>> -> memref<10240x128xf32, #tpu.memory_space<hbm>>
    tpu.enqueue_indirect_dma source(%dma_start3A_32 : memref<10240x128xf32, #tpu.memory_space<hbm>>) target(%arg9 : memref<64x128xf32, #tpu.memory_space<vmem>>) offsets(%dma_start3A_29 : memref<64xi32, #tpu.memory_space<vmem>>) semaphore(%arg30 : memref<!tpu.dma_semaphore, #tpu.memory_space<semaphore_mem>>)
    %dma_start3A_33 = arith.constant 0 : i32
    %dma_start3A_34 = arith.constant 0 : i32
    %dma_start3A_35 = tpu.memref_slice %arg12[%dma_start3A_33, %dma_start3A_34] : memref<1x128xi32, #tpu.memory_space<vmem>> -> memref<1x128xi32, #tpu.memory_space<vmem>>
    %dma_start3A_36 = tpu.memref_squeeze %dma_start3A_35 : memref<1x128xi32, #tpu.memory_space<vmem>> -> memref<128xi32, #tpu.memory_space<vmem>>
    %dma_start3A_37 = arith.constant 0 : i32
    %dma_start3A_38 = tpu.memref_slice %dma_start3A_36[%dma_start3A_37] : memref<128xi32, #tpu.memory_space<vmem>> -> memref<64xi32, #tpu.memory_space<vmem>>
    %dma_start3A_39 = arith.constant 0 : i32
    %dma_start3A_40 = arith.constant 0 : i32
    %dma_start3A_41 = tpu.memref_slice %arg4[%dma_start3A_39, %dma_start3A_40] : memref<10240x128xf32, #tpu.memory_space<hbm>> -> memref<10240x128xf32, #tpu.memory_space<hbm>>
    tpu.enqueue_indirect_dma source(%dma_start3A_41 : memref<10240x128xf32, #tpu.memory_space<hbm>>) target(%arg10 : memref<64x128xf32, #tpu.memory_space<vmem>>) offsets(%dma_start3A_38 : memref<64xi32, #tpu.memory_space<vmem>>) semaphore(%arg30 : memref<!tpu.dma_semaphore, #tpu.memory_space<semaphore_mem>>)
    %mul3A_42 = arith.constant 64 : i32
    %mul3A_43 = arith.muli %add3A_15, %mul3A_42 : i32
    %mul3A_44 = arith.constant 8 : i32
    %mul3A_45 = arith.muli %mul3A_43, %mul3A_44 : i32
    %dma_start3A_46 = arith.constant 0 : i32
    %dma_start3A_47 = tpu.memref_slice %arg11[%dma_start3A_46] : memref<528xf32, #tpu.memory_space<vmem>> -> memref<512xf32, #tpu.memory_space<vmem>>
    %dma_start3A_48 = tpu.memref_slice %arg5[%mul3A_45] : memref<2621440xf32, #tpu.memory_space<hbm>> -> memref<512xf32, #tpu.memory_space<hbm>>
    %dma_start3A_49 = arith.constant 0 : i32
    %dma_start3A_50 = tpu.memref_slice %arg11[%dma_start3A_49] : memref<528xf32, #tpu.memory_space<vmem>> -> memref<512xf32, #tpu.memory_space<vmem>>
    %dma_start3A_51 = tpu.memref_slice %arg5[%mul3A_45] : memref<2621440xf32, #tpu.memory_space<hbm>> -> memref<512xf32, #tpu.memory_space<hbm>>
    tpu.enqueue_dma source(%dma_start3A_51 : memref<512xf32, #tpu.memory_space<hbm>>) target(%dma_start3A_50 : memref<512xf32, #tpu.memory_space<vmem>>) target_semaphore(%arg30 : memref<!tpu.dma_semaphore, #tpu.memory_space<semaphore_mem>>)
    %scan3A_52 = arith.constant 0 : i32
    %scan3A_53 = arith.constant 160 : i32
    %scan3A_54 = arith.addi %scan3A_52, %scan3A_53 : i32
    %scan3A_55 = arith.constant 1 : i32
    scf.for %scan3A_92 = %scan3A_52 to %scan3A_54 step %scan3A_55  : i32 {
      %mul3A_93 = arith.constant 1 : i32
      %mul3A_94 = arith.muli %scan3A_92, %mul3A_93 : i32
      %add3A_95 = arith.constant 0 : i32
      %add3A_96 = arith.addi %add3A_95, %mul3A_94 : i32
      %mul3A_97 = arith.constant 2 : i32
      %mul3A_98 = arith.muli %add3A_96, %mul3A_97 : i32
      %add3A_99 = arith.constant 1 : i32
      %add3A_100 = arith.addi %mul3A_98, %add3A_99 : i32
      %mul3A_101 = arith.constant 320 : i32
      %mul3A_102 = arith.muli %arg1, %mul3A_101 : i32
      %add3A_103 = arith.addi %mul3A_102, %add3A_100 : i32
      "tpu.region"() ({
        %run_scoped3A = tpu.sem_alloc : memref<!tpu.dma_semaphore, #tpu.memory_space<semaphore_mem>>
        %dma_start3A_283 = arith.constant 0 : i32
        %dma_start3A_284 = tpu.memref_slice %arg6[%add3A_103, %dma_start3A_283] : memref<5120x128xi32, #tpu.memory_space<hbm>> -> memref<1x128xi32, #tpu.memory_space<hbm>>
        %dma_start3A_285 = arith.constant 0 : i32
        %dma_start3A_286 = tpu.memref_slice %arg6[%add3A_103, %dma_start3A_285] : memref<5120x128xi32, #tpu.memory_space<hbm>> -> memref<1x128xi32, #tpu.memory_space<hbm>>
        tpu.enqueue_dma source(%dma_start3A_286 : memref<1x128xi32, #tpu.memory_space<hbm>>) target(%arg22 : memref<1x128xi32, #tpu.memory_space<vmem>>) target_semaphore(%run_scoped3A : memref<!tpu.dma_semaphore, #tpu.memory_space<semaphore_mem>>)
        %dma_wait3A_287 = arith.constant 0 : i32
        %dma_wait3A_288 = tpu.memref_slice %arg6[%add3A_103, %dma_wait3A_287] : memref<5120x128xi32, #tpu.memory_space<hbm>> -> memref<1x128xi32, #tpu.memory_space<hbm>>
        %dma_wait3A_289 = arith.constant 0 : i32
        %dma_wait3A_290 = tpu.memref_slice %arg6[%add3A_103, %dma_wait3A_289] : memref<5120x128xi32, #tpu.memory_space<hbm>> -> memref<1x128xi32, #tpu.memory_space<hbm>>
        tpu.wait_dma2 semaphore(%run_scoped3A : memref<!tpu.dma_semaphore, #tpu.memory_space<semaphore_mem>>) src(%dma_wait3A_290 : memref<1x128xi32, #tpu.memory_space<hbm>>) dst(%arg22 : memref<1x128xi32, #tpu.memory_space<vmem>>)
        tpu.yield
      }) : () -> ()
      %dma_start3A_104 = arith.constant 0 : i32
      %dma_start3A_105 = arith.constant 0 : i32
      %dma_start3A_106 = tpu.memref_slice %arg22[%dma_start3A_104, %dma_start3A_105] : memref<1x128xi32, #tpu.memory_space<vmem>> -> memref<1x128xi32, #tpu.memory_space<vmem>>
      %dma_start3A_107 = tpu.memref_squeeze %dma_start3A_106 : memref<1x128xi32, #tpu.memory_space<vmem>> -> memref<128xi32, #tpu.memory_space<vmem>>
      %dma_start3A_108 = arith.constant 64 : i32
      %dma_start3A_109 = tpu.memref_slice %dma_start3A_107[%dma_start3A_108] : memref<128xi32, #tpu.memory_space<vmem>> -> memref<64xi32, #tpu.memory_space<vmem>>
      %dma_start3A_110 = arith.constant 0 : i32
      %dma_start3A_111 = arith.constant 0 : i32
      %dma_start3A_112 = tpu.memref_slice %arg2[%dma_start3A_110, %dma_start3A_111] : memref<10240x128xf32, #tpu.memory_space<hbm>> -> memref<10240x128xf32, #tpu.memory_space<hbm>>
      tpu.enqueue_indirect_dma source(%dma_start3A_112 : memref<10240x128xf32, #tpu.memory_space<hbm>>) target(%arg18 : memref<64x128xf32, #tpu.memory_space<vmem>>) offsets(%dma_start3A_109 : memref<64xi32, #tpu.memory_space<vmem>>) semaphore(%arg31 : memref<!tpu.dma_semaphore, #tpu.memory_space<semaphore_mem>>)
      %dma_start3A_113 = arith.constant 0 : i32
      %dma_start3A_114 = arith.constant 0 : i32
      %dma_start3A_115 = tpu.memref_slice %arg22[%dma_start3A_113, %dma_start3A_114] : memref<1x128xi32, #tpu.memory_space<vmem>> -> memref<1x128xi32, #tpu.memory_space<vmem>>
      %dma_start3A_116 = tpu.memref_squeeze %dma_start3A_115 : memref<1x128xi32, #tpu.memory_space<vmem>> -> memref<128xi32, #tpu.memory_space<vmem>>
      %dma_start3A_117 = arith.constant 0 : i32
      %dma_start3A_118 = tpu.memref_slice %dma_start3A_116[%dma_start3A_117] : memref<128xi32, #tpu.memory_space<vmem>> -> memref<64xi32, #tpu.memory_space<vmem>>
      %dma_start3A_119 = arith.constant 0 : i32
      %dma_start3A_120 = arith.constant 0 : i32
      %dma_start3A_121 = tpu.memref_slice %arg3[%dma_start3A_119, %dma_start3A_120] : memref<10240x128xf32, #tpu.memory_space<hbm>> -> memref<10240x128xf32, #tpu.memory_space<hbm>>
      tpu.enqueue_indirect_dma source(%dma_start3A_121 : memref<10240x128xf32, #tpu.memory_space<hbm>>) target(%arg19 : memref<64x128xf32, #tpu.memory_space<vmem>>) offsets(%dma_start3A_118 : memref<64xi32, #tpu.memory_space<vmem>>) semaphore(%arg31 : memref<!tpu.dma_semaphore, #tpu.memory_space<semaphore_mem>>)
      %dma_start3A_122 = arith.constant 0 : i32
      %dma_start3A_123 = arith.constant 0 : i32
      %dma_start3A_124 = tpu.memref_slice %arg22[%dma_start3A_122, %dma_start3A_123] : memref<1x128xi32, #tpu.memory_space<vmem>> -> memref<1x128xi32, #tpu.memory_space<vmem>>
      %dma_start3A_125 = tpu.memref_squeeze %dma_start3A_124 : memref<1x128xi32, #tpu.memory_space<vmem>> -> memref<128xi32, #tpu.memory_space<vmem>>
      %dma_start3A_126 = arith.constant 0 : i32
      %dma_start3A_127 = tpu.memref_slice %dma_start3A_125[%dma_start3A_126] : memref<128xi32, #tpu.memory_space<vmem>> -> memref<64xi32, #tpu.memory_space<vmem>>
      %dma_start3A_128 = arith.constant 0 : i32
      %dma_start3A_129 = arith.constant 0 : i32
      %dma_start3A_130 = tpu.memref_slice %arg4[%dma_start3A_128, %dma_start3A_129] : memref<10240x128xf32, #tpu.memory_space<hbm>> -> memref<10240x128xf32, #tpu.memory_space<hbm>>
      tpu.enqueue_indirect_dma source(%dma_start3A_130 : memref<10240x128xf32, #tpu.memory_space<hbm>>) target(%arg20 : memref<64x128xf32, #tpu.memory_space<vmem>>) offsets(%dma_start3A_127 : memref<64xi32, #tpu.memory_space<vmem>>) semaphore(%arg31 : memref<!tpu.dma_semaphore, #tpu.memory_space<semaphore_mem>>)
      %mul3A_131 = arith.constant 64 : i32
      %mul3A_132 = arith.muli %add3A_103, %mul3A_131 : i32
      %mul3A_133 = arith.constant 8 : i32
      %mul3A_134 = arith.muli %mul3A_132, %mul3A_133 : i32
      %dma_start3A_135 = arith.constant 0 : i32
      %dma_start3A_136 = tpu.memref_slice %arg21[%dma_start3A_135] : memref<528xf32, #tpu.memory_space<vmem>> -> memref<512xf32, #tpu.memory_space<vmem>>
      %dma_start3A_137 = tpu.memref_slice %arg5[%mul3A_134] : memref<2621440xf32, #tpu.memory_space<hbm>> -> memref<512xf32, #tpu.memory_space<hbm>>
      %dma_start3A_138 = arith.constant 0 : i32
      %dma_start3A_139 = tpu.memref_slice %arg21[%dma_start3A_138] : memref<528xf32, #tpu.memory_space<vmem>> -> memref<512xf32, #tpu.memory_space<vmem>>
      %dma_start3A_140 = tpu.memref_slice %arg5[%mul3A_134] : memref<2621440xf32, #tpu.memory_space<hbm>> -> memref<512xf32, #tpu.memory_space<hbm>>
      tpu.enqueue_dma source(%dma_start3A_140 : memref<512xf32, #tpu.memory_space<hbm>>) target(%dma_start3A_139 : memref<512xf32, #tpu.memory_space<vmem>>) target_semaphore(%arg31 : memref<!tpu.dma_semaphore, #tpu.memory_space<semaphore_mem>>)
      %dma_wait3A_141 = arith.constant 0 : i32
      %dma_wait3A_142 = arith.constant 0 : i32
      %dma_wait3A_143 = tpu.memref_slice %arg12[%dma_wait3A_141, %dma_wait3A_142] : memref<1x128xi32, #tpu.memory_space<vmem>> -> memref<1x128xi32, #tpu.memory_space<vmem>>
      %dma_wait3A_144 = tpu.memref_squeeze %dma_wait3A_143 : memref<1x128xi32, #tpu.memory_space<vmem>> -> memref<128xi32, #tpu.memory_space<vmem>>
      %dma_wait3A_145 = arith.constant 64 : i32
      %dma_wait3A_146 = tpu.memref_slice %dma_wait3A_144[%dma_wait3A_145] : memref<128xi32, #tpu.memory_space<vmem>> -> memref<64xi32, #tpu.memory_space<vmem>>
      %dma_wait3A_147 = arith.constant 0 : i32
      %dma_wait3A_148 = arith.constant 0 : i32
      %dma_wait3A_149 = tpu.memref_slice %arg2[%dma_wait3A_147, %dma_wait3A_148] : memref<10240x128xf32, #tpu.memory_space<hbm>> -> memref<10240x128xf32, #tpu.memory_space<hbm>>
      tpu.wait_indirect_dma semaphore(%arg30 : memref<!tpu.dma_semaphore, #tpu.memory_space<semaphore_mem>>) src(%dma_wait3A_149 : memref<10240x128xf32, #tpu.memory_space<hbm>>) dst(%arg8 : memref<64x128xf32, #tpu.memory_space<vmem>>)
      %dma_wait3A_150 = arith.constant 0 : i32
      %dma_wait3A_151 = arith.constant 0 : i32
      %dma_wait3A_152 = tpu.memref_slice %arg12[%dma_wait3A_150, %dma_wait3A_151] : memref<1x128xi32, #tpu.memory_space<vmem>> -> memref<1x128xi32, #tpu.memory_space<vmem>>
      %dma_wait3A_153 = tpu.memref_squeeze %dma_wait3A_152 : memref<1x128xi32, #tpu.memory_space<vmem>> -> memref<128xi32, #tpu.memory_space<vmem>>
      %dma_wait3A_154 = arith.constant 0 : i32
      %dma_wait3A_155 = tpu.memref_slice %dma_wait3A_153[%dma_wait3A_154] : memref<128xi32, #tpu.memory_space<vmem>> -> memref<64xi32, #tpu.memory_space<vmem>>
      %dma_wait3A_156 = arith.constant 0 : i32
      %dma_wait3A_157 = arith.constant 0 : i32
      %dma_wait3A_158 = tpu.memref_slice %arg3[%dma_wait3A_156, %dma_wait3A_157] : memref<10240x128xf32, #tpu.memory_space<hbm>> -> memref<10240x128xf32, #tpu.memory_space<hbm>>
      tpu.wait_indirect_dma semaphore(%arg30 : memref<!tpu.dma_semaphore, #tpu.memory_space<semaphore_mem>>) src(%dma_wait3A_158 : memref<10240x128xf32, #tpu.memory_space<hbm>>) dst(%arg9 : memref<64x128xf32, #tpu.memory_space<vmem>>)
      %dma_wait3A_159 = arith.constant 0 : i32
      %dma_wait3A_160 = arith.constant 0 : i32
      %dma_wait3A_161 = tpu.memref_slice %arg12[%dma_wait3A_159, %dma_wait3A_160] : memref<1x128xi32, #tpu.memory_space<vmem>> -> memref<1x128xi32, #tpu.memory_space<vmem>>
      %dma_wait3A_162 = tpu.memref_squeeze %dma_wait3A_161 : memref<1x128xi32, #tpu.memory_space<vmem>> -> memref<128xi32, #tpu.memory_space<vmem>>
      %dma_wait3A_163 = arith.constant 0 : i32
      %dma_wait3A_164 = tpu.memref_slice %dma_wait3A_162[%dma_wait3A_163] : memref<128xi32, #tpu.memory_space<vmem>> -> memref<64xi32, #tpu.memory_space<vmem>>
      %dma_wait3A_165 = arith.constant 0 : i32
      %dma_wait3A_166 = arith.constant 0 : i32
      %dma_wait3A_167 = tpu.memref_slice %arg4[%dma_wait3A_165, %dma_wait3A_166] : memref<10240x128xf32, #tpu.memory_space<hbm>> -> memref<10240x128xf32, #tpu.memory_space<hbm>>
      tpu.wait_indirect_dma semaphore(%arg30 : memref<!tpu.dma_semaphore, #tpu.memory_space<semaphore_mem>>) src(%dma_wait3A_167 : memref<10240x128xf32, #tpu.memory_space<hbm>>) dst(%arg10 : memref<64x128xf32, #tpu.memory_space<vmem>>)
      %dma_wait3A_168 = arith.constant 0 : i32
      %dma_wait3A_169 = tpu.memref_slice %arg11[%dma_wait3A_168] : memref<528xf32, #tpu.memory_space<vmem>> -> memref<512xf32, #tpu.memory_space<vmem>>
      %dma_wait3A_170 = arith.constant 0 : i32
      %dma_wait3A_171 = tpu.memref_slice %arg5[%dma_wait3A_170] : memref<2621440xf32, #tpu.memory_space<hbm>> -> memref<512xf32, #tpu.memory_space<hbm>>
      %dma_wait3A_172 = arith.constant 0 : i32
      %dma_wait3A_173 = tpu.memref_slice %arg11[%dma_wait3A_172] : memref<528xf32, #tpu.memory_space<vmem>> -> memref<512xf32, #tpu.memory_space<vmem>>
      %dma_wait3A_174 = arith.constant 0 : i32
      %dma_wait3A_175 = tpu.memref_slice %arg5[%dma_wait3A_174] : memref<2621440xf32, #tpu.memory_space<hbm>> -> memref<512xf32, #tpu.memory_space<hbm>>
      tpu.wait_dma2 semaphore(%arg30 : memref<!tpu.dma_semaphore, #tpu.memory_space<semaphore_mem>>) src(%dma_wait3A_175 : memref<512xf32, #tpu.memory_space<hbm>>) dst(%dma_wait3A_173 : memref<512xf32, #tpu.memory_space<vmem>>)
      %ge3A = arith.constant 1 : i32
      %ge3A_176 = arith.cmpi sge, %add3A_96, %ge3A : i32
      %convert_element_type3A_177 = arith.extui %ge3A_176 : i1 to i32
      %cond3A_178 = arith.constant 0 : i32
      %cond3A_179 = arith.cmpi ne, %convert_element_type3A_177, %cond3A_178 : i32
      scf.if %cond3A_179 {
        %dma_wait3A_283 = arith.constant 0 : i32
        %dma_wait3A_284 = arith.constant 0 : i32
        %dma_wait3A_285 = tpu.memref_slice %arg14[%dma_wait3A_283, %dma_wait3A_284] : memref<1x64xi32, #tpu.memory_space<vmem>> -> memref<1x64xi32, #tpu.memory_space<vmem>>
        %dma_wait3A_286 = tpu.memref_squeeze %dma_wait3A_285 : memref<1x64xi32, #tpu.memory_space<vmem>> -> memref<64xi32, #tpu.memory_space<vmem>>
        %dma_wait3A_287 = arith.constant 0 : i32
        %dma_wait3A_288 = arith.constant 0 : i32
        %dma_wait3A_289 = tpu.memref_slice %arg28[%dma_wait3A_287, %dma_wait3A_288] : memref<5248x128xf32, #tpu.memory_space<vmem_shared>> -> memref<5248x128xf32, #tpu.memory_space<vmem_shared>>
        tpu.wait_indirect_dma semaphore(%arg32 : memref<!tpu.dma_semaphore, #tpu.memory_space<semaphore_mem>>) src(%arg13 : memref<64x128xf32, #tpu.memory_space<vmem>>) dst(%dma_wait3A_289 : memref<5248x128xf32, #tpu.memory_space<vmem_shared>>)
        %dma_wait3A_290 = arith.constant 0 : i32
        %dma_wait3A_291 = arith.constant 0 : i32
        %dma_wait3A_292 = tpu.memref_slice %arg16[%dma_wait3A_290, %dma_wait3A_291] : memref<1x64xi32, #tpu.memory_space<vmem>> -> memref<1x64xi32, #tpu.memory_space<vmem>>
        %dma_wait3A_293 = tpu.memref_squeeze %dma_wait3A_292 : memref<1x64xi32, #tpu.memory_space<vmem>> -> memref<64xi32, #tpu.memory_space<vmem>>
        %dma_wait3A_294 = arith.constant 0 : i32
        %dma_wait3A_295 = arith.constant 0 : i32
        %dma_wait3A_296 = tpu.memref_slice %arg29[%dma_wait3A_294, %dma_wait3A_295] : memref<328x128xf32, #tpu.memory_space<vmem_shared>> -> memref<328x128xf32, #tpu.memory_space<vmem_shared>>
        tpu.wait_indirect_dma semaphore(%arg34 : memref<!tpu.dma_semaphore, #tpu.memory_space<semaphore_mem>>) src(%arg15 : memref<64x128xf32, #tpu.memory_space<vmem>>) dst(%dma_wait3A_296 : memref<328x128xf32, #tpu.memory_space<vmem_shared>>)
        %scan3A_297 = arith.constant 0 : i32
        %scan3A_298 = arith.constant 4 : i32
        %scan3A_299 = arith.addi %scan3A_297, %scan3A_298 : i32
        %scan3A_300 = arith.constant 1 : i32
        scf.for %scan3A_302 = %scan3A_297 to %scan3A_299 step %scan3A_300  : i32 {
          %mul3A_303 = arith.constant 1 : i32
          %mul3A_304 = arith.muli %scan3A_302, %mul3A_303 : i32
          %add3A_305 = arith.constant 0 : i32
          %add3A_306 = arith.addi %add3A_305, %mul3A_304 : i32
          %mul3A_307 = arith.constant 16 : i32
          %mul3A_308 = arith.muli %add3A_306, %mul3A_307 : i32
          %add3A_309 = vector.broadcast %mul3A_308 : i32 to vector<16xi32>
          %add3A_310 = arith.addi %iota3A, %add3A_309 : vector<16xi32>
          %mul3A_311 = arith.constant 16 : i32
          %mul3A_312 = arith.muli %add3A_306, %mul3A_311 : i32
          %get3A = arith.constant 0 : i32
          %get3A_313 = arith.index_cast %get3A : i32 to index
          %get3A_314 = arith.index_cast %mul3A_312 : i32 to index
          %get3A_315 = tpu.vector_load %arg17[%get3A_313, %get3A_314] {strides = array<i32>} : memref<1x64xi32, #tpu.memory_space<vmem>>, vector<16xi32>,
          %add3A_316 = arith.constant 0 : i32
          %add3A_317 = vector.broadcast %add3A_316 : i32 to vector<16xi32>
          %add3A_318 = arith.addi %get3A_315, %add3A_317 : vector<16xi32>
          tpu.vector_store_idx %arg15[%add3A_310, %add3A_318], %broadcast_in_dim3A_1 : memref<64x128xf32, #tpu.memory_space<vmem>>[vector<16xi32>, vector<16xi32>], vector<16xf32>,
          %add3A_319 = arith.constant 1 : i32
          %add3A_320 = vector.broadcast %add3A_319 : i32 to vector<16xi32>
          %add3A_321 = arith.addi %get3A_315, %add3A_320 : vector<16xi32>
          tpu.vector_store_idx %arg15[%add3A_310, %add3A_321], %broadcast_in_dim3A_1 : memref<64x128xf32, #tpu.memory_space<vmem>>[vector<16xi32>, vector<16xi32>], vector<16xf32>,
          %add3A_322 = arith.constant 2 : i32
          %add3A_323 = vector.broadcast %add3A_322 : i32 to vector<16xi32>
          %add3A_324 = arith.addi %get3A_315, %add3A_323 : vector<16xi32>
          tpu.vector_store_idx %arg15[%add3A_310, %add3A_324], %broadcast_in_dim3A_1 : memref<64x128xf32, #tpu.memory_space<vmem>>[vector<16xi32>, vector<16xi32>], vector<16xf32>,
          %add3A_325 = arith.constant 3 : i32
          %add3A_326 = vector.broadcast %add3A_325 : i32 to vector<16xi32>
          %add3A_327 = arith.addi %get3A_315, %add3A_326 : vector<16xi32>
          tpu.vector_store_idx %arg15[%add3A_310, %add3A_327], %broadcast_in_dim3A_1 : memref<64x128xf32, #tpu.memory_space<vmem>>[vector<16xi32>, vector<16xi32>], vector<16xf32>,
          %add3A_328 = arith.constant 4 : i32
          %add3A_329 = vector.broadcast %add3A_328 : i32 to vector<16xi32>
          %add3A_330 = arith.addi %get3A_315, %add3A_329 : vector<16xi32>
          tpu.vector_store_idx %arg15[%add3A_310, %add3A_330], %broadcast_in_dim3A_1 : memref<64x128xf32, #tpu.memory_space<vmem>>[vector<16xi32>, vector<16xi32>], vector<16xf32>,
          %add3A_331 = arith.constant 5 : i32
          %add3A_332 = vector.broadcast %add3A_331 : i32 to vector<16xi32>
          %add3A_333 = arith.addi %get3A_315, %add3A_332 : vector<16xi32>
          tpu.vector_store_idx %arg15[%add3A_310, %add3A_333], %broadcast_in_dim3A_1 : memref<64x128xf32, #tpu.memory_space<vmem>>[vector<16xi32>, vector<16xi32>], vector<16xf32>,
          %add3A_334 = arith.constant 6 : i32
          %add3A_335 = vector.broadcast %add3A_334 : i32 to vector<16xi32>
          %add3A_336 = arith.addi %get3A_315, %add3A_335 : vector<16xi32>
          tpu.vector_store_idx %arg15[%add3A_310, %add3A_336], %broadcast_in_dim3A_1 : memref<64x128xf32, #tpu.memory_space<vmem>>[vector<16xi32>, vector<16xi32>], vector<16xf32>,
          %add3A_337 = arith.constant 7 : i32
          %add3A_338 = vector.broadcast %add3A_337 : i32 to vector<16xi32>
          %add3A_339 = arith.addi %get3A_315, %add3A_338 : vector<16xi32>
          tpu.vector_store_idx %arg15[%add3A_310, %add3A_339], %broadcast_in_dim3A_1 : memref<64x128xf32, #tpu.memory_space<vmem>>[vector<16xi32>, vector<16xi32>], vector<16xf32>,
        }
        %scan3A_301 = arith.constant 4 : i32
      } else {
      }
      %scan3A_180 = arith.constant 0 : i32
      %scan3A_181 = arith.constant 4 : i32
      %scan3A_182 = arith.addi %scan3A_180, %scan3A_181 : i32
      %scan3A_183 = arith.constant 1 : i32
      scf.for %scan3A_283 = %scan3A_180 to %scan3A_182 step %scan3A_183  : i32 {
        %mul3A_284 = arith.constant 1 : i32
        %mul3A_285 = arith.muli %scan3A_283, %mul3A_284 : i32
        %add3A_286 = arith.constant 0 : i32
        %add3A_287 = arith.addi %add3A_286, %mul3A_285 : i32
        %mul3A_288 = arith.constant 16 : i32
        %mul3A_289 = arith.muli %add3A_287, %mul3A_288 : i32
        %add3A_290 = arith.constant 64 : i32
        %add3A_291 = arith.addi %add3A_290, %mul3A_289 : i32
        %get3A = arith.constant 0 : i32
        %get3A_292 = arith.index_cast %get3A : i32 to index
        %get3A_293 = arith.index_cast %add3A_291 : i32 to index
        %get3A_294 = tpu.vector_load %arg12[%get3A_292, %get3A_293] {strides = array<i32>} : memref<1x128xi32, #tpu.memory_space<vmem>>, vector<16xi32>,
        %sub3A = vector.broadcast %mul3A_0 : i32 to vector<16xi32>
        %sub3A_295 = arith.subi %get3A_294, %sub3A : vector<16xi32>
        %ge3A_296 = arith.constant 0 : i32
        %ge3A_297 = vector.broadcast %ge3A_296 : i32 to vector<16xi32>
        %ge3A_298 = arith.cmpi sge, %sub3A_295, %ge3A_297 : vector<16xi32>
        %lt3A_299 = arith.constant 5120 : i32
        %lt3A_300 = vector.broadcast %lt3A_299 : i32 to vector<16xi32>
        %lt3A_301 = arith.cmpi slt, %sub3A_295, %lt3A_300 : vector<16xi32>
        %and3A = arith.andi %ge3A_298, %lt3A_301 : vector<16xi1>
        %jit3A = arith.constant 5120 : i32
        %broadcast_in_dim3A_302 = vector.broadcast %jit3A : i32 to vector<16xi32>
        %select_n3A = arith.select %and3A, %sub3A_295, %broadcast_in_dim3A_302 : vector<16xi1>, vector<16xi32>
        %mul3A_303 = arith.constant 16 : i32
        %mul3A_304 = arith.muli %add3A_287, %mul3A_303 : i32
        %swap3A = arith.constant 0 : i32
        %swap3A_305 = arith.index_cast %swap3A : i32 to index
        %swap3A_306 = arith.index_cast %mul3A_304 : i32 to index
        %swap3A_307 = tpu.vector_load %arg14[%swap3A_305, %swap3A_306] {strides = array<i32>} : memref<1x64xi32, #tpu.memory_space<vmem>>, vector<16xi32>,
        tpu.vector_store %arg14[%swap3A_305, %swap3A_306], %select_n3A {strides = array<i32>} : memref<1x64xi32, #tpu.memory_space<vmem>>, vector<16xi32>,
        %shift_right_logical3A = arith.constant 4 : i32
        %shift_right_logical3A_308 = vector.broadcast %shift_right_logical3A : i32 to vector<16xi32>
        %shift_right_logical3A_309 = arith.shrui %sub3A_295, %shift_right_logical3A_308 : vector<16xi32>
        %jit3A_310 = arith.constant 320 : i32
        %broadcast_in_dim3A_311 = vector.broadcast %jit3A_310 : i32 to vector<16xi32>
        %select_n3A_312 = arith.select %and3A, %shift_right_logical3A_309, %broadcast_in_dim3A_311 : vector<16xi1>, vector<16xi32>
        %mul3A_313 = arith.constant 16 : i32
        %mul3A_314 = arith.muli %add3A_287, %mul3A_313 : i32
        %swap3A_315 = arith.constant 0 : i32
        %swap3A_316 = arith.index_cast %swap3A_315 : i32 to index
        %swap3A_317 = arith.index_cast %mul3A_314 : i32 to index
        %swap3A_318 = tpu.vector_load %arg16[%swap3A_316, %swap3A_317] {strides = array<i32>} : memref<1x64xi32, #tpu.memory_space<vmem>>, vector<16xi32>,
        tpu.vector_store %arg16[%swap3A_316, %swap3A_317], %select_n3A_312 {strides = array<i32>} : memref<1x64xi32, #tpu.memory_space<vmem>>, vector<16xi32>,
        %and3A_319 = arith.constant 15 : i32
        %and3A_320 = vector.broadcast %and3A_319 : i32 to vector<16xi32>
        %and3A_321 = arith.andi %sub3A_295, %and3A_320 : vector<16xi32>
        %mul3A_322 = arith.constant 8 : i32
        %mul3A_323 = vector.broadcast %mul3A_322 : i32 to vector<16xi32>
        %mul3A_324 = arith.muli %and3A_321, %mul3A_323 : vector<16xi32>
        %mul3A_325 = arith.constant 16 : i32
        %mul3A_326 = arith.muli %add3A_287, %mul3A_325 : i32
        %swap3A_327 = arith.constant 0 : i32
        %swap3A_328 = arith.index_cast %swap3A_327 : i32 to index
        %swap3A_329 = arith.index_cast %mul3A_326 : i32 to index
        %swap3A_330 = tpu.vector_load %arg17[%swap3A_328, %swap3A_329] {strides = array<i32>} : memref<1x64xi32, #tpu.memory_space<vmem>>, vector<16xi32>,
        tpu.vector_store %arg17[%swap3A_328, %swap3A_329], %mul3A_324 {strides = array<i32>} : memref<1x64xi32, #tpu.memory_space<vmem>>, vector<16xi32>,
      }
      %scan3A_184 = arith.constant 4 : i32
      %broadcast_in_dim3A_185 = arith.constant 15 : i32
      %broadcast_in_dim3A_186 = vector.broadcast %broadcast_in_dim3A_185 : i32 to vector<16xi32>
      %broadcast_in_dim3A_187 = arith.constant 0 : i32
      %broadcast_in_dim3A_188 = vector.broadcast %broadcast_in_dim3A_187 : i32 to vector<16xi32>
      %lt3A = arith.constant 8 : i32
      %lt3A_189 = vector.broadcast %lt3A : i32 to vector<16xi32>
      %lt3A_190 = arith.cmpi slt, %iota3A, %lt3A_189 : vector<16xi32>
      %parallel_loop3A = arith.constant 0 : i32
      %parallel_loop3A_191 = arith.constant 64 : i32
      %parallel_loop3A_192 = arith.constant 1 : i32
      scf.for %parallel_loop3A_283 = %parallel_loop3A to %parallel_loop3A_191 step %parallel_loop3A_192  : i32 {
        %parallel_loop3A_284 = arith.constant 4 : i32
        %parallel_loop3A_285 = arith.shrui %parallel_loop3A_283, %parallel_loop3A_284 : i32
        %parallel_loop3A_286 = arith.constant 16 : i32
        %parallel_loop3A_287 = arith.muli %parallel_loop3A_285, %parallel_loop3A_286 : i32
        %parallel_loop3A_288 = arith.constant 0 : i32
        %parallel_loop3A_289 = arith.index_cast %parallel_loop3A_288 : i32 to index
        %parallel_loop3A_290 = arith.index_cast %parallel_loop3A_287 : i32 to index
        %parallel_loop3A_291 = tpu.vector_load %arg17[%parallel_loop3A_289, %parallel_loop3A_290] {strides = array<i32>} : memref<1x64xi32, #tpu.memory_space<vmem>>, vector<16xi32>,
        %parallel_loop3A_292 = arith.constant 15 : i32
        %parallel_loop3A_293 = arith.andi %parallel_loop3A_283, %parallel_loop3A_292 : i32
        %parallel_loop3A_294 = vector.broadcast %parallel_loop3A_293 : i32 to vector<16xi32>
        %parallel_loop3A_295 = arith.addi %broadcast_in_dim3A_188, %parallel_loop3A_294 : vector<16xi32>
        %parallel_loop3A_296 = vector.shape_cast %parallel_loop3A_295 : vector<16xi32> to vector<16x1xi32>
        %parallel_loop3A_297 = vector.shape_cast %parallel_loop3A_296 : vector<16x1xi32> to vector<16xi32>
        %parallel_loop3A_298 = tpu.dynamic_gather %parallel_loop3A_291[%parallel_loop3A_297] in [0] : vector<16xi32>, vector<16xi32> -> vector<16xi32>
        %parallel_loop3A_299 = arith.constant 8 : i32
        %parallel_loop3A_300 = arith.muli %parallel_loop3A_283, %parallel_loop3A_299 : i32
        %parallel_loop3A_301 = arith.index_cast %parallel_loop3A_300 : i32 to index
        %parallel_loop3A_302 = tpu.vector_load %arg11[%parallel_loop3A_301] {strides = array<i32>} : memref<528xf32, #tpu.memory_space<vmem>>, vector<16xf32>,
        %parallel_loop3A_303 = arith.constant 0.000000e+00 : f32
        %parallel_loop3A_304 = vector.broadcast %parallel_loop3A_303 : f32 to vector<16xf32>
        %parallel_loop3A_305 = arith.index_cast %parallel_loop3A_283 : i32 to index
        %parallel_loop3A_306 = arith.constant 0 : index
        %parallel_loop3A_307 = tpu.vector_load %arg8[%parallel_loop3A_305, %parallel_loop3A_306] {strides = array<i32>} : memref<64x128xf32, #tpu.memory_space<vmem>>, vector<16xf32>,
        %parallel_loop3A_308 = arith.index_cast %parallel_loop3A_283 : i32 to index
        %parallel_loop3A_309 = arith.constant 0 : index
        %parallel_loop3A_310 = tpu.vector_load %arg9[%parallel_loop3A_308, %parallel_loop3A_309] {strides = array<i32>} : memref<64x128xf32, #tpu.memory_space<vmem>>, vector<16xf32>,
        %parallel_loop3A_311 = arith.mulf %parallel_loop3A_307, %parallel_loop3A_310 : vector<16xf32>
        %parallel_loop3A_312 = arith.constant true
        %parallel_loop3A_313 = vector.broadcast %parallel_loop3A_312 : i1 to vector<16xi1>
        %parallel_loop3A_314 = tpu.scan <sum>, %parallel_loop3A_311 masked %parallel_loop3A_313 : vector<16xf32>, vector<16xi1> -> vector<16xf32>
        %parallel_loop3A_315 = vector.shape_cast %broadcast_in_dim3A_186 : vector<16xi32> to vector<16x1xi32>
        %parallel_loop3A_316 = vector.shape_cast %parallel_loop3A_315 : vector<16x1xi32> to vector<16xi32>
        %parallel_loop3A_317 = tpu.dynamic_gather %parallel_loop3A_314[%parallel_loop3A_316] in [0] : vector<16xf32>, vector<16xi32> -> vector<16xf32>
        %parallel_loop3A_318 = arith.constant 0 : i32
        %parallel_loop3A_319 = vector.broadcast %parallel_loop3A_318 : i32 to vector<16xi32>
        %parallel_loop3A_320 = arith.cmpi eq, %iota3A, %parallel_loop3A_319 : vector<16xi32>
        %parallel_loop3A_321 = arith.select %parallel_loop3A_320, %parallel_loop3A_317, %parallel_loop3A_304 : vector<16xi1>, vector<16xf32>
        %parallel_loop3A_322 = arith.index_cast %parallel_loop3A_283 : i32 to index
        %parallel_loop3A_323 = arith.constant 16 : index
        %parallel_loop3A_324 = tpu.vector_load %arg8[%parallel_loop3A_322, %parallel_loop3A_323] {strides = array<i32>} : memref<64x128xf32, #tpu.memory_space<vmem>>, vector<16xf32>,
        %parallel_loop3A_325 = arith.index_cast %parallel_loop3A_283 : i32 to index
        %parallel_loop3A_326 = arith.constant 16 : index
        %parallel_loop3A_327 = tpu.vector_load %arg9[%parallel_loop3A_325, %parallel_loop3A_326] {strides = array<i32>} : memref<64x128xf32, #tpu.memory_space<vmem>>, vector<16xf32>,
        %parallel_loop3A_328 = arith.mulf %parallel_loop3A_324, %parallel_loop3A_327 : vector<16xf32>
        %parallel_loop3A_329 = arith.constant true
        %parallel_loop3A_330 = vector.broadcast %parallel_loop3A_329 : i1 to vector<16xi1>
        %parallel_loop3A_331 = tpu.scan <sum>, %parallel_loop3A_328 masked %parallel_loop3A_330 : vector<16xf32>, vector<16xi1> -> vector<16xf32>
        %parallel_loop3A_332 = vector.shape_cast %broadcast_in_dim3A_186 : vector<16xi32> to vector<16x1xi32>
        %parallel_loop3A_333 = vector.shape_cast %parallel_loop3A_332 : vector<16x1xi32> to vector<16xi32>
        %parallel_loop3A_334 = tpu.dynamic_gather %parallel_loop3A_331[%parallel_loop3A_333] in [0] : vector<16xf32>, vector<16xi32> -> vector<16xf32>
        %parallel_loop3A_335 = arith.constant 1 : i32
        %parallel_loop3A_336 = vector.broadcast %parallel_loop3A_335 : i32 to vector<16xi32>
        %parallel_loop3A_337 = arith.cmpi eq, %iota3A, %parallel_loop3A_336 : vector<16xi32>
        %parallel_loop3A_338 = arith.select %parallel_loop3A_337, %parallel_loop3A_334, %parallel_loop3A_321 : vector<16xi1>, vector<16xf32>
        %parallel_loop3A_339 = arith.index_cast %parallel_loop3A_283 : i32 to index
        %parallel_loop3A_340 = arith.constant 32 : index
        %parallel_loop3A_341 = tpu.vector_load %arg8[%parallel_loop3A_339, %parallel_loop3A_340] {strides = array<i32>} : memref<64x128xf32, #tpu.memory_space<vmem>>, vector<16xf32>,
        %parallel_loop3A_342 = arith.index_cast %parallel_loop3A_283 : i32 to index
        %parallel_loop3A_343 = arith.constant 32 : index
        %parallel_loop3A_344 = tpu.vector_load %arg9[%parallel_loop3A_342, %parallel_loop3A_343] {strides = array<i32>} : memref<64x128xf32, #tpu.memory_space<vmem>>, vector<16xf32>,
        %parallel_loop3A_345 = arith.mulf %parallel_loop3A_341, %parallel_loop3A_344 : vector<16xf32>
        %parallel_loop3A_346 = arith.constant true
        %parallel_loop3A_347 = vector.broadcast %parallel_loop3A_346 : i1 to vector<16xi1>
        %parallel_loop3A_348 = tpu.scan <sum>, %parallel_loop3A_345 masked %parallel_loop3A_347 : vector<16xf32>, vector<16xi1> -> vector<16xf32>
        %parallel_loop3A_349 = vector.shape_cast %broadcast_in_dim3A_186 : vector<16xi32> to vector<16x1xi32>
        %parallel_loop3A_350 = vector.shape_cast %parallel_loop3A_349 : vector<16x1xi32> to vector<16xi32>
        %parallel_loop3A_351 = tpu.dynamic_gather %parallel_loop3A_348[%parallel_loop3A_350] in [0] : vector<16xf32>, vector<16xi32> -> vector<16xf32>
        %parallel_loop3A_352 = arith.constant 2 : i32
        %parallel_loop3A_353 = vector.broadcast %parallel_loop3A_352 : i32 to vector<16xi32>
        %parallel_loop3A_354 = arith.cmpi eq, %iota3A, %parallel_loop3A_353 : vector<16xi32>
        %parallel_loop3A_355 = arith.select %parallel_loop3A_354, %parallel_loop3A_351, %parallel_loop3A_338 : vector<16xi1>, vector<16xf32>
        %parallel_loop3A_356 = arith.index_cast %parallel_loop3A_283 : i32 to index
        %parallel_loop3A_357 = arith.constant 48 : index
        %parallel_loop3A_358 = tpu.vector_load %arg8[%parallel_loop3A_356, %parallel_loop3A_357] {strides = array<i32>} : memref<64x128xf32, #tpu.memory_space<vmem>>, vector<16xf32>,
        %parallel_loop3A_359 = arith.index_cast %parallel_loop3A_283 : i32 to index
        %parallel_loop3A_360 = arith.constant 48 : index
        %parallel_loop3A_361 = tpu.vector_load %arg9[%parallel_loop3A_359, %parallel_loop3A_360] {strides = array<i32>} : memref<64x128xf32, #tpu.memory_space<vmem>>, vector<16xf32>,
        %parallel_loop3A_362 = arith.mulf %parallel_loop3A_358, %parallel_loop3A_361 : vector<16xf32>
        %parallel_loop3A_363 = arith.constant true
        %parallel_loop3A_364 = vector.broadcast %parallel_loop3A_363 : i1 to vector<16xi1>
        %parallel_loop3A_365 = tpu.scan <sum>, %parallel_loop3A_362 masked %parallel_loop3A_364 : vector<16xf32>, vector<16xi1> -> vector<16xf32>
        %parallel_loop3A_366 = vector.shape_cast %broadcast_in_dim3A_186 : vector<16xi32> to vector<16x1xi32>
        %parallel_loop3A_367 = vector.shape_cast %parallel_loop3A_366 : vector<16x1xi32> to vector<16xi32>
        %parallel_loop3A_368 = tpu.dynamic_gather %parallel_loop3A_365[%parallel_loop3A_367] in [0] : vector<16xf32>, vector<16xi32> -> vector<16xf32>
        %parallel_loop3A_369 = arith.constant 3 : i32
        %parallel_loop3A_370 = vector.broadcast %parallel_loop3A_369 : i32 to vector<16xi32>
        %parallel_loop3A_371 = arith.cmpi eq, %iota3A, %parallel_loop3A_370 : vector<16xi32>
        %parallel_loop3A_372 = arith.select %parallel_loop3A_371, %parallel_loop3A_368, %parallel_loop3A_355 : vector<16xi1>, vector<16xf32>
        %parallel_loop3A_373 = arith.index_cast %parallel_loop3A_283 : i32 to index
        %parallel_loop3A_374 = arith.constant 64 : index
        %parallel_loop3A_375 = tpu.vector_load %arg8[%parallel_loop3A_373, %parallel_loop3A_374] {strides = array<i32>} : memref<64x128xf32, #tpu.memory_space<vmem>>, vector<16xf32>,
        %parallel_loop3A_376 = arith.index_cast %parallel_loop3A_283 : i32 to index
        %parallel_loop3A_377 = arith.constant 64 : index
        %parallel_loop3A_378 = tpu.vector_load %arg9[%parallel_loop3A_376, %parallel_loop3A_377] {strides = array<i32>} : memref<64x128xf32, #tpu.memory_space<vmem>>, vector<16xf32>,
        %parallel_loop3A_379 = arith.mulf %parallel_loop3A_375, %parallel_loop3A_378 : vector<16xf32>
        %parallel_loop3A_380 = arith.constant true
        %parallel_loop3A_381 = vector.broadcast %parallel_loop3A_380 : i1 to vector<16xi1>
        %parallel_loop3A_382 = tpu.scan <sum>, %parallel_loop3A_379 masked %parallel_loop3A_381 : vector<16xf32>, vector<16xi1> -> vector<16xf32>
        %parallel_loop3A_383 = vector.shape_cast %broadcast_in_dim3A_186 : vector<16xi32> to vector<16x1xi32>
        %parallel_loop3A_384 = vector.shape_cast %parallel_loop3A_383 : vector<16x1xi32> to vector<16xi32>
        %parallel_loop3A_385 = tpu.dynamic_gather %parallel_loop3A_382[%parallel_loop3A_384] in [0] : vector<16xf32>, vector<16xi32> -> vector<16xf32>
        %parallel_loop3A_386 = arith.constant 4 : i32
        %parallel_loop3A_387 = vector.broadcast %parallel_loop3A_386 : i32 to vector<16xi32>
        %parallel_loop3A_388 = arith.cmpi eq, %iota3A, %parallel_loop3A_387 : vector<16xi32>
        %parallel_loop3A_389 = arith.select %parallel_loop3A_388, %parallel_loop3A_385, %parallel_loop3A_372 : vector<16xi1>, vector<16xf32>
        %parallel_loop3A_390 = arith.index_cast %parallel_loop3A_283 : i32 to index
        %parallel_loop3A_391 = arith.constant 80 : index
        %parallel_loop3A_392 = tpu.vector_load %arg8[%parallel_loop3A_390, %parallel_loop3A_391] {strides = array<i32>} : memref<64x128xf32, #tpu.memory_space<vmem>>, vector<16xf32>,
        %parallel_loop3A_393 = arith.index_cast %parallel_loop3A_283 : i32 to index
        %parallel_loop3A_394 = arith.constant 80 : index
        %parallel_loop3A_395 = tpu.vector_load %arg9[%parallel_loop3A_393, %parallel_loop3A_394] {strides = array<i32>} : memref<64x128xf32, #tpu.memory_space<vmem>>, vector<16xf32>,
        %parallel_loop3A_396 = arith.mulf %parallel_loop3A_392, %parallel_loop3A_395 : vector<16xf32>
        %parallel_loop3A_397 = arith.constant true
        %parallel_loop3A_398 = vector.broadcast %parallel_loop3A_397 : i1 to vector<16xi1>
        %parallel_loop3A_399 = tpu.scan <sum>, %parallel_loop3A_396 masked %parallel_loop3A_398 : vector<16xf32>, vector<16xi1> -> vector<16xf32>
        %parallel_loop3A_400 = vector.shape_cast %broadcast_in_dim3A_186 : vector<16xi32> to vector<16x1xi32>
        %parallel_loop3A_401 = vector.shape_cast %parallel_loop3A_400 : vector<16x1xi32> to vector<16xi32>
        %parallel_loop3A_402 = tpu.dynamic_gather %parallel_loop3A_399[%parallel_loop3A_401] in [0] : vector<16xf32>, vector<16xi32> -> vector<16xf32>
        %parallel_loop3A_403 = arith.constant 5 : i32
        %parallel_loop3A_404 = vector.broadcast %parallel_loop3A_403 : i32 to vector<16xi32>
        %parallel_loop3A_405 = arith.cmpi eq, %iota3A, %parallel_loop3A_404 : vector<16xi32>
        %parallel_loop3A_406 = arith.select %parallel_loop3A_405, %parallel_loop3A_402, %parallel_loop3A_389 : vector<16xi1>, vector<16xf32>
        %parallel_loop3A_407 = arith.index_cast %parallel_loop3A_283 : i32 to index
        %parallel_loop3A_408 = arith.constant 96 : index
        %parallel_loop3A_409 = tpu.vector_load %arg8[%parallel_loop3A_407, %parallel_loop3A_408] {strides = array<i32>} : memref<64x128xf32, #tpu.memory_space<vmem>>, vector<16xf32>,
        %parallel_loop3A_410 = arith.index_cast %parallel_loop3A_283 : i32 to index
        %parallel_loop3A_411 = arith.constant 96 : index
        %parallel_loop3A_412 = tpu.vector_load %arg9[%parallel_loop3A_410, %parallel_loop3A_411] {strides = array<i32>} : memref<64x128xf32, #tpu.memory_space<vmem>>, vector<16xf32>,
        %parallel_loop3A_413 = arith.mulf %parallel_loop3A_409, %parallel_loop3A_412 : vector<16xf32>
        %parallel_loop3A_414 = arith.constant true
        %parallel_loop3A_415 = vector.broadcast %parallel_loop3A_414 : i1 to vector<16xi1>
        %parallel_loop3A_416 = tpu.scan <sum>, %parallel_loop3A_413 masked %parallel_loop3A_415 : vector<16xf32>, vector<16xi1> -> vector<16xf32>
        %parallel_loop3A_417 = vector.shape_cast %broadcast_in_dim3A_186 : vector<16xi32> to vector<16x1xi32>
        %parallel_loop3A_418 = vector.shape_cast %parallel_loop3A_417 : vector<16x1xi32> to vector<16xi32>
        %parallel_loop3A_419 = tpu.dynamic_gather %parallel_loop3A_416[%parallel_loop3A_418] in [0] : vector<16xf32>, vector<16xi32> -> vector<16xf32>
        %parallel_loop3A_420 = arith.constant 6 : i32
        %parallel_loop3A_421 = vector.broadcast %parallel_loop3A_420 : i32 to vector<16xi32>
        %parallel_loop3A_422 = arith.cmpi eq, %iota3A, %parallel_loop3A_421 : vector<16xi32>
        %parallel_loop3A_423 = arith.select %parallel_loop3A_422, %parallel_loop3A_419, %parallel_loop3A_406 : vector<16xi1>, vector<16xf32>
        %parallel_loop3A_424 = arith.index_cast %parallel_loop3A_283 : i32 to index
        %parallel_loop3A_425 = arith.constant 112 : index
        %parallel_loop3A_426 = tpu.vector_load %arg8[%parallel_loop3A_424, %parallel_loop3A_425] {strides = array<i32>} : memref<64x128xf32, #tpu.memory_space<vmem>>, vector<16xf32>,
        %parallel_loop3A_427 = arith.index_cast %parallel_loop3A_283 : i32 to index
        %parallel_loop3A_428 = arith.constant 112 : index
        %parallel_loop3A_429 = tpu.vector_load %arg9[%parallel_loop3A_427, %parallel_loop3A_428] {strides = array<i32>} : memref<64x128xf32, #tpu.memory_space<vmem>>, vector<16xf32>,
        %parallel_loop3A_430 = arith.mulf %parallel_loop3A_426, %parallel_loop3A_429 : vector<16xf32>
        %parallel_loop3A_431 = arith.constant true
        %parallel_loop3A_432 = vector.broadcast %parallel_loop3A_431 : i1 to vector<16xi1>
        %parallel_loop3A_433 = tpu.scan <sum>, %parallel_loop3A_430 masked %parallel_loop3A_432 : vector<16xf32>, vector<16xi1> -> vector<16xf32>
        %parallel_loop3A_434 = vector.shape_cast %broadcast_in_dim3A_186 : vector<16xi32> to vector<16x1xi32>
        %parallel_loop3A_435 = vector.shape_cast %parallel_loop3A_434 : vector<16x1xi32> to vector<16xi32>
        %parallel_loop3A_436 = tpu.dynamic_gather %parallel_loop3A_433[%parallel_loop3A_435] in [0] : vector<16xf32>, vector<16xi32> -> vector<16xf32>
        %parallel_loop3A_437 = arith.constant 7 : i32
        %parallel_loop3A_438 = vector.broadcast %parallel_loop3A_437 : i32 to vector<16xi32>
        %parallel_loop3A_439 = arith.cmpi eq, %iota3A, %parallel_loop3A_438 : vector<16xi32>
        %parallel_loop3A_440 = arith.select %parallel_loop3A_439, %parallel_loop3A_436, %parallel_loop3A_423 : vector<16xi1>, vector<16xf32>
        %parallel_loop3A_441 = arith.addf %parallel_loop3A_440, %parallel_loop3A_302 : vector<16xf32>
        %parallel_loop3A_442 = math.exp %parallel_loop3A_441 : vector<16xf32>
        %parallel_loop3A_443 = vector.broadcast %parallel_loop3A_283 : i32 to vector<16xi32>
        %parallel_loop3A_444 = arith.addi %broadcast_in_dim3A_188, %parallel_loop3A_443 : vector<16xi32>
        %parallel_loop3A_445 = arith.addi %parallel_loop3A_298, %iota3A : vector<16xi32>
        tpu.vector_store_idx %arg15[%parallel_loop3A_444, %parallel_loop3A_445], %parallel_loop3A_442 masked %lt3A_190 : memref<64x128xf32, #tpu.memory_space<vmem>>[vector<16xi32>, vector<16xi32>], vector<16xf32>, vector<16xi1>
        %parallel_loop3A_446 = arith.constant 0 : i32
        %parallel_loop3A_447 = vector.broadcast %parallel_loop3A_446 : i32 to vector<16xi32>
        %parallel_loop3A_448 = vector.shape_cast %parallel_loop3A_447 : vector<16xi32> to vector<16x1xi32>
        %parallel_loop3A_449 = vector.shape_cast %parallel_loop3A_448 : vector<16x1xi32> to vector<16xi32>
        %parallel_loop3A_450 = tpu.dynamic_gather %parallel_loop3A_442[%parallel_loop3A_449] in [0] : vector<16xf32>, vector<16xi32> -> vector<16xf32>
        %parallel_loop3A_451 = arith.index_cast %parallel_loop3A_283 : i32 to index
        %parallel_loop3A_452 = arith.constant 0 : index
        %parallel_loop3A_453 = tpu.vector_load %arg10[%parallel_loop3A_451, %parallel_loop3A_452] {strides = array<i32>} : memref<64x128xf32, #tpu.memory_space<vmem>>, vector<16xf32>,
        %parallel_loop3A_454 = arith.mulf %parallel_loop3A_450, %parallel_loop3A_453 : vector<16xf32>
        %parallel_loop3A_455 = arith.index_cast %parallel_loop3A_283 : i32 to index
        %parallel_loop3A_456 = arith.constant 0 : index
        %parallel_loop3A_457 = tpu.vector_load %arg13[%parallel_loop3A_455, %parallel_loop3A_456] {strides = array<i32>} : memref<64x128xf32, #tpu.memory_space<vmem>>, vector<16xf32>,
        tpu.vector_store %arg13[%parallel_loop3A_455, %parallel_loop3A_456], %parallel_loop3A_454 {strides = array<i32>} : memref<64x128xf32, #tpu.memory_space<vmem>>, vector<16xf32>,
        %parallel_loop3A_458 = arith.constant 1 : i32
        %parallel_loop3A_459 = vector.broadcast %parallel_loop3A_458 : i32 to vector<16xi32>
        %parallel_loop3A_460 = vector.shape_cast %parallel_loop3A_459 : vector<16xi32> to vector<16x1xi32>
        %parallel_loop3A_461 = vector.shape_cast %parallel_loop3A_460 : vector<16x1xi32> to vector<16xi32>
        %parallel_loop3A_462 = tpu.dynamic_gather %parallel_loop3A_442[%parallel_loop3A_461] in [0] : vector<16xf32>, vector<16xi32> -> vector<16xf32>
        %parallel_loop3A_463 = arith.index_cast %parallel_loop3A_283 : i32 to index
        %parallel_loop3A_464 = arith.constant 16 : index
        %parallel_loop3A_465 = tpu.vector_load %arg10[%parallel_loop3A_463, %parallel_loop3A_464] {strides = array<i32>} : memref<64x128xf32, #tpu.memory_space<vmem>>, vector<16xf32>,
        %parallel_loop3A_466 = arith.mulf %parallel_loop3A_462, %parallel_loop3A_465 : vector<16xf32>
        %parallel_loop3A_467 = arith.index_cast %parallel_loop3A_283 : i32 to index
        %parallel_loop3A_468 = arith.constant 16 : index
        %parallel_loop3A_469 = tpu.vector_load %arg13[%parallel_loop3A_467, %parallel_loop3A_468] {strides = array<i32>} : memref<64x128xf32, #tpu.memory_space<vmem>>, vector<16xf32>,
        tpu.vector_store %arg13[%parallel_loop3A_467, %parallel_loop3A_468], %parallel_loop3A_466 {strides = array<i32>} : memref<64x128xf32, #tpu.memory_space<vmem>>, vector<16xf32>,
        %parallel_loop3A_470 = arith.constant 2 : i32
        %parallel_loop3A_471 = vector.broadcast %parallel_loop3A_470 : i32 to vector<16xi32>
        %parallel_loop3A_472 = vector.shape_cast %parallel_loop3A_471 : vector<16xi32> to vector<16x1xi32>
        %parallel_loop3A_473 = vector.shape_cast %parallel_loop3A_472 : vector<16x1xi32> to vector<16xi32>
        %parallel_loop3A_474 = tpu.dynamic_gather %parallel_loop3A_442[%parallel_loop3A_473] in [0] : vector<16xf32>, vector<16xi32> -> vector<16xf32>
        %parallel_loop3A_475 = arith.index_cast %parallel_loop3A_283 : i32 to index
        %parallel_loop3A_476 = arith.constant 32 : index
        %parallel_loop3A_477 = tpu.vector_load %arg10[%parallel_loop3A_475, %parallel_loop3A_476] {strides = array<i32>} : memref<64x128xf32, #tpu.memory_space<vmem>>, vector<16xf32>,
        %parallel_loop3A_478 = arith.mulf %parallel_loop3A_474, %parallel_loop3A_477 : vector<16xf32>
        %parallel_loop3A_479 = arith.index_cast %parallel_loop3A_283 : i32 to index
        %parallel_loop3A_480 = arith.constant 32 : index
        %parallel_loop3A_481 = tpu.vector_load %arg13[%parallel_loop3A_479, %parallel_loop3A_480] {strides = array<i32>} : memref<64x128xf32, #tpu.memory_space<vmem>>, vector<16xf32>,
        tpu.vector_store %arg13[%parallel_loop3A_479, %parallel_loop3A_480], %parallel_loop3A_478 {strides = array<i32>} : memref<64x128xf32, #tpu.memory_space<vmem>>, vector<16xf32>,
        %parallel_loop3A_482 = arith.constant 3 : i32
        %parallel_loop3A_483 = vector.broadcast %parallel_loop3A_482 : i32 to vector<16xi32>
        %parallel_loop3A_484 = vector.shape_cast %parallel_loop3A_483 : vector<16xi32> to vector<16x1xi32>
        %parallel_loop3A_485 = vector.shape_cast %parallel_loop3A_484 : vector<16x1xi32> to vector<16xi32>
        %parallel_loop3A_486 = tpu.dynamic_gather %parallel_loop3A_442[%parallel_loop3A_485] in [0] : vector<16xf32>, vector<16xi32> -> vector<16xf32>
        %parallel_loop3A_487 = arith.index_cast %parallel_loop3A_283 : i32 to index
        %parallel_loop3A_488 = arith.constant 48 : index
        %parallel_loop3A_489 = tpu.vector_load %arg10[%parallel_loop3A_487, %parallel_loop3A_488] {strides = array<i32>} : memref<64x128xf32, #tpu.memory_space<vmem>>, vector<16xf32>,
        %parallel_loop3A_490 = arith.mulf %parallel_loop3A_486, %parallel_loop3A_489 : vector<16xf32>
        %parallel_loop3A_491 = arith.index_cast %parallel_loop3A_283 : i32 to index
        %parallel_loop3A_492 = arith.constant 48 : index
        %parallel_loop3A_493 = tpu.vector_load %arg13[%parallel_loop3A_491, %parallel_loop3A_492] {strides = array<i32>} : memref<64x128xf32, #tpu.memory_space<vmem>>, vector<16xf32>,
        tpu.vector_store %arg13[%parallel_loop3A_491, %parallel_loop3A_492], %parallel_loop3A_490 {strides = array<i32>} : memref<64x128xf32, #tpu.memory_space<vmem>>, vector<16xf32>,
        %parallel_loop3A_494 = arith.constant 4 : i32
        %parallel_loop3A_495 = vector.broadcast %parallel_loop3A_494 : i32 to vector<16xi32>
        %parallel_loop3A_496 = vector.shape_cast %parallel_loop3A_495 : vector<16xi32> to vector<16x1xi32>
        %parallel_loop3A_497 = vector.shape_cast %parallel_loop3A_496 : vector<16x1xi32> to vector<16xi32>
        %parallel_loop3A_498 = tpu.dynamic_gather %parallel_loop3A_442[%parallel_loop3A_497] in [0] : vector<16xf32>, vector<16xi32> -> vector<16xf32>
        %parallel_loop3A_499 = arith.index_cast %parallel_loop3A_283 : i32 to index
        %parallel_loop3A_500 = arith.constant 64 : index
        %parallel_loop3A_501 = tpu.vector_load %arg10[%parallel_loop3A_499, %parallel_loop3A_500] {strides = array<i32>} : memref<64x128xf32, #tpu.memory_space<vmem>>, vector<16xf32>,
        %parallel_loop3A_502 = arith.mulf %parallel_loop3A_498, %parallel_loop3A_501 : vector<16xf32>
        %parallel_loop3A_503 = arith.index_cast %parallel_loop3A_283 : i32 to index
        %parallel_loop3A_504 = arith.constant 64 : index
        %parallel_loop3A_505 = tpu.vector_load %arg13[%parallel_loop3A_503, %parallel_loop3A_504] {strides = array<i32>} : memref<64x128xf32, #tpu.memory_space<vmem>>, vector<16xf32>,
        tpu.vector_store %arg13[%parallel_loop3A_503, %parallel_loop3A_504], %parallel_loop3A_502 {strides = array<i32>} : memref<64x128xf32, #tpu.memory_space<vmem>>, vector<16xf32>,
        %parallel_loop3A_506 = arith.constant 5 : i32
        %parallel_loop3A_507 = vector.broadcast %parallel_loop3A_506 : i32 to vector<16xi32>
        %parallel_loop3A_508 = vector.shape_cast %parallel_loop3A_507 : vector<16xi32> to vector<16x1xi32>
        %parallel_loop3A_509 = vector.shape_cast %parallel_loop3A_508 : vector<16x1xi32> to vector<16xi32>
        %parallel_loop3A_510 = tpu.dynamic_gather %parallel_loop3A_442[%parallel_loop3A_509] in [0] : vector<16xf32>, vector<16xi32> -> vector<16xf32>
        %parallel_loop3A_511 = arith.index_cast %parallel_loop3A_283 : i32 to index
        %parallel_loop3A_512 = arith.constant 80 : index
        %parallel_loop3A_513 = tpu.vector_load %arg10[%parallel_loop3A_511, %parallel_loop3A_512] {strides = array<i32>} : memref<64x128xf32, #tpu.memory_space<vmem>>, vector<16xf32>,
        %parallel_loop3A_514 = arith.mulf %parallel_loop3A_510, %parallel_loop3A_513 : vector<16xf32>
        %parallel_loop3A_515 = arith.index_cast %parallel_loop3A_283 : i32 to index
        %parallel_loop3A_516 = arith.constant 80 : index
        %parallel_loop3A_517 = tpu.vector_load %arg13[%parallel_loop3A_515, %parallel_loop3A_516] {strides = array<i32>} : memref<64x128xf32, #tpu.memory_space<vmem>>, vector<16xf32>,
        tpu.vector_store %arg13[%parallel_loop3A_515, %parallel_loop3A_516], %parallel_loop3A_514 {strides = array<i32>} : memref<64x128xf32, #tpu.memory_space<vmem>>, vector<16xf32>,
        %parallel_loop3A_518 = arith.constant 6 : i32
        %parallel_loop3A_519 = vector.broadcast %parallel_loop3A_518 : i32 to vector<16xi32>
        %parallel_loop3A_520 = vector.shape_cast %parallel_loop3A_519 : vector<16xi32> to vector<16x1xi32>
        %parallel_loop3A_521 = vector.shape_cast %parallel_loop3A_520 : vector<16x1xi32> to vector<16xi32>
        %parallel_loop3A_522 = tpu.dynamic_gather %parallel_loop3A_442[%parallel_loop3A_521] in [0] : vector<16xf32>, vector<16xi32> -> vector<16xf32>
        %parallel_loop3A_523 = arith.index_cast %parallel_loop3A_283 : i32 to index
        %parallel_loop3A_524 = arith.constant 96 : index
        %parallel_loop3A_525 = tpu.vector_load %arg10[%parallel_loop3A_523, %parallel_loop3A_524] {strides = array<i32>} : memref<64x128xf32, #tpu.memory_space<vmem>>, vector<16xf32>,
        %parallel_loop3A_526 = arith.mulf %parallel_loop3A_522, %parallel_loop3A_525 : vector<16xf32>
        %parallel_loop3A_527 = arith.index_cast %parallel_loop3A_283 : i32 to index
        %parallel_loop3A_528 = arith.constant 96 : index
        %parallel_loop3A_529 = tpu.vector_load %arg13[%parallel_loop3A_527, %parallel_loop3A_528] {strides = array<i32>} : memref<64x128xf32, #tpu.memory_space<vmem>>, vector<16xf32>,
        tpu.vector_store %arg13[%parallel_loop3A_527, %parallel_loop3A_528], %parallel_loop3A_526 {strides = array<i32>} : memref<64x128xf32, #tpu.memory_space<vmem>>, vector<16xf32>,
        %parallel_loop3A_530 = arith.constant 7 : i32
        %parallel_loop3A_531 = vector.broadcast %parallel_loop3A_530 : i32 to vector<16xi32>
        %parallel_loop3A_532 = vector.shape_cast %parallel_loop3A_531 : vector<16xi32> to vector<16x1xi32>
        %parallel_loop3A_533 = vector.shape_cast %parallel_loop3A_532 : vector<16x1xi32> to vector<16xi32>
        %parallel_loop3A_534 = tpu.dynamic_gather %parallel_loop3A_442[%parallel_loop3A_533] in [0] : vector<16xf32>, vector<16xi32> -> vector<16xf32>
        %parallel_loop3A_535 = arith.index_cast %parallel_loop3A_283 : i32 to index
        %parallel_loop3A_536 = arith.constant 112 : index
        %parallel_loop3A_537 = tpu.vector_load %arg10[%parallel_loop3A_535, %parallel_loop3A_536] {strides = array<i32>} : memref<64x128xf32, #tpu.memory_space<vmem>>, vector<16xf32>,
        %parallel_loop3A_538 = arith.mulf %parallel_loop3A_534, %parallel_loop3A_537 : vector<16xf32>
        %parallel_loop3A_539 = arith.index_cast %parallel_loop3A_283 : i32 to index
        %parallel_loop3A_540 = arith.constant 112 : index
        %parallel_loop3A_541 = tpu.vector_load %arg13[%parallel_loop3A_539, %parallel_loop3A_540] {strides = array<i32>} : memref<64x128xf32, #tpu.memory_space<vmem>>, vector<16xf32>,
        tpu.vector_store %arg13[%parallel_loop3A_539, %parallel_loop3A_540], %parallel_loop3A_538 {strides = array<i32>} : memref<64x128xf32, #tpu.memory_space<vmem>>, vector<16xf32>,
      } {sc.loop_unroll_factor = 3 : i64, sc.parallel_access}
      %dma_start3A_193 = arith.constant 0 : i32
      %dma_start3A_194 = arith.constant 0 : i32
      %dma_start3A_195 = tpu.memref_slice %arg14[%dma_start3A_193, %dma_start3A_194] : memref<1x64xi32, #tpu.memory_space<vmem>> -> memref<1x64xi32, #tpu.memory_space<vmem>>
      %dma_start3A_196 = tpu.memref_squeeze %dma_start3A_195 : memref<1x64xi32, #tpu.memory_space<vmem>> -> memref<64xi32, #tpu.memory_space<vmem>>
      %dma_start3A_197 = arith.constant 0 : i32
      %dma_start3A_198 = arith.constant 0 : i32
      %dma_start3A_199 = tpu.memref_slice %arg28[%dma_start3A_197, %dma_start3A_198] : memref<5248x128xf32, #tpu.memory_space<vmem_shared>> -> memref<5248x128xf32, #tpu.memory_space<vmem_shared>>
      tpu.enqueue_indirect_dma source(%arg13 : memref<64x128xf32, #tpu.memory_space<vmem>>) target(%dma_start3A_199 : memref<5248x128xf32, #tpu.memory_space<vmem_shared>>) offsets(%dma_start3A_196 : memref<64xi32, #tpu.memory_space<vmem>>) semaphore(%arg32 : memref<!tpu.dma_semaphore, #tpu.memory_space<semaphore_mem>>) {add = true}
      %dma_start3A_200 = arith.constant 0 : i32
      %dma_start3A_201 = arith.constant 0 : i32
      %dma_start3A_202 = tpu.memref_slice %arg16[%dma_start3A_200, %dma_start3A_201] : memref<1x64xi32, #tpu.memory_space<vmem>> -> memref<1x64xi32, #tpu.memory_space<vmem>>
      %dma_start3A_203 = tpu.memref_squeeze %dma_start3A_202 : memref<1x64xi32, #tpu.memory_space<vmem>> -> memref<64xi32, #tpu.memory_space<vmem>>
      %dma_start3A_204 = arith.constant 0 : i32
      %dma_start3A_205 = arith.constant 0 : i32
      %dma_start3A_206 = tpu.memref_slice %arg29[%dma_start3A_204, %dma_start3A_205] : memref<328x128xf32, #tpu.memory_space<vmem_shared>> -> memref<328x128xf32, #tpu.memory_space<vmem_shared>>
      tpu.enqueue_indirect_dma source(%arg15 : memref<64x128xf32, #tpu.memory_space<vmem>>) target(%dma_start3A_206 : memref<328x128xf32, #tpu.memory_space<vmem_shared>>) offsets(%dma_start3A_203 : memref<64xi32, #tpu.memory_space<vmem>>) semaphore(%arg34 : memref<!tpu.dma_semaphore, #tpu.memory_space<semaphore_mem>>) {add = true}
      %lt3A_207 = arith.constant 159 : i32
      %lt3A_208 = arith.cmpi slt, %add3A_96, %lt3A_207 : i32
      %convert_element_type3A_209 = arith.extui %lt3A_208 : i1 to i32
      %cond3A_210 = arith.constant 0 : i32
      %cond3A_211 = arith.cmpi ne, %convert_element_type3A_209, %cond3A_210 : i32
      scf.if %cond3A_211 {
        %add3A_283 = arith.constant 2 : i32
        %add3A_284 = arith.addi %mul3A_98, %add3A_283 : i32
        %mul3A_285 = arith.constant 320 : i32
        %mul3A_286 = arith.muli %arg1, %mul3A_285 : i32
        %add3A_287 = arith.addi %mul3A_286, %add3A_284 : i32
        "tpu.region"() ({
          %run_scoped3A = tpu.sem_alloc : memref<!tpu.dma_semaphore, #tpu.memory_space<semaphore_mem>>
          %dma_start3A_325 = arith.constant 0 : i32
          %dma_start3A_326 = tpu.memref_slice %arg6[%add3A_287, %dma_start3A_325] : memref<5120x128xi32, #tpu.memory_space<hbm>> -> memref<1x128xi32, #tpu.memory_space<hbm>>
          %dma_start3A_327 = arith.constant 0 : i32
          %dma_start3A_328 = tpu.memref_slice %arg6[%add3A_287, %dma_start3A_327] : memref<5120x128xi32, #tpu.memory_space<hbm>> -> memref<1x128xi32, #tpu.memory_space<hbm>>
          tpu.enqueue_dma source(%dma_start3A_328 : memref<1x128xi32, #tpu.memory_space<hbm>>) target(%arg12 : memref<1x128xi32, #tpu.memory_space<vmem>>) target_semaphore(%run_scoped3A : memref<!tpu.dma_semaphore, #tpu.memory_space<semaphore_mem>>)
          %dma_wait3A_329 = arith.constant 0 : i32
          %dma_wait3A_330 = tpu.memref_slice %arg6[%add3A_287, %dma_wait3A_329] : memref<5120x128xi32, #tpu.memory_space<hbm>> -> memref<1x128xi32, #tpu.memory_space<hbm>>
          %dma_wait3A_331 = arith.constant 0 : i32
          %dma_wait3A_332 = tpu.memref_slice %arg6[%add3A_287, %dma_wait3A_331] : memref<5120x128xi32, #tpu.memory_space<hbm>> -> memref<1x128xi32, #tpu.memory_space<hbm>>
          tpu.wait_dma2 semaphore(%run_scoped3A : memref<!tpu.dma_semaphore, #tpu.memory_space<semaphore_mem>>) src(%dma_wait3A_332 : memref<1x128xi32, #tpu.memory_space<hbm>>) dst(%arg12 : memref<1x128xi32, #tpu.memory_space<vmem>>)
          tpu.yield
        }) : () -> ()
        %dma_start3A_288 = arith.constant 0 : i32
        %dma_start3A_289 = arith.constant 0 : i32
        %dma_start3A_290 = tpu.memref_slice %arg12[%dma_start3A_288, %dma_start3A_289] : memref<1x128xi32, #tpu.memory_space<vmem>> -> memref<1x128xi32, #tpu.memory_space<vmem>>
        %dma_start3A_291 = tpu.memref_squeeze %dma_start3A_290 : memref<1x128xi32, #tpu.memory_space<vmem>> -> memref<128xi32, #tpu.memory_space<vmem>>
        %dma_start3A_292 = arith.constant 64 : i32
        %dma_start3A_293 = tpu.memref_slice %dma_start3A_291[%dma_start3A_292] : memref<128xi32, #tpu.memory_space<vmem>> -> memref<64xi32, #tpu.memory_space<vmem>>
        %dma_start3A_294 = arith.constant 0 : i32
        %dma_start3A_295 = arith.constant 0 : i32
        %dma_start3A_296 = tpu.memref_slice %arg2[%dma_start3A_294, %dma_start3A_295] : memref<10240x128xf32, #tpu.memory_space<hbm>> -> memref<10240x128xf32, #tpu.memory_space<hbm>>
        tpu.enqueue_indirect_dma source(%dma_start3A_296 : memref<10240x128xf32, #tpu.memory_space<hbm>>) target(%arg8 : memref<64x128xf32, #tpu.memory_space<vmem>>) offsets(%dma_start3A_293 : memref<64xi32, #tpu.memory_space<vmem>>) semaphore(%arg30 : memref<!tpu.dma_semaphore, #tpu.memory_space<semaphore_mem>>)
        %dma_start3A_297 = arith.constant 0 : i32
        %dma_start3A_298 = arith.constant 0 : i32
        %dma_start3A_299 = tpu.memref_slice %arg12[%dma_start3A_297, %dma_start3A_298] : memref<1x128xi32, #tpu.memory_space<vmem>> -> memref<1x128xi32, #tpu.memory_space<vmem>>
        %dma_start3A_300 = tpu.memref_squeeze %dma_start3A_299 : memref<1x128xi32, #tpu.memory_space<vmem>> -> memref<128xi32, #tpu.memory_space<vmem>>
        %dma_start3A_301 = arith.constant 0 : i32
        %dma_start3A_302 = tpu.memref_slice %dma_start3A_300[%dma_start3A_301] : memref<128xi32, #tpu.memory_space<vmem>> -> memref<64xi32, #tpu.memory_space<vmem>>
        %dma_start3A_303 = arith.constant 0 : i32
        %dma_start3A_304 = arith.constant 0 : i32
        %dma_start3A_305 = tpu.memref_slice %arg3[%dma_start3A_303, %dma_start3A_304] : memref<10240x128xf32, #tpu.memory_space<hbm>> -> memref<10240x128xf32, #tpu.memory_space<hbm>>
        tpu.enqueue_indirect_dma source(%dma_start3A_305 : memref<10240x128xf32, #tpu.memory_space<hbm>>) target(%arg9 : memref<64x128xf32, #tpu.memory_space<vmem>>) offsets(%dma_start3A_302 : memref<64xi32, #tpu.memory_space<vmem>>) semaphore(%arg30 : memref<!tpu.dma_semaphore, #tpu.memory_space<semaphore_mem>>)
        %dma_start3A_306 = arith.constant 0 : i32
        %dma_start3A_307 = arith.constant 0 : i32
        %dma_start3A_308 = tpu.memref_slice %arg12[%dma_start3A_306, %dma_start3A_307] : memref<1x128xi32, #tpu.memory_space<vmem>> -> memref<1x128xi32, #tpu.memory_space<vmem>>
        %dma_start3A_309 = tpu.memref_squeeze %dma_start3A_308 : memref<1x128xi32, #tpu.memory_space<vmem>> -> memref<128xi32, #tpu.memory_space<vmem>>
        %dma_start3A_310 = arith.constant 0 : i32
        %dma_start3A_311 = tpu.memref_slice %dma_start3A_309[%dma_start3A_310] : memref<128xi32, #tpu.memory_space<vmem>> -> memref<64xi32, #tpu.memory_space<vmem>>
        %dma_start3A_312 = arith.constant 0 : i32
        %dma_start3A_313 = arith.constant 0 : i32
        %dma_start3A_314 = tpu.memref_slice %arg4[%dma_start3A_312, %dma_start3A_313] : memref<10240x128xf32, #tpu.memory_space<hbm>> -> memref<10240x128xf32, #tpu.memory_space<hbm>>
        tpu.enqueue_indirect_dma source(%dma_start3A_314 : memref<10240x128xf32, #tpu.memory_space<hbm>>) target(%arg10 : memref<64x128xf32, #tpu.memory_space<vmem>>) offsets(%dma_start3A_311 : memref<64xi32, #tpu.memory_space<vmem>>) semaphore(%arg30 : memref<!tpu.dma_semaphore, #tpu.memory_space<semaphore_mem>>)
        %mul3A_315 = arith.constant 64 : i32
        %mul3A_316 = arith.muli %add3A_287, %mul3A_315 : i32
        %mul3A_317 = arith.constant 8 : i32
        %mul3A_318 = arith.muli %mul3A_316, %mul3A_317 : i32
        %dma_start3A_319 = arith.constant 0 : i32
        %dma_start3A_320 = tpu.memref_slice %arg11[%dma_start3A_319] : memref<528xf32, #tpu.memory_space<vmem>> -> memref<512xf32, #tpu.memory_space<vmem>>
        %dma_start3A_321 = tpu.memref_slice %arg5[%mul3A_318] : memref<2621440xf32, #tpu.memory_space<hbm>> -> memref<512xf32, #tpu.memory_space<hbm>>
        %dma_start3A_322 = arith.constant 0 : i32
        %dma_start3A_323 = tpu.memref_slice %arg11[%dma_start3A_322] : memref<528xf32, #tpu.memory_space<vmem>> -> memref<512xf32, #tpu.memory_space<vmem>>
        %dma_start3A_324 = tpu.memref_slice %arg5[%mul3A_318] : memref<2621440xf32, #tpu.memory_space<hbm>> -> memref<512xf32, #tpu.memory_space<hbm>>
        tpu.enqueue_dma source(%dma_start3A_324 : memref<512xf32, #tpu.memory_space<hbm>>) target(%dma_start3A_323 : memref<512xf32, #tpu.memory_space<vmem>>) target_semaphore(%arg30 : memref<!tpu.dma_semaphore, #tpu.memory_space<semaphore_mem>>)
      } else {
      }
      %dma_wait3A_212 = arith.constant 0 : i32
      %dma_wait3A_213 = arith.constant 0 : i32
      %dma_wait3A_214 = tpu.memref_slice %arg22[%dma_wait3A_212, %dma_wait3A_213] : memref<1x128xi32, #tpu.memory_space<vmem>> -> memref<1x128xi32, #tpu.memory_space<vmem>>
      %dma_wait3A_215 = tpu.memref_squeeze %dma_wait3A_214 : memref<1x128xi32, #tpu.memory_space<vmem>> -> memref<128xi32, #tpu.memory_space<vmem>>
      %dma_wait3A_216 = arith.constant 64 : i32
      %dma_wait3A_217 = tpu.memref_slice %dma_wait3A_215[%dma_wait3A_216] : memref<128xi32, #tpu.memory_space<vmem>> -> memref<64xi32, #tpu.memory_space<vmem>>
      %dma_wait3A_218 = arith.constant 0 : i32
      %dma_wait3A_219 = arith.constant 0 : i32
      %dma_wait3A_220 = tpu.memref_slice %arg2[%dma_wait3A_218, %dma_wait3A_219] : memref<10240x128xf32, #tpu.memory_space<hbm>> -> memref<10240x128xf32, #tpu.memory_space<hbm>>
      tpu.wait_indirect_dma semaphore(%arg31 : memref<!tpu.dma_semaphore, #tpu.memory_space<semaphore_mem>>) src(%dma_wait3A_220 : memref<10240x128xf32, #tpu.memory_space<hbm>>) dst(%arg18 : memref<64x128xf32, #tpu.memory_space<vmem>>)
      %dma_wait3A_221 = arith.constant 0 : i32
      %dma_wait3A_222 = arith.constant 0 : i32
      %dma_wait3A_223 = tpu.memref_slice %arg22[%dma_wait3A_221, %dma_wait3A_222] : memref<1x128xi32, #tpu.memory_space<vmem>> -> memref<1x128xi32, #tpu.memory_space<vmem>>
      %dma_wait3A_224 = tpu.memref_squeeze %dma_wait3A_223 : memref<1x128xi32, #tpu.memory_space<vmem>> -> memref<128xi32, #tpu.memory_space<vmem>>
      %dma_wait3A_225 = arith.constant 0 : i32
      %dma_wait3A_226 = tpu.memref_slice %dma_wait3A_224[%dma_wait3A_225] : memref<128xi32, #tpu.memory_space<vmem>> -> memref<64xi32, #tpu.memory_space<vmem>>
      %dma_wait3A_227 = arith.constant 0 : i32
      %dma_wait3A_228 = arith.constant 0 : i32
      %dma_wait3A_229 = tpu.memref_slice %arg3[%dma_wait3A_227, %dma_wait3A_228] : memref<10240x128xf32, #tpu.memory_space<hbm>> -> memref<10240x128xf32, #tpu.memory_space<hbm>>
      tpu.wait_indirect_dma semaphore(%arg31 : memref<!tpu.dma_semaphore, #tpu.memory_space<semaphore_mem>>) src(%dma_wait3A_229 : memref<10240x128xf32, #tpu.memory_space<hbm>>) dst(%arg19 : memref<64x128xf32, #tpu.memory_space<vmem>>)
      %dma_wait3A_230 = arith.constant 0 : i32
      %dma_wait3A_231 = arith.constant 0 : i32
      %dma_wait3A_232 = tpu.memref_slice %arg22[%dma_wait3A_230, %dma_wait3A_231] : memref<1x128xi32, #tpu.memory_space<vmem>> -> memref<1x128xi32, #tpu.memory_space<vmem>>
      %dma_wait3A_233 = tpu.memref_squeeze %dma_wait3A_232 : memref<1x128xi32, #tpu.memory_space<vmem>> -> memref<128xi32, #tpu.memory_space<vmem>>
      %dma_wait3A_234 = arith.constant 0 : i32
      %dma_wait3A_235 = tpu.memref_slice %dma_wait3A_233[%dma_wait3A_234] : memref<128xi32, #tpu.memory_space<vmem>> -> memref<64xi32, #tpu.memory_space<vmem>>
      %dma_wait3A_236 = arith.constant 0 : i32
      %dma_wait3A_237 = arith.constant 0 : i32
      %dma_wait3A_238 = tpu.memref_slice %arg4[%dma_wait3A_236, %dma_wait3A_237] : memref<10240x128xf32, #tpu.memory_space<hbm>> -> memref<10240x128xf32, #tpu.memory_space<hbm>>
      tpu.wait_indirect_dma semaphore(%arg31 : memref<!tpu.dma_semaphore, #tpu.memory_space<semaphore_mem>>) src(%dma_wait3A_238 : memref<10240x128xf32, #tpu.memory_space<hbm>>) dst(%arg20 : memref<64x128xf32, #tpu.memory_space<vmem>>)
      %dma_wait3A_239 = arith.constant 0 : i32
      %dma_wait3A_240 = tpu.memref_slice %arg21[%dma_wait3A_239] : memref<528xf32, #tpu.memory_space<vmem>> -> memref<512xf32, #tpu.memory_space<vmem>>
      %dma_wait3A_241 = arith.constant 0 : i32
      %dma_wait3A_242 = tpu.memref_slice %arg5[%dma_wait3A_241] : memref<2621440xf32, #tpu.memory_space<hbm>> -> memref<512xf32, #tpu.memory_space<hbm>>
      %dma_wait3A_243 = arith.constant 0 : i32
      %dma_wait3A_244 = tpu.memref_slice %arg21[%dma_wait3A_243] : memref<528xf32, #tpu.memory_space<vmem>> -> memref<512xf32, #tpu.memory_space<vmem>>
      %dma_wait3A_245 = arith.constant 0 : i32
      %dma_wait3A_246 = tpu.memref_slice %arg5[%dma_wait3A_245] : memref<2621440xf32, #tpu.memory_space<hbm>> -> memref<512xf32, #tpu.memory_space<hbm>>
      tpu.wait_dma2 semaphore(%arg31 : memref<!tpu.dma_semaphore, #tpu.memory_space<semaphore_mem>>) src(%dma_wait3A_246 : memref<512xf32, #tpu.memory_space<hbm>>) dst(%dma_wait3A_244 : memref<512xf32, #tpu.memory_space<vmem>>)
      %add3A_247 = arith.constant 1 : i32
      %add3A_248 = arith.addi %mul3A_98, %add3A_247 : i32
      %ge3A_249 = arith.constant 1 : i32
      %ge3A_250 = arith.cmpi sge, %add3A_96, %ge3A_249 : i32
      %convert_element_type3A_251 = arith.extui %ge3A_250 : i1 to i32
      %cond3A_252 = arith.constant 0 : i32
      %cond3A_253 = arith.cmpi ne, %convert_element_type3A_251, %cond3A_252 : i32
      scf.if %cond3A_253 {
        %dma_wait3A_283 = arith.constant 0 : i32
        %dma_wait3A_284 = arith.constant 0 : i32
        %dma_wait3A_285 = tpu.memref_slice %arg24[%dma_wait3A_283, %dma_wait3A_284] : memref<1x64xi32, #tpu.memory_space<vmem>> -> memref<1x64xi32, #tpu.memory_space<vmem>>
        %dma_wait3A_286 = tpu.memref_squeeze %dma_wait3A_285 : memref<1x64xi32, #tpu.memory_space<vmem>> -> memref<64xi32, #tpu.memory_space<vmem>>
        %dma_wait3A_287 = arith.constant 0 : i32
        %dma_wait3A_288 = arith.constant 0 : i32
        %dma_wait3A_289 = tpu.memref_slice %arg28[%dma_wait3A_287, %dma_wait3A_288] : memref<5248x128xf32, #tpu.memory_space<vmem_shared>> -> memref<5248x128xf32, #tpu.memory_space<vmem_shared>>
        tpu.wait_indirect_dma semaphore(%arg33 : memref<!tpu.dma_semaphore, #tpu.memory_space<semaphore_mem>>) src(%arg23 : memref<64x128xf32, #tpu.memory_space<vmem>>) dst(%dma_wait3A_289 : memref<5248x128xf32, #tpu.memory_space<vmem_shared>>)
        %dma_wait3A_290 = arith.constant 0 : i32
        %dma_wait3A_291 = arith.constant 0 : i32
        %dma_wait3A_292 = tpu.memref_slice %arg26[%dma_wait3A_290, %dma_wait3A_291] : memref<1x64xi32, #tpu.memory_space<vmem>> -> memref<1x64xi32, #tpu.memory_space<vmem>>
        %dma_wait3A_293 = tpu.memref_squeeze %dma_wait3A_292 : memref<1x64xi32, #tpu.memory_space<vmem>> -> memref<64xi32, #tpu.memory_space<vmem>>
        %dma_wait3A_294 = arith.constant 0 : i32
        %dma_wait3A_295 = arith.constant 0 : i32
        %dma_wait3A_296 = tpu.memref_slice %arg29[%dma_wait3A_294, %dma_wait3A_295] : memref<328x128xf32, #tpu.memory_space<vmem_shared>> -> memref<328x128xf32, #tpu.memory_space<vmem_shared>>
        tpu.wait_indirect_dma semaphore(%arg35 : memref<!tpu.dma_semaphore, #tpu.memory_space<semaphore_mem>>) src(%arg25 : memref<64x128xf32, #tpu.memory_space<vmem>>) dst(%dma_wait3A_296 : memref<328x128xf32, #tpu.memory_space<vmem_shared>>)
        %scan3A_297 = arith.constant 0 : i32
        %scan3A_298 = arith.constant 4 : i32
        %scan3A_299 = arith.addi %scan3A_297, %scan3A_298 : i32
        %scan3A_300 = arith.constant 1 : i32
        scf.for %scan3A_302 = %scan3A_297 to %scan3A_299 step %scan3A_300  : i32 {
          %mul3A_303 = arith.constant 1 : i32
          %mul3A_304 = arith.muli %scan3A_302, %mul3A_303 : i32
          %add3A_305 = arith.constant 0 : i32
          %add3A_306 = arith.addi %add3A_305, %mul3A_304 : i32
          %mul3A_307 = arith.constant 16 : i32
          %mul3A_308 = arith.muli %add3A_306, %mul3A_307 : i32
          %add3A_309 = vector.broadcast %mul3A_308 : i32 to vector<16xi32>
          %add3A_310 = arith.addi %iota3A, %add3A_309 : vector<16xi32>
          %mul3A_311 = arith.constant 16 : i32
          %mul3A_312 = arith.muli %add3A_306, %mul3A_311 : i32
          %get3A = arith.constant 0 : i32
          %get3A_313 = arith.index_cast %get3A : i32 to index
          %get3A_314 = arith.index_cast %mul3A_312 : i32 to index
          %get3A_315 = tpu.vector_load %arg27[%get3A_313, %get3A_314] {strides = array<i32>} : memref<1x64xi32, #tpu.memory_space<vmem>>, vector<16xi32>,
          %add3A_316 = arith.constant 0 : i32
          %add3A_317 = vector.broadcast %add3A_316 : i32 to vector<16xi32>
          %add3A_318 = arith.addi %get3A_315, %add3A_317 : vector<16xi32>
          tpu.vector_store_idx %arg25[%add3A_310, %add3A_318], %broadcast_in_dim3A_1 : memref<64x128xf32, #tpu.memory_space<vmem>>[vector<16xi32>, vector<16xi32>], vector<16xf32>,
          %add3A_319 = arith.constant 1 : i32
          %add3A_320 = vector.broadcast %add3A_319 : i32 to vector<16xi32>
          %add3A_321 = arith.addi %get3A_315, %add3A_320 : vector<16xi32>
          tpu.vector_store_idx %arg25[%add3A_310, %add3A_321], %broadcast_in_dim3A_1 : memref<64x128xf32, #tpu.memory_space<vmem>>[vector<16xi32>, vector<16xi32>], vector<16xf32>,
          %add3A_322 = arith.constant 2 : i32
          %add3A_323 = vector.broadcast %add3A_322 : i32 to vector<16xi32>
          %add3A_324 = arith.addi %get3A_315, %add3A_323 : vector<16xi32>
          tpu.vector_store_idx %arg25[%add3A_310, %add3A_324], %broadcast_in_dim3A_1 : memref<64x128xf32, #tpu.memory_space<vmem>>[vector<16xi32>, vector<16xi32>], vector<16xf32>,
          %add3A_325 = arith.constant 3 : i32
          %add3A_326 = vector.broadcast %add3A_325 : i32 to vector<16xi32>
          %add3A_327 = arith.addi %get3A_315, %add3A_326 : vector<16xi32>
          tpu.vector_store_idx %arg25[%add3A_310, %add3A_327], %broadcast_in_dim3A_1 : memref<64x128xf32, #tpu.memory_space<vmem>>[vector<16xi32>, vector<16xi32>], vector<16xf32>,
          %add3A_328 = arith.constant 4 : i32
          %add3A_329 = vector.broadcast %add3A_328 : i32 to vector<16xi32>
          %add3A_330 = arith.addi %get3A_315, %add3A_329 : vector<16xi32>
          tpu.vector_store_idx %arg25[%add3A_310, %add3A_330], %broadcast_in_dim3A_1 : memref<64x128xf32, #tpu.memory_space<vmem>>[vector<16xi32>, vector<16xi32>], vector<16xf32>,
          %add3A_331 = arith.constant 5 : i32
          %add3A_332 = vector.broadcast %add3A_331 : i32 to vector<16xi32>
          %add3A_333 = arith.addi %get3A_315, %add3A_332 : vector<16xi32>
          tpu.vector_store_idx %arg25[%add3A_310, %add3A_333], %broadcast_in_dim3A_1 : memref<64x128xf32, #tpu.memory_space<vmem>>[vector<16xi32>, vector<16xi32>], vector<16xf32>,
          %add3A_334 = arith.constant 6 : i32
          %add3A_335 = vector.broadcast %add3A_334 : i32 to vector<16xi32>
          %add3A_336 = arith.addi %get3A_315, %add3A_335 : vector<16xi32>
          tpu.vector_store_idx %arg25[%add3A_310, %add3A_336], %broadcast_in_dim3A_1 : memref<64x128xf32, #tpu.memory_space<vmem>>[vector<16xi32>, vector<16xi32>], vector<16xf32>,
          %add3A_337 = arith.constant 7 : i32
          %add3A_338 = vector.broadcast %add3A_337 : i32 to vector<16xi32>
          %add3A_339 = arith.addi %get3A_315, %add3A_338 : vector<16xi32>
          tpu.vector_store_idx %arg25[%add3A_310, %add3A_339], %broadcast_in_dim3A_1 : memref<64x128xf32, #tpu.memory_space<vmem>>[vector<16xi32>, vector<16xi32>], vector<16xf32>,
        }
        %scan3A_301 = arith.constant 4 : i32
      } else {
      }
      %scan3A_254 = arith.constant 0 : i32
      %scan3A_255 = arith.constant 4 : i32
      %scan3A_256 = arith.addi %scan3A_254, %scan3A_255 : i32
      %scan3A_257 = arith.constant 1 : i32
      scf.for %scan3A_283 = %scan3A_254 to %scan3A_256 step %scan3A_257  : i32 {
        %mul3A_284 = arith.constant 1 : i32
        %mul3A_285 = arith.muli %scan3A_283, %mul3A_284 : i32
        %add3A_286 = arith.constant 0 : i32
        %add3A_287 = arith.addi %add3A_286, %mul3A_285 : i32
        %mul3A_288 = arith.constant 16 : i32
        %mul3A_289 = arith.muli %add3A_287, %mul3A_288 : i32
        %add3A_290 = arith.constant 64 : i32
        %add3A_291 = arith.addi %add3A_290, %mul3A_289 : i32
        %get3A = arith.constant 0 : i32
        %get3A_292 = arith.index_cast %get3A : i32 to index
        %get3A_293 = arith.index_cast %add3A_291 : i32 to index
        %get3A_294 = tpu.vector_load %arg22[%get3A_292, %get3A_293] {strides = array<i32>} : memref<1x128xi32, #tpu.memory_space<vmem>>, vector<16xi32>,
        %sub3A = vector.broadcast %mul3A_0 : i32 to vector<16xi32>
        %sub3A_295 = arith.subi %get3A_294, %sub3A : vector<16xi32>
        %ge3A_296 = arith.constant 0 : i32
        %ge3A_297 = vector.broadcast %ge3A_296 : i32 to vector<16xi32>
        %ge3A_298 = arith.cmpi sge, %sub3A_295, %ge3A_297 : vector<16xi32>
        %lt3A_299 = arith.constant 5120 : i32
        %lt3A_300 = vector.broadcast %lt3A_299 : i32 to vector<16xi32>
        %lt3A_301 = arith.cmpi slt, %sub3A_295, %lt3A_300 : vector<16xi32>
        %and3A = arith.andi %ge3A_298, %lt3A_301 : vector<16xi1>
        %jit3A = arith.constant 5120 : i32
        %broadcast_in_dim3A_302 = vector.broadcast %jit3A : i32 to vector<16xi32>
        %select_n3A = arith.select %and3A, %sub3A_295, %broadcast_in_dim3A_302 : vector<16xi1>, vector<16xi32>
        %mul3A_303 = arith.constant 16 : i32
        %mul3A_304 = arith.muli %add3A_287, %mul3A_303 : i32
        %swap3A = arith.constant 0 : i32
        %swap3A_305 = arith.index_cast %swap3A : i32 to index
        %swap3A_306 = arith.index_cast %mul3A_304 : i32 to index
        %swap3A_307 = tpu.vector_load %arg24[%swap3A_305, %swap3A_306] {strides = array<i32>} : memref<1x64xi32, #tpu.memory_space<vmem>>, vector<16xi32>,
        tpu.vector_store %arg24[%swap3A_305, %swap3A_306], %select_n3A {strides = array<i32>} : memref<1x64xi32, #tpu.memory_space<vmem>>, vector<16xi32>,
        %shift_right_logical3A = arith.constant 4 : i32
        %shift_right_logical3A_308 = vector.broadcast %shift_right_logical3A : i32 to vector<16xi32>
        %shift_right_logical3A_309 = arith.shrui %sub3A_295, %shift_right_logical3A_308 : vector<16xi32>
        %jit3A_310 = arith.constant 320 : i32
        %broadcast_in_dim3A_311 = vector.broadcast %jit3A_310 : i32 to vector<16xi32>
        %select_n3A_312 = arith.select %and3A, %shift_right_logical3A_309, %broadcast_in_dim3A_311 : vector<16xi1>, vector<16xi32>
        %mul3A_313 = arith.constant 16 : i32
        %mul3A_314 = arith.muli %add3A_287, %mul3A_313 : i32
        %swap3A_315 = arith.constant 0 : i32
        %swap3A_316 = arith.index_cast %swap3A_315 : i32 to index
        %swap3A_317 = arith.index_cast %mul3A_314 : i32 to index
        %swap3A_318 = tpu.vector_load %arg26[%swap3A_316, %swap3A_317] {strides = array<i32>} : memref<1x64xi32, #tpu.memory_space<vmem>>, vector<16xi32>,
        tpu.vector_store %arg26[%swap3A_316, %swap3A_317], %select_n3A_312 {strides = array<i32>} : memref<1x64xi32, #tpu.memory_space<vmem>>, vector<16xi32>,
        %and3A_319 = arith.constant 15 : i32
        %and3A_320 = vector.broadcast %and3A_319 : i32 to vector<16xi32>
        %and3A_321 = arith.andi %sub3A_295, %and3A_320 : vector<16xi32>
        %mul3A_322 = arith.constant 8 : i32
        %mul3A_323 = vector.broadcast %mul3A_322 : i32 to vector<16xi32>
        %mul3A_324 = arith.muli %and3A_321, %mul3A_323 : vector<16xi32>
        %mul3A_325 = arith.constant 16 : i32
        %mul3A_326 = arith.muli %add3A_287, %mul3A_325 : i32
        %swap3A_327 = arith.constant 0 : i32
        %swap3A_328 = arith.index_cast %swap3A_327 : i32 to index
        %swap3A_329 = arith.index_cast %mul3A_326 : i32 to index
        %swap3A_330 = tpu.vector_load %arg27[%swap3A_328, %swap3A_329] {strides = array<i32>} : memref<1x64xi32, #tpu.memory_space<vmem>>, vector<16xi32>,
        tpu.vector_store %arg27[%swap3A_328, %swap3A_329], %mul3A_324 {strides = array<i32>} : memref<1x64xi32, #tpu.memory_space<vmem>>, vector<16xi32>,
      }
      %scan3A_258 = arith.constant 4 : i32
      %broadcast_in_dim3A_259 = arith.constant 15 : i32
      %broadcast_in_dim3A_260 = vector.broadcast %broadcast_in_dim3A_259 : i32 to vector<16xi32>
      %broadcast_in_dim3A_261 = arith.constant 0 : i32
      %broadcast_in_dim3A_262 = vector.broadcast %broadcast_in_dim3A_261 : i32 to vector<16xi32>
      %lt3A_263 = arith.constant 8 : i32
      %lt3A_264 = vector.broadcast %lt3A_263 : i32 to vector<16xi32>
      %lt3A_265 = arith.cmpi slt, %iota3A, %lt3A_264 : vector<16xi32>
      %parallel_loop3A_266 = arith.constant 0 : i32
      %parallel_loop3A_267 = arith.constant 64 : i32
      %parallel_loop3A_268 = arith.constant 1 : i32
      scf.for %parallel_loop3A_283 = %parallel_loop3A_266 to %parallel_loop3A_267 step %parallel_loop3A_268  : i32 {
        %parallel_loop3A_284 = arith.constant 4 : i32
        %parallel_loop3A_285 = arith.shrui %parallel_loop3A_283, %parallel_loop3A_284 : i32
        %parallel_loop3A_286 = arith.constant 16 : i32
        %parallel_loop3A_287 = arith.muli %parallel_loop3A_285, %parallel_loop3A_286 : i32
        %parallel_loop3A_288 = arith.constant 0 : i32
        %parallel_loop3A_289 = arith.index_cast %parallel_loop3A_288 : i32 to index
        %parallel_loop3A_290 = arith.index_cast %parallel_loop3A_287 : i32 to index
        %parallel_loop3A_291 = tpu.vector_load %arg27[%parallel_loop3A_289, %parallel_loop3A_290] {strides = array<i32>} : memref<1x64xi32, #tpu.memory_space<vmem>>, vector<16xi32>,
        %parallel_loop3A_292 = arith.constant 15 : i32
        %parallel_loop3A_293 = arith.andi %parallel_loop3A_283, %parallel_loop3A_292 : i32
        %parallel_loop3A_294 = vector.broadcast %parallel_loop3A_293 : i32 to vector<16xi32>
        %parallel_loop3A_295 = arith.addi %broadcast_in_dim3A_262, %parallel_loop3A_294 : vector<16xi32>
        %parallel_loop3A_296 = vector.shape_cast %parallel_loop3A_295 : vector<16xi32> to vector<16x1xi32>
        %parallel_loop3A_297 = vector.shape_cast %parallel_loop3A_296 : vector<16x1xi32> to vector<16xi32>
        %parallel_loop3A_298 = tpu.dynamic_gather %parallel_loop3A_291[%parallel_loop3A_297] in [0] : vector<16xi32>, vector<16xi32> -> vector<16xi32>
        %parallel_loop3A_299 = arith.constant 8 : i32
        %parallel_loop3A_300 = arith.muli %parallel_loop3A_283, %parallel_loop3A_299 : i32
        %parallel_loop3A_301 = arith.index_cast %parallel_loop3A_300 : i32 to index
        %parallel_loop3A_302 = tpu.vector_load %arg21[%parallel_loop3A_301] {strides = array<i32>} : memref<528xf32, #tpu.memory_space<vmem>>, vector<16xf32>,
        %parallel_loop3A_303 = arith.constant 0.000000e+00 : f32
        %parallel_loop3A_304 = vector.broadcast %parallel_loop3A_303 : f32 to vector<16xf32>
        %parallel_loop3A_305 = arith.index_cast %parallel_loop3A_283 : i32 to index
        %parallel_loop3A_306 = arith.constant 0 : index
        %parallel_loop3A_307 = tpu.vector_load %arg18[%parallel_loop3A_305, %parallel_loop3A_306] {strides = array<i32>} : memref<64x128xf32, #tpu.memory_space<vmem>>, vector<16xf32>,
        %parallel_loop3A_308 = arith.index_cast %parallel_loop3A_283 : i32 to index
        %parallel_loop3A_309 = arith.constant 0 : index
        %parallel_loop3A_310 = tpu.vector_load %arg19[%parallel_loop3A_308, %parallel_loop3A_309] {strides = array<i32>} : memref<64x128xf32, #tpu.memory_space<vmem>>, vector<16xf32>,
        %parallel_loop3A_311 = arith.mulf %parallel_loop3A_307, %parallel_loop3A_310 : vector<16xf32>
        %parallel_loop3A_312 = arith.constant true
        %parallel_loop3A_313 = vector.broadcast %parallel_loop3A_312 : i1 to vector<16xi1>
        %parallel_loop3A_314 = tpu.scan <sum>, %parallel_loop3A_311 masked %parallel_loop3A_313 : vector<16xf32>, vector<16xi1> -> vector<16xf32>
        %parallel_loop3A_315 = vector.shape_cast %broadcast_in_dim3A_260 : vector<16xi32> to vector<16x1xi32>
        %parallel_loop3A_316 = vector.shape_cast %parallel_loop3A_315 : vector<16x1xi32> to vector<16xi32>
        %parallel_loop3A_317 = tpu.dynamic_gather %parallel_loop3A_314[%parallel_loop3A_316] in [0] : vector<16xf32>, vector<16xi32> -> vector<16xf32>
        %parallel_loop3A_318 = arith.constant 0 : i32
        %parallel_loop3A_319 = vector.broadcast %parallel_loop3A_318 : i32 to vector<16xi32>
        %parallel_loop3A_320 = arith.cmpi eq, %iota3A, %parallel_loop3A_319 : vector<16xi32>
        %parallel_loop3A_321 = arith.select %parallel_loop3A_320, %parallel_loop3A_317, %parallel_loop3A_304 : vector<16xi1>, vector<16xf32>
        %parallel_loop3A_322 = arith.index_cast %parallel_loop3A_283 : i32 to index
        %parallel_loop3A_323 = arith.constant 16 : index
        %parallel_loop3A_324 = tpu.vector_load %arg18[%parallel_loop3A_322, %parallel_loop3A_323] {strides = array<i32>} : memref<64x128xf32, #tpu.memory_space<vmem>>, vector<16xf32>,
        %parallel_loop3A_325 = arith.index_cast %parallel_loop3A_283 : i32 to index
        %parallel_loop3A_326 = arith.constant 16 : index
        %parallel_loop3A_327 = tpu.vector_load %arg19[%parallel_loop3A_325, %parallel_loop3A_326] {strides = array<i32>} : memref<64x128xf32, #tpu.memory_space<vmem>>, vector<16xf32>,
        %parallel_loop3A_328 = arith.mulf %parallel_loop3A_324, %parallel_loop3A_327 : vector<16xf32>
        %parallel_loop3A_329 = arith.constant true
        %parallel_loop3A_330 = vector.broadcast %parallel_loop3A_329 : i1 to vector<16xi1>
        %parallel_loop3A_331 = tpu.scan <sum>, %parallel_loop3A_328 masked %parallel_loop3A_330 : vector<16xf32>, vector<16xi1> -> vector<16xf32>
        %parallel_loop3A_332 = vector.shape_cast %broadcast_in_dim3A_260 : vector<16xi32> to vector<16x1xi32>
        %parallel_loop3A_333 = vector.shape_cast %parallel_loop3A_332 : vector<16x1xi32> to vector<16xi32>
        %parallel_loop3A_334 = tpu.dynamic_gather %parallel_loop3A_331[%parallel_loop3A_333] in [0] : vector<16xf32>, vector<16xi32> -> vector<16xf32>
        %parallel_loop3A_335 = arith.constant 1 : i32
        %parallel_loop3A_336 = vector.broadcast %parallel_loop3A_335 : i32 to vector<16xi32>
        %parallel_loop3A_337 = arith.cmpi eq, %iota3A, %parallel_loop3A_336 : vector<16xi32>
        %parallel_loop3A_338 = arith.select %parallel_loop3A_337, %parallel_loop3A_334, %parallel_loop3A_321 : vector<16xi1>, vector<16xf32>
        %parallel_loop3A_339 = arith.index_cast %parallel_loop3A_283 : i32 to index
        %parallel_loop3A_340 = arith.constant 32 : index
        %parallel_loop3A_341 = tpu.vector_load %arg18[%parallel_loop3A_339, %parallel_loop3A_340] {strides = array<i32>} : memref<64x128xf32, #tpu.memory_space<vmem>>, vector<16xf32>,
        %parallel_loop3A_342 = arith.index_cast %parallel_loop3A_283 : i32 to index
        %parallel_loop3A_343 = arith.constant 32 : index
        %parallel_loop3A_344 = tpu.vector_load %arg19[%parallel_loop3A_342, %parallel_loop3A_343] {strides = array<i32>} : memref<64x128xf32, #tpu.memory_space<vmem>>, vector<16xf32>,
        %parallel_loop3A_345 = arith.mulf %parallel_loop3A_341, %parallel_loop3A_344 : vector<16xf32>
        %parallel_loop3A_346 = arith.constant true
        %parallel_loop3A_347 = vector.broadcast %parallel_loop3A_346 : i1 to vector<16xi1>
        %parallel_loop3A_348 = tpu.scan <sum>, %parallel_loop3A_345 masked %parallel_loop3A_347 : vector<16xf32>, vector<16xi1> -> vector<16xf32>
        %parallel_loop3A_349 = vector.shape_cast %broadcast_in_dim3A_260 : vector<16xi32> to vector<16x1xi32>
        %parallel_loop3A_350 = vector.shape_cast %parallel_loop3A_349 : vector<16x1xi32> to vector<16xi32>
        %parallel_loop3A_351 = tpu.dynamic_gather %parallel_loop3A_348[%parallel_loop3A_350] in [0] : vector<16xf32>, vector<16xi32> -> vector<16xf32>
        %parallel_loop3A_352 = arith.constant 2 : i32
        %parallel_loop3A_353 = vector.broadcast %parallel_loop3A_352 : i32 to vector<16xi32>
        %parallel_loop3A_354 = arith.cmpi eq, %iota3A, %parallel_loop3A_353 : vector<16xi32>
        %parallel_loop3A_355 = arith.select %parallel_loop3A_354, %parallel_loop3A_351, %parallel_loop3A_338 : vector<16xi1>, vector<16xf32>
        %parallel_loop3A_356 = arith.index_cast %parallel_loop3A_283 : i32 to index
        %parallel_loop3A_357 = arith.constant 48 : index
        %parallel_loop3A_358 = tpu.vector_load %arg18[%parallel_loop3A_356, %parallel_loop3A_357] {strides = array<i32>} : memref<64x128xf32, #tpu.memory_space<vmem>>, vector<16xf32>,
        %parallel_loop3A_359 = arith.index_cast %parallel_loop3A_283 : i32 to index
        %parallel_loop3A_360 = arith.constant 48 : index
        %parallel_loop3A_361 = tpu.vector_load %arg19[%parallel_loop3A_359, %parallel_loop3A_360] {strides = array<i32>} : memref<64x128xf32, #tpu.memory_space<vmem>>, vector<16xf32>,
        %parallel_loop3A_362 = arith.mulf %parallel_loop3A_358, %parallel_loop3A_361 : vector<16xf32>
        %parallel_loop3A_363 = arith.constant true
        %parallel_loop3A_364 = vector.broadcast %parallel_loop3A_363 : i1 to vector<16xi1>
        %parallel_loop3A_365 = tpu.scan <sum>, %parallel_loop3A_362 masked %parallel_loop3A_364 : vector<16xf32>, vector<16xi1> -> vector<16xf32>
        %parallel_loop3A_366 = vector.shape_cast %broadcast_in_dim3A_260 : vector<16xi32> to vector<16x1xi32>
        %parallel_loop3A_367 = vector.shape_cast %parallel_loop3A_366 : vector<16x1xi32> to vector<16xi32>
        %parallel_loop3A_368 = tpu.dynamic_gather %parallel_loop3A_365[%parallel_loop3A_367] in [0] : vector<16xf32>, vector<16xi32> -> vector<16xf32>
        %parallel_loop3A_369 = arith.constant 3 : i32
        %parallel_loop3A_370 = vector.broadcast %parallel_loop3A_369 : i32 to vector<16xi32>
        %parallel_loop3A_371 = arith.cmpi eq, %iota3A, %parallel_loop3A_370 : vector<16xi32>
        %parallel_loop3A_372 = arith.select %parallel_loop3A_371, %parallel_loop3A_368, %parallel_loop3A_355 : vector<16xi1>, vector<16xf32>
        %parallel_loop3A_373 = arith.index_cast %parallel_loop3A_283 : i32 to index
        %parallel_loop3A_374 = arith.constant 64 : index
        %parallel_loop3A_375 = tpu.vector_load %arg18[%parallel_loop3A_373, %parallel_loop3A_374] {strides = array<i32>} : memref<64x128xf32, #tpu.memory_space<vmem>>, vector<16xf32>,
        %parallel_loop3A_376 = arith.index_cast %parallel_loop3A_283 : i32 to index
        %parallel_loop3A_377 = arith.constant 64 : index
        %parallel_loop3A_378 = tpu.vector_load %arg19[%parallel_loop3A_376, %parallel_loop3A_377] {strides = array<i32>} : memref<64x128xf32, #tpu.memory_space<vmem>>, vector<16xf32>,
        %parallel_loop3A_379 = arith.mulf %parallel_loop3A_375, %parallel_loop3A_378 : vector<16xf32>
        %parallel_loop3A_380 = arith.constant true
        %parallel_loop3A_381 = vector.broadcast %parallel_loop3A_380 : i1 to vector<16xi1>
        %parallel_loop3A_382 = tpu.scan <sum>, %parallel_loop3A_379 masked %parallel_loop3A_381 : vector<16xf32>, vector<16xi1> -> vector<16xf32>
        %parallel_loop3A_383 = vector.shape_cast %broadcast_in_dim3A_260 : vector<16xi32> to vector<16x1xi32>
        %parallel_loop3A_384 = vector.shape_cast %parallel_loop3A_383 : vector<16x1xi32> to vector<16xi32>
        %parallel_loop3A_385 = tpu.dynamic_gather %parallel_loop3A_382[%parallel_loop3A_384] in [0] : vector<16xf32>, vector<16xi32> -> vector<16xf32>
        %parallel_loop3A_386 = arith.constant 4 : i32
        %parallel_loop3A_387 = vector.broadcast %parallel_loop3A_386 : i32 to vector<16xi32>
        %parallel_loop3A_388 = arith.cmpi eq, %iota3A, %parallel_loop3A_387 : vector<16xi32>
        %parallel_loop3A_389 = arith.select %parallel_loop3A_388, %parallel_loop3A_385, %parallel_loop3A_372 : vector<16xi1>, vector<16xf32>
        %parallel_loop3A_390 = arith.index_cast %parallel_loop3A_283 : i32 to index
        %parallel_loop3A_391 = arith.constant 80 : index
        %parallel_loop3A_392 = tpu.vector_load %arg18[%parallel_loop3A_390, %parallel_loop3A_391] {strides = array<i32>} : memref<64x128xf32, #tpu.memory_space<vmem>>, vector<16xf32>,
        %parallel_loop3A_393 = arith.index_cast %parallel_loop3A_283 : i32 to index
        %parallel_loop3A_394 = arith.constant 80 : index
        %parallel_loop3A_395 = tpu.vector_load %arg19[%parallel_loop3A_393, %parallel_loop3A_394] {strides = array<i32>} : memref<64x128xf32, #tpu.memory_space<vmem>>, vector<16xf32>,
        %parallel_loop3A_396 = arith.mulf %parallel_loop3A_392, %parallel_loop3A_395 : vector<16xf32>
        %parallel_loop3A_397 = arith.constant true
        %parallel_loop3A_398 = vector.broadcast %parallel_loop3A_397 : i1 to vector<16xi1>
        %parallel_loop3A_399 = tpu.scan <sum>, %parallel_loop3A_396 masked %parallel_loop3A_398 : vector<16xf32>, vector<16xi1> -> vector<16xf32>
        %parallel_loop3A_400 = vector.shape_cast %broadcast_in_dim3A_260 : vector<16xi32> to vector<16x1xi32>
        %parallel_loop3A_401 = vector.shape_cast %parallel_loop3A_400 : vector<16x1xi32> to vector<16xi32>
        %parallel_loop3A_402 = tpu.dynamic_gather %parallel_loop3A_399[%parallel_loop3A_401] in [0] : vector<16xf32>, vector<16xi32> -> vector<16xf32>
        %parallel_loop3A_403 = arith.constant 5 : i32
        %parallel_loop3A_404 = vector.broadcast %parallel_loop3A_403 : i32 to vector<16xi32>
        %parallel_loop3A_405 = arith.cmpi eq, %iota3A, %parallel_loop3A_404 : vector<16xi32>
        %parallel_loop3A_406 = arith.select %parallel_loop3A_405, %parallel_loop3A_402, %parallel_loop3A_389 : vector<16xi1>, vector<16xf32>
        %parallel_loop3A_407 = arith.index_cast %parallel_loop3A_283 : i32 to index
        %parallel_loop3A_408 = arith.constant 96 : index
        %parallel_loop3A_409 = tpu.vector_load %arg18[%parallel_loop3A_407, %parallel_loop3A_408] {strides = array<i32>} : memref<64x128xf32, #tpu.memory_space<vmem>>, vector<16xf32>,
        %parallel_loop3A_410 = arith.index_cast %parallel_loop3A_283 : i32 to index
        %parallel_loop3A_411 = arith.constant 96 : index
        %parallel_loop3A_412 = tpu.vector_load %arg19[%parallel_loop3A_410, %parallel_loop3A_411] {strides = array<i32>} : memref<64x128xf32, #tpu.memory_space<vmem>>, vector<16xf32>,
        %parallel_loop3A_413 = arith.mulf %parallel_loop3A_409, %parallel_loop3A_412 : vector<16xf32>
        %parallel_loop3A_414 = arith.constant true
        %parallel_loop3A_415 = vector.broadcast %parallel_loop3A_414 : i1 to vector<16xi1>
        %parallel_loop3A_416 = tpu.scan <sum>, %parallel_loop3A_413 masked %parallel_loop3A_415 : vector<16xf32>, vector<16xi1> -> vector<16xf32>
        %parallel_loop3A_417 = vector.shape_cast %broadcast_in_dim3A_260 : vector<16xi32> to vector<16x1xi32>
        %parallel_loop3A_418 = vector.shape_cast %parallel_loop3A_417 : vector<16x1xi32> to vector<16xi32>
        %parallel_loop3A_419 = tpu.dynamic_gather %parallel_loop3A_416[%parallel_loop3A_418] in [0] : vector<16xf32>, vector<16xi32> -> vector<16xf32>
        %parallel_loop3A_420 = arith.constant 6 : i32
        %parallel_loop3A_421 = vector.broadcast %parallel_loop3A_420 : i32 to vector<16xi32>
        %parallel_loop3A_422 = arith.cmpi eq, %iota3A, %parallel_loop3A_421 : vector<16xi32>
        %parallel_loop3A_423 = arith.select %parallel_loop3A_422, %parallel_loop3A_419, %parallel_loop3A_406 : vector<16xi1>, vector<16xf32>
        %parallel_loop3A_424 = arith.index_cast %parallel_loop3A_283 : i32 to index
        %parallel_loop3A_425 = arith.constant 112 : index
        %parallel_loop3A_426 = tpu.vector_load %arg18[%parallel_loop3A_424, %parallel_loop3A_425] {strides = array<i32>} : memref<64x128xf32, #tpu.memory_space<vmem>>, vector<16xf32>,
        %parallel_loop3A_427 = arith.index_cast %parallel_loop3A_283 : i32 to index
        %parallel_loop3A_428 = arith.constant 112 : index
        %parallel_loop3A_429 = tpu.vector_load %arg19[%parallel_loop3A_427, %parallel_loop3A_428] {strides = array<i32>} : memref<64x128xf32, #tpu.memory_space<vmem>>, vector<16xf32>,
        %parallel_loop3A_430 = arith.mulf %parallel_loop3A_426, %parallel_loop3A_429 : vector<16xf32>
        %parallel_loop3A_431 = arith.constant true
        %parallel_loop3A_432 = vector.broadcast %parallel_loop3A_431 : i1 to vector<16xi1>
        %parallel_loop3A_433 = tpu.scan <sum>, %parallel_loop3A_430 masked %parallel_loop3A_432 : vector<16xf32>, vector<16xi1> -> vector<16xf32>
        %parallel_loop3A_434 = vector.shape_cast %broadcast_in_dim3A_260 : vector<16xi32> to vector<16x1xi32>
        %parallel_loop3A_435 = vector.shape_cast %parallel_loop3A_434 : vector<16x1xi32> to vector<16xi32>
        %parallel_loop3A_436 = tpu.dynamic_gather %parallel_loop3A_433[%parallel_loop3A_435] in [0] : vector<16xf32>, vector<16xi32> -> vector<16xf32>
        %parallel_loop3A_437 = arith.constant 7 : i32
        %parallel_loop3A_438 = vector.broadcast %parallel_loop3A_437 : i32 to vector<16xi32>
        %parallel_loop3A_439 = arith.cmpi eq, %iota3A, %parallel_loop3A_438 : vector<16xi32>
        %parallel_loop3A_440 = arith.select %parallel_loop3A_439, %parallel_loop3A_436, %parallel_loop3A_423 : vector<16xi1>, vector<16xf32>
        %parallel_loop3A_441 = arith.addf %parallel_loop3A_440, %parallel_loop3A_302 : vector<16xf32>
        %parallel_loop3A_442 = math.exp %parallel_loop3A_441 : vector<16xf32>
        %parallel_loop3A_443 = vector.broadcast %parallel_loop3A_283 : i32 to vector<16xi32>
        %parallel_loop3A_444 = arith.addi %broadcast_in_dim3A_262, %parallel_loop3A_443 : vector<16xi32>
        %parallel_loop3A_445 = arith.addi %parallel_loop3A_298, %iota3A : vector<16xi32>
        tpu.vector_store_idx %arg25[%parallel_loop3A_444, %parallel_loop3A_445], %parallel_loop3A_442 masked %lt3A_265 : memref<64x128xf32, #tpu.memory_space<vmem>>[vector<16xi32>, vector<16xi32>], vector<16xf32>, vector<16xi1>
        %parallel_loop3A_446 = arith.constant 0 : i32
        %parallel_loop3A_447 = vector.broadcast %parallel_loop3A_446 : i32 to vector<16xi32>
        %parallel_loop3A_448 = vector.shape_cast %parallel_loop3A_447 : vector<16xi32> to vector<16x1xi32>
        %parallel_loop3A_449 = vector.shape_cast %parallel_loop3A_448 : vector<16x1xi32> to vector<16xi32>
        %parallel_loop3A_450 = tpu.dynamic_gather %parallel_loop3A_442[%parallel_loop3A_449] in [0] : vector<16xf32>, vector<16xi32> -> vector<16xf32>
        %parallel_loop3A_451 = arith.index_cast %parallel_loop3A_283 : i32 to index
        %parallel_loop3A_452 = arith.constant 0 : index
        %parallel_loop3A_453 = tpu.vector_load %arg20[%parallel_loop3A_451, %parallel_loop3A_452] {strides = array<i32>} : memref<64x128xf32, #tpu.memory_space<vmem>>, vector<16xf32>,
        %parallel_loop3A_454 = arith.mulf %parallel_loop3A_450, %parallel_loop3A_453 : vector<16xf32>
        %parallel_loop3A_455 = arith.index_cast %parallel_loop3A_283 : i32 to index
        %parallel_loop3A_456 = arith.constant 0 : index
        %parallel_loop3A_457 = tpu.vector_load %arg23[%parallel_loop3A_455, %parallel_loop3A_456] {strides = array<i32>} : memref<64x128xf32, #tpu.memory_space<vmem>>, vector<16xf32>,
        tpu.vector_store %arg23[%parallel_loop3A_455, %parallel_loop3A_456], %parallel_loop3A_454 {strides = array<i32>} : memref<64x128xf32, #tpu.memory_space<vmem>>, vector<16xf32>,
        %parallel_loop3A_458 = arith.constant 1 : i32
        %parallel_loop3A_459 = vector.broadcast %parallel_loop3A_458 : i32 to vector<16xi32>
        %parallel_loop3A_460 = vector.shape_cast %parallel_loop3A_459 : vector<16xi32> to vector<16x1xi32>
        %parallel_loop3A_461 = vector.shape_cast %parallel_loop3A_460 : vector<16x1xi32> to vector<16xi32>
        %parallel_loop3A_462 = tpu.dynamic_gather %parallel_loop3A_442[%parallel_loop3A_461] in [0] : vector<16xf32>, vector<16xi32> -> vector<16xf32>
        %parallel_loop3A_463 = arith.index_cast %parallel_loop3A_283 : i32 to index
        %parallel_loop3A_464 = arith.constant 16 : index
        %parallel_loop3A_465 = tpu.vector_load %arg20[%parallel_loop3A_463, %parallel_loop3A_464] {strides = array<i32>} : memref<64x128xf32, #tpu.memory_space<vmem>>, vector<16xf32>,
        %parallel_loop3A_466 = arith.mulf %parallel_loop3A_462, %parallel_loop3A_465 : vector<16xf32>
        %parallel_loop3A_467 = arith.index_cast %parallel_loop3A_283 : i32 to index
        %parallel_loop3A_468 = arith.constant 16 : index
        %parallel_loop3A_469 = tpu.vector_load %arg23[%parallel_loop3A_467, %parallel_loop3A_468] {strides = array<i32>} : memref<64x128xf32, #tpu.memory_space<vmem>>, vector<16xf32>,
        tpu.vector_store %arg23[%parallel_loop3A_467, %parallel_loop3A_468], %parallel_loop3A_466 {strides = array<i32>} : memref<64x128xf32, #tpu.memory_space<vmem>>, vector<16xf32>,
        %parallel_loop3A_470 = arith.constant 2 : i32
        %parallel_loop3A_471 = vector.broadcast %parallel_loop3A_470 : i32 to vector<16xi32>
        %parallel_loop3A_472 = vector.shape_cast %parallel_loop3A_471 : vector<16xi32> to vector<16x1xi32>
        %parallel_loop3A_473 = vector.shape_cast %parallel_loop3A_472 : vector<16x1xi32> to vector<16xi32>
        %parallel_loop3A_474 = tpu.dynamic_gather %parallel_loop3A_442[%parallel_loop3A_473] in [0] : vector<16xf32>, vector<16xi32> -> vector<16xf32>
        %parallel_loop3A_475 = arith.index_cast %parallel_loop3A_283 : i32 to index
        %parallel_loop3A_476 = arith.constant 32 : index
        %parallel_loop3A_477 = tpu.vector_load %arg20[%parallel_loop3A_475, %parallel_loop3A_476] {strides = array<i32>} : memref<64x128xf32, #tpu.memory_space<vmem>>, vector<16xf32>,
        %parallel_loop3A_478 = arith.mulf %parallel_loop3A_474, %parallel_loop3A_477 : vector<16xf32>
        %parallel_loop3A_479 = arith.index_cast %parallel_loop3A_283 : i32 to index
        %parallel_loop3A_480 = arith.constant 32 : index
        %parallel_loop3A_481 = tpu.vector_load %arg23[%parallel_loop3A_479, %parallel_loop3A_480] {strides = array<i32>} : memref<64x128xf32, #tpu.memory_space<vmem>>, vector<16xf32>,
        tpu.vector_store %arg23[%parallel_loop3A_479, %parallel_loop3A_480], %parallel_loop3A_478 {strides = array<i32>} : memref<64x128xf32, #tpu.memory_space<vmem>>, vector<16xf32>,
        %parallel_loop3A_482 = arith.constant 3 : i32
        %parallel_loop3A_483 = vector.broadcast %parallel_loop3A_482 : i32 to vector<16xi32>
        %parallel_loop3A_484 = vector.shape_cast %parallel_loop3A_483 : vector<16xi32> to vector<16x1xi32>
        %parallel_loop3A_485 = vector.shape_cast %parallel_loop3A_484 : vector<16x1xi32> to vector<16xi32>
        %parallel_loop3A_486 = tpu.dynamic_gather %parallel_loop3A_442[%parallel_loop3A_485] in [0] : vector<16xf32>, vector<16xi32> -> vector<16xf32>
        %parallel_loop3A_487 = arith.index_cast %parallel_loop3A_283 : i32 to index
        %parallel_loop3A_488 = arith.constant 48 : index
        %parallel_loop3A_489 = tpu.vector_load %arg20[%parallel_loop3A_487, %parallel_loop3A_488] {strides = array<i32>} : memref<64x128xf32, #tpu.memory_space<vmem>>, vector<16xf32>,
        %parallel_loop3A_490 = arith.mulf %parallel_loop3A_486, %parallel_loop3A_489 : vector<16xf32>
        %parallel_loop3A_491 = arith.index_cast %parallel_loop3A_283 : i32 to index
        %parallel_loop3A_492 = arith.constant 48 : index
        %parallel_loop3A_493 = tpu.vector_load %arg23[%parallel_loop3A_491, %parallel_loop3A_492] {strides = array<i32>} : memref<64x128xf32, #tpu.memory_space<vmem>>, vector<16xf32>,
        tpu.vector_store %arg23[%parallel_loop3A_491, %parallel_loop3A_492], %parallel_loop3A_490 {strides = array<i32>} : memref<64x128xf32, #tpu.memory_space<vmem>>, vector<16xf32>,
        %parallel_loop3A_494 = arith.constant 4 : i32
        %parallel_loop3A_495 = vector.broadcast %parallel_loop3A_494 : i32 to vector<16xi32>
        %parallel_loop3A_496 = vector.shape_cast %parallel_loop3A_495 : vector<16xi32> to vector<16x1xi32>
        %parallel_loop3A_497 = vector.shape_cast %parallel_loop3A_496 : vector<16x1xi32> to vector<16xi32>
        %parallel_loop3A_498 = tpu.dynamic_gather %parallel_loop3A_442[%parallel_loop3A_497] in [0] : vector<16xf32>, vector<16xi32> -> vector<16xf32>
        %parallel_loop3A_499 = arith.index_cast %parallel_loop3A_283 : i32 to index
        %parallel_loop3A_500 = arith.constant 64 : index
        %parallel_loop3A_501 = tpu.vector_load %arg20[%parallel_loop3A_499, %parallel_loop3A_500] {strides = array<i32>} : memref<64x128xf32, #tpu.memory_space<vmem>>, vector<16xf32>,
        %parallel_loop3A_502 = arith.mulf %parallel_loop3A_498, %parallel_loop3A_501 : vector<16xf32>
        %parallel_loop3A_503 = arith.index_cast %parallel_loop3A_283 : i32 to index
        %parallel_loop3A_504 = arith.constant 64 : index
        %parallel_loop3A_505 = tpu.vector_load %arg23[%parallel_loop3A_503, %parallel_loop3A_504] {strides = array<i32>} : memref<64x128xf32, #tpu.memory_space<vmem>>, vector<16xf32>,
        tpu.vector_store %arg23[%parallel_loop3A_503, %parallel_loop3A_504], %parallel_loop3A_502 {strides = array<i32>} : memref<64x128xf32, #tpu.memory_space<vmem>>, vector<16xf32>,
        %parallel_loop3A_506 = arith.constant 5 : i32
        %parallel_loop3A_507 = vector.broadcast %parallel_loop3A_506 : i32 to vector<16xi32>
        %parallel_loop3A_508 = vector.shape_cast %parallel_loop3A_507 : vector<16xi32> to vector<16x1xi32>
        %parallel_loop3A_509 = vector.shape_cast %parallel_loop3A_508 : vector<16x1xi32> to vector<16xi32>
        %parallel_loop3A_510 = tpu.dynamic_gather %parallel_loop3A_442[%parallel_loop3A_509] in [0] : vector<16xf32>, vector<16xi32> -> vector<16xf32>
        %parallel_loop3A_511 = arith.index_cast %parallel_loop3A_283 : i32 to index
        %parallel_loop3A_512 = arith.constant 80 : index
        %parallel_loop3A_513 = tpu.vector_load %arg20[%parallel_loop3A_511, %parallel_loop3A_512] {strides = array<i32>} : memref<64x128xf32, #tpu.memory_space<vmem>>, vector<16xf32>,
        %parallel_loop3A_514 = arith.mulf %parallel_loop3A_510, %parallel_loop3A_513 : vector<16xf32>
        %parallel_loop3A_515 = arith.index_cast %parallel_loop3A_283 : i32 to index
        %parallel_loop3A_516 = arith.constant 80 : index
        %parallel_loop3A_517 = tpu.vector_load %arg23[%parallel_loop3A_515, %parallel_loop3A_516] {strides = array<i32>} : memref<64x128xf32, #tpu.memory_space<vmem>>, vector<16xf32>,
        tpu.vector_store %arg23[%parallel_loop3A_515, %parallel_loop3A_516], %parallel_loop3A_514 {strides = array<i32>} : memref<64x128xf32, #tpu.memory_space<vmem>>, vector<16xf32>,
        %parallel_loop3A_518 = arith.constant 6 : i32
        %parallel_loop3A_519 = vector.broadcast %parallel_loop3A_518 : i32 to vector<16xi32>
        %parallel_loop3A_520 = vector.shape_cast %parallel_loop3A_519 : vector<16xi32> to vector<16x1xi32>
        %parallel_loop3A_521 = vector.shape_cast %parallel_loop3A_520 : vector<16x1xi32> to vector<16xi32>
        %parallel_loop3A_522 = tpu.dynamic_gather %parallel_loop3A_442[%parallel_loop3A_521] in [0] : vector<16xf32>, vector<16xi32> -> vector<16xf32>
        %parallel_loop3A_523 = arith.index_cast %parallel_loop3A_283 : i32 to index
        %parallel_loop3A_524 = arith.constant 96 : index
        %parallel_loop3A_525 = tpu.vector_load %arg20[%parallel_loop3A_523, %parallel_loop3A_524] {strides = array<i32>} : memref<64x128xf32, #tpu.memory_space<vmem>>, vector<16xf32>,
        %parallel_loop3A_526 = arith.mulf %parallel_loop3A_522, %parallel_loop3A_525 : vector<16xf32>
        %parallel_loop3A_527 = arith.index_cast %parallel_loop3A_283 : i32 to index
        %parallel_loop3A_528 = arith.constant 96 : index
        %parallel_loop3A_529 = tpu.vector_load %arg23[%parallel_loop3A_527, %parallel_loop3A_528] {strides = array<i32>} : memref<64x128xf32, #tpu.memory_space<vmem>>, vector<16xf32>,
        tpu.vector_store %arg23[%parallel_loop3A_527, %parallel_loop3A_528], %parallel_loop3A_526 {strides = array<i32>} : memref<64x128xf32, #tpu.memory_space<vmem>>, vector<16xf32>,
        %parallel_loop3A_530 = arith.constant 7 : i32
        %parallel_loop3A_531 = vector.broadcast %parallel_loop3A_530 : i32 to vector<16xi32>
        %parallel_loop3A_532 = vector.shape_cast %parallel_loop3A_531 : vector<16xi32> to vector<16x1xi32>
        %parallel_loop3A_533 = vector.shape_cast %parallel_loop3A_532 : vector<16x1xi32> to vector<16xi32>
        %parallel_loop3A_534 = tpu.dynamic_gather %parallel_loop3A_442[%parallel_loop3A_533] in [0] : vector<16xf32>, vector<16xi32> -> vector<16xf32>
        %parallel_loop3A_535 = arith.index_cast %parallel_loop3A_283 : i32 to index
        %parallel_loop3A_536 = arith.constant 112 : index
        %parallel_loop3A_537 = tpu.vector_load %arg20[%parallel_loop3A_535, %parallel_loop3A_536] {strides = array<i32>} : memref<64x128xf32, #tpu.memory_space<vmem>>, vector<16xf32>,
        %parallel_loop3A_538 = arith.mulf %parallel_loop3A_534, %parallel_loop3A_537 : vector<16xf32>
        %parallel_loop3A_539 = arith.index_cast %parallel_loop3A_283 : i32 to index
        %parallel_loop3A_540 = arith.constant 112 : index
        %parallel_loop3A_541 = tpu.vector_load %arg23[%parallel_loop3A_539, %parallel_loop3A_540] {strides = array<i32>} : memref<64x128xf32, #tpu.memory_space<vmem>>, vector<16xf32>,
        tpu.vector_store %arg23[%parallel_loop3A_539, %parallel_loop3A_540], %parallel_loop3A_538 {strides = array<i32>} : memref<64x128xf32, #tpu.memory_space<vmem>>, vector<16xf32>,
      } {sc.loop_unroll_factor = 3 : i64, sc.parallel_access}
      %dma_start3A_269 = arith.constant 0 : i32
      %dma_start3A_270 = arith.constant 0 : i32
      %dma_start3A_271 = tpu.memref_slice %arg24[%dma_start3A_269, %dma_start3A_270] : memref<1x64xi32, #tpu.memory_space<vmem>> -> memref<1x64xi32, #tpu.memory_space<vmem>>
      %dma_start3A_272 = tpu.memref_squeeze %dma_start3A_271 : memref<1x64xi32, #tpu.memory_space<vmem>> -> memref<64xi32, #tpu.memory_space<vmem>>
      %dma_start3A_273 = arith.constant 0 : i32
      %dma_start3A_274 = arith.constant 0 : i32
      %dma_start3A_275 = tpu.memref_slice %arg28[%dma_start3A_273, %dma_start3A_274] : memref<5248x128xf32, #tpu.memory_space<vmem_shared>> -> memref<5248x128xf32, #tpu.memory_space<vmem_shared>>
      tpu.enqueue_indirect_dma source(%arg23 : memref<64x128xf32, #tpu.memory_space<vmem>>) target(%dma_start3A_275 : memref<5248x128xf32, #tpu.memory_space<vmem_shared>>) offsets(%dma_start3A_272 : memref<64xi32, #tpu.memory_space<vmem>>) semaphore(%arg33 : memref<!tpu.dma_semaphore, #tpu.memory_space<semaphore_mem>>) {add = true}
      %dma_start3A_276 = arith.constant 0 : i32
      %dma_start3A_277 = arith.constant 0 : i32
      %dma_start3A_278 = tpu.memref_slice %arg26[%dma_start3A_276, %dma_start3A_277] : memref<1x64xi32, #tpu.memory_space<vmem>> -> memref<1x64xi32, #tpu.memory_space<vmem>>
      %dma_start3A_279 = tpu.memref_squeeze %dma_start3A_278 : memref<1x64xi32, #tpu.memory_space<vmem>> -> memref<64xi32, #tpu.memory_space<vmem>>
      %dma_start3A_280 = arith.constant 0 : i32
      %dma_start3A_281 = arith.constant 0 : i32
      %dma_start3A_282 = tpu.memref_slice %arg29[%dma_start3A_280, %dma_start3A_281] : memref<328x128xf32, #tpu.memory_space<vmem_shared>> -> memref<328x128xf32, #tpu.memory_space<vmem_shared>>
      tpu.enqueue_indirect_dma source(%arg25 : memref<64x128xf32, #tpu.memory_space<vmem>>) target(%dma_start3A_282 : memref<328x128xf32, #tpu.memory_space<vmem_shared>>) offsets(%dma_start3A_279 : memref<64xi32, #tpu.memory_space<vmem>>) semaphore(%arg35 : memref<!tpu.dma_semaphore, #tpu.memory_space<semaphore_mem>>) {add = true}
    }
    %scan3A_56 = arith.constant 160 : i32
    %dma_wait3A = arith.constant 0 : i32
    %dma_wait3A_57 = arith.constant 0 : i32
    %dma_wait3A_58 = tpu.memref_slice %arg14[%dma_wait3A, %dma_wait3A_57] : memref<1x64xi32, #tpu.memory_space<vmem>> -> memref<1x64xi32, #tpu.memory_space<vmem>>
    %dma_wait3A_59 = tpu.memref_squeeze %dma_wait3A_58 : memref<1x64xi32, #tpu.memory_space<vmem>> -> memref<64xi32, #tpu.memory_space<vmem>>
    %dma_wait3A_60 = arith.constant 0 : i32
    %dma_wait3A_61 = arith.constant 0 : i32
    %dma_wait3A_62 = tpu.memref_slice %arg28[%dma_wait3A_60, %dma_wait3A_61] : memref<5248x128xf32, #tpu.memory_space<vmem_shared>> -> memref<5248x128xf32, #tpu.memory_space<vmem_shared>>
    tpu.wait_indirect_dma semaphore(%arg32 : memref<!tpu.dma_semaphore, #tpu.memory_space<semaphore_mem>>) src(%arg13 : memref<64x128xf32, #tpu.memory_space<vmem>>) dst(%dma_wait3A_62 : memref<5248x128xf32, #tpu.memory_space<vmem_shared>>)
    %dma_wait3A_63 = arith.constant 0 : i32
    %dma_wait3A_64 = arith.constant 0 : i32
    %dma_wait3A_65 = tpu.memref_slice %arg24[%dma_wait3A_63, %dma_wait3A_64] : memref<1x64xi32, #tpu.memory_space<vmem>> -> memref<1x64xi32, #tpu.memory_space<vmem>>
    %dma_wait3A_66 = tpu.memref_squeeze %dma_wait3A_65 : memref<1x64xi32, #tpu.memory_space<vmem>> -> memref<64xi32, #tpu.memory_space<vmem>>
    %dma_wait3A_67 = arith.constant 0 : i32
    %dma_wait3A_68 = arith.constant 0 : i32
    %dma_wait3A_69 = tpu.memref_slice %arg28[%dma_wait3A_67, %dma_wait3A_68] : memref<5248x128xf32, #tpu.memory_space<vmem_shared>> -> memref<5248x128xf32, #tpu.memory_space<vmem_shared>>
    tpu.wait_indirect_dma semaphore(%arg33 : memref<!tpu.dma_semaphore, #tpu.memory_space<semaphore_mem>>) src(%arg23 : memref<64x128xf32, #tpu.memory_space<vmem>>) dst(%dma_wait3A_69 : memref<5248x128xf32, #tpu.memory_space<vmem_shared>>)
    %dma_wait3A_70 = arith.constant 0 : i32
    %dma_wait3A_71 = arith.constant 0 : i32
    %dma_wait3A_72 = tpu.memref_slice %arg16[%dma_wait3A_70, %dma_wait3A_71] : memref<1x64xi32, #tpu.memory_space<vmem>> -> memref<1x64xi32, #tpu.memory_space<vmem>>
    %dma_wait3A_73 = tpu.memref_squeeze %dma_wait3A_72 : memref<1x64xi32, #tpu.memory_space<vmem>> -> memref<64xi32, #tpu.memory_space<vmem>>
    %dma_wait3A_74 = arith.constant 0 : i32
    %dma_wait3A_75 = arith.constant 0 : i32
    %dma_wait3A_76 = tpu.memref_slice %arg29[%dma_wait3A_74, %dma_wait3A_75] : memref<328x128xf32, #tpu.memory_space<vmem_shared>> -> memref<328x128xf32, #tpu.memory_space<vmem_shared>>
    tpu.wait_indirect_dma semaphore(%arg34 : memref<!tpu.dma_semaphore, #tpu.memory_space<semaphore_mem>>) src(%arg15 : memref<64x128xf32, #tpu.memory_space<vmem>>) dst(%dma_wait3A_76 : memref<328x128xf32, #tpu.memory_space<vmem_shared>>)
    %dma_wait3A_77 = arith.constant 0 : i32
    %dma_wait3A_78 = arith.constant 0 : i32
    %dma_wait3A_79 = tpu.memref_slice %arg26[%dma_wait3A_77, %dma_wait3A_78] : memref<1x64xi32, #tpu.memory_space<vmem>> -> memref<1x64xi32, #tpu.memory_space<vmem>>
    %dma_wait3A_80 = tpu.memref_squeeze %dma_wait3A_79 : memref<1x64xi32, #tpu.memory_space<vmem>> -> memref<64xi32, #tpu.memory_space<vmem>>
    %dma_wait3A_81 = arith.constant 0 : i32
    %dma_wait3A_82 = arith.constant 0 : i32
    %dma_wait3A_83 = tpu.memref_slice %arg29[%dma_wait3A_81, %dma_wait3A_82] : memref<328x128xf32, #tpu.memory_space<vmem_shared>> -> memref<328x128xf32, #tpu.memory_space<vmem_shared>>
    tpu.wait_indirect_dma semaphore(%arg35 : memref<!tpu.dma_semaphore, #tpu.memory_space<semaphore_mem>>) src(%arg25 : memref<64x128xf32, #tpu.memory_space<vmem>>) dst(%dma_wait3A_83 : memref<328x128xf32, #tpu.memory_space<vmem_shared>>)
    %barrier3A_84 = arith.constant 0 : index
    tpu.barrier barrier_id(%barrier3A_84)
    %mul3A_85 = arith.constant 20 : i32
    %mul3A_86 = arith.muli %arg1, %mul3A_85 : i32
    "tpu.region"() ({
      %run_scoped3A = tpu.sem_alloc : memref<!tpu.dma_semaphore, #tpu.memory_space<semaphore_mem>>
      %dma_start3A_92 = arith.constant 0 : i32
      %dma_start3A_93 = arith.constant 0 : i32
      %dma_start3A_94 = tpu.memref_slice %arg15[%dma_start3A_92, %dma_start3A_93] : memref<64x128xf32, #tpu.memory_space<vmem>> -> memref<20x128xf32, #tpu.memory_space<vmem>>
      %dma_start3A_95 = arith.constant 0 : i32
      %dma_start3A_96 = tpu.memref_slice %arg29[%mul3A_86, %dma_start3A_95] : memref<328x128xf32, #tpu.memory_space<vmem_shared>> -> memref<20x128xf32, #tpu.memory_space<vmem_shared>>
      %dma_start3A_97 = arith.constant 0 : i32
      %dma_start3A_98 = arith.constant 0 : i32
      %dma_start3A_99 = tpu.memref_slice %arg15[%dma_start3A_97, %dma_start3A_98] : memref<64x128xf32, #tpu.memory_space<vmem>> -> memref<20x128xf32, #tpu.memory_space<vmem>>
      %dma_start3A_100 = arith.constant 0 : i32
      %dma_start3A_101 = tpu.memref_slice %arg29[%mul3A_86, %dma_start3A_100] : memref<328x128xf32, #tpu.memory_space<vmem_shared>> -> memref<20x128xf32, #tpu.memory_space<vmem_shared>>
      tpu.enqueue_dma source(%dma_start3A_101 : memref<20x128xf32, #tpu.memory_space<vmem_shared>>) target(%dma_start3A_99 : memref<20x128xf32, #tpu.memory_space<vmem>>) target_semaphore(%run_scoped3A : memref<!tpu.dma_semaphore, #tpu.memory_space<semaphore_mem>>)
      %dma_wait3A_102 = arith.constant 0 : i32
      %dma_wait3A_103 = arith.constant 0 : i32
      %dma_wait3A_104 = tpu.memref_slice %arg15[%dma_wait3A_102, %dma_wait3A_103] : memref<64x128xf32, #tpu.memory_space<vmem>> -> memref<20x128xf32, #tpu.memory_space<vmem>>
      %dma_wait3A_105 = arith.constant 0 : i32
      %dma_wait3A_106 = tpu.memref_slice %arg29[%mul3A_86, %dma_wait3A_105] : memref<328x128xf32, #tpu.memory_space<vmem_shared>> -> memref<20x128xf32, #tpu.memory_space<vmem_shared>>
      %dma_wait3A_107 = arith.constant 0 : i32
      %dma_wait3A_108 = arith.constant 0 : i32
      %dma_wait3A_109 = tpu.memref_slice %arg15[%dma_wait3A_107, %dma_wait3A_108] : memref<64x128xf32, #tpu.memory_space<vmem>> -> memref<20x128xf32, #tpu.memory_space<vmem>>
      %dma_wait3A_110 = arith.constant 0 : i32
      %dma_wait3A_111 = tpu.memref_slice %arg29[%mul3A_86, %dma_wait3A_110] : memref<328x128xf32, #tpu.memory_space<vmem_shared>> -> memref<20x128xf32, #tpu.memory_space<vmem_shared>>
      tpu.wait_dma2 semaphore(%run_scoped3A : memref<!tpu.dma_semaphore, #tpu.memory_space<semaphore_mem>>) src(%dma_wait3A_111 : memref<20x128xf32, #tpu.memory_space<vmem_shared>>) dst(%dma_wait3A_109 : memref<20x128xf32, #tpu.memory_space<vmem>>)
      tpu.yield
    }) : () -> ()
    %scan3A_87 = arith.constant 0 : i32
    %scan3A_88 = arith.constant 10 : i32
    %scan3A_89 = arith.addi %scan3A_87, %scan3A_88 : i32
    %scan3A_90 = arith.constant 1 : i32
    scf.for %scan3A_92 = %scan3A_87 to %scan3A_89 step %scan3A_90  : i32 {
      %mul3A_93 = arith.constant 1 : i32
      %mul3A_94 = arith.muli %scan3A_92, %mul3A_93 : i32
      %add3A_95 = arith.constant 0 : i32
      %add3A_96 = arith.addi %add3A_95, %mul3A_94 : i32
      %mul3A_97 = arith.constant 320 : i32
      %mul3A_98 = arith.muli %arg1, %mul3A_97 : i32
      %mul3A_99 = arith.constant 32 : i32
      %mul3A_100 = arith.muli %add3A_96, %mul3A_99 : i32
      %add3A_101 = arith.addi %mul3A_98, %mul3A_100 : i32
      "tpu.region"() ({
        %run_scoped3A = tpu.sem_alloc : memref<!tpu.dma_semaphore, #tpu.memory_space<semaphore_mem>>
        %dma_start3A_109 = arith.constant 0 : i32
        %dma_start3A_110 = arith.constant 0 : i32
        %dma_start3A_111 = tpu.memref_slice %arg13[%dma_start3A_109, %dma_start3A_110] : memref<64x128xf32, #tpu.memory_space<vmem>> -> memref<32x128xf32, #tpu.memory_space<vmem>>
        %dma_start3A_112 = arith.constant 0 : i32
        %dma_start3A_113 = tpu.memref_slice %arg28[%add3A_101, %dma_start3A_112] : memref<5248x128xf32, #tpu.memory_space<vmem_shared>> -> memref<32x128xf32, #tpu.memory_space<vmem_shared>>
        %dma_start3A_114 = arith.constant 0 : i32
        %dma_start3A_115 = arith.constant 0 : i32
        %dma_start3A_116 = tpu.memref_slice %arg13[%dma_start3A_114, %dma_start3A_115] : memref<64x128xf32, #tpu.memory_space<vmem>> -> memref<32x128xf32, #tpu.memory_space<vmem>>
        %dma_start3A_117 = arith.constant 0 : i32
        %dma_start3A_118 = tpu.memref_slice %arg28[%add3A_101, %dma_start3A_117] : memref<5248x128xf32, #tpu.memory_space<vmem_shared>> -> memref<32x128xf32, #tpu.memory_space<vmem_shared>>
        tpu.enqueue_dma source(%dma_start3A_118 : memref<32x128xf32, #tpu.memory_space<vmem_shared>>) target(%dma_start3A_116 : memref<32x128xf32, #tpu.memory_space<vmem>>) target_semaphore(%run_scoped3A : memref<!tpu.dma_semaphore, #tpu.memory_space<semaphore_mem>>)
        %dma_wait3A_119 = arith.constant 0 : i32
        %dma_wait3A_120 = arith.constant 0 : i32
        %dma_wait3A_121 = tpu.memref_slice %arg13[%dma_wait3A_119, %dma_wait3A_120] : memref<64x128xf32, #tpu.memory_space<vmem>> -> memref<32x128xf32, #tpu.memory_space<vmem>>
        %dma_wait3A_122 = arith.constant 0 : i32
        %dma_wait3A_123 = tpu.memref_slice %arg28[%add3A_101, %dma_wait3A_122] : memref<5248x128xf32, #tpu.memory_space<vmem_shared>> -> memref<32x128xf32, #tpu.memory_space<vmem_shared>>
        %dma_wait3A_124 = arith.constant 0 : i32
        %dma_wait3A_125 = arith.constant 0 : i32
        %dma_wait3A_126 = tpu.memref_slice %arg13[%dma_wait3A_124, %dma_wait3A_125] : memref<64x128xf32, #tpu.memory_space<vmem>> -> memref<32x128xf32, #tpu.memory_space<vmem>>
        %dma_wait3A_127 = arith.constant 0 : i32
        %dma_wait3A_128 = tpu.memref_slice %arg28[%add3A_101, %dma_wait3A_127] : memref<5248x128xf32, #tpu.memory_space<vmem_shared>> -> memref<32x128xf32, #tpu.memory_space<vmem_shared>>
        tpu.wait_dma2 semaphore(%run_scoped3A : memref<!tpu.dma_semaphore, #tpu.memory_space<semaphore_mem>>) src(%dma_wait3A_128 : memref<32x128xf32, #tpu.memory_space<vmem_shared>>) dst(%dma_wait3A_126 : memref<32x128xf32, #tpu.memory_space<vmem>>)
        tpu.yield
      }) : () -> ()
      %broadcast_in_dim3A_102 = arith.constant 0 : i32
      %broadcast_in_dim3A_103 = vector.broadcast %broadcast_in_dim3A_102 : i32 to vector<16xi32>
      %scan3A_104 = arith.constant 0 : i32
      %scan3A_105 = arith.constant 32 : i32
      %scan3A_106 = arith.addi %scan3A_104, %scan3A_105 : i32
      %scan3A_107 = arith.constant 1 : i32
      scf.for %scan3A_109 = %scan3A_104 to %scan3A_106 step %scan3A_107  : i32 {
        %mul3A_110 = arith.constant 1 : i32
        %mul3A_111 = arith.muli %scan3A_109, %mul3A_110 : i32
        %add3A_112 = arith.constant 0 : i32
        %add3A_113 = arith.addi %add3A_112, %mul3A_111 : i32
        %mul3A_114 = arith.constant 2 : i32
        %mul3A_115 = arith.muli %add3A_96, %mul3A_114 : i32
        %shift_right_logical3A = arith.constant 4 : i32
        %shift_right_logical3A_116 = arith.shrui %add3A_113, %shift_right_logical3A : i32
        %add3A_117 = arith.addi %mul3A_115, %shift_right_logical3A_116 : i32
        %add3A_118 = vector.broadcast %add3A_117 : i32 to vector<16xi32>
        %add3A_119 = arith.addi %broadcast_in_dim3A_103, %add3A_118 : vector<16xi32>
        %and3A = arith.constant 15 : i32
        %and3A_120 = arith.andi %add3A_113, %and3A : i32
        %mul3A_121 = arith.constant 8 : i32
        %mul3A_122 = arith.muli %and3A_120, %mul3A_121 : i32
        %add3A_123 = arith.constant 0 : i32
        %add3A_124 = arith.addi %mul3A_122, %add3A_123 : i32
        %add3A_125 = vector.broadcast %add3A_124 : i32 to vector<16xi32>
        %add3A_126 = arith.addi %broadcast_in_dim3A_103, %add3A_125 : vector<16xi32>
        %gather3A = tpu.vector_load_idx %arg15[%add3A_119, %add3A_126] : memref<64x128xf32, #tpu.memory_space<vmem>>[vector<16xi32>, vector<16xi32>], vector<16xf32>,
        %max3A = arith.constant 9.99999997E-7 : f32
        %max3A_127 = vector.broadcast %max3A : f32 to vector<16xf32>
        %max3A_128 = arith.maximumf %gather3A, %max3A_127 : vector<16xf32>
        %get3A = arith.index_cast %add3A_113 : i32 to index
        %get3A_129 = arith.constant 0 : index
        %get3A_130 = tpu.vector_load %arg13[%get3A, %get3A_129] {strides = array<i32>} : memref<64x128xf32, #tpu.memory_space<vmem>>, vector<16xf32>,
        %div3A = arith.divf %get3A_130, %max3A_128 : vector<16xf32>
        %swap3A = arith.index_cast %add3A_113 : i32 to index
        %swap3A_131 = arith.constant 0 : index
        %swap3A_132 = tpu.vector_load %arg13[%swap3A, %swap3A_131] {strides = array<i32>} : memref<64x128xf32, #tpu.memory_space<vmem>>, vector<16xf32>,
        tpu.vector_store %arg13[%swap3A, %swap3A_131], %div3A {strides = array<i32>} : memref<64x128xf32, #tpu.memory_space<vmem>>, vector<16xf32>,
        %add3A_133 = arith.constant 1 : i32
        %add3A_134 = arith.addi %mul3A_122, %add3A_133 : i32
        %add3A_135 = vector.broadcast %add3A_134 : i32 to vector<16xi32>
        %add3A_136 = arith.addi %broadcast_in_dim3A_103, %add3A_135 : vector<16xi32>
        %gather3A_137 = tpu.vector_load_idx %arg15[%add3A_119, %add3A_136] : memref<64x128xf32, #tpu.memory_space<vmem>>[vector<16xi32>, vector<16xi32>], vector<16xf32>,
        %max3A_138 = arith.constant 9.99999997E-7 : f32
        %max3A_139 = vector.broadcast %max3A_138 : f32 to vector<16xf32>
        %max3A_140 = arith.maximumf %gather3A_137, %max3A_139 : vector<16xf32>
        %get3A_141 = arith.index_cast %add3A_113 : i32 to index
        %get3A_142 = arith.constant 16 : index
        %get3A_143 = tpu.vector_load %arg13[%get3A_141, %get3A_142] {strides = array<i32>} : memref<64x128xf32, #tpu.memory_space<vmem>>, vector<16xf32>,
        %div3A_144 = arith.divf %get3A_143, %max3A_140 : vector<16xf32>
        %swap3A_145 = arith.index_cast %add3A_113 : i32 to index
        %swap3A_146 = arith.constant 16 : index
        %swap3A_147 = tpu.vector_load %arg13[%swap3A_145, %swap3A_146] {strides = array<i32>} : memref<64x128xf32, #tpu.memory_space<vmem>>, vector<16xf32>,
        tpu.vector_store %arg13[%swap3A_145, %swap3A_146], %div3A_144 {strides = array<i32>} : memref<64x128xf32, #tpu.memory_space<vmem>>, vector<16xf32>,
        %add3A_148 = arith.constant 2 : i32
        %add3A_149 = arith.addi %mul3A_122, %add3A_148 : i32
        %add3A_150 = vector.broadcast %add3A_149 : i32 to vector<16xi32>
        %add3A_151 = arith.addi %broadcast_in_dim3A_103, %add3A_150 : vector<16xi32>
        %gather3A_152 = tpu.vector_load_idx %arg15[%add3A_119, %add3A_151] : memref<64x128xf32, #tpu.memory_space<vmem>>[vector<16xi32>, vector<16xi32>], vector<16xf32>,
        %max3A_153 = arith.constant 9.99999997E-7 : f32
        %max3A_154 = vector.broadcast %max3A_153 : f32 to vector<16xf32>
        %max3A_155 = arith.maximumf %gather3A_152, %max3A_154 : vector<16xf32>
        %get3A_156 = arith.index_cast %add3A_113 : i32 to index
        %get3A_157 = arith.constant 32 : index
        %get3A_158 = tpu.vector_load %arg13[%get3A_156, %get3A_157] {strides = array<i32>} : memref<64x128xf32, #tpu.memory_space<vmem>>, vector<16xf32>,
        %div3A_159 = arith.divf %get3A_158, %max3A_155 : vector<16xf32>
        %swap3A_160 = arith.index_cast %add3A_113 : i32 to index
        %swap3A_161 = arith.constant 32 : index
        %swap3A_162 = tpu.vector_load %arg13[%swap3A_160, %swap3A_161] {strides = array<i32>} : memref<64x128xf32, #tpu.memory_space<vmem>>, vector<16xf32>,
        tpu.vector_store %arg13[%swap3A_160, %swap3A_161], %div3A_159 {strides = array<i32>} : memref<64x128xf32, #tpu.memory_space<vmem>>, vector<16xf32>,
        %add3A_163 = arith.constant 3 : i32
        %add3A_164 = arith.addi %mul3A_122, %add3A_163 : i32
        %add3A_165 = vector.broadcast %add3A_164 : i32 to vector<16xi32>
        %add3A_166 = arith.addi %broadcast_in_dim3A_103, %add3A_165 : vector<16xi32>
        %gather3A_167 = tpu.vector_load_idx %arg15[%add3A_119, %add3A_166] : memref<64x128xf32, #tpu.memory_space<vmem>>[vector<16xi32>, vector<16xi32>], vector<16xf32>,
        %max3A_168 = arith.constant 9.99999997E-7 : f32
        %max3A_169 = vector.broadcast %max3A_168 : f32 to vector<16xf32>
        %max3A_170 = arith.maximumf %gather3A_167, %max3A_169 : vector<16xf32>
        %get3A_171 = arith.index_cast %add3A_113 : i32 to index
        %get3A_172 = arith.constant 48 : index
        %get3A_173 = tpu.vector_load %arg13[%get3A_171, %get3A_172] {strides = array<i32>} : memref<64x128xf32, #tpu.memory_space<vmem>>, vector<16xf32>,
        %div3A_174 = arith.divf %get3A_173, %max3A_170 : vector<16xf32>
        %swap3A_175 = arith.index_cast %add3A_113 : i32 to index
        %swap3A_176 = arith.constant 48 : index
        %swap3A_177 = tpu.vector_load %arg13[%swap3A_175, %swap3A_176] {strides = array<i32>} : memref<64x128xf32, #tpu.memory_space<vmem>>, vector<16xf32>,
        tpu.vector_store %arg13[%swap3A_175, %swap3A_176], %div3A_174 {strides = array<i32>} : memref<64x128xf32, #tpu.memory_space<vmem>>, vector<16xf32>,
        %add3A_178 = arith.constant 4 : i32
        %add3A_179 = arith.addi %mul3A_122, %add3A_178 : i32
        %add3A_180 = vector.broadcast %add3A_179 : i32 to vector<16xi32>
        %add3A_181 = arith.addi %broadcast_in_dim3A_103, %add3A_180 : vector<16xi32>
        %gather3A_182 = tpu.vector_load_idx %arg15[%add3A_119, %add3A_181] : memref<64x128xf32, #tpu.memory_space<vmem>>[vector<16xi32>, vector<16xi32>], vector<16xf32>,
        %max3A_183 = arith.constant 9.99999997E-7 : f32
        %max3A_184 = vector.broadcast %max3A_183 : f32 to vector<16xf32>
        %max3A_185 = arith.maximumf %gather3A_182, %max3A_184 : vector<16xf32>
        %get3A_186 = arith.index_cast %add3A_113 : i32 to index
        %get3A_187 = arith.constant 64 : index
        %get3A_188 = tpu.vector_load %arg13[%get3A_186, %get3A_187] {strides = array<i32>} : memref<64x128xf32, #tpu.memory_space<vmem>>, vector<16xf32>,
        %div3A_189 = arith.divf %get3A_188, %max3A_185 : vector<16xf32>
        %swap3A_190 = arith.index_cast %add3A_113 : i32 to index
        %swap3A_191 = arith.constant 64 : index
        %swap3A_192 = tpu.vector_load %arg13[%swap3A_190, %swap3A_191] {strides = array<i32>} : memref<64x128xf32, #tpu.memory_space<vmem>>, vector<16xf32>,
        tpu.vector_store %arg13[%swap3A_190, %swap3A_191], %div3A_189 {strides = array<i32>} : memref<64x128xf32, #tpu.memory_space<vmem>>, vector<16xf32>,
        %add3A_193 = arith.constant 5 : i32
        %add3A_194 = arith.addi %mul3A_122, %add3A_193 : i32
        %add3A_195 = vector.broadcast %add3A_194 : i32 to vector<16xi32>
        %add3A_196 = arith.addi %broadcast_in_dim3A_103, %add3A_195 : vector<16xi32>
        %gather3A_197 = tpu.vector_load_idx %arg15[%add3A_119, %add3A_196] : memref<64x128xf32, #tpu.memory_space<vmem>>[vector<16xi32>, vector<16xi32>], vector<16xf32>,
        %max3A_198 = arith.constant 9.99999997E-7 : f32
        %max3A_199 = vector.broadcast %max3A_198 : f32 to vector<16xf32>
        %max3A_200 = arith.maximumf %gather3A_197, %max3A_199 : vector<16xf32>
        %get3A_201 = arith.index_cast %add3A_113 : i32 to index
        %get3A_202 = arith.constant 80 : index
        %get3A_203 = tpu.vector_load %arg13[%get3A_201, %get3A_202] {strides = array<i32>} : memref<64x128xf32, #tpu.memory_space<vmem>>, vector<16xf32>,
        %div3A_204 = arith.divf %get3A_203, %max3A_200 : vector<16xf32>
        %swap3A_205 = arith.index_cast %add3A_113 : i32 to index
        %swap3A_206 = arith.constant 80 : index
        %swap3A_207 = tpu.vector_load %arg13[%swap3A_205, %swap3A_206] {strides = array<i32>} : memref<64x128xf32, #tpu.memory_space<vmem>>, vector<16xf32>,
        tpu.vector_store %arg13[%swap3A_205, %swap3A_206], %div3A_204 {strides = array<i32>} : memref<64x128xf32, #tpu.memory_space<vmem>>, vector<16xf32>,
        %add3A_208 = arith.constant 6 : i32
        %add3A_209 = arith.addi %mul3A_122, %add3A_208 : i32
        %add3A_210 = vector.broadcast %add3A_209 : i32 to vector<16xi32>
        %add3A_211 = arith.addi %broadcast_in_dim3A_103, %add3A_210 : vector<16xi32>
        %gather3A_212 = tpu.vector_load_idx %arg15[%add3A_119, %add3A_211] : memref<64x128xf32, #tpu.memory_space<vmem>>[vector<16xi32>, vector<16xi32>], vector<16xf32>,
        %max3A_213 = arith.constant 9.99999997E-7 : f32
        %max3A_214 = vector.broadcast %max3A_213 : f32 to vector<16xf32>
        %max3A_215 = arith.maximumf %gather3A_212, %max3A_214 : vector<16xf32>
        %get3A_216 = arith.index_cast %add3A_113 : i32 to index
        %get3A_217 = arith.constant 96 : index
        %get3A_218 = tpu.vector_load %arg13[%get3A_216, %get3A_217] {strides = array<i32>} : memref<64x128xf32, #tpu.memory_space<vmem>>, vector<16xf32>,
        %div3A_219 = arith.divf %get3A_218, %max3A_215 : vector<16xf32>
        %swap3A_220 = arith.index_cast %add3A_113 : i32 to index
        %swap3A_221 = arith.constant 96 : index
        %swap3A_222 = tpu.vector_load %arg13[%swap3A_220, %swap3A_221] {strides = array<i32>} : memref<64x128xf32, #tpu.memory_space<vmem>>, vector<16xf32>,
        tpu.vector_store %arg13[%swap3A_220, %swap3A_221], %div3A_219 {strides = array<i32>} : memref<64x128xf32, #tpu.memory_space<vmem>>, vector<16xf32>,
        %add3A_223 = arith.constant 7 : i32
        %add3A_224 = arith.addi %mul3A_122, %add3A_223 : i32
        %add3A_225 = vector.broadcast %add3A_224 : i32 to vector<16xi32>
        %add3A_226 = arith.addi %broadcast_in_dim3A_103, %add3A_225 : vector<16xi32>
        %gather3A_227 = tpu.vector_load_idx %arg15[%add3A_119, %add3A_226] : memref<64x128xf32, #tpu.memory_space<vmem>>[vector<16xi32>, vector<16xi32>], vector<16xf32>,
        %max3A_228 = arith.constant 9.99999997E-7 : f32
        %max3A_229 = vector.broadcast %max3A_228 : f32 to vector<16xf32>
        %max3A_230 = arith.maximumf %gather3A_227, %max3A_229 : vector<16xf32>
        %get3A_231 = arith.index_cast %add3A_113 : i32 to index
        %get3A_232 = arith.constant 112 : index
        %get3A_233 = tpu.vector_load %arg13[%get3A_231, %get3A_232] {strides = array<i32>} : memref<64x128xf32, #tpu.memory_space<vmem>>, vector<16xf32>,
        %div3A_234 = arith.divf %get3A_233, %max3A_230 : vector<16xf32>
        %swap3A_235 = arith.index_cast %add3A_113 : i32 to index
        %swap3A_236 = arith.constant 112 : index
        %swap3A_237 = tpu.vector_load %arg13[%swap3A_235, %swap3A_236] {strides = array<i32>} : memref<64x128xf32, #tpu.memory_space<vmem>>, vector<16xf32>,
        tpu.vector_store %arg13[%swap3A_235, %swap3A_236], %div3A_234 {strides = array<i32>} : memref<64x128xf32, #tpu.memory_space<vmem>>, vector<16xf32>,
      }
      %scan3A_108 = arith.constant 32 : i32
      "tpu.region"() ({
        %run_scoped3A = tpu.sem_alloc : memref<!tpu.dma_semaphore, #tpu.memory_space<semaphore_mem>>
        %dma_start3A_109 = arith.constant 0 : i32
        %dma_start3A_110 = arith.constant 0 : i32
        %dma_start3A_111 = tpu.memref_slice %arg13[%dma_start3A_109, %dma_start3A_110] : memref<64x128xf32, #tpu.memory_space<vmem>> -> memref<32x128xf32, #tpu.memory_space<vmem>>
        %dma_start3A_112 = arith.constant 0 : i32
        %dma_start3A_113 = arith.constant 0 : i32
        %dma_start3A_114 = tpu.memref_slice %arg7[%arg0, %dma_start3A_112, %dma_start3A_113] : memref<2x5120x128xf32, #tpu.memory_space<hbm>> -> memref<1x5120x128xf32, #tpu.memory_space<hbm>>
        %dma_start3A_115 = tpu.memref_squeeze %dma_start3A_114 : memref<1x5120x128xf32, #tpu.memory_space<hbm>> -> memref<5120x128xf32, #tpu.memory_space<hbm>>
        %dma_start3A_116 = arith.constant 0 : i32
        %dma_start3A_117 = tpu.memref_slice %dma_start3A_115[%add3A_101, %dma_start3A_116] : memref<5120x128xf32, #tpu.memory_space<hbm>> -> memref<32x128xf32, #tpu.memory_space<hbm>>
        %dma_start3A_118 = arith.constant 0 : i32
        %dma_start3A_119 = arith.constant 0 : i32
        %dma_start3A_120 = tpu.memref_slice %arg7[%arg0, %dma_start3A_118, %dma_start3A_119] : memref<2x5120x128xf32, #tpu.memory_space<hbm>> -> memref<1x5120x128xf32, #tpu.memory_space<hbm>>
        %dma_start3A_121 = tpu.memref_squeeze %dma_start3A_120 : memref<1x5120x128xf32, #tpu.memory_space<hbm>> -> memref<5120x128xf32, #tpu.memory_space<hbm>>
        %dma_start3A_122 = arith.constant 0 : i32
        %dma_start3A_123 = tpu.memref_slice %dma_start3A_121[%add3A_101, %dma_start3A_122] : memref<5120x128xf32, #tpu.memory_space<hbm>> -> memref<32x128xf32, #tpu.memory_space<hbm>>
        %dma_start3A_124 = arith.constant 0 : i32
        %dma_start3A_125 = arith.constant 0 : i32
        %dma_start3A_126 = tpu.memref_slice %arg13[%dma_start3A_124, %dma_start3A_125] : memref<64x128xf32, #tpu.memory_space<vmem>> -> memref<32x128xf32, #tpu.memory_space<vmem>>
        tpu.enqueue_dma source(%dma_start3A_126 : memref<32x128xf32, #tpu.memory_space<vmem>>) target(%dma_start3A_123 : memref<32x128xf32, #tpu.memory_space<hbm>>) target_semaphore(%run_scoped3A : memref<!tpu.dma_semaphore, #tpu.memory_space<semaphore_mem>>)
        %dma_wait3A_127 = arith.constant 0 : i32
        %dma_wait3A_128 = arith.constant 0 : i32
        %dma_wait3A_129 = tpu.memref_slice %arg13[%dma_wait3A_127, %dma_wait3A_128] : memref<64x128xf32, #tpu.memory_space<vmem>> -> memref<32x128xf32, #tpu.memory_space<vmem>>
        %dma_wait3A_130 = arith.constant 0 : i32
        %dma_wait3A_131 = arith.constant 0 : i32
        %dma_wait3A_132 = tpu.memref_slice %arg7[%arg0, %dma_wait3A_130, %dma_wait3A_131] : memref<2x5120x128xf32, #tpu.memory_space<hbm>> -> memref<1x5120x128xf32, #tpu.memory_space<hbm>>
        %dma_wait3A_133 = tpu.memref_squeeze %dma_wait3A_132 : memref<1x5120x128xf32, #tpu.memory_space<hbm>> -> memref<5120x128xf32, #tpu.memory_space<hbm>>
        %dma_wait3A_134 = arith.constant 0 : i32
        %dma_wait3A_135 = tpu.memref_slice %dma_wait3A_133[%add3A_101, %dma_wait3A_134] : memref<5120x128xf32, #tpu.memory_space<hbm>> -> memref<32x128xf32, #tpu.memory_space<hbm>>
        %dma_wait3A_136 = arith.constant 0 : i32
        %dma_wait3A_137 = arith.constant 0 : i32
        %dma_wait3A_138 = tpu.memref_slice %arg7[%arg0, %dma_wait3A_136, %dma_wait3A_137] : memref<2x5120x128xf32, #tpu.memory_space<hbm>> -> memref<1x5120x128xf32, #tpu.memory_space<hbm>>
        %dma_wait3A_139 = tpu.memref_squeeze %dma_wait3A_138 : memref<1x5120x128xf32, #tpu.memory_space<hbm>> -> memref<5120x128xf32, #tpu.memory_space<hbm>>
        %dma_wait3A_140 = arith.constant 0 : i32
        %dma_wait3A_141 = tpu.memref_slice %dma_wait3A_139[%add3A_101, %dma_wait3A_140] : memref<5120x128xf32, #tpu.memory_space<hbm>> -> memref<32x128xf32, #tpu.memory_space<hbm>>
        %dma_wait3A_142 = arith.constant 0 : i32
        %dma_wait3A_143 = arith.constant 0 : i32
        %dma_wait3A_144 = tpu.memref_slice %arg13[%dma_wait3A_142, %dma_wait3A_143] : memref<64x128xf32, #tpu.memory_space<vmem>> -> memref<32x128xf32, #tpu.memory_space<vmem>>
        tpu.wait_dma2 semaphore(%run_scoped3A : memref<!tpu.dma_semaphore, #tpu.memory_space<semaphore_mem>>) src(%dma_wait3A_144 : memref<32x128xf32, #tpu.memory_space<vmem>>) dst(%dma_wait3A_141 : memref<32x128xf32, #tpu.memory_space<hbm>>)
        tpu.yield
      }) : () -> ()
    }
    %scan3A_91 = arith.constant 10 : i32
    return
  }
}

module attributes {stable_mosaic.version = 14 : i64} {
  func.func @_bias_body(%arg0: i32, %arg1: memref<8192x4xf32, #tpu.memory_space<vmem>>, %arg2: memref<8x4xf32, #tpu.memory_space<vmem>>, %arg3: memref<1x8xf32, #tpu.memory_space<vmem>>, %arg4: memref<8192x8xf32, #tpu.memory_space<vmem>>) attributes {dimension_semantics = [#tpu.dimension_semantics<arbitrary>], iteration_bounds = array<i64: 40>, scalar_prefetch = 0 : i64, scratch_operands = 0 : i64, tpu.core_type = #tpu.core_type<tc>, window_params = [{transform_indices = @transform_0, window_bounds = array<i64: 8192, 4>}, {pipeline_mode = #tpu.pipeline_mode<synchronous>, transform_indices = @transform_1, window_bounds = array<i64: 8, 4>}, {pipeline_mode = #tpu.pipeline_mode<synchronous>, transform_indices = @transform_2, window_bounds = array<i64: 1, 8>}, {transform_indices = @transform_3, window_bounds = array<i64: 8192, 8>}]} {
    %get3A = arith.constant 0 : index
    %get3A_0 = arith.constant 0 : index
    %get3A_1 = vector.load %arg1[%get3A, %get3A_0] : memref<8192x4xf32, #tpu.memory_space<vmem>>, vector<8192x4xf32>
    %get3A_2 = arith.constant 0 : index
    %get3A_3 = arith.constant 0 : index
    %get3A_4 = vector.load %arg2[%get3A_2, %get3A_3] : memref<8x4xf32, #tpu.memory_space<vmem>>, vector<8x4xf32>
    %dot_general3A = arith.constant dense<0.000000e+00> : vector<8192x8xf32>
    %dot_general3A_5 = tpu.matmul %get3A_1, %get3A_4, %dot_general3A {dimension_numbers = #tpu.dot_dimension_numbers<[1], [1], [0], [0], [0, 0, 1, 0], [], []>, transpose_lhs_hint = false} : vector<8192x4xf32>, vector<8x4xf32>, vector<8192x8xf32> -> vector<8192x8xf32>
    %get3A_6 = arith.constant 0 : index
    %get3A_7 = arith.constant 0 : index
    %get3A_8 = vector.load %arg3[%get3A_6, %get3A_7] : memref<1x8xf32, #tpu.memory_space<vmem>>, vector<1x8xf32>
    %add3A = vector.broadcast %get3A_8 : vector<1x8xf32> to vector<8192x8xf32>
    %add3A_9 = arith.addf %dot_general3A_5, %add3A : vector<8192x8xf32>
    %swap3A = arith.constant 0 : index
    %swap3A_10 = arith.constant 0 : index
    %swap3A_11 = vector.load %arg4[%swap3A, %swap3A_10] : memref<8192x8xf32, #tpu.memory_space<vmem>>, vector<8192x8xf32>
    tpu.vector_store %arg4[%swap3A, %swap3A_10], %add3A_9 {strides = array<i32>} : memref<8192x8xf32, #tpu.memory_space<vmem>>, vector<8192x8xf32>,
    return
  }
  func.func @transform_0(%arg0: i32) -> (i32, i32) {
    %c0_i32 = arith.constant 0 : i32
    %c0_i32_0 = arith.constant 0 : i32
    return %arg0, %c0_i32 : i32, i32
  }
  func.func @transform_1(%arg0: i32) -> (i32, i32) {
    %c0_i32 = arith.constant 0 : i32
    %c0_i32_0 = arith.constant 0 : i32
    %c0_i32_1 = arith.constant 0 : i32
    return %c0_i32, %c0_i32_0 : i32, i32
  }
  func.func @transform_2(%arg0: i32) -> (i32, i32) {
    %c0_i32 = arith.constant 0 : i32
    %c0_i32_0 = arith.constant 0 : i32
    %c0_i32_1 = arith.constant 0 : i32
    return %c0_i32, %c0_i32_0 : i32, i32
  }
  func.func @transform_3(%arg0: i32) -> (i32, i32) {
    %c0_i32 = arith.constant 0 : i32
    %c0_i32_0 = arith.constant 0 : i32
    return %arg0, %c0_i32 : i32, i32
  }
}

module attributes {stable_mosaic.version = 14 : i64} {
  func.func @_qkv_body(%arg0: i32, %arg1: memref<1024x128xf32, #tpu.memory_space<vmem>>, %arg2: memref<384x128xf32, #tpu.memory_space<vmem>>, %arg3: memref<1x128xf32, #tpu.memory_space<vmem>>, %arg4: memref<1x256xf32, #tpu.memory_space<vmem>>, %arg5: memref<1024x128xf32, #tpu.memory_space<vmem>>, %arg6: memref<1024x128xf32, #tpu.memory_space<vmem>>, %arg7: memref<1024x128xf32, #tpu.memory_space<vmem>>) attributes {dimension_semantics = [#tpu.dimension_semantics<arbitrary>], iteration_bounds = array<i64: 10>, scalar_prefetch = 0 : i64, scratch_operands = 0 : i64, tpu.core_type = #tpu.core_type<tc>, window_params = [{transform_indices = @transform_0, window_bounds = array<i64: 1024, 128>}, {pipeline_mode = #tpu.pipeline_mode<synchronous>, transform_indices = @transform_1, window_bounds = array<i64: 384, 128>}, {pipeline_mode = #tpu.pipeline_mode<synchronous>, transform_indices = @transform_2, window_bounds = array<i64: 1, 128>}, {pipeline_mode = #tpu.pipeline_mode<synchronous>, transform_indices = @transform_3, window_bounds = array<i64: 1, 256>}, {transform_indices = @transform_4, window_bounds = array<i64: 1024, 128>}, {transform_indices = @transform_5, window_bounds = array<i64: 1024, 128>}, {transform_indices = @transform_6, window_bounds = array<i64: 1024, 128>}]} {
    %get3A = arith.constant 0 : index
    %get3A_0 = arith.constant 0 : index
    %get3A_1 = vector.load %arg1[%get3A, %get3A_0] : memref<1024x128xf32, #tpu.memory_space<vmem>>, vector<1024x128xf32>
    %get3A_2 = arith.constant 0 : index
    %get3A_3 = arith.constant 0 : index
    %get3A_4 = vector.load %arg2[%get3A_2, %get3A_3] : memref<384x128xf32, #tpu.memory_space<vmem>>, vector<384x128xf32>
    %dot_general3A = arith.constant dense<0.000000e+00> : vector<1024x384xf32>
    %dot_general3A_5 = tpu.matmul %get3A_1, %get3A_4, %dot_general3A {dimension_numbers = #tpu.dot_dimension_numbers<[1], [1], [0], [0], [0, 0, 1, 0], [], []>, transpose_lhs_hint = false} : vector<1024x128xf32>, vector<384x128xf32>, vector<1024x384xf32> -> vector<1024x384xf32>
    %slice3A = vector.extract_strided_slice %dot_general3A_5 {offsets = [0, 0], sizes = [1024, 128], strides = [1, 1]} : vector<1024x384xf32> to vector<1024x128xf32>
    %get3A_6 = arith.constant 0 : index
    %get3A_7 = arith.constant 0 : index
    %get3A_8 = vector.load %arg3[%get3A_6, %get3A_7] : memref<1x128xf32, #tpu.memory_space<vmem>>, vector<1x128xf32>
    %add3A = vector.broadcast %get3A_8 : vector<1x128xf32> to vector<1024x128xf32>
    %add3A_9 = arith.addf %slice3A, %add3A : vector<1024x128xf32>
    %mul3A = arith.constant 2.500000e-01 : f32
    %mul3A_10 = vector.broadcast %mul3A : f32 to vector<1024x128xf32>
    %mul3A_11 = arith.mulf %add3A_9, %mul3A_10 : vector<1024x128xf32>
    %swap3A = arith.constant 0 : index
    %swap3A_12 = arith.constant 0 : index
    %swap3A_13 = vector.load %arg5[%swap3A, %swap3A_12] : memref<1024x128xf32, #tpu.memory_space<vmem>>, vector<1024x128xf32>
    tpu.vector_store %arg5[%swap3A, %swap3A_12], %mul3A_11 {strides = array<i32>} : memref<1024x128xf32, #tpu.memory_space<vmem>>, vector<1024x128xf32>,
    %slice3A_14 = vector.extract_strided_slice %dot_general3A_5 {offsets = [0, 128], sizes = [1024, 256], strides = [1, 1]} : vector<1024x384xf32> to vector<1024x256xf32>
    %get3A_15 = arith.constant 0 : index
    %get3A_16 = arith.constant 0 : index
    %get3A_17 = vector.load %arg4[%get3A_15, %get3A_16] : memref<1x256xf32, #tpu.memory_space<vmem>>, vector<1x256xf32>
    %add3A_18 = vector.broadcast %get3A_17 : vector<1x256xf32> to vector<1024x256xf32>
    %add3A_19 = arith.addf %slice3A_14, %add3A_18 : vector<1024x256xf32>
    %slice3A_20 = vector.extract_strided_slice %add3A_19 {offsets = [0, 0], sizes = [1024, 128], strides = [1, 1]} : vector<1024x256xf32> to vector<1024x128xf32>
    %swap3A_21 = arith.constant 0 : index
    %swap3A_22 = arith.constant 0 : index
    %swap3A_23 = vector.load %arg6[%swap3A_21, %swap3A_22] : memref<1024x128xf32, #tpu.memory_space<vmem>>, vector<1024x128xf32>
    tpu.vector_store %arg6[%swap3A_21, %swap3A_22], %slice3A_20 {strides = array<i32>} : memref<1024x128xf32, #tpu.memory_space<vmem>>, vector<1024x128xf32>,
    %slice3A_24 = vector.extract_strided_slice %add3A_19 {offsets = [0, 128], sizes = [1024, 128], strides = [1, 1]} : vector<1024x256xf32> to vector<1024x128xf32>
    %swap3A_25 = arith.constant 0 : index
    %swap3A_26 = arith.constant 0 : index
    %swap3A_27 = vector.load %arg7[%swap3A_25, %swap3A_26] : memref<1024x128xf32, #tpu.memory_space<vmem>>, vector<1024x128xf32>
    tpu.vector_store %arg7[%swap3A_25, %swap3A_26], %slice3A_24 {strides = array<i32>} : memref<1024x128xf32, #tpu.memory_space<vmem>>, vector<1024x128xf32>,
    return
  }
  func.func @transform_0(%arg0: i32) -> (i32, i32) {
    %c0_i32 = arith.constant 0 : i32
    %c0_i32_0 = arith.constant 0 : i32
    return %arg0, %c0_i32 : i32, i32
  }
  func.func @transform_1(%arg0: i32) -> (i32, i32) {
    %c0_i32 = arith.constant 0 : i32
    %c0_i32_0 = arith.constant 0 : i32
    %c0_i32_1 = arith.constant 0 : i32
    return %c0_i32, %c0_i32_0 : i32, i32
  }
  func.func @transform_2(%arg0: i32) -> (i32, i32) {
    %c0_i32 = arith.constant 0 : i32
    %c0_i32_0 = arith.constant 0 : i32
    %c0_i32_1 = arith.constant 0 : i32
    return %c0_i32, %c0_i32_0 : i32, i32
  }
  func.func @transform_3(%arg0: i32) -> (i32, i32) {
    %c0_i32 = arith.constant 0 : i32
    %c0_i32_0 = arith.constant 0 : i32
    %c0_i32_1 = arith.constant 0 : i32
    return %c0_i32, %c0_i32_0 : i32, i32
  }
  func.func @transform_4(%arg0: i32) -> (i32, i32) {
    %c0_i32 = arith.constant 0 : i32
    %c0_i32_0 = arith.constant 0 : i32
    return %arg0, %c0_i32 : i32, i32
  }
  func.func @transform_5(%arg0: i32) -> (i32, i32) {
    %c0_i32 = arith.constant 0 : i32
    %c0_i32_0 = arith.constant 0 : i32
    return %arg0, %c0_i32 : i32, i32
  }
  func.func @transform_6(%arg0: i32) -> (i32, i32) {
    %c0_i32 = arith.constant 0 : i32
    %c0_i32_0 = arith.constant 0 : i32
    return %arg0, %c0_i32 : i32, i32
  }
}

module attributes {stable_mosaic.version = 14 : i64} {
  func.func @_final_body(%arg0: i32, %arg1: memref<1x512x128xf32, #tpu.memory_space<vmem>>, %arg2: memref<128x128xf32, #tpu.memory_space<vmem>>, %arg3: memref<1x128xf32, #tpu.memory_space<vmem>>, %arg4: memref<1x128xf32, #tpu.memory_space<vmem>>, %arg5: memref<1x128xf32, #tpu.memory_space<vmem>>, %arg6: memref<512x128xf32, #tpu.memory_space<vmem>>) attributes {dimension_semantics = [#tpu.dimension_semantics<arbitrary>], iteration_bounds = array<i64: 20>, scalar_prefetch = 0 : i64, scratch_operands = 0 : i64, tpu.core_type = #tpu.core_type<tc>, window_params = [{transform_indices = @transform_0, window_bounds = array<i64: 1, 512, 128>}, {pipeline_mode = #tpu.pipeline_mode<synchronous>, transform_indices = @transform_1, window_bounds = array<i64: 128, 128>}, {pipeline_mode = #tpu.pipeline_mode<synchronous>, transform_indices = @transform_2, window_bounds = array<i64: 1, 128>}, {pipeline_mode = #tpu.pipeline_mode<synchronous>, transform_indices = @transform_3, window_bounds = array<i64: 1, 128>}, {pipeline_mode = #tpu.pipeline_mode<synchronous>, transform_indices = @transform_4, window_bounds = array<i64: 1, 128>}, {transform_indices = @transform_5, window_bounds = array<i64: 512, 128>}]} {
    %get3A = arith.constant 0 : index
    %get3A_0 = arith.constant 0 : index
    %get3A_1 = arith.constant 0 : index
    %get3A_2 = vector.load %arg1[%get3A, %get3A_0, %get3A_1] : memref<1x512x128xf32, #tpu.memory_space<vmem>>, vector<1x512x128xf32>
    %get3A_3 = vector.shape_cast %get3A_2 : vector<1x512x128xf32> to vector<512x128xf32>
    %get3A_4 = arith.constant 0 : index
    %get3A_5 = arith.constant 0 : index
    %get3A_6 = vector.load %arg2[%get3A_4, %get3A_5] : memref<128x128xf32, #tpu.memory_space<vmem>>, vector<128x128xf32>
    %dot_general3A = arith.constant dense<0.000000e+00> : vector<512x128xf32>
    %dot_general3A_7 = tpu.matmul %get3A_3, %get3A_6, %dot_general3A {dimension_numbers = #tpu.dot_dimension_numbers<[1], [1], [0], [0], [0, 0, 1, 0], [], []>, transpose_lhs_hint = false} : vector<512x128xf32>, vector<128x128xf32>, vector<512x128xf32> -> vector<512x128xf32>
    %get3A_8 = arith.constant 0 : index
    %get3A_9 = arith.constant 0 : index
    %get3A_10 = vector.load %arg3[%get3A_8, %get3A_9] : memref<1x128xf32, #tpu.memory_space<vmem>>, vector<1x128xf32>
    %add3A = vector.broadcast %get3A_10 : vector<1x128xf32> to vector<512x128xf32>
    %add3A_11 = arith.addf %dot_general3A_7, %add3A : vector<512x128xf32>
    %reshape3A = vector.shape_cast %add3A_11 : vector<512x128xf32> to vector<512x8x16xf32>
    %reduce_sum3A = arith.constant dense<0.000000e+00> : vector<512x8xf32>
    %reduce_sum3A_12 = vector.multi_reduction <add>, %reshape3A, %reduce_sum3A [2] : vector<512x8x16xf32> to vector<512x8xf32>
    %broadcast_in_dim3A = vector.shape_cast %reduce_sum3A_12 : vector<512x8xf32> to vector<512x8x1xf32>
    %div3A = arith.constant 1.600000e+01 : f32
    %div3A_13 = vector.broadcast %div3A : f32 to vector<512x8x1xf32>
    %div3A_14 = arith.divf %broadcast_in_dim3A, %div3A_13 : vector<512x8x1xf32>
    %sub3A = vector.broadcast %div3A_14 : vector<512x8x1xf32> to vector<512x8x16xf32>
    %sub3A_15 = arith.subf %reshape3A, %sub3A : vector<512x8x16xf32>
    %integer_pow3A = arith.mulf %sub3A_15, %sub3A_15 : vector<512x8x16xf32>
    %reduce_sum3A_16 = arith.constant dense<0.000000e+00> : vector<512x8xf32>
    %reduce_sum3A_17 = vector.multi_reduction <add>, %integer_pow3A, %reduce_sum3A_16 [2] : vector<512x8x16xf32> to vector<512x8xf32>
    %broadcast_in_dim3A_18 = vector.shape_cast %reduce_sum3A_17 : vector<512x8xf32> to vector<512x8x1xf32>
    %div3A_19 = arith.constant 1.600000e+01 : f32
    %div3A_20 = vector.broadcast %div3A_19 : f32 to vector<512x8x1xf32>
    %div3A_21 = arith.divf %broadcast_in_dim3A_18, %div3A_20 : vector<512x8x1xf32>
    %sub3A_22 = vector.broadcast %div3A_14 : vector<512x8x1xf32> to vector<512x8x16xf32>
    %sub3A_23 = arith.subf %reshape3A, %sub3A_22 : vector<512x8x16xf32>
    %add3A_24 = arith.constant 9.99999974E-6 : f32
    %add3A_25 = vector.broadcast %add3A_24 : f32 to vector<512x8x1xf32>
    %add3A_26 = arith.addf %div3A_21, %add3A_25 : vector<512x8x1xf32>
    %rsqrt3A = math.rsqrt %add3A_26 : vector<512x8x1xf32>
    %mul3A = vector.broadcast %rsqrt3A : vector<512x8x1xf32> to vector<512x8x16xf32>
    %mul3A_27 = arith.mulf %sub3A_23, %mul3A : vector<512x8x16xf32>
    %reshape3A_28 = vector.shape_cast %mul3A_27 : vector<512x8x16xf32> to vector<512x128xf32>
    %get3A_29 = arith.constant 0 : index
    %get3A_30 = arith.constant 0 : index
    %get3A_31 = vector.load %arg4[%get3A_29, %get3A_30] : memref<1x128xf32, #tpu.memory_space<vmem>>, vector<1x128xf32>
    %mul3A_32 = vector.broadcast %get3A_31 : vector<1x128xf32> to vector<512x128xf32>
    %mul3A_33 = arith.mulf %reshape3A_28, %mul3A_32 : vector<512x128xf32>
    %get3A_34 = arith.constant 0 : index
    %get3A_35 = arith.constant 0 : index
    %get3A_36 = vector.load %arg5[%get3A_34, %get3A_35] : memref<1x128xf32, #tpu.memory_space<vmem>>, vector<1x128xf32>
    %add3A_37 = vector.broadcast %get3A_36 : vector<1x128xf32> to vector<512x128xf32>
    %add3A_38 = arith.addf %mul3A_33, %add3A_37 : vector<512x128xf32>
    %swap3A = arith.constant 0 : index
    %swap3A_39 = arith.constant 0 : index
    %swap3A_40 = vector.load %arg6[%swap3A, %swap3A_39] : memref<512x128xf32, #tpu.memory_space<vmem>>, vector<512x128xf32>
    tpu.vector_store %arg6[%swap3A, %swap3A_39], %add3A_38 {strides = array<i32>} : memref<512x128xf32, #tpu.memory_space<vmem>>, vector<512x128xf32>,
    return
  }
  func.func @transform_0(%arg0: i32) -> (i32, i32, i32) {
    %jit3A = arith.constant 10 : i32
    %div3A = arith.divsi %arg0, %jit3A : i32
    %sign3A = arith.constant 0 : i32
    %sign3A_0 = arith.cmpi sgt, %arg0, %sign3A : i32
    %sign3A_1 = arith.extui %sign3A_0 : i1 to i32
    %sign3A_2 = arith.constant 0 : i32
    %sign3A_3 = arith.cmpi slt, %arg0, %sign3A_2 : i32
    %sign3A_4 = arith.extui %sign3A_3 : i1 to i32
    %sign3A_5 = arith.subi %sign3A_1, %sign3A_4 : i32
    %sign3A_6 = arith.constant 0 : i32
    %sign3A_7 = arith.cmpi sgt, %jit3A, %sign3A_6 : i32
    %sign3A_8 = arith.extui %sign3A_7 : i1 to i32
    %sign3A_9 = arith.constant 0 : i32
    %sign3A_10 = arith.cmpi slt, %jit3A, %sign3A_9 : i32
    %sign3A_11 = arith.extui %sign3A_10 : i1 to i32
    %sign3A_12 = arith.subi %sign3A_8, %sign3A_11 : i32
    %ne3A = arith.cmpi ne, %sign3A_5, %sign3A_12 : i32
    %rem3A = arith.remsi %arg0, %jit3A : i32
    %ne3A_13 = arith.constant 0 : i32
    %ne3A_14 = arith.cmpi ne, %rem3A, %ne3A_13 : i32
    %and3A = arith.andi %ne3A, %ne3A_14 : i1
    %sub3A = arith.constant 1 : i32
    %sub3A_15 = arith.subi %div3A, %sub3A : i32
    %select_n3A = arith.select %and3A, %sub3A_15, %div3A : i32
    %jit3A_16 = arith.constant 10 : i32
    %eq3A = arith.constant 0 : i32
    %eq3A_17 = arith.cmpi eq, %jit3A_16, %eq3A : i32
    %jit3A_18 = arith.constant 1 : i32
    %select_n3A_19 = arith.select %eq3A_17, %jit3A_18, %jit3A_16 : i32
    %rem3A_20 = arith.remsi %arg0, %select_n3A_19 : i32
    %ne3A_21 = arith.constant 0 : i32
    %ne3A_22 = arith.cmpi ne, %rem3A_20, %ne3A_21 : i32
    %lt3A = arith.constant 0 : i32
    %lt3A_23 = arith.cmpi slt, %rem3A_20, %lt3A : i32
    %lt3A_24 = arith.constant 0 : i32
    %lt3A_25 = arith.cmpi slt, %select_n3A_19, %lt3A_24 : i32
    %ne3A_26 = arith.xori %lt3A_23, %lt3A_25 : i1
    %and3A_27 = arith.andi %ne3A_26, %ne3A_22 : i1
    %add3A = arith.addi %rem3A_20, %select_n3A_19 : i32
    %select_n3A_28 = arith.select %and3A_27, %add3A, %rem3A_20 : i32
    %c0_i32 = arith.constant 0 : i32
    %c0_i32_29 = arith.constant 0 : i32
    return %select_n3A, %select_n3A_28, %c0_i32 : i32, i32, i32
  }
  func.func @transform_1(%arg0: i32) -> (i32, i32) {
    %c0_i32 = arith.constant 0 : i32
    %c0_i32_0 = arith.constant 0 : i32
    %c0_i32_1 = arith.constant 0 : i32
    return %c0_i32, %c0_i32_0 : i32, i32
  }
  func.func @transform_2(%arg0: i32) -> (i32, i32) {
    %c0_i32 = arith.constant 0 : i32
    %c0_i32_0 = arith.constant 0 : i32
    %c0_i32_1 = arith.constant 0 : i32
    return %c0_i32, %c0_i32_0 : i32, i32
  }
  func.func @transform_3(%arg0: i32) -> (i32, i32) {
    %c0_i32 = arith.constant 0 : i32
    %c0_i32_0 = arith.constant 0 : i32
    %c0_i32_1 = arith.constant 0 : i32
    return %c0_i32, %c0_i32_0 : i32, i32
  }
  func.func @transform_4(%arg0: i32) -> (i32, i32) {
    %c0_i32 = arith.constant 0 : i32
    %c0_i32_0 = arith.constant 0 : i32
    %c0_i32_1 = arith.constant 0 : i32
    return %c0_i32, %c0_i32_0 : i32, i32
  }
  func.func @transform_5(%arg0: i32) -> (i32, i32) {
    %c0_i32 = arith.constant 0 : i32
    %c0_i32_0 = arith.constant 0 : i32
    return %arg0, %c0_i32 : i32, i32
  }
}

</mosaic_0001>

<sc_bundles>
// kernel: kernel.6.cloned.1.call-start
scs
__scs_entry_jumppad:
0x0: {  	(pc) =	sbr.rel $0x88, $3  }
0x1: {  	(tag) =	ssettag $0x0;
	lr =	simm.s32 $0x1  }
0x2: {  	[smem:$0x3F92] =	sst lr;
	_ =	strace $0xD0000000  }
0x3: {  	_ = 	snop  }
0x4: {  	_ = 	snop  }
0x5: {  	_ = 	snop  }
0x6: {  	_ = 	snop  }
0x7: {  	_ = 	snop  }
__scs_overlays_trampoline_lowered:
0x8: {  	[smem:$0x3FA1] =	sst s0  }
0x9: {  	[smem:$0x3FA2] =	sst s1  }
0xa: {  	[smem:$0x3FA3] =	sst s2  }
0xb: {  	[smem:$0x3FA4] =	sst s3  }
0xc: {  	[smem:$0x3FA5] =	sst s4  }
0xd: {  	[smem:$0x3FA6] =	sst s5  }
0xe: {  	[smem:$0x3FA7] =	sst s6  }
0xf: {  	[smem:$0x3FA8] =	sst s7  }
0x10: {  	[smem:$0x3FA9] =	sst s8  }
0x11: {  	[smem:$0x3FAA] =	sst s9;
	s0 =	simm.s32 @!p0 $0x0  }
0x12: {  	s1 =	sld [smem:$0x3F90];
	s0 =	simm.s32 @p0 $0x1  }
0x13: {  	[smem:$0x3FAB] =	sst s0;
	s0 =	simm.s32 @!p1 $0x0  }
0x14: {  	s2 =	sld [smem:$0x3F8F];
	s0 =	simm.s32 @p1 $0x1  }
0x15: {  	[smem:$0x3FAC] =	sst s0;
	s0 =	simm.s32 @!p2 $0x0  }
0x16: {  	s3 =	sld [smem:$0x3FDB];
	s0 =	simm.s32 @p2 $0x1  }
0x17: {  	s4 =	simm.s32 $0x1BF5;
	[smem:$0x3FAE] =	sst s0  }
0x18: {  	s0 =	sld [smem:$0x3F91];
	_ =	swait.ge [sflag:s4], $0x0  }
0x19: {  	s7 =	sld [smem:$0x3F92]  }
0x1a: {  	s8 =	sadd.s32 $0xFFFFE003, lr  }
0x1b: {  	s9 =	sadd.s32 $0xFFFFFEF7, lr;
	s5 =	simm.s32 $0xFFFFFFFF;
	p2 =	slt.u32 s8, $0xFFFFF086  }
0x1c: {  	p1 =	slt.u32 s9, $0xF7A;
	s5 =	simm.s32 @!p2 $0x0  }
0x1d: {  	s5 =	simm.s32 @p1 $0x1;
	p0 =	seq.s32 s7, s2  }
0x1e: {  	s7 =	smul.u32 @!p0 $0xF7A, s2;
	p2 =	seq.s32 @!p0 s5, $0x0  }
0x1f: {  	s9 =	smul.u32 $0xF7A, s1;
	s8 =	simm.s32 @!p0 $0x1BF5;
	p2 =	por !p2, p0  }
0x20: {  	[sflag:s8] =	ssyncset.s32 @!p0 $0xFFFFF086;
	s6 =	sadd.s32 @!p0 s3, s7;
	s7 =	simm.s32 @!p0 $0x108  }
0x21: {  	s3 =	sadd.s32 s3, s9;
	s6 =	sadd.s32 @!p0 $0x88, s6;
	s7 =	simm.s32 @p2 $0x1082  }
0x22: {  	[simem:s7], [sflag:s8] =	dma.local @!p0 [hbm:s6], $0xF7A  }
0x23: {  	s9 =	sor.u32 $0xD0000000, s2;
	s6 =	simm.s32 $0x108;
	_ =	swait.ge @!p0 [sflag:s8], $0x0  }
0x24: {  	s3 =	sadd.s32 $0x88, s3;
	s6 =	simm.s32 @!p1 $0x1082;
	[sflag:s4] =	ssyncset.s32 $0xFFFFF086  }
0x25: {  	[simem:s6], [sflag:s4] =	dma.local [hbm:s3], $0xF7A  }
0x26: {  	[smem:$0x3F92] =	sst s1;
	(tag) =	ssettag s2;
	_ =	strace s9  }
0x27: {  	s1 =	sld [smem:$0x3FA2]  }
0x28: {  	s2 =	sld [smem:$0x3FA3]  }
0x29: {  	s4 =	sld [smem:$0x3FA5]  }
0x2a: {  	p0 =	seq.s32 s5, $0x0;
	s5 =	sld [smem:$0x3FA6]  }
0x2b: {  	s6 =	sld [smem:$0x3FA7]  }
0x2c: {  	s7 =	sld [smem:$0x3FA8]  }
0x2d: {  	s3 =	simm.s32 $0x108;
	s8 =	sld [smem:$0x3FA9]  }
0x2e: {  	s3 =	simm.s32 @!p0 $0x1082;
	s9 =	sld [smem:$0x3FAA]  }
0x2f: {  	lr =	sadd.s32 s0, s3;
	s0 =	sld [smem:$0x3FA1]  }
0x30: {  	s3 =	sld [smem:$0x3FA4]  }
0x31: {  	[smem:$0x3FAD] =	sst s10  }
0x32: {  	s10 =	sld [smem:$0x3FAB];
	_ =	sdelay $0x3  }
0x33: {  	p0 =	seq.s32 s10, $0x1;
	s10 =	sld [smem:$0x3FAD];
	_ =	sdelay $0x3  }
0x34: {  	[smem:$0x3FAD] =	sst s10  }
0x35: {  	s10 =	sld [smem:$0x3FAC];
	_ =	sdelay $0x3  }
0x36: {  	p1 =	seq.s32 s10, $0x1;
	s10 =	sld [smem:$0x3FAD];
	_ =	sdelay $0x3  }
0x37: {  	[smem:$0x3FAD] =	sst s10  }
0x38: {  	s10 =	sld [smem:$0x3FAE]  }
0x39: {  	_ = 	snop;
	(pc) =	sbr.ind lr, $3  }
0x3a: {  	_ = 	snop  }
0x3b: {  	_ = 	snop  }
0x3c: {  	p2 =	seq.s32 s10, $0x1;
	s10 =	sld [smem:$0x3FAD]  }
0x3d: {  	_ =	shalt  }
0x3e: {  	_ =	shalt  }
0x3f: {  	_ =	shalt  }
0x40: {  	_ =	shalt  }
0x41: {  	_ =	shalt  }
0x42: {  	_ =	shalt  }
0x43: {  	_ =	shalt  }
0x44: {  	_ =	shalt  }
0x45: {  	_ =	shalt  }
0x46: {  	_ =	shalt  }
0x47: {  	_ =	shalt  }
0x48: {  	_ =	shalt  }
0x49: {  	_ =	shalt  }
0x4a: {  	_ =	shalt  }
0x4b: {  	_ =	shalt  }
0x4c: {  	_ =	shalt  }
0x4d: {  	_ =	shalt  }
0x4e: {  	_ =	shalt  }
0x4f: {  	_ =	shalt  }
0x50: {  	_ =	shalt  }
0x51: {  	_ =	shalt  }
0x52: {  	_ =	shalt  }
0x53: {  	_ =	shalt  }
0x54: {  	_ =	shalt  }
0x55: {  	_ =	shalt  }
0x56: {  	_ =	shalt  }
0x57: {  	_ =	shalt  }
0x58: {  	_ =	shalt  }
0x59: {  	_ =	shalt  }
0x5a: {  	_ =	shalt  }
0x5b: {  	_ =	shalt  }
0x5c: {  	_ =	shalt  }
0x5d: {  	_ =	shalt  }
0x5e: {  	_ =	shalt  }
0x5f: {  	_ =	shalt  }
0x60: {  	_ =	shalt  }
0x61: {  	_ =	shalt  }
0x62: {  	_ =	shalt  }
0x63: {  	_ =	shalt  }
0x64: {  	_ =	shalt  }
0x65: {  	_ =	shalt  }
0x66: {  	_ =	shalt  }
0x67: {  	_ =	shalt  }
0x68: {  	_ =	shalt  }
0x69: {  	_ =	shalt  }
0x6a: {  	_ =	shalt  }
0x6b: {  	_ =	shalt  }
0x6c: {  	_ =	shalt  }
0x6d: {  	_ =	shalt  }
0x6e: {  	_ =	shalt  }
0x6f: {  	_ =	shalt  }
0x70: {  	_ =	shalt  }
0x71: {  	_ =	shalt  }
0x72: {  	_ =	shalt  }
0x73: {  	_ =	shalt  }
0x74: {  	_ =	shalt  }
0x75: {  	_ =	shalt  }
0x76: {  	_ =	shalt  }
0x77: {  	_ =	shalt  }
0x78: {  	_ =	shalt  }
0x79: {  	_ =	shalt  }
0x7a: {  	_ =	shalt  }
0x7b: {  	_ =	shalt  }
0x7c: {  	_ =	shalt  }
0x7d: {  	_ =	shalt  }
0x7e: {  	_ =	shalt  }
0x7f: {  	_ =	shalt  }
0x80: {  	_ =	shalt  }
0x81: {  	_ =	shalt  }
0x82: {  	_ =	shalt  }
0x83: {  	_ =	shalt  }
0x84: {  	_ =	shalt  }
0x85: {  	_ =	shalt  }
0x86: {  	_ =	shalt  }
0x87: {  	_ =	shalt  }
.Lfunc_end0:
.L_simem_size_0:
called_computation_lowered:
.L_overlay_start_0:
0x88: {  	s2 =	sld [smem:$0x3FD9]  }
0x89: {  	s3 =	sld [smem:$0x3FFE];
	_ =	sdelay $0x1  }
0x8a: {  	s1 =	srdreg.scid  }
0x8b: {  	s0 =	sand.u32 $0x1, s1  }
0x8c: {  	s17 =	sshll.u32 s0, $0xA;
	s2 =	sadd.s32 s3, s2  }
0x8d: {  	s2 =	sadd.s32 s2, s17  }
0x8e: {  	[smem:$0x3FB9] =	sst s2  }
0x8f: {  	_ = 	snop  }
0x90: {  	s2 =	sld [smem:$0x3FD0];
	(tm) =	ssettm $0x1  }
0x91: {  	s18 =	sld [smem:$0x3FFB];
	_ =	sdelay $0x3  }
0x92: {  	_ =	strace s18  }
0x93: {  	s3 =	sld [smem:$0x3FFC];
	_ =	sdelay $0x3  }
0x94: {  	_ =	strace s3  }
0x95: {  	s3 =	sld [smem:$0x3FFD];
	_ =	sdelay $0x3  }
0x96: {  	_ =	strace s3  }
0x97: {  	_ =	strace $0x8FFFFFFF  }
0x98: {  	s19 =	sld [smem:$0x3FDB];
	_ =	sdelay $0x1  }
0x99: {  	s4 =	simm.s32 $_scs_section_size  }
0x9a: {  	s5 =	simm.s32 $_size__tile_overlayer_lowered;
	s6 =	simm.s32 $_tile_overlayer_lowered  }
0x9b: {  	s22 =	simm.s32 $0x1BFF;
	s21 =	sshll.u32 s6, $0x1;
	s3 =	sadd.s32 s4, s19  }
0x9c: {  	s7 =	simm.s32 $0x0;
	s20 =	sshll.u32 s5, $0x1;
	s5 =	sadd.s32 s21, s3  }
0x9d: {  	[timem:s7], [sflag:s22] =	dma.local [hbm:s5], s20  }
0x9e: {  	_ =	swait.ge [sflag:s22], s20  }
0x9f: {  	s4 =	ssub.s32 $0x0, s20;
	[sflag:s22] =	ssyncset.done $0x0  }
0xa0: {  	[sflag:s22] =	ssyncadd.s32 s4;
	_ =	sdelay $0x1  }
0xa1: {  	s23 =	simm.s32 $0x1B8B  }
0xa2: {  	_ =	swait.ge [sflag:s23], $0x1  }
0xa3: {  	[sflag:s23] =	ssyncset.done $0x0  }
0xa4: {  	s25 =	simm.s32 $0x1B8E;
	s24 =	sld [smem:$0x3FFE];
	[sflag:s23] =	ssyncadd.s32 $0xFFFFFFFF  }
0xa5: {  	s26 =	simm.s32 $execute0_lowered;
	[smem:$0x3FD2] =	sst s25  }
0xa6: {  	s5 =	sshll.u32 s26, $0x1;
	_ =	strace $0x80000046;
	[dreg:$0x1] =	wrdreg $0xFFFFFFFF  }
0xa7: {  	s28 =	simm.s32 $_size_execute0_lowered;
	s3 =	sadd.s32 s3, s5;
	[dreg:$0x0] =	wrdreg $0x0  }
0xa8: {  	s5 =	sshll.u32 s28, $0x1;
	[dreg:$0x2] =	wrdreg s3  }
0xa9: {  	[dreg:$0x3] =	wrdreg s5  }
0xaa: {  	[dreg:$0x4] =	wrdreg $0xC0  }
0xab: {  	_ =	task [dreg:s7], $0x5FFFF  }
0xac: {  	[dreg:$0x1] =	wrdreg $0xFFFFFFFF  }
0xad: {  	[dreg:$0x0] =	wrdreg $0x60  }
0xae: {  	[dreg:$0x2] =	wrdreg s24  }
0xaf: {  	[dreg:$0x3] =	wrdreg s2  }
0xb0: {  	[dreg:$0x4] =	wrdreg $0x149000  }
0xb1: {  	[dreg:$0x5] =	wrdreg $0x1ED000  }
0xb2: {  	[dreg:$0x6] =	wrdreg $0x9  }
0xb3: {  	_ =	task.clear_ibuf [dreg:s7], $0x7FFFF;
	_ =	strace $0x90000046  }
0xb4: {  	s29 =	simm.s32 $0x9;
	_ =	strace $0x80000048  }
0xb5: {  	_ =	swait.ge [sflag:s29], $0x1  }
0xb6: {  	[sflag:s29] =	ssyncadd.s32 $0xFFFFFFFF  }
0xb7: {  	_ =	strace $0x90000048  }
0xb8: {  	_ =	sfence  }
0xb9: {  	s30 =	sld [smem:$0x0];
	_ =	sdelay $0x2  }
0xba: {  	s31 =	sshll.u32 s1, $0xD;
	s1 =	sshrl.u32 s1, $0x2  }
0xbb: {  	s3 =	sand.u32 $0x4000, s31;
	s1 =	sadd.s32 s1, s30  }
0xbc: {  	s0 =	sor.u32 s3, s0;
	s1 =	sshll.u32 s1, $0x11  }
0xbd: {  	s0 =	sor.u32 s1, s0  }
0xbe: {  	s0 =	sadd.s32 $0x8F2B, s0  }
0xbf: {  	[sflag:s0] =	ssyncadd.remote.s32 $0x1  }
0xc0: {  	_ =	sfence.sel $0xFFFF  }
0xc1: {  	[dreg:$0x0] =	wrdreg $0xFFFFFFFF;
	(pc) =	sbr.abs _section_cstart, $3  }
0xc2: {  	[dreg:$0x1] =	wrdreg $0xFFFFFFFF  }
0xc3: {  	_ =	task.clear_ibuf [dreg:s7], $0x2FFFF;
	_ =	strace $0x9FFFFFFF  }
0xc4: {  	(tm) =	ssettm $0x7FFFFFFF  }
0xc5: {  	_ =	shalt  }
tec
execute0_lowered:
.L_overlay_start_1:
0x0: {  	(tag) =	ssettag $0x1  }
0x1: {  	s0 =	rddreg [dreg:$0x0]  }
0x2: {  	s31 =	rddreg [dreg:$0x1]  }
0x3: {  	s5 =	rddreg [dreg:$0x2]  }
0x4: {  	s3 =	rddreg [dreg:$0x3]  }
0x5: {  	s1 =	srdreg.scid;
	s7 =	simm.s32 $0x0;
	s4 =	stileid.u32  }
0x6: {  	s1 =	sand.u32 $0x1, s1;
	[smem:$0x7FF] =	sst s7;
	s10 =	smul.u32 $0x1400, s4  }
0x7: {  	s6 =	sadd.s32 $0x52A00, s0;
	s12 =	sadd.s32 $0x7AA00, s0;
	s11 =	smul.u32 $0x5000, s4  }
0x8: {  	s2 =	smul.u32 $0x14000, s1;
	_ =	strace $0x80000047;
	[dreg:$0x5] =	wrdreg s6  }
0x9: {  	s13 =	sadd.s32 $0xA2A00, s0;
	s8 =	smul.u32 $0x1400, s1;
	[dreg:$0x6] =	wrdreg s12  }
0xa: {  	s14 =	sadd.s32 $0x2A00, s0;
	[dreg:$0x7] =	wrdreg s13;
	s12 =	smul.u32 $0x2800, s4  }
0xb: {  	s1 =	ssub.s32 $0x2, s1;
	s13 =	smul.u32 $0x28000, s4;
	[dreg:$0x8] =	wrdreg s14  }
0xc: {  	s15 =	sshrl.u32 s1, $0x1;
	s16 =	sadd.s32 s31, s10;
	s17 =	sadd.s32 s14, s11  }
0xd: {  	s0 =	sadd.s32 s2, s0;
	[dreg:$0x9] =	wrdreg s16;
	s18 =	sshrl.u32 s12, $0x2  }
0xe: {  	s1 =	ssub.s32 s1, s15;
	[dreg:$0xa] =	wrdreg s17;
	s2 =	sadd.s32 s18, s3  }
0xf: {  	s19 =	sshrl.u32 s13, $0x2;
	s1 =	smax.u32 s1, $0x1;
	[dreg:$0xb] =	wrdreg s2  }
0x10: {  	s20 =	sadd.s32 s19, s5;
	[dreg:$0xe] =	wrdreg s1  }
0x11: {  	s14 =	sadd.s32 $0xCAA00, s0;
	[dreg:$0xd] =	wrdreg s20  }
0x12: {  	s21 =	sadd.s32 $0x1000, s20;
	[dreg:$0xc] =	wrdreg s14  }
0x13: {  	s29 =	simm.s32 $0x40;
	s22 =	sadd.s32 $0x2000, s20;
	[dreg:$0xf] =	wrdreg s21  }
0x14: {  	s9 =	smul.u32 $0x140, s4;
	s23 =	sadd.s32 $0x3000, s20;
	[dreg:$0x10] =	wrdreg s22  }
0x15: {  	v1 =	vimm.f32 $0.0e+00;
	v2 =	vimm.s32 $0xF;
	vm0 =	vmmov $0x1;
	p0 =	sne.s32 s4, $0x0;
	s24 =	sadd.s32 $0x4000, s20;
	[dreg:$0x11] =	wrdreg s23  }
0x16: {  	vm1 =	vcmask $0x320;
	vm2 =	vcmask $0x720;
	vm3 =	vcmask $0xB20;
	s15 =	simm.s32 $0x1;
	s25 =	sadd.s32 $0x5000, s20;
	[dreg:$0x12] =	wrdreg s24  }
0x17: {  	vm4 =	vcmask $0xF20;
	vm5 =	vcmask $0x1320;
	vm6 =	vcmask $0x1720;
	s16 =	simm.s32 $0x8380;
	s26 =	sadd.s32 $0x6000, s20;
	[dreg:$0x13] =	wrdreg s25  }
0x18: {  	vm7 =	vcmask $0x1B20;
	v4 =	vlaneseq.u32;
	v5 =	vimm.s32 $0x0;
	s19 =	simm.s32 $0x2;
	s28 =	sadd.s32 $0x7000, s20;
	[dreg:$0x14] =	wrdreg s26  }
0x19: {  	v62 =	vimm.s32 $0x1;
	v6 =	vimm.s32 $0x2;
	v0 =	vmov s8;
	s30 =	sadd.s32 $0x8000, s20;
	s0 =	sadd.s32 $0x9000, s20;
	[dreg:$0x15] =	wrdreg s28  }
0x1a: {  	v7 =	vimm.s32 $0x3;
	v8 =	vimm.s32 $0x4;
	[tilespmem:$0x1FFE0] =	vst v0;
	v0 =	vor.u32 $0x1F80, v4;
	s20 =	simm.s32 $0x12800;
	s1 =	simm.s32 $0x0;
	[dreg:$0x16] =	wrdreg s30  }
0x1b: {  	v9 =	vimm.s32 $0x5;
	v10 =	vimm.s32 $0x6;
	v11 =	vimm.s32 $0x7;
	[tilespmem:$0x1FFF0] =	vst v0;
	[dreg:$0x17] =	wrdreg s0;
	s25 =	simm.s32 $0x6300;
	s26 =	simm.s32 $0x7  }
.LBB2_1:
0x1c: {  	[dreg:$0x18] =	wrdreg s1;
	s0 =	simm.s32 $0x0;
	s1 =	simm.s32 $0x200  }
.LBB2_2:
0x1d: {  	p1 =	sne.s32 s1, $0x7E00;
	[tilespmem:s0+$0x12870] =	vst v1  }
0x1e: {  	[tilespmem:s0+$0x6300] =	vst v1  }
0x1f: {  	[tilespmem:s0+$0x8380] =	vst v1  }
0x20: {  	[tilespmem:s0+$0x12800] =	vst v1  }
0x21: {  	[tilespmem:s0+$0x6310] =	vst v1  }
0x22: {  	[tilespmem:s0+$0x8390] =	vst v1  }
0x23: {  	[tilespmem:s0+$0x12810] =	vst v1  }
0x24: {  	[tilespmem:s0+$0x6320] =	vst v1  }
0x25: {  	[tilespmem:s0+$0x83A0] =	vst v1  }
0x26: {  	[tilespmem:s0+$0x12820] =	vst v1  }
0x27: {  	[tilespmem:s0+$0x6330] =	vst v1  }
0x28: {  	[tilespmem:s0+$0x83B0] =	vst v1  }
0x29: {  	[tilespmem:s0+$0x12830] =	vst v1  }
0x2a: {  	[tilespmem:s0+$0x6340] =	vst v1  }
0x2b: {  	[tilespmem:s0+$0x83C0] =	vst v1  }
0x2c: {  	[tilespmem:s0+$0x12840] =	vst v1  }
0x2d: {  	[tilespmem:s0+$0x6350] =	vst v1  }
0x2e: {  	[tilespmem:s0+$0x83D0] =	vst v1  }
0x2f: {  	[tilespmem:s0+$0x12850] =	vst v1  }
.Ltmp0:
0x30: {  	[tilespmem:s0+$0x6360] =	vst v1;
	(pc) =	sbr.rel @p1 .LBB2_2-.Ltmp0, $4  }
0x31: {  	[tilespmem:s0+$0x83E0] =	vst v1  }
0x32: {  	[tilespmem:s0+$0x12860] =	vst v1  }
0x33: {  	[tilespmem:s0+$0x6370] =	vst v1  }
0x34: {  	[tilespmem:s0+$0x83F0] =	vst v1;
	s0 =	sshra.s32 s1, $0x2;
	s1 =	sadd.s32 $0x200, s1  }
0x35: {  	[tilespmem:s0+$0x12870] =	vst v1  }
0x36: {  	[tilespmem:s0+$0x6300] =	vst v1  }
0x37: {  	[tilespmem:s0+$0x8380] =	vst v1  }
0x38: {  	[tilespmem:s0+$0x12800] =	vst v1  }
0x39: {  	[tilespmem:s0+$0x6310] =	vst v1  }
0x3a: {  	[tilespmem:s0+$0x8390] =	vst v1  }
0x3b: {  	[tilespmem:s0+$0x12810] =	vst v1  }
0x3c: {  	[tilespmem:s0+$0x6320] =	vst v1  }
0x3d: {  	[tilespmem:s0+$0x83A0] =	vst v1  }
0x3e: {  	[tilespmem:s0+$0x12820] =	vst v1  }
0x3f: {  	[tilespmem:s0+$0x6330] =	vst v1  }
0x40: {  	[tilespmem:s0+$0x83B0] =	vst v1  }
0x41: {  	[tilespmem:s0+$0x12830] =	vst v1  }
0x42: {  	[tilespmem:s0+$0x6340] =	vst v1  }
0x43: {  	[tilespmem:s0+$0x83C0] =	vst v1  }
0x44: {  	[tilespmem:s0+$0x12840] =	vst v1  }
0x45: {  	[tilespmem:s0+$0x6350] =	vst v1  }
0x46: {  	[tilespmem:s0+$0x83D0] =	vst v1  }
0x47: {  	[tilespmem:s0+$0x12850] =	vst v1  }
0x48: {  	[tilespmem:s0+$0x6360] =	vst v1  }
0x49: {  	[tilespmem:s0+$0x83E0] =	vst v1  }
0x4a: {  	[tilespmem:s0+$0x12860] =	vst v1  }
0x4b: {  	[tilespmem:s0+$0x6370] =	vst v1  }
0x4c: {  	[tilespmem:s0+$0x83F0] =	vst v1;
	s13 =	rddreg [dreg:$0xd]  }
0x4d: {  	[spmem:s13] =	stream.linear.scatter [tilespmem:s25], [sflag:$0x7], $0x1000, $0x38;
	[tilespmem:$0x1F740] =	vst v63  }
0x4e: {  	_ =	swait.ge [sflag:s26], $0x1000  }
0x4f: {  	[sflag:s26] =	ssyncset.done $0x0  }
0x50: {  	s14 =	rddreg [dreg:$0xf];
	[sflag:s26] =	ssyncadd.s32 $0xFFFFF000  }
0x51: {  	[spmem:s14] =	stream.linear.scatter [tilespmem:s25], [sflag:$0x7], $0x1000, $0x38;
	[tilespmem:$0x1F740] =	vst v63  }
0x52: {  	_ =	swait.ge [sflag:s26], $0x1000  }
0x53: {  	[sflag:s26] =	ssyncset.done $0x0  }
0x54: {  	s17 =	rddreg [dreg:$0x10];
	[sflag:s26] =	ssyncadd.s32 $0xFFFFF000  }
0x55: {  	[spmem:s17] =	stream.linear.scatter [tilespmem:s25], [sflag:$0x7], $0x1000, $0x38;
	[tilespmem:$0x1F740] =	vst v63  }
0x56: {  	_ =	swait.ge [sflag:s26], $0x1000  }
0x57: {  	[sflag:s26] =	ssyncset.done $0x0  }
0x58: {  	s18 =	rddreg [dreg:$0x11];
	[sflag:s26] =	ssyncadd.s32 $0xFFFFF000  }
0x59: {  	[spmem:s18] =	stream.linear.scatter [tilespmem:s25], [sflag:$0x7], $0x1000, $0x38;
	[tilespmem:$0x1F740] =	vst v63  }
0x5a: {  	_ =	swait.ge [sflag:s26], $0x1000  }
0x5b: {  	[sflag:s26] =	ssyncset.done $0x0  }
0x5c: {  	s21 =	rddreg [dreg:$0x12];
	[sflag:s26] =	ssyncadd.s32 $0xFFFFF000  }
0x5d: {  	[spmem:s21] =	stream.linear.scatter [tilespmem:s25], [sflag:$0x7], $0x1000, $0x38;
	[tilespmem:$0x1F740] =	vst v63  }
0x5e: {  	_ =	swait.ge [sflag:s26], $0x1000  }
0x5f: {  	[sflag:s26] =	ssyncset.done $0x0  }
0x60: {  	s22 =	rddreg [dreg:$0x13];
	[sflag:s26] =	ssyncadd.s32 $0xFFFFF000  }
0x61: {  	[spmem:s22] =	stream.linear.scatter [tilespmem:s25], [sflag:$0x7], $0x1000, $0x38;
	[tilespmem:$0x1F740] =	vst v63  }
0x62: {  	_ =	swait.ge [sflag:s26], $0x1000  }
0x63: {  	[sflag:s26] =	ssyncset.done $0x0  }
0x64: {  	s23 =	rddreg [dreg:$0x14];
	[sflag:s26] =	ssyncadd.s32 $0xFFFFF000  }
0x65: {  	[spmem:s23] =	stream.linear.scatter [tilespmem:s25], [sflag:$0x7], $0x1000, $0x38;
	[tilespmem:$0x1F740] =	vst v63  }
0x66: {  	_ =	swait.ge [sflag:s26], $0x1000  }
0x67: {  	[sflag:s26] =	ssyncset.done $0x0  }
0x68: {  	s24 =	rddreg [dreg:$0x15];
	[sflag:s26] =	ssyncadd.s32 $0xFFFFF000  }
0x69: {  	[spmem:s24] =	stream.linear.scatter [tilespmem:s25], [sflag:$0x7], $0x1000, $0x38;
	[tilespmem:$0x1F740] =	vst v63  }
0x6a: {  	_ =	swait.ge [sflag:s26], $0x1000  }
0x6b: {  	[sflag:s26] =	ssyncset.done $0x0  }
0x6c: {  	s28 =	rddreg [dreg:$0x16];
	[sflag:s26] =	ssyncadd.s32 $0xFFFFF000  }
0x6d: {  	[spmem:s28] =	stream.linear.scatter [tilespmem:s25], [sflag:$0x7], $0x1000, $0x38;
	[tilespmem:$0x1F740] =	vst v63  }
0x6e: {  	_ =	swait.ge [sflag:s26], $0x1000  }
0x6f: {  	[sflag:s26] =	ssyncset.done $0x0  }
.Ltmp1:
0x70: {  	s30 =	rddreg [dreg:$0x17];
	[sflag:s26] =	ssyncadd.s32 $0xFFFFF000;
	(pc) =	sbr.rel @p0 .LBB2_7-.Ltmp1, $4  }
0x71: {  	[spmem:s30] =	stream.linear.scatter [tilespmem:s25], [sflag:$0x7], $0x1000, $0x38;
	[tilespmem:$0x1F740] =	vst v63  }
0x72: {  	_ =	swait.ge [sflag:s26], $0x1000  }
0x73: {  	[sflag:s26] =	ssyncset.done $0x0  }
0x74: {  	[sflag:s26] =	ssyncadd.s32 $0xFFFFF000  }
0x75: {  	s0 =	sadd.s32 $0x0, s3  }
0x76: {  	[spmem:s0] =	stream.linear.scatter [tilespmem:s25], [sflag:$0x7], $0x400, $0x38;
	[tilespmem:$0x1F740] =	vst v63  }
0x77: {  	s0 =	simm.s32 $0x1000;
	_ =	swait.ge [sflag:s26], $0x400  }
.LBB2_5:
0x78: {  	s1 =	sshra.s32 s0, $0x2;
	[sflag:s26] =	ssyncset.done $0x0;
	p1 =	sne.s32 s0, $0x28000  }
.Ltmp2:
0x79: {  	s1 =	sadd.s32 s1, s3;
	[sflag:s26] =	ssyncadd.s32 $0xFFFFFC00;
	(pc) =	sbr.rel @p1 .LBB2_5-.Ltmp2, $3  }
0x7a: {  	[spmem:s1] =	stream.linear.scatter [tilespmem:s25], [sflag:$0x7], $0x400, $0x38;
	[tilespmem:$0x1F740] =	vst v63  }
0x7b: {  	s0 =	sadd.s32 $0x1000, s0;
	_ =	sdelay $0x1  }
0x7c: {  	_ =	swait.ge [sflag:s26], $0x400  }
0x7d: {  	[sflag:s26] =	ssyncset.done $0x0  }
0x7e: {  	[sflag:s26] =	ssyncadd.s32 $0xFFFFFC00  }
.LBB2_7:
0x7f: {  	[bflag:$0x0] =	sbarrier.arrive $0xFFFF  }
0x80: {  	s30 =	simm.s32 $0x0;
	s1 =	simm.s32 $0x6280;
	s0 =	rddreg [dreg:$0x9]  }
0x81: {  	[tilespmem:s1], [sflag:$0x7] =	stream.linear.gather [hbm4b:s0+s30], $0x80, $0x38;
	[tilespmem:$0x1F740] =	vst v63  }
0x82: {  	_ =	swait.ge [sflag:s26], $0x80  }
0x83: {  	[sflag:s26] =	ssyncset.done $0x0  }
0x84: {  	s2 =	simm.s32 $0x62C0;
	s17 =	rddreg [dreg:$0x5];
	[sflag:s26] =	ssyncadd.s32 $0xFFFFFF80  }
0x85: {  	[tilespmem:s30], [sflag:$0x1] =	stream.indirect.gather [hbm4b:s17+s29], $0x80, s2, s29, $0xb8;
	[tilespmem:$0x1F740] =	vst v63  }
0x86: {  	s21 =	simm.s32 $0x2000;
	s18 =	rddreg [dreg:$0x6]  }
0x87: {  	[tilespmem:s21], [sflag:$0x1] =	stream.indirect.gather [hbm4b:s18+s29], $0x80, s1, s29, $0xb8;
	[tilespmem:$0x1F740] =	vst v63  }
0x88: {  	s23 =	simm.s32 $0x4000;
	s22 =	rddreg [dreg:$0x7]  }
0x89: {  	[tilespmem:s23], [sflag:$0x1] =	stream.indirect.gather [hbm4b:s22+s29], $0x80, s1, s29, $0xb8;
	[tilespmem:$0x1F740] =	vst v63  }
0x8a: {  	s28 =	simm.s32 $0x6000;
	s24 =	rddreg [dreg:$0xa]  }
0x8b: {  	[tilespmem:s28], [sflag:$0x1] =	stream.linear.gather [hbm4b:s24+s30], $0x200, $0x38;
	[tilespmem:$0x1F740] =	vst v63  }
.LBB2_8:
0x8c: {  	s0 =	sshllo.u32 s30, $0x1  }
0x8d: {  	s1 =	sadd.s32 s9, s0;
	s0 =	sshll.u32 s0, $0x4  }
0x8e: {  	s2 =	sshll.u32 s1, $0x4;
	s0 =	sand.u32 $0x70, s0  }
0x8f: {  	s2 =	sand.u32 $0x3FF80, s2;
	s0 =	sadd.s32 s31, s0  }
0x90: {  	s13 =	simm.s32 $0x10700;
	s0 =	sadd.s32 s2, s0  }
0x91: {  	[tilespmem:s13], [sflag:$0x7] =	stream.linear.gather [hbm4b:s0+s7], $0x80, $0x38;
	[tilespmem:$0x1F740] =	vst v63  }
0x92: {  	_ =	swait.ge [sflag:s26], $0x80  }
0x93: {  	s4 =	simm.s32 $0x10740;
	[sflag:s26] =	ssyncset.done $0x0;
	s14 =	rddreg [dreg:$0x5]  }
0x94: {  	s5 =	simm.s32 $0xA480;
	s17 =	rddreg [dreg:$0x6];
	[sflag:s26] =	ssyncadd.s32 $0xFFFFFF80  }
0x95: {  	[tilespmem:s5], [sflag:$0x2] =	stream.indirect.gather [hbm4b:s14+s29], $0x80, s4, s29, $0xb8;
	[tilespmem:$0x1F740] =	vst v63  }
0x96: {  	s18 =	simm.s32 $0xC480;
	s21 =	rddreg [dreg:$0x7]  }
0x97: {  	[tilespmem:s18], [sflag:$0x2] =	stream.indirect.gather [hbm4b:s17+s29], $0x80, s13, s29, $0xb8;
	[tilespmem:$0x1F740] =	vst v63  }
0x98: {  	s22 =	simm.s32 $0xE480;
	s23 =	sshll.u32 s1, $0x6;
	s24 =	rddreg [dreg:$0x8]  }
0x99: {  	[tilespmem:s22], [sflag:$0x2] =	stream.indirect.gather [hbm4b:s21+s29], $0x80, s13, s29, $0xb8;
	[tilespmem:$0x1F740] =	vst v63  }
0x9a: {  	s28 =	simm.s32 $0x10480;
	s0 =	sadd.s32 s24, s23  }
0x9b: {  	[tilespmem:s28], [sflag:$0x2] =	stream.linear.gather [hbm4b:s0+s7], $0x200, $0x38;
	[tilespmem:$0x1F740] =	vst v63  }
0x9c: {  	_ =	swait.ge [sflag:s15], $0x2000  }
0x9d: {  	[sflag:s15] =	ssyncset.done $0x0  }
0x9e: {  	[sflag:s15] =	ssyncadd.s32 $0xFFFFE000  }
0x9f: {  	_ =	swait.ge [sflag:s15], $0x2000  }
0xa0: {  	[sflag:s15] =	ssyncset.done $0x0  }
0xa1: {  	[sflag:s15] =	ssyncadd.s32 $0xFFFFE000  }
0xa2: {  	p1 =	seq.s32 s30, $0x0;
	_ =	swait.ge [sflag:s15], $0x2000  }
.Ltmp3:
0xa3: {  	[sflag:s15] =	ssyncset.done $0x0;
	(pc) =	sbr.rel @p1 .LBB2_12-.Ltmp3, $4  }
0xa4: {  	[sflag:s15] =	ssyncadd.s32 $0xFFFFE000  }
0xa5: {  	_ =	swait.ge [sflag:s15], $0x200  }
0xa6: {  	[sflag:s15] =	ssyncset.done $0x0  }
0xa7: {  	[sflag:s15] =	ssyncadd.s32 $0xFFFFFE00  }
0xa8: {  	s0 =	simm.s32 $0x3  }
0xa9: {  	_ =	swait.ge [sflag:s0], $0x2000  }
0xaa: {  	[sflag:s0] =	ssyncset.done $0x0  }
0xab: {  	s28 =	simm.s32 $0x5;
	[sflag:s0] =	ssyncadd.s32 $0xFFFFE000  }
0xac: {  	_ =	swait.ge [sflag:s28], $0x2000  }
0xad: {  	[sflag:s28] =	ssyncset.done $0x0  }
0xae: {  	s0 =	simm.s32 $0xA400;
	[sflag:s28] =	ssyncadd.s32 $0xFFFFE000  }
0xaf: {  	v15 =	vld [tilespmem:s0+$0x0]  }
0xb0: {  	s1 =	simm.s32 $0x0  }
0xb1: {  	v14 =	vmul.u32 $0x80, v4;
	v13 =	vmov s1  }
0xb2: {  	v13 =	vshll.u32 v13, $0x7  }
0xb3: {  	v13 =	vor.u32 v14, v13  }
0xb4: {  	v19 =	vand.u32 $0x7F, v15;
	v17 =	vadd.s32 $0x4, v15;
	v16 =	vadd.s32 $0x6, v15  }
0xb5: {  	v18 =	vadd.s32 $0x1, v15;
	v20 =	vadd.s32 $0x2, v15;
	v21 =	vadd.s32 $0x5, v15  }
0xb6: {  	v25 =	vand.u32 $0xFFFFFF80, v15;
	v23 =	vand.u32 $0xFFFFFF80, v18;
	v22 =	vand.u32 $0xFFFFFF80, v21  }
0xb7: {  	v21 =	vand.u32 $0x7F, v21;
	v24 =	vand.u32 $0x7F, v18;
	v18 =	vand.u32 $0xFFFFFF80, v20  }
0xb8: {  	v20 =	vand.u32 $0x7F, v20;
	v25 =	vadd.s32 v13, v25;
	v18 =	vadd.s32 v13, v18  }
0xb9: {  	v22 =	vadd.s32 v13, v22;
	v23 =	vadd.s32 v13, v23;
	v18 =	vor.u32 v20, v18  }
0xba: {  	s1 =	simm.s32 $0x10;
	v20 =	vor.u32 v19, v25;
	v19 =	vor.u32 v24, v23;
	v23 =	vadd.s32 $0x3, v15  }
.LBB2_10:
0xbb: {  	p2 =	sne.s32 s1, $0x30  }
0xbc: {  	v24 =	vand.u32 $0xFFFFFF80, v23;
	v25 =	vand.u32 $0xFFFFFF80, v17;
	v21 =	vor.u32 v21, v22;
	s0 =	sadd.s32 $0x10, s0;
	s2 =	smov.u32 s1;
	s1 =	sadd.s32 $0x10, s1  }
0xbd: {  	v22 =	vand.u32 $0x7F, v23;
	v23 =	vadd.s32 v13, v24;
	v24 =	vadd.s32 v13, v25  }
0xbe: {  	v17 =	vand.u32 $0x7F, v17;
	v22 =	vor.u32 v22, v23;
	v23 =	vand.u32 $0xFFFFFF80, v16  }
0xbf: {  	v15 =	vadd.s32 $0x7, v15;
	v17 =	vor.u32 v17, v24;
	v23 =	vadd.s32 v13, v23  }
0xc0: {  	v16 =	vand.u32 $0x7F, v16;
	[tilespmem:v20+s16+$0x0] =	vst.idx.msk $0xffff, v1;
	v20 =	vand.u32 $0xFFFFFF80, v15  }
0xc1: {  	v16 =	vor.u32 v16, v23;
	v15 =	vand.u32 $0x7F, v15;
	[tilespmem:v19+s16+$0x0] =	vst.idx.msk $0xffff, v1;
	v13 =	vadd.s32 v13, v20  }
0xc2: {  	[tilespmem:v18+s16+$0x0] =	vst.idx.msk $0xffff, v1;
	v15 =	vor.u32 v15, v13  }
0xc3: {  	[tilespmem:v22+s16+$0x0] =	vst.idx.msk $0xffff, v1  }
0xc4: {  	v13 =	vmov s2;
	[tilespmem:v17+s16+$0x0] =	vst.idx.msk $0xffff, v1  }
0xc5: {  	v13 =	vshll.u32 v13, $0x7;
	[tilespmem:v21+s16+$0x0] =	vst.idx.msk $0xffff, v1  }
0xc6: {  	[tilespmem:v16+s16+$0x0] =	vst.idx.msk $0xffff, v1  }
0xc7: {  	v13 =	vor.u32 v14, v13;
	[tilespmem:v15+s16+$0x0] =	vst.idx.msk $0xffff, v1  }
0xc8: {  	v15 =	vld [tilespmem:s0+$0x0];
	_ =	sdelay $0x4  }
0xc9: {  	v19 =	vand.u32 $0x7F, v15;
	v17 =	vadd.s32 $0x4, v15;
	v16 =	vadd.s32 $0x6, v15  }
0xca: {  	v18 =	vadd.s32 $0x1, v15;
	v20 =	vadd.s32 $0x2, v15;
	v21 =	vadd.s32 $0x5, v15  }
.Ltmp4:
0xcb: {  	v23 =	vand.u32 $0xFFFFFF80, v18;
	v22 =	vand.u32 $0xFFFFFF80, v21;
	v21 =	vand.u32 $0x7F, v21;
	(pc) =	sbr.rel @p2 .LBB2_10-.Ltmp4, $4  }
0xcc: {  	v24 =	vand.u32 $0x7F, v18;
	v18 =	vand.u32 $0xFFFFFF80, v20;
	v20 =	vand.u32 $0x7F, v20  }
0xcd: {  	v25 =	vand.u32 $0xFFFFFF80, v15;
	v18 =	vadd.s32 v13, v18;
	v22 =	vadd.s32 v13, v22  }
0xce: {  	v25 =	vadd.s32 v13, v25;
	v23 =	vadd.s32 v13, v23;
	v18 =	vor.u32 v20, v18  }
0xcf: {  	v20 =	vor.u32 v19, v25;
	v19 =	vor.u32 v24, v23;
	v23 =	vadd.s32 $0x3, v15  }
0xd0: {  	v14 =	vand.u32 $0xFFFFFF80, v23;
	v24 =	vand.u32 $0xFFFFFF80, v17  }
0xd1: {  	v21 =	vor.u32 v21, v22;
	v56 =	vand.u32 $0x7F, v23;
	v14 =	vadd.s32 v13, v14  }
0xd2: {  	v58 =	vand.u32 $0x7F, v17;
	v57 =	vadd.s32 v13, v24;
	v14 =	vor.u32 v56, v14  }
0xd3: {  	v59 =	vand.u32 $0xFFFFFF80, v16;
	v15 =	vadd.s32 $0x7, v15;
	v17 =	vor.u32 v58, v57  }
0xd4: {  	[tilespmem:v20+s16+$0x0] =	vst.idx.msk $0xffff, v1;
	v60 =	vand.u32 $0x7F, v16;
	v22 =	vadd.s32 v13, v59;
	v61 =	vand.u32 $0xFFFFFF80, v15  }
0xd5: {  	[tilespmem:v19+s16+$0x0] =	vst.idx.msk $0xffff, v1;
	v15 =	vand.u32 $0x7F, v15;
	v16 =	vor.u32 v60, v22;
	v63 =	vadd.s32 v13, v61  }
0xd6: {  	[tilespmem:v18+s16+$0x0] =	vst.idx.msk $0xffff, v1;
	v13 =	vor.u32 v15, v63  }
0xd7: {  	[tilespmem:v14+s16+$0x0] =	vst.idx.msk $0xffff, v1  }
0xd8: {  	[tilespmem:v17+s16+$0x0] =	vst.idx.msk $0xffff, v1  }
0xd9: {  	[tilespmem:v21+s16+$0x0] =	vst.idx.msk $0xffff, v1  }
0xda: {  	[tilespmem:v16+s16+$0x0] =	vst.idx.msk $0xffff, v1  }
0xdb: {  	[tilespmem:v13+s16+$0x0] =	vst.idx.msk $0xffff, v1  }
.LBB2_12:
0xdc: {  	v13 =	vld [tilespmem:$0x62C0]  }
0xdd: {  	v0 =	vld [tilespmem:$0x1FFE0];
	_ =	sdelay $0x2  }
0xde: {  	v14 =	vld [tilespmem:$0x62D0];
	_ =	sdelay $0x1  }
0xdf: {  	v15 =	vsub.s32 v13, v0  }
0xe0: {  	v16 =	vld [tilespmem:$0x62E0];
	v15 =	vmin.u32 v15, $0x1400  }
0xe1: {  	v13 =	vshll.u32 v13, $0x3;
	[tilespmem:$0x8300] =	vst v15;
	v15 =	vshrl.u32 v15, $0x4  }
0xe2: {  	v13 =	vand.u32 $0x78, v13;
	[tilespmem:$0xA380] =	vst v15;
	v15 =	vsub.s32 v14, v0  }
0xe3: {  	[tilespmem:$0xA400] =	vst v13;
	v13 =	vmin.u32 v15, $0x1400;
	v15 =	vld [tilespmem:$0x62F0]  }
0xe4: {  	v14 =	vshll.u32 v14, $0x3;
	[tilespmem:$0x8310] =	vst v13;
	v13 =	vshrl.u32 v13, $0x4  }
0xe5: {  	[tilespmem:$0xA390] =	vst v13;
	v13 =	vand.u32 $0x78, v14;
	v14 =	vsub.s32 v16, v0  }
0xe6: {  	[tilespmem:$0xA410] =	vst v13;
	v13 =	vmin.u32 v14, $0x1400  }
0xe7: {  	v14 =	vshll.u32 v16, $0x3;
	[tilespmem:$0x8320] =	vst v13;
	v13 =	vshrl.u32 v13, $0x4  }
0xe8: {  	[tilespmem:$0xA3A0] =	vst v13;
	v13 =	vand.u32 $0x78, v14;
	v14 =	vsub.s32 v15, v0  }
0xe9: {  	[tilespmem:$0xA420] =	vst v13;
	v13 =	vmin.u32 v14, $0x1400  }
0xea: {  	v14 =	vshll.u32 v15, $0x3;
	[tilespmem:$0x8330] =	vst v13;
	v13 =	vshrl.u32 v13, $0x4  }
0xeb: {  	[tilespmem:$0xA3B0] =	vst v13;
	v13 =	vand.u32 $0x78, v14  }
0xec: {  	s0 =	simm.s32 $0xC0;
	[tilespmem:$0xA430] =	vst v13  }
0xed: {  	s1 =	simm.s32 $0x20C0;
	v13 =	vld [tilespmem:s0+$0xB0]  }
0xee: {  	v14 =	vld [tilespmem:s1+$0xB0]  }
0xef: {  	v15 =	vld [tilespmem:s0+$0x90]  }
0xf0: {  	v16 =	vld [tilespmem:s1+$0x90]  }
0xf1: {  	v17 =	vld [tilespmem:s0+$0x80]  }
0xf2: {  	v18 =	vld [tilespmem:s1+$0x80]  }
0xf3: {  	v19 =	vld [tilespmem:s0+$0x60]  }
0xf4: {  	v20 =	vld [tilespmem:s1+$0x60]  }
0xf5: {  	v21 =	vld [tilespmem:s0+$0x50]  }
0xf6: {  	v22 =	vld [tilespmem:s1+$0x50]  }
0xf7: {  	v23 =	vld [tilespmem:s0+$0x40]  }
0xf8: {  	v13 =	vmul.f32 v14, v13;
	v14 =	vld [tilespmem:s1+$0x40]  }
0xf9: {  	v15 =	vmul.f32 v16, v15  }
0xfa: {  	v16 =	vld [tilespmem:s0+$0x70];
	(xrf2) =	vadd.scan.msk.f32 $0xffff, v13;
	v13 =	vmul.f32 v18, v17  }
0xfb: {  	v17 =	vld [tilespmem:s1+$0x70];
	(xrf2) =	vadd.scan.msk.f32 $0xffff, v15;
	v15 =	vmul.f32 v20, v19  }
0xfc: {  	(xrf2) =	vadd.scan.msk.f32 $0xffff, v13;
	v13 =	vmul.f32 v22, v21  }
0xfd: {  	(xrf2) =	vadd.scan.msk.f32 $0xffff, v15;
	v14 =	vmul.f32 v14, v23  }
0xfe: {  	(xrf2) =	vadd.scan.msk.f32 $0xffff, v13  }
0xff: {  	v15 =	vld [tilespmem:s0+$0xA0];
	(xrf2) =	vadd.scan.msk.f32 $0xffff, v14  }
0x100: {  	v13 =	vld [tilespmem:s1+$0xA0];
	v14 =	vmul.f32 v17, v16;
	_ =	sdelay $0x1  }
0x101: {  	(xrf2) =	vadd.scan.msk.f32 $0xffff, v14;
	_ =	sdelay $0x1  }
0x102: {  	v18, _, _ =	vpop (xrf2)  }
0x103: {  	v13 =	vmul.f32 v13, v15;
	v19, _, _ =	vpop (xrf2)  }
0x104: {  	v21, _, _ =	vpop (xrf2)  }
0x105: {  	(xrf2) =	vadd.scan.msk.f32 $0xffff, v13;
	v23, _, _ =	vpop (xrf2)  }
0x106: {  	v25, _, _ =	vpop (xrf2)  }
0x107: {  	v24 =	vld [tilespmem:s1+$0xFFFFFFD0];
	v27, _, _ =	vpop (xrf2)  }
0x108: {  	v26 =	vld [tilespmem:s0+$0xFFFFFF60];
	v27 =	vperm.xlane v27, v2  }
0x109: {  	v20 =	vld [tilespmem:s0+$0xFFFFFF50];
	v25 =	vperm.xlane v25, v2  }
0x10a: {  	v16 =	vld [tilespmem:s0+$0xFFFFFF40];
	v31, _, _ =	vpop (xrf2);
	v27 =	vnsel vm0, $0x0, v27  }
0x10b: {  	v17 =	vld [tilespmem:s1+$0xFFFFFF40];
	v25 =	vsel vm1, v27, v25;
	v27 =	vperm.xlane v31, v2  }
0x10c: {  	v14 =	vld [tilespmem:s0+$0xFFFFFFC0];
	v23 =	vperm.xlane v23, v2  }
0x10d: {  	v15 =	vld [tilespmem:s1+$0xFFFFFFC0]  }
0x10e: {  	s2 =	simm.s32 $0x6010;
	v13 =	vld [tilespmem:s1+$0xFFFFFF50];
	v21 =	vperm.xlane v21, v2;
	v23 =	vsel vm2, v25, v23  }
0x10f: {  	v19 =	vperm.xlane v19, v2;
	v25 =	vld [tilespmem:s2+$0x0];
	v23 =	vsel vm3, v23, v27;
	v27, _, _ =	vpop (xrf2)  }
0x110: {  	v28 =	vld [tilespmem:s1+$0xFFFFFF60];
	v21 =	vsel vm4, v23, v21;
	v23 =	vperm.xlane v27, v2  }
0x111: {  	s4 =	simm.s32 $0x2;
	v29 =	vld [tilespmem:s0+$0xFFFFFFE0];
	v16 =	vmul.f32 v17, v16;
	v18 =	vperm.xlane v18, v2;
	v19 =	vsel vm5, v21, v19  }
0x112: {  	s8 =	sand.u32 $0x70, s4;
	v30 =	vld [tilespmem:s1+$0xFFFFFFE0];
	v19 =	vsel vm6, v19, v23  }
0x113: {  	(xrf2) =	vadd.scan.msk.f32 $0xffff, v16;
	v16 =	vld [tilespmem:s8+$0xA400];
	v14 =	vmul.f32 v15, v14;
	v18 =	vsel vm7, v19, v18  }
0x114: {  	v32 =	vld [tilespmem:s0+$0xFFFFFF70];
	v13 =	vmul.f32 v13, v20;
	v18 =	vadd.f32 v18, v25  }
0x115: {  	v33 =	vld [tilespmem:s0+$0xFFFFFFF0];
	(xrf2) =	vadd.scan.msk.f32 $0xffff, v14  }
0x116: {  	v22 =	vld [tilespmem:s0+$0xFFFFFFD0];
	(xrf2) =	vadd.scan.msk.f32 $0xffff, v13;
	v13 =	vmul.f32 $1.442695020e+00, v18  }
0x117: {  	v34 =	vld [tilespmem:s1+$0xFFFFFFB0];
	v21 =	vmov s4  }
0x118: {  	v31 =	vld [tilespmem:s1+$0xFFFFFF70];
	v16 =	vperm.xlane v16, v21;
	(erf) = vpow2.f32 v13  }
0x119: {  	v52 =	vld [tilespmem:s0+$0x30]  }
0x11a: {  	s5 =	simm.s32 $0x2240;
	v35 =	vld [tilespmem:s1+$0x30];
	v13 =	vadd.s32 v4, v16  }
0x11b: {  	s24 =	simm.s32 $0x100;
	v37 =	vld [tilespmem:s5+$0xB0];
	v16 =	vmul.f32 v24, v22;
	v24 =	vand.u32 $0xFFFFFF80, v13  }
0x11c: {  	v15 =	vld [tilespmem:s0+$0xFFFFFF80];
	v13 =	vand.u32 $0x7F, v13;
	v24 =	vadd.s32 s24, v24  }
0x11d: {  	v26 =	vmul.f32 v28, v26;
	v14 =	vld [tilespmem:s1+$0xFFFFFF80];
	v24 =	vor.u32 v13, v24;
	v13 =	vmul.f32 v31, v32  }
0x11e: {  	v28 =	vmul.f32 v30, v29;
	v29 =	vld [tilespmem:s0+$0x20];
	(xrf2) =	vadd.scan.msk.f32 $0xffff, v16  }
0x11f: {  	v30 =	vld [tilespmem:s1+$0x20];
	(xrf2) =	vadd.scan.msk.f32 $0xffff, v26  }
0x120: {  	v17 =	vld [tilespmem:s1+$0xFFFFFFF0];
	(xrf2) =	vadd.scan.msk.f32 $0xffff, v28  }
0x121: {  	v20 =	vld [tilespmem:s1+$0x0];
	(xrf2) =	vadd.scan.msk.f32 $0xffff, v13;
	v13 =	vpop (erf)  }
0x122: {  	s11 =	simm.s32 $0x40C0;
	v14 =	vmul.f32 v14, v15;
	v15 =	vld [tilespmem:s5+$0x90];
	[tilespmem:v24+s16+$0x0] =	vst.idx.msk $0xff, v13  }
0x123: {  	v24 =	vld [tilespmem:s11+$0x40]  }
0x124: {  	v21 =	vld [tilespmem:s0+$0x10]  }
0x125: {  	v27 =	vld [tilespmem:s1+$0xFFFFFFA0]  }
0x126: {  	v23 =	vld [tilespmem:s1+$0xFFFFFF90];
	v50 =	vperm.xlane v13, v5  }
0x127: {  	v19 =	vld [tilespmem:s0+$0x0]  }
0x128: {  	v25 =	vld [tilespmem:s1+$0x10];
	s1 =	simm.s32 $0x240;
	v24 =	vmul.f32 v24, v50  }
0x129: {  	s10 =	simm.s32 $0x63C0;
	v36 =	vld [tilespmem:s1+$0xB0]  }
0x12a: {  	v22 =	vld [tilespmem:s0+$0xFFFFFFA0];
	[tilespmem:s10+$0x40] =	vst v24  }
0x12b: {  	v24 =	vld [tilespmem:s11+$0x50]  }
0x12c: {  	v18 =	vld [tilespmem:s0+$0xFFFFFF90]  }
0x12d: {  	v17 =	vmul.f32 v17, v33;
	v53 =	vld [tilespmem:s1+$0x90];
	v19 =	vmul.f32 v20, v19  }
0x12e: {  	v20 =	vmul.f32 v25, v21;
	v28 =	vld [tilespmem:s0+$0xFFFFFFB0];
	v51 =	vperm.xlane v13, v62  }
0x12f: {  	v21 =	vmul.f32 v27, v22;
	v22 =	vmul.f32 v30, v29;
	v30 =	vld [tilespmem:s5+$0x40]  }
0x130: {  	(xrf2) =	vadd.scan.msk.f32 $0xffff, v17;
	v17 =	vld [tilespmem:s1+$0x80];
	v24 =	vmul.f32 v24, v51  }
0x131: {  	v18 =	vmul.f32 v23, v18;
	(xrf2) =	vadd.scan.msk.f32 $0xffff, v14;
	v14 =	vld [tilespmem:s5+$0x80]  }
0x132: {  	v16, _, _ =	vpop (xrf2);
	(xrf2) =	vadd.scan.msk.f32 $0xffff, v19;
	v19 =	vld [tilespmem:s1+$0x60];
	[tilespmem:s10+$0x50] =	vst v24  }
0x133: {  	v26, _, _ =	vpop (xrf2);
	(xrf2) =	vadd.scan.msk.f32 $0xffff, v18;
	v24 =	vld [tilespmem:s11+$0x60]  }
0x134: {  	v31, _, _ =	vpop (xrf2);
	v18 =	vld [tilespmem:s5+$0x60];
	(xrf2) =	vadd.scan.msk.f32 $0xffff, v20  }
0x135: {  	v23 =	vmul.f32 v34, v28;
	v20 =	vld [tilespmem:s1+$0x50];
	(xrf2) =	vadd.scan.msk.f32 $0xffff, v21;
	v25, _, _ =	vpop (xrf2)  }
0x136: {  	v27 =	vmul.f32 v35, v52;
	v21 =	vld [tilespmem:s5+$0x50];
	(xrf2) =	vadd.scan.msk.f32 $0xffff, v22;
	v22 =	vperm.xlane v13, v6;
	v29, _, _ =	vpop (xrf2)  }
0x137: {  	v28 =	vld [tilespmem:s1+$0x40];
	(xrf2) =	vadd.scan.msk.f32 $0xffff, v23;
	v23 =	vmul.f32 v37, v36;
	v54, _, _ =	vpop (xrf2)  }
0x138: {  	v15 =	vmul.f32 v15, v53;
	(xrf2) =	vadd.scan.msk.f32 $0xffff, v27;
	v22 =	vmul.f32 v24, v22  }
0x139: {  	v14 =	vmul.f32 v14, v17;
	(xrf2) =	vadd.scan.msk.f32 $0xffff, v23;
	v17 =	vld [tilespmem:s1+$0x70]  }
0x13a: {  	v24, _, _ =	vpop (xrf2);
	(xrf2) =	vadd.scan.msk.f32 $0xffff, v15;
	v15 =	vmul.f32 v18, v19;
	v18 =	vld [tilespmem:s5+$0x70];
	[tilespmem:s10+$0x60] =	vst v22  }
0x13b: {  	v23, _, _ =	vpop (xrf2);
	(xrf2) =	vadd.scan.msk.f32 $0xffff, v14;
	v14 =	vmul.f32 v21, v20;
	v22 =	vld [tilespmem:s11+$0x70]  }
0x13c: {  	v21 =	vmul.f32 v30, v28;
	v19, _, _ =	vpop (xrf2);
	(xrf2) =	vadd.scan.msk.f32 $0xffff, v15;
	v15 =	vld [tilespmem:s1+$0xA0]  }
0x13d: {  	v16 =	vperm.xlane v16, v2;
	v20, _, _ =	vpop (xrf2);
	(xrf2) =	vadd.scan.msk.f32 $0xffff, v14;
	v14 =	vld [tilespmem:s5+$0xA0]  }
0x13e: {  	v25 =	vperm.xlane v25, v2;
	v30 =	vperm.xlane v13, v7;
	v27, _, _ =	vpop (xrf2)  }
0x13f: {  	(xrf2) =	vadd.scan.msk.f32 $0xffff, v21;
	v28, _, _ =	vpop (xrf2);
	v17 =	vmul.f32 v18, v17;
	v18 =	vperm.xlane v26, v2  }
0x140: {  	v21, _, _ =	vpop (xrf2);
	v22 =	vmul.f32 v22, v30;
	v30 =	vperm.xlane v31, v2  }
0x141: {  	v16 =	vnsel vm0, $0x0, v16;
	v26, _, _ =	vpop (xrf2);
	(xrf2) =	vadd.scan.msk.f32 $0xffff, v17;
	v17 =	vnsel vm0, $0x0, v18  }
0x142: {  	v18 =	vperm.xlane v29, v2;
	v31, _, _ =	vpop (xrf2);
	v14 =	vmul.f32 v14, v15;
	v17 =	vsel vm1, v17, v25;
	[tilespmem:s10+$0x70] =	vst v22  }
0x143: {  	v29, _, _ =	vpop (xrf2);
	v15 =	vsel vm1, v16, v30;
	v16 =	vperm.xlane v54, v2;
	v22 =	vperm.xlane v24, v2;
	v24 =	vld [tilespmem:s11+$0x80]  }
0x144: {  	v15 =	vsel vm2, v15, v18;
	v18 =	vperm.xlane v23, v2;
	v30, _, _ =	vpop (xrf2)  }
0x145: {  	(xrf2) =	vadd.scan.msk.f32 $0xffff, v14;
	v14 =	vsel vm2, v17, v16;
	v15 =	vsel vm3, v15, v22;
	v16 =	vperm.xlane v19, v2;
	v23, _, _ =	vpop (xrf2)  }
0x146: {  	s6 =	simm.s32 $0x1;
	v19 =	vperm.xlane v20, v2;
	v22 =	vperm.xlane v13, v8;
	v14 =	vsel vm3, v14, v18;
	v17, _, _ =	vpop (xrf2)  }
0x147: {  	s14 =	sand.u32 $0x70, s6;
	v55 =	vld [tilespmem:s2+$0xFFFFFFF0];
	v15 =	vsel vm4, v15, v16;
	v16 =	vperm.xlane v27, v2;
	v27 =	vperm.xlane v28, v2;
	v57, _, _ =	vpop (xrf2)  }
0x148: {  	v56 =	vld [tilespmem:s14+$0xA400];
	v14 =	vsel vm4, v14, v19;
	v28, _, _ =	vpop (xrf2);
	v24 =	vmul.f32 v24, v22  }
0x149: {  	v35 =	vld [tilespmem:s1+$0xFFFFFF50];
	v21 =	vperm.xlane v21, v2;
	v14 =	vsel vm5, v14, v27;
	v27 =	vperm.xlane v31, v2;
	v58, _, _ =	vpop (xrf2)  }
0x14a: {  	v34 =	vld [tilespmem:s1+$0xFFFFFFD0];
	v15 =	vsel vm5, v15, v16;
	v31 =	vperm.xlane v57, v2;
	v16 =	vperm.xlane v58, v2;
	[tilespmem:s10+$0x80] =	vst v24  }
0x14b: {  	v15 =	vsel vm6, v15, v21;
	v21 =	vperm.xlane v26, v2;
	v24 =	vperm.xlane v28, v2;
	v28 =	vld [tilespmem:s11+$0x90]  }
0x14c: {  	v33 =	vld [tilespmem:s1+$0xFFFFFFF0];
	v59, _, _ =	vpop (xrf2);
	v15 =	vsel vm7, v15, v27;
	v27 =	vperm.xlane v29, v2;
	v16 =	vnsel vm0, $0x0, v16  }
0x14d: {  	v25 =	vld [tilespmem:s2+$0xFFFFFFF8];
	v14 =	vsel vm6, v14, v21;
	v21 =	vperm.xlane v59, v2;
	v16 =	vsel vm1, v16, v24  }
0x14e: {  	s12 =	simm.s32 $0x0;
	v36 =	vld [tilespmem:s5+$0xFFFFFFF0];
	v17 =	vperm.xlane v17, v2;
	v16 =	vsel vm2, v16, v31;
	v31 =	vperm.xlane v13, v9  }
0x14f: {  	s17 =	sand.u32 $0x30, s12;
	v37 =	vld [tilespmem:s1+$0xFFFFFF80];
	v14 =	vsel vm7, v14, v27;
	v16 =	vsel vm3, v16, v21;
	v21 =	vperm.xlane v23, v2;
	v23, _, _ =	vpop (xrf2)  }
0x150: {  	v20 =	vld [tilespmem:s17+$0xA400];
	v16 =	vsel vm4, v16, v17;
	v17 =	vperm.xlane v23, v2;
	v27 =	vmul.f32 v28, v31  }
0x151: {  	v18 =	vld [tilespmem:s1+$0xFFFFFF40];
	v15 =	vadd.f32 v15, v55;
	v16 =	vsel vm5, v16, v21;
	v21 =	vperm.xlane v30, v2  }
0x152: {  	v19 =	vld [tilespmem:s5+$0xFFFFFF40];
	v14 =	vadd.f32 v14, v25;
	v16 =	vsel vm6, v16, v17;
	[tilespmem:s10+$0x90] =	vst v27  }
0x153: {  	v15 =	vmul.f32 $1.442695020e+00, v15;
	v16 =	vsel vm7, v16, v21;
	v21 =	vld [tilespmem:s11+$0xA0]  }
0x154: {  	v22 =	vld [tilespmem:s1+$0xFFFFFFC0];
	v14 =	vmul.f32 $1.442695020e+00, v14  }
0x155: {  	s13 =	simm.s32 $0x6028;
	v26 =	vld [tilespmem:s5+$0xFFFFFFC0];
	(erf) = vpow2.f32 v15  }
0x156: {  	v29 =	vld [tilespmem:s13+$0x0];
	(erf) = vpow2.f32 v14;
	v14 =	vperm.xlane v13, v10  }
0x157: {  	v24 =	vld [tilespmem:s5+$0xFFFFFF50]  }
0x158: {  	s18 =	simm.s32 $0x5;
	v25 =	vld [tilespmem:s5+$0xFFFFFF60];
	v14 =	vmul.f32 v21, v14  }
0x159: {  	s21 =	sand.u32 $0x70, s18;
	v23 =	vld [tilespmem:s5+$0xFFFFFFD0]  }
0x15a: {  	v17 =	vld [tilespmem:s21+$0xA400];
	[tilespmem:s10+$0xA0] =	vst v14  }
0x15b: {  	v0 =	vld [tilespmem:s11+$0xB0]  }
0x15c: {  	v28 =	vld [tilespmem:s1+$0xFFFFFF60];
	v16 =	vadd.f32 v16, v29  }
0x15d: {  	v31 =	vld [tilespmem:s5+$0xFFFFFF70]  }
0x15e: {  	v30 =	vld [tilespmem:s1+$0xFFFFFF70];
	v15 =	vmul.f32 $1.442695020e+00, v16  }
0x15f: {  	v27 =	vld [tilespmem:s1+$0xFFFFFFE0];
	v16 =	vmov s18  }
0x160: {  	v29 =	vld [tilespmem:s5+$0xFFFFFFE0];
	v16 =	vperm.xlane v17, v16;
	(erf) = vpow2.f32 v15;
	[tilespmem:$0x1FED0] =	vst v0  }
0x161: {  	v38 =	vld [tilespmem:s5+$0xFFFFFF80]  }
0x162: {  	v15 =	vadd.s32 v4, v16;
	v39 =	vld [tilespmem:s1+$0x0]  }
0x163: {  	s22 =	simm.s32 $0x280;
	v41 =	vmov s6;
	v42 =	vmov s12;
	v16 =	vand.u32 $0xFFFFFF80, v15;
	v40 =	vld [tilespmem:s5+$0x0]  }
0x164: {  	v20 =	vperm.xlane v20, v42;
	v14 =	vand.u32 $0x7F, v15;
	v15 =	vadd.s32 s22, v16;
	v43 =	vld [tilespmem:s1+$0xFFFFFF90]  }
0x165: {  	v32 =	vperm.xlane v56, v41;
	v21 =	vor.u32 v14, v15;
	v41 =	vld [tilespmem:s5+$0xFFFFFF90]  }
0x166: {  	v20 =	vadd.s32 v4, v20;
	v60 =	vld [tilespmem:s1+$0x10]  }
0x167: {  	s23 =	simm.s32 $0x0;
	v32 =	vadd.s32 v4, v32;
	v45 =	vand.u32 $0xFFFFFF80, v20;
	v16 =	vpop (erf);
	v46 =	vld [tilespmem:s5+$0x10]  }
0x168: {  	s24 =	simm.s32 $0x80;
	v44 =	vand.u32 $0xFFFFFF80, v32;
	v20 =	vand.u32 $0x7F, v20;
	v45 =	vadd.s32 s23, v45;
	v15 =	vpop (erf);
	v47 =	vld [tilespmem:s1+$0xFFFFFFA0]  }
0x169: {  	v32 =	vand.u32 $0x7F, v32;
	v44 =	vadd.s32 s24, v44;
	v20 =	vor.u32 v20, v45;
	v14 =	vpop (erf);
	v61 =	vld [tilespmem:s5+$0xFFFFFFA0]  }
0x16a: {  	v32 =	vor.u32 v32, v44;
	s17 =	simm.s32 $0x4240;
	v44 =	vld [tilespmem:s1+$0x20];
	[tilespmem:v21+s16+$0x0] =	vst.idx.msk $0xff, v14  }
0x16b: {  	v21 =	vld [tilespmem:s17+$0x40]  }
0x16c: {  	v49 =	vld [tilespmem:s1+$0xFFFFFFB0]  }
0x16d: {  	v5 =	vimm.s32 $0x0;
	v18 =	vmul.f32 v19, v18;
	v50 =	vld [tilespmem:s5+$0xFFFFFFB0]  }
0x16e: {  	v22 =	vmul.f32 v26, v22;
	[tilespmem:v20+s16+$0x0] =	vst.idx.msk $0xff, v16;
	v52 =	vld [tilespmem:s1+$0x30];
	v48 =	vperm.xlane v14, v5  }
0x16f: {  	s4 =	simm.s32 $0x4;
	(xrf2) =	vadd.scan.msk.f32 $0xffff, v18;
	v24 =	vmul.f32 v24, v35;
	v63 =	vld [tilespmem:s11+$0xFFFFFF40]  }
0x170: {  	s8 =	sand.u32 $0x70, s4;
	(xrf2) =	vadd.scan.msk.f32 $0xffff, v22;
	v23 =	vmul.f32 v23, v34;
	v54 =	vld [tilespmem:s5+$0x30];
	v21 =	vmul.f32 v21, v48  }
0x171: {  	s12 =	simm.s32 $0x6540;
	(xrf2) =	vadd.scan.msk.f32 $0xffff, v24;
	v25 =	vmul.f32 v25, v28;
	s18 =	simm.s32 $0x23C0;
	v19 =	vld [tilespmem:s8+$0xA400]  }
0x172: {  	(xrf2) =	vadd.scan.msk.f32 $0xffff, v23;
	v27 =	vmul.f32 v29, v27;
	v53 =	vperm.xlane v16, v5;
	v23 =	vld [tilespmem:s18+$0xB0];
	[tilespmem:s12+$0x40] =	vst v21  }
0x173: {  	(xrf2) =	vadd.scan.msk.f32 $0xffff, v25;
	v21 =	vld [tilespmem:s17+$0x50]  }
0x174: {  	(xrf2) =	vadd.scan.msk.f32 $0xffff, v27;
	[tilespmem:v32+s16+$0x0] =	vst.idx.msk $0xff, v15;
	v27 =	vld [tilespmem:s18+$0x90];
	v32 =	vmul.f32 v63, v53  }
0x175: {  	v58 =	vld [tilespmem:s18+$0x80]  }
0x176: {  	v51 =	vld [tilespmem:s11+$0xFFFFFFC0];
	v20 =	vperm.xlane v14, v62;
	[tilespmem:s10+$0xFFFFFF40] =	vst v32  }
0x177: {  	v18 =	vld [tilespmem:s11+$0xFFFFFF50]  }
0x178: {  	v55 =	vmul.f32 v21, v20;
	v21 =	vld [tilespmem:s13+$0xFFFFFFF0]  }
0x179: {  	v56 =	vperm.xlane v15, v5;
	v20 =	vld [tilespmem:s13+$0xFFFFFFF8];
	s13 =	simm.s32 $0x3C0  }
0x17a: {  	v24 =	vld [tilespmem:s13+$0xB0];
	[tilespmem:s12+$0x50] =	vst v55  }
0x17b: {  	v51 =	vmul.f32 v51, v56;
	v57 =	vld [tilespmem:s17+$0x60]  }
0x17c: {  	v28 =	vmul.f32 v31, v30;
	v25 =	vld [tilespmem:s13+$0x90]  }
0x17d: {  	v29 =	vmul.f32 v36, v33;
	v59 =	vperm.xlane v16, v62;
	v48 =	vld [tilespmem:s5+$0x20];
	[tilespmem:s10+$0xFFFFFFC0] =	vst v51  }
0x17e: {  	(xrf2) =	vadd.scan.msk.f32 $0xffff, v28;
	v22 =	vperm.xlane v14, v6;
	v26 =	vld [tilespmem:s11+$0xFFFFFFD0]  }
0x17f: {  	(xrf2) =	vadd.scan.msk.f32 $0xffff, v29;
	v18 =	vmul.f32 v18, v59;
	v29 =	vld [tilespmem:s13+$0x80]  }
0x180: {  	v61 =	vmul.f32 v61, v47;
	v47 =	vld [tilespmem:s13+$0x50];
	v22 =	vmul.f32 v57, v22  }
0x181: {  	v53 =	vld [tilespmem:s13+$0x40];
	[tilespmem:s10+$0xFFFFFF50] =	vst v18;
	v18 =	vmul.f32 v23, v24;
	v24 =	vmul.f32 v27, v25  }
0x182: {  	v56 =	vld [tilespmem:s13+$0xA0];
	v27 =	vperm.xlane v15, v62;
	[tilespmem:s12+$0x60] =	vst v22;
	v22 =	vmul.f32 v38, v37  }
0x183: {  	v30 =	vmul.f32 v40, v39;
	v0 =	vld [tilespmem:s13+$0xFFFFFF40]  }
0x184: {  	v31 =	vmul.f32 v41, v43;
	v23 =	vld [tilespmem:s18+$0x40];
	v26 =	vmul.f32 v26, v27;
	(xrf2) =	vadd.scan.msk.f32 $0xffff, v22  }
0x185: {  	v28 =	vld [tilespmem:s17+$0x70];
	v22 =	vmul.f32 v46, v60;
	(xrf2) =	vadd.scan.msk.f32 $0xffff, v30  }
0x186: {  	[tilespmem:s10+$0xFFFFFFD0] =	vst v26;
	v26 =	vld [tilespmem:s18+$0xA0];
	v60, _, _ =	vpop (xrf2);
	(xrf2) =	vadd.scan.msk.f32 $0xffff, v31  }
0x187: {  	s24 =	simm.s32 $0x3;
	v51 =	vmul.f32 v54, v52;
	v46 =	vmul.f32 v48, v44;
	v30 =	vld [tilespmem:s13+$0x60];
	v63, _, _ =	vpop (xrf2);
	(xrf2) =	vadd.scan.msk.f32 $0xffff, v22  }
0x188: {  	s5 =	sand.u32 $0x30, s24;
	v52 =	vperm.xlane v14, v7;
	v31 =	vld [tilespmem:s18+$0x60];
	v48, _, _ =	vpop (xrf2);
	v22 =	vmul.f32 v50, v49;
	(xrf2) =	vadd.scan.msk.f32 $0xffff, v61  }
0x189: {  	v44 =	vld [tilespmem:s5+$0xA400];
	v50, _, _ =	vpop (xrf2);
	(xrf2) =	vadd.scan.msk.f32 $0xffff, v46  }
0x18a: {  	v49 =	vld [tilespmem:s18+$0x50];
	v54, _, _ =	vpop (xrf2);
	v25 =	vmul.f32 v28, v52;
	(xrf2) =	vadd.scan.msk.f32 $0xffff, v22  }
0x18b: {  	v55, _, _ =	vpop (xrf2);
	v22 =	vld [tilespmem:s11+$0xFFFFFF60];
	(xrf2) =	vadd.scan.msk.f32 $0xffff, v51  }
0x18c: {  	v28, _, _ =	vpop (xrf2);
	[tilespmem:s12+$0x70] =	vst v25;
	v25 =	vld [tilespmem:s18+$0x70];
	(xrf2) =	vadd.scan.msk.f32 $0xffff, v18;
	v18 =	vmul.f32 v58, v29  }
0x18d: {  	v32, _, _ =	vpop (xrf2);
	v27 =	vld [tilespmem:s17+$0x80];
	(xrf2) =	vadd.scan.msk.f32 $0xffff, v24;
	v24 =	vmul.f32 v31, v30  }
0x18e: {  	v29 =	vld [tilespmem:s13+$0x70];
	v30, _, _ =	vpop (xrf2);
	(xrf2) =	vadd.scan.msk.f32 $0xffff, v18  }
0x18f: {  	v31, _, _ =	vpop (xrf2);
	(xrf2) =	vadd.scan.msk.f32 $0xffff, v24;
	v24 =	vmul.f32 v23, v53;
	v23 =	vld [tilespmem:s11+$0xFFFFFFE0];
	[tilespmem:$0x1FEE0] =	vst v0  }
0x190: {  	v18 =	vmul.f32 v49, v47;
	v0 =	vld [tilespmem:s18+$0xFFFFFF40];
	_ =	sdelay $0x1  }
0x191: {  	v57, _, _ =	vpop (xrf2);
	(xrf2) =	vadd.scan.msk.f32 $0xffff, v18  }
0x192: {  	v59 =	vperm.xlane v14, v8;
	v58, _, _ =	vpop (xrf2);
	(xrf2) =	vadd.scan.msk.f32 $0xffff, v24  }
0x193: {  	v34 =	vperm.xlane v60, v2;
	v25 =	vmul.f32 v25, v29;
	v60, _, _ =	vpop (xrf2)  }
0x194: {  	v62 =	vperm.xlane v48, v2;
	v26 =	vmul.f32 v26, v56;
	v61, _, _ =	vpop (xrf2);
	[tilespmem:$0x1FEF0] =	vst v0  }
0x195: {  	v27 =	vmul.f32 v27, v59;
	v29 =	vperm.xlane v63, v2;
	v63, _, _ =	vpop (xrf2);
	(xrf2) =	vadd.scan.msk.f32 $0xffff, v25;
	v17 =	vld [tilespmem:s13+$0xFFFFFFC0]  }
0x196: {  	v35 =	vperm.xlane v50, v2;
	v46 =	vperm.xlane v54, v2;
	v25 =	vnsel vm0, $0x0, v34;
	v52, _, _ =	vpop (xrf2);
	v36 =	vld [tilespmem:s18+$0xFFFFFFC0]  }
0x197: {  	v25 =	vsel vm1, v25, v62;
	[tilespmem:s12+$0x80] =	vst v27;
	v27 =	vnsel vm0, $0x0, v29;
	v29 =	vperm.xlane v55, v2;
	v53, _, _ =	vpop (xrf2);
	v37 =	vld [tilespmem:s13+$0xFFFFFF50]  }
0x198: {  	v28 =	vperm.xlane v28, v2;
	(xrf2) =	vadd.scan.msk.f32 $0xffff, v26;
	v25 =	vsel vm2, v25, v46;
	v39 =	vld [tilespmem:s18+$0xFFFFFF50];
	v27 =	vsel vm1, v27, v35;
	v55, _, _ =	vpop (xrf2)  }
0x199: {  	v54 =	vld [tilespmem:s17+$0x90];
	v26 =	vsel vm2, v27, v29;
	v27 =	vperm.xlane v32, v2;
	v29 =	vperm.xlane v30, v2;
	v30, _, _ =	vpop (xrf2)  }
0x19a: {  	v38 =	vperm.xlane v14, v10;
	v41 =	vld [tilespmem:s13+$0xFFFFFFD0];
	v25 =	vsel vm3, v25, v28;
	v28 =	vperm.xlane v31, v2;
	v56, _, _ =	vpop (xrf2)  }
0x19b: {  	v42 =	vld [tilespmem:s18+$0xFFFFFFD0];
	v26 =	vsel vm3, v26, v27;
	v27 =	vperm.xlane v57, v2;
	v57 =	vperm.xlane v58, v2;
	v58, _, _ =	vpop (xrf2)  }
0x19c: {  	v43 =	vld [tilespmem:s13+$0xFFFFFF60];
	v31 =	vperm.xlane v14, v9;
	v25 =	vsel vm4, v25, v29;
	v29 =	vperm.xlane v60, v2;
	v59, _, _ =	vpop (xrf2)  }
0x19d: {  	v46 =	vld [tilespmem:s18+$0xFFFFFF60];
	v32 =	vperm.xlane v56, v2;
	v25 =	vsel vm5, v25, v27;
	v27 =	vperm.xlane v59, v2  }
0x19e: {  	v47 =	vld [tilespmem:s13+$0xFFFFFFE0];
	v26 =	vsel vm4, v26, v28;
	v28 =	vperm.xlane v58, v2;
	v31 =	vmul.f32 v54, v31  }
0x19f: {  	v48 =	vld [tilespmem:s18+$0xFFFFFFE0];
	v25 =	vsel vm6, v25, v29;
	v29 =	vperm.xlane v61, v2;
	v27 =	vnsel vm0, $0x0, v27;
	v60, _, _ =	vpop (xrf2)  }
0x1a0: {  	v49 =	vld [tilespmem:s13+$0xFFFFFF70];
	v26 =	vsel vm5, v26, v57;
	[tilespmem:s12+$0x90] =	vst v31;
	v27 =	vsel vm1, v27, v28;
	v28 =	vperm.xlane v60, v2  }
0x1a1: {  	s6 =	simm.s32 $0x6040;
	v31 =	vld [tilespmem:s17+$0xA0];
	v26 =	vsel vm6, v26, v29;
	v29 =	vperm.xlane v30, v2;
	v27 =	vsel vm2, v27, v32  }
0x1a2: {  	v61 =	vperm.xlane v63, v2;
	v30 =	vld [tilespmem:s6+$0x0];
	v62, _, _ =	vpop (xrf2);
	v27 =	vsel vm3, v27, v28;
	v28 =	vperm.xlane v55, v2  }
0x1a3: {  	v50 =	vld [tilespmem:s18+$0xFFFFFF70];
	v63 =	vperm.xlane v52, v2;
	v27 =	vsel vm4, v27, v29;
	v29 =	vperm.xlane v62, v2  }
0x1a4: {  	s21 =	simm.s32 $0x8;
	v51 =	vld [tilespmem:s13+$0xFFFFFFF0];
	v25 =	vsel vm7, v25, v61;
	v27 =	vsel vm5, v27, v28;
	v28 =	vperm.xlane v53, v2  }
0x1a5: {  	s14 =	sand.u32 $0x70, s21;
	v18 =	vld [tilespmem:s18+$0xFFFFFFB0];
	v21 =	vadd.f32 v25, v21;
	v25 =	vsel vm7, v26, v63;
	v26 =	vsel vm6, v27, v29  }
0x1a6: {  	v20 =	vadd.f32 v25, v20;
	v27 =	vld [tilespmem:s14+$0xA400];
	v26 =	vsel vm7, v26, v28  }
0x1a7: {  	v24 =	vld [tilespmem:s13+$0x30];
	v21 =	vmul.f32 $1.442695020e+00, v21;
	v25 =	vmul.f32 v31, v38;
	v26 =	vadd.f32 v26, v30  }
0x1a8: {  	v12 =	vld [tilespmem:s18+$0x30];
	v20 =	vmul.f32 $1.442695020e+00, v20  }
0x1a9: {  	v0 =	vld [tilespmem:s6+$0xFFFFFFF8];
	(erf) = vpow2.f32 v21;
	[tilespmem:s12+$0xA0] =	vst v25;
	v25 =	vmov s4;
	v21 =	vmul.f32 $1.442695020e+00, v26  }
0x1aa: {  	v56 =	vld [tilespmem:s18+$0x0];
	(erf) = vpow2.f32 v20;
	v20 =	vmov s21;
	v25 =	vperm.xlane v19, v25  }
0x1ab: {  	v58 =	vld [tilespmem:s13+$0x10];
	v26 =	vmov s24;
	v20 =	vperm.xlane v27, v20;
	(erf) = vpow2.f32 v21  }
0x1ac: {  	v4 =	vlaneseq.u32;
	v54 =	vld [tilespmem:s13+$0x0];
	v21 =	vperm.xlane v44, v26  }
0x1ad: {  	v57 =	vld [tilespmem:s18+$0xFFFFFF90];
	v25 =	vadd.s32 v4, v25;
	v20 =	vadd.s32 v4, v20  }
0x1ae: {  	s22 =	simm.s32 $0x400;
	v59 =	vld [tilespmem:s18+$0x10];
	v26 =	vand.u32 $0xFFFFFF80, v25;
	v21 =	vadd.s32 v4, v21;
	v27 =	vand.u32 $0xFFFFFF80, v20  }
0x1af: {  	s23 =	simm.s32 $0x180;
	v52 =	vld [tilespmem:s13+$0xFFFFFF80];
	v20 =	vand.u32 $0x7F, v20;
	v28 =	vand.u32 $0xFFFFFF80, v21;
	v27 =	vadd.s32 s22, v27  }
0x1b0: {  	v60 =	vld [tilespmem:s13+$0xFFFFFFA0];
	s24 =	simm.s32 $0x200;
	v21 =	vand.u32 $0x7F, v21;
	v28 =	vadd.s32 s23, v28;
	v27 =	vor.u32 v20, v27  }
0x1b1: {  	v61 =	vld [tilespmem:s18+$0xFFFFFFA0];
	v20 =	vand.u32 $0x7F, v25;
	v25 =	vadd.s32 s24, v26;
	v26 =	vor.u32 v21, v28  }
0x1b2: {  	v63 =	vld [tilespmem:s18+$0x20];
	v45 =	vpop (erf);
	v25 =	vor.u32 v20, v25  }
0x1b3: {  	v55 =	vld [tilespmem:s13+$0xFFFFFF90];
	v31 =	vpop (erf)  }
0x1b4: {  	v62 =	vld [tilespmem:s13+$0x20];
	v34 =	vpop (erf)  }
0x1b5: {  	v53 =	vld [tilespmem:s18+$0xFFFFFFF0];
	s21 =	simm.s32 $0x43C0;
	[tilespmem:v27+s16+$0x0] =	vst.idx.msk $0xff, v34  }
0x1b6: {  	[tilespmem:v26+s16+$0x0] =	vst.idx.msk $0xff, v45;
	v27 =	vperm.xlane v16, v6;
	v26 =	vld [tilespmem:s21+$0x40]  }
0x1b7: {  	v28 =	vperm.xlane v15, v6;
	[tilespmem:v25+s16+$0x0] =	vst.idx.msk $0xff, v31;
	v25 =	vld [tilespmem:s17+$0xFFFFFF40]  }
0x1b8: {  	v29 =	vld [tilespmem:s17+$0xFFFFFFC0];
	v22 =	vmul.f32 v22, v27  }
0x1b9: {  	v30 =	vld [tilespmem:s13+$0xFFFFFFB0];
	v23 =	vmul.f32 v23, v28;
	v27 =	vperm.xlane v34, v5  }
0x1ba: {  	v19 =	vld [tilespmem:s18+$0xFFFFFF80];
	v28 =	vperm.xlane v45, v5;
	[tilespmem:s10+$0xFFFFFF60] =	vst v22  }
0x1bb: {  	[tilespmem:s10+$0xFFFFFFE0] =	vst v23;
	v22 =	vperm.xlane v31, v5;
	v23 =	vld [tilespmem:s11+$0xFFFFFF70];
	v26 =	vmul.f32 v26, v27  }
0x1bc: {  	s18 =	simm.s32 $0x66C0;
	v25 =	vmul.f32 v25, v28;
	v27 =	vld [tilespmem:s11+$0xFFFFFFF0]  }
0x1bd: {  	v38 =	vld [tilespmem:s17+$0xB0];
	v22 =	vmul.f32 v29, v22;
	[tilespmem:s18+$0x40] =	vst v26  }
0x1be: {  	v44 =	vld [tilespmem:s6+$0xFFFFFFF0];
	[tilespmem:s12+$0xFFFFFF40] =	vst v25;
	v26 =	vperm.xlane v16, v7  }
0x1bf: {  	[tilespmem:s12+$0xFFFFFFC0] =	vst v22;
	v22 =	vperm.xlane v15, v7;
	v25 =	vld [tilespmem:s21+$0x50]  }
0x1c0: {  	v28 =	vld [tilespmem:s17+$0xFFFFFF50];
	v23 =	vmul.f32 v23, v26  }
0x1c1: {  	v3 =	vimm.s32 $0x1;
	s2 =	simm.s32 $0x7;
	v29 =	vld [tilespmem:s17+$0xFFFFFFD0];
	[tilespmem:$0x1FF00] =	vst v0;
	v22 =	vmul.f32 v27, v22  }
0x1c2: {  	s5 =	sand.u32 $0x70, s2;
	v0 =	vperm.xlane v15, v8;
	v26 =	vperm.xlane v34, v3;
	[tilespmem:s10+$0xFFFFFF70] =	vst v23  }
0x1c3: {  	v27 =	vld [tilespmem:s5+$0xA400];
	[tilespmem:s10+$0xFFFFFFF0] =	vst v22  }
0x1c4: {  	v35 =	vmul.f32 v25, v26;
	v25 =	vld [tilespmem:s11+$0xFFFFFF80];
	[tilespmem:$0x1FF10] =	vst v0  }
0x1c5: {  	v0 =	vld [tilespmem:s11+$0x0];
	_ =	sdelay $0x3  }
0x1c6: {  	v32 =	vperm.xlane v45, v3  }
0x1c7: {  	[tilespmem:$0x1FF20] =	vst v0;
	v0 =	vperm.xlane v16, v9  }
0x1c8: {  	v28 =	vmul.f32 v28, v32;
	[tilespmem:s18+$0x50] =	vst v35  }
0x1c9: {  	v20 =	vperm.xlane v15, v9;
	[tilespmem:$0x1FF50] =	vst v0  }
0x1ca: {  	v40 =	vperm.xlane v31, v3;
	[tilespmem:s12+$0xFFFFFF50] =	vst v28  }
0x1cb: {  	v0 =	vld [tilespmem:s21+$0x60];
	[tilespmem:$0x1FF60] =	vst v20;
	v20 =	vperm.xlane v16, v10  }
0x1cc: {  	v40 =	vmul.f32 v29, v40  }
0x1cd: {  	[tilespmem:$0x1FFB0] =	vst v20  }
0x1ce: {  	[tilespmem:s12+$0xFFFFFFD0] =	vst v40  }
0x1cf: {  	v20 =	vld [tilespmem:$0x1FED0];
	_ =	sdelay $0x2  }
0x1d0: {  	v13 =	vperm.xlane v13, v11;
	_ =	sdelay $0x1  }
0x1d1: {  	v29 =	vld [tilespmem:s17+$0xFFFFFF60];
	v13 =	vmul.f32 v20, v13  }
0x1d2: {  	v20 =	vld [tilespmem:$0x1FEF0]  }
0x1d3: {  	[tilespmem:$0x1FF70] =	vst v13;
	v13 =	vld [tilespmem:$0x1FEE0];
	_ =	sdelay $0x4  }
0x1d4: {  	s6 =	simm.s32 $0x6;
	v13 =	vmul.f32 v20, v13;
	v20 =	vperm.xlane v15, v10  }
0x1d5: {  	v17 =	vmul.f32 v36, v17;
	s8 =	sand.u32 $0x30, s6;
	v28 =	vld [tilespmem:s17+$0xFFFFFFE0]  }
0x1d6: {  	v37 =	vmul.f32 v39, v37;
	s13 =	simm.s32 $0x540;
	v32 =	vperm.xlane v34, v6;
	v40 =	vld [tilespmem:s8+$0xA400];
	[tilespmem:$0x1FFC0] =	vst v20  }
0x1d7: {  	v33 =	vmul.f32 v42, v41;
	s14 =	simm.s32 $0x2540;
	v26 =	vperm.xlane v16, v8;
	(xrf2) =	vadd.scan.msk.f32 $0xffff, v13;
	v13 =	vld [tilespmem:s13+$0xB0]  }
0x1d8: {  	v35 =	vmul.f32 v46, v43;
	v36 =	vmul.f32 v0, v32;
	v41 =	vld [tilespmem:s14+$0xB0]  }
0x1d9: {  	v0 =	vperm.xlane v45, v7;
	(xrf2) =	vadd.scan.msk.f32 $0xffff, v17;
	v17 =	vperm.xlane v16, v11;
	v23 =	vld [tilespmem:s13+$0xFFFFFF40]  }
0x1da: {  	v16 =	vperm.xlane v15, v11;
	v15 =	vmul.f32 v48, v47;
	v47 =	vld [tilespmem:s13+$0x90];
	(xrf2) =	vadd.scan.msk.f32 $0xffff, v37  }
0x1db: {  	[tilespmem:s18+$0x60] =	vst v36;
	v48 =	vld [tilespmem:s14+$0x90];
	(xrf2) =	vadd.scan.msk.f32 $0xffff, v33  }
0x1dc: {  	v46 =	vmul.f32 v50, v49;
	v32 =	vld [tilespmem:s21+$0x70];
	[tilespmem:$0x1FF30] =	vst v0;
	v0 =	vperm.xlane v31, v7;
	(xrf2) =	vadd.scan.msk.f32 $0xffff, v35  }
0x1dd: {  	v33 =	vmul.f32 v53, v51;
	v49 =	vld [tilespmem:s13+$0x80];
	(xrf2) =	vadd.scan.msk.f32 $0xffff, v15  }
0x1de: {  	v35 =	vld [tilespmem:s14+$0x80];
	[tilespmem:$0x1FF40] =	vst v0;
	v0 =	vperm.xlane v45, v8;
	v15 =	vmul.f32 v19, v52;
	(xrf2) =	vadd.scan.msk.f32 $0xffff, v46  }
0x1df: {  	v57 =	vmul.f32 v57, v55;
	v19 =	vmul.f32 v56, v54;
	v52 =	vld [tilespmem:s13+$0x60];
	(xrf2) =	vadd.scan.msk.f32 $0xffff, v33  }
0x1e0: {  	v56 =	vperm.xlane v34, v7;
	v53 =	vld [tilespmem:s14+$0x60];
	[tilespmem:$0x1FF80] =	vst v0;
	v0 =	vperm.xlane v31, v8;
	(xrf2) =	vadd.scan.msk.f32 $0xffff, v15  }
0x1e1: {  	v15 =	vmul.f32 v59, v58;
	(xrf2) =	vadd.scan.msk.f32 $0xffff, v19  }
0x1e2: {  	v61 =	vmul.f32 v61, v60;
	v19 =	vmul.f32 v32, v56;
	v56 =	vld [tilespmem:s13+$0x50];
	[tilespmem:$0x1FFA0] =	vst v0;
	v54, _, _ =	vpop (xrf2);
	(xrf2) =	vadd.scan.msk.f32 $0xffff, v57  }
0x1e3: {  	v63 =	vmul.f32 v63, v62;
	v58 =	vld [tilespmem:s14+$0x50];
	v57, _, _ =	vpop (xrf2);
	(xrf2) =	vadd.scan.msk.f32 $0xffff, v15  }
0x1e4: {  	v12 =	vmul.f32 v12, v24;
	v24 =	vld [tilespmem:s13+$0x40];
	[tilespmem:s18+$0x70] =	vst v19;
	v15 =	vmul.f32 v18, v30;
	v59, _, _ =	vpop (xrf2);
	(xrf2) =	vadd.scan.msk.f32 $0xffff, v61  }
0x1e5: {  	v14 =	vperm.xlane v14, v11;
	v25 =	vmul.f32 v25, v26;
	v30 =	vld [tilespmem:s21+$0x80];
	v55, _, _ =	vpop (xrf2);
	(xrf2) =	vadd.scan.msk.f32 $0xffff, v63  }
0x1e6: {  	v43 =	vperm.xlane v45, v6;
	v13 =	vmul.f32 v41, v13;
	v33 =	vld [tilespmem:s14+$0x40];
	v60, _, _ =	vpop (xrf2);
	(xrf2) =	vadd.scan.msk.f32 $0xffff, v15  }
0x1e7: {  	v0 =	vmul.f32 v38, v14;
	v61, _, _ =	vpop (xrf2);
	(xrf2) =	vadd.scan.msk.f32 $0xffff, v12;
	v12 =	vmul.f32 v48, v47  }
0x1e8: {  	v26 =	vmov s6;
	v46 =	vld [tilespmem:s14+$0xFFFFFF40];
	(xrf2) =	vadd.scan.msk.f32 $0xffff, v13;
	v13 =	vmul.f32 v35, v49;
	v35 =	vperm.xlane v34, v8  }
0x1e9: {  	v26 =	vperm.xlane v40, v26;
	v36 =	vld [tilespmem:s13+$0x70];
	v38 =	vperm.xlane v54, v2;
	[tilespmem:$0x1FF90] =	vst v0;
	v48, _, _ =	vpop (xrf2)  }
0x1ea: {  	v37 =	vld [tilespmem:s14+$0x70];
	v62, _, _ =	vpop (xrf2);
	(xrf2) =	vadd.scan.msk.f32 $0xffff, v12;
	v12 =	vmul.f32 v53, v52;
	v30 =	vmul.f32 v30, v35  }
0x1eb: {  	v20 =	vld [tilespmem:s13+$0xA0];
	v56 =	vmul.f32 v58, v56;
	v24 =	vmul.f32 v33, v24;
	v53, _, _ =	vpop (xrf2);
	(xrf2) =	vadd.scan.msk.f32 $0xffff, v13  }
0x1ec: {  	v0 =	vperm.xlane v34, v9;
	v63 =	vperm.xlane v57, v2;
	v54, _, _ =	vpop (xrf2);
	(xrf2) =	vadd.scan.msk.f32 $0xffff, v12;
	[tilespmem:s18+$0x80] =	vst v30;
	v30 =	vld [tilespmem:s14+$0xA0]  }
0x1ed: {  	v32 =	vperm.xlane v59, v2;
	v55 =	vperm.xlane v55, v2;
	v41, _, _ =	vpop (xrf2);
	(xrf2) =	vadd.scan.msk.f32 $0xffff, v56;
	v35 =	vld [tilespmem:s21+$0x90]  }
0x1ee: {  	v60 =	vperm.xlane v60, v2;
	v49 =	vnsel vm0, $0x0, v38;
	v61 =	vperm.xlane v61, v2;
	v33, _, _ =	vpop (xrf2);
	(xrf2) =	vadd.scan.msk.f32 $0xffff, v24  }
0x1ef: {  	v59 =	vld [tilespmem:s14+$0xFFFFFFC0];
	v51 =	vmul.f32 v37, v36;
	v36 =	vnsel vm0, $0x0, v63;
	v39 =	vperm.xlane v62, v2;
	v24, _, _ =	vpop (xrf2)  }
0x1f0: {  	v57 =	vld [tilespmem:s13+$0xFFFFFFE0];
	v12 =	vperm.xlane v48, v2;
	v52 =	vsel vm1, v36, v55;
	v56 =	vsel vm1, v49, v32;
	v37, _, _ =	vpop (xrf2)  }
0x1f1: {  	v47 =	vld [tilespmem:s13+$0xFFFFFFC0];
	v52 =	vsel vm2, v52, v61;
	(xrf2) =	vadd.scan.msk.f32 $0xffff, v51;
	v38, _, _ =	vpop (xrf2);
	v20 =	vmul.f32 v30, v20;
	v30 =	vsel vm2, v56, v60  }
0x1f2: {  	v40 =	vld [tilespmem:s13+$0x10];
	v62, _, _ =	vpop (xrf2);
	v0 =	vmul.f32 v35, v0;
	v12 =	vsel vm3, v30, v12;
	v30 =	vperm.xlane v54, v2  }
0x1f3: {  	v19 =	vperm.xlane v45, v9;
	v15 =	vperm.xlane v45, v10;
	v58 =	vld [tilespmem:s13+$0xFFFFFF60];
	v56, _, _ =	vpop (xrf2);
	(xrf2) =	vadd.scan.msk.f32 $0xffff, v20;
	v20 =	vsel vm3, v52, v39  }
0x1f4: {  	v13 =	vperm.xlane v45, v11;
	v45 =	vld [tilespmem:s13+$0xFFFFFF50];
	v54, _, _ =	vpop (xrf2);
	[tilespmem:s18+$0x90] =	vst v0;
	v0 =	vsel vm4, v20, v30;
	v20 =	vperm.xlane v33, v2  }
0x1f5: {  	v53 =	vperm.xlane v53, v2;
	v52, _, _ =	vpop (xrf2);
	v55 =	vld [tilespmem:s21+$0xA0]  }
0x1f6: {  	v48 =	vld [tilespmem:s14+$0xFFFFFF50];
	v59 =	vmul.f32 v59, v47;
	v41 =	vperm.xlane v41, v2;
	v30, _, _ =	vpop (xrf2)  }
0x1f7: {  	v36 =	vld [tilespmem:s14+$0xFFFFFFE0];
	v24 =	vperm.xlane v24, v2;
	v32 =	vperm.xlane v37, v2;
	v33, _, _ =	vpop (xrf2)  }
0x1f8: {  	v47 =	vld [tilespmem:s13+$0x20];
	v37 =	vperm.xlane v34, v10;
	v12 =	vsel vm4, v12, v53;
	v0 =	vsel vm5, v0, v20;
	v20, _, _ =	vpop (xrf2)  }
0x1f9: {  	v51 =	vld [tilespmem:s13+$0xFFFFFFD0];
	v49 =	vperm.xlane v38, v2;
	v12 =	vsel vm5, v12, v41;
	v20 =	vperm.xlane v20, v2  }
0x1fa: {  	s28 =	simm.s32 $0x6058;
	v60 =	vld [tilespmem:s14+$0xFFFFFFD0];
	v12 =	vsel vm6, v12, v24;
	v61 =	vperm.xlane v33, v2;
	v41 =	vmul.f32 v55, v37  }
0x1fb: {  	v38 =	vld [tilespmem:s28+$0x0];
	v21 =	vsel vm6, v0, v32;
	v30 =	vperm.xlane v30, v2;
	v0, _, _ =	vpop (xrf2);
	v20 =	vnsel vm0, $0x0, v20  }
0x1fc: {  	v53 =	vld [tilespmem:s14+$0xFFFFFF60];
	v12 =	vsel vm7, v12, v49;
	v0 =	vperm.xlane v0, v2;
	v20 =	vsel vm1, v20, v61;
	[tilespmem:s18+$0xA0] =	vst v41  }
0x1fd: {  	v12 =	vadd.f32 v12, v44;
	v20 =	vsel vm2, v20, v30;
	v30 =	vperm.xlane v52, v2;
	v22 =	vld [tilespmem:$0x1FF00]  }
0x1fe: {  	v62 =	vperm.xlane v62, v2;
	v39 =	vld [tilespmem:s14+$0x20];
	v50, _, _ =	vpop (xrf2);
	v0 =	vsel vm3, v20, v0;
	v20 =	vperm.xlane v54, v2  }
0x1ff: {  	v24 =	vld [tilespmem:s13+$0xFFFFFFF0];
	v12 =	vmul.f32 $1.442695020e+00, v12;
	v0 =	vsel vm4, v0, v30;
	v30 =	vperm.xlane v50, v2  }
0x200: {  	s22 =	simm.s32 $0xB;
	v42 =	vperm.xlane v31, v6;
	v56 =	vperm.xlane v56, v2;
	v49 =	vld [tilespmem:s13+$0xFFFFFF70];
	v0 =	vsel vm5, v0, v20  }
0x201: {  	s23 =	sand.u32 $0x70, s22;
	v44 =	vld [tilespmem:s14+$0xFFFFFF70];
	v21 =	vsel vm7, v21, v62;
	(erf) = vpow2.f32 v12;
	v0 =	vsel vm6, v0, v30  }
0x202: {  	v30 =	vld [tilespmem:s23+$0xA400];
	v21 =	vadd.f32 v21, v22;
	v0 =	vsel vm7, v0, v56  }
0x203: {  	v43 =	vmul.f32 v29, v43;
	v28 =	vmul.f32 v28, v42;
	v62 =	vld [tilespmem:s14+$0xFFFFFF90];
	v0 =	vadd.f32 v0, v38  }
0x204: {  	v14 =	vperm.xlane v31, v10;
	v35 =	vmov s2;
	v55 =	vld [tilespmem:s14+$0xFFFFFFF0];
	v21 =	vmul.f32 $1.442695020e+00, v21  }
0x205: {  	v29 =	vmov s22;
	v27 =	vperm.xlane v27, v35;
	v61 =	vld [tilespmem:s13+$0xFFFFFF80];
	v0 =	vmul.f32 $1.442695020e+00, v0  }
0x206: {  	v26 =	vadd.s32 v4, v26;
	v18 =	vperm.xlane v31, v9;
	v41 =	vld [tilespmem:s14+$0x10];
	(erf) = vpow2.f32 v21  }
0x207: {  	v27 =	vadd.s32 v4, v27;
	v52 =	vld [tilespmem:s14+$0xFFFFFF80];
	v29 =	vperm.xlane v30, v29;
	(erf) = vpow2.f32 v0  }
0x208: {  	s5 =	simm.s32 $0x300;
	v12 =	vld [tilespmem:$0x1FF10];
	v20 =	vperm.xlane v31, v11;
	v30 =	vmul.f32 v46, v23;
	v23 =	vand.u32 $0xFFFFFF80, v26  }
0x209: {  	v32 =	vld [tilespmem:$0x1FF20];
	v26 =	vand.u32 $0x7F, v26;
	v23 =	vadd.s32 s5, v23;
	v29 =	vadd.s32 v4, v29  }
0x20a: {  	s6 =	simm.s32 $0x580;
	v54 =	vld [tilespmem:s21+$0xB0];
	v31 =	vand.u32 $0xFFFFFF80, v27;
	v42 =	vpop (erf);
	v23 =	vor.u32 v26, v23;
	v26 =	vand.u32 $0xFFFFFF80, v29  }
0x20b: {  	s24 =	simm.s32 $0x380;
	v50 =	vld [tilespmem:s13+$0xFFFFFFA0];
	v0 =	vperm.xlane v42, v6;
	v29 =	vand.u32 $0x7F, v29;
	v26 =	vadd.s32 s6, v26  }
0x20c: {  	v27 =	vand.u32 $0x7F, v27;
	v31 =	vadd.s32 s24, v31;
	v22 =	vld [tilespmem:s13+$0x0];
	v26 =	vor.u32 v29, v26  }
0x20d: {  	v56 =	vld [tilespmem:s13+$0xFFFFFF90];
	v27 =	vor.u32 v27, v31  }
0x20e: {  	v21 =	vld [tilespmem:s14+$0x0]  }
0x20f: {  	v46 =	vld [tilespmem:s14+$0xFFFFFFA0];
	[tilespmem:$0x1FFD0] =	vst v0;
	v0 =	vpop (erf)  }
0x210: {  	[tilespmem:v23+s16+$0x0] =	vst.idx.msk $0xff, v42;
	v31 =	vpop (erf)  }
0x211: {  	s23 =	simm.s32 $0x4540;
	(xrf2) =	vadd.scan.msk.f32 $0xffff, v30;
	v30 =	vperm.xlane v34, v11;
	v23 =	vmul.f32 v36, v57;
	[tilespmem:v26+s16+$0x0] =	vst.idx.msk $0xff, v31;
	v26 =	vld [tilespmem:s21+$0xFFFFFF40]  }
0x212: {  	v36 =	vmul.f32 v44, v49;
	v49 =	vmul.f32 v55, v24;
	[tilespmem:v27+s16+$0x0] =	vst.idx.msk $0xff, v0;
	v24 =	vld [tilespmem:s23+$0x40]  }
0x213: {  	v48 =	vmul.f32 v48, v45;
	v44 =	vmul.f32 v54, v30;
	v54 =	vld [tilespmem:s21+$0xFFFFFFC0]  }
0x214: {  	v63 =	vmul.f32 v32, v12;
	v12 =	vperm.xlane v42, v5;
	[tilespmem:s12+$0xFFFFFF60] =	vst v43  }
0x215: {  	v52 =	vmul.f32 v52, v61;
	[tilespmem:s12+$0xFFFFFFE0] =	vst v28;
	v61 =	vperm.xlane v31, v5  }
0x216: {  	[tilespmem:s10+$0xFFFFFF80] =	vst v25;
	v45 =	vperm.xlane v0, v5;
	v12 =	vmul.f32 v26, v12  }
0x217: {  	[tilespmem:s10+$0x0] =	vst v63;
	v24 =	vmul.f32 v24, v61  }
0x218: {  	s24 =	simm.s32 $0x6840;
	[tilespmem:s18+$0xFFFFFF40] =	vst v12;
	v12 =	vmul.f32 v54, v45  }
0x219: {  	[tilespmem:s24+$0x40] =	vst v24  }
0x21a: {  	v22 =	vmul.f32 v21, v22;
	v21 =	vld [tilespmem:s17+$0xFFFFFF70];
	[tilespmem:s18+$0xFFFFFFC0] =	vst v12  }
0x21b: {  	v32 =	vperm.xlane v42, v3;
	v33 =	vperm.xlane v0, v3;
	v3 =	vld [tilespmem:$0x1FF30];
	_ =	sdelay $0x2  }
0x21c: {  	(xrf2) =	vadd.scan.msk.f32 $0xffff, v59  }
0x21d: {  	(xrf2) =	vadd.scan.msk.f32 $0xffff, v48;
	v48 =	vld [tilespmem:s17+$0xFFFFFFF0]  }
0x21e: {  	v21 =	vmul.f32 v21, v3;
	v3 =	vld [tilespmem:$0x1FF40];
	_ =	sdelay $0x3  }
0x21f: {  	v55 =	vmul.f32 v62, v56;
	v56 =	vld [tilespmem:s11+$0xFFFFFF90];
	[tilespmem:s12+$0xFFFFFF70] =	vst v21  }
0x220: {  	v63 =	vmul.f32 v48, v3;
	v3 =	vld [tilespmem:$0x1FF50];
	_ =	sdelay $0x3  }
0x221: {  	v60 =	vmul.f32 v60, v51;
	v59 =	vld [tilespmem:s11+$0x10]  }
0x222: {  	v53 =	vmul.f32 v53, v58;
	v57 =	vmul.f32 v56, v3;
	v3 =	vld [tilespmem:$0x1FF60]  }
0x223: {  	(xrf2) =	vadd.scan.msk.f32 $0xffff, v60  }
0x224: {  	(xrf2) =	vadd.scan.msk.f32 $0xffff, v53;
	v53 =	vld [tilespmem:s23+$0x50];
	_ =	sdelay $0x1  }
0x225: {  	v62 =	vimm.s32 $0x1  }
0x226: {  	v45 =	vmul.f32 v59, v3;
	v59 =	vperm.xlane v31, v62  }
0x227: {  	(xrf2) =	vadd.scan.msk.f32 $0xffff, v23;
	v61 =	vld [tilespmem:s21+$0xFFFFFF50]  }
0x228: {  	v38 =	vld [tilespmem:s13+$0xFFFFFFB0];
	(xrf2) =	vadd.scan.msk.f32 $0xffff, v36;
	[tilespmem:s12+$0xFFFFFFF0] =	vst v63;
	v63 =	vmul.f32 v53, v59  }
0x229: {  	v51 =	vperm.xlane v0, v6;
	(xrf2) =	vadd.scan.msk.f32 $0xffff, v49;
	v48 =	vld [tilespmem:s21+$0xFFFFFFD0]  }
0x22a: {  	v35 =	vld [tilespmem:s14+$0xFFFFFFB0];
	v30 =	vperm.xlane v0, v7;
	v28 =	vperm.xlane v0, v8;
	(xrf2) =	vadd.scan.msk.f32 $0xffff, v52;
	[tilespmem:s24+$0x50] =	vst v63  }
0x22b: {  	(xrf2) =	vadd.scan.msk.f32 $0xffff, v22;
	v22 =	vperm.xlane v0, v11;
	v26 =	vperm.xlane v0, v9;
	v59 =	vld [tilespmem:s23+$0x60]  }
0x22c: {  	v24 =	vperm.xlane v0, v10;
	v0 =	vmul.f32 v61, v32;
	_ =	sdelay $0x1  }
0x22d: {  	[tilespmem:s18+$0xFFFFFF50] =	vst v0;
	v0 =	vmul.f32 v48, v33;
	v53 =	vperm.xlane v31, v6  }
0x22e: {  	[tilespmem:s10+$0xFFFFFF90] =	vst v57  }
0x22f: {  	v35 =	vmul.f32 v35, v38;
	[tilespmem:s18+$0xFFFFFFD0] =	vst v0;
	v38 =	vmul.f32 v59, v53  }
0x230: {  	[tilespmem:s10+$0x10] =	vst v45  }
0x231: {  	[tilespmem:s24+$0x60] =	vst v38  }
0x232: {  	v3 =	vld [tilespmem:$0x1FF70];
	_ =	sdelay $0x1  }
0x233: {  	s8 =	simm.s32 $0xA;
	v37 =	vld [tilespmem:s13+$0x30]  }
0x234: {  	v58 =	vld [tilespmem:s14+$0x30];
	s13 =	sand.u32 $0x70, s8  }
0x235: {  	v49 =	vld [tilespmem:s13+$0xA400]  }
0x236: {  	v36 =	vld [tilespmem:s17+$0xFFFFFF80];
	[tilespmem:s10+$0xB0] =	vst v3  }
0x237: {  	v39 =	vmul.f32 v39, v47;
	v40 =	vmul.f32 v41, v40;
	v3 =	vld [tilespmem:$0x1FF80]  }
0x238: {  	v25 =	vperm.xlane v42, v9;
	v29 =	vperm.xlane v42, v7;
	v60, _, _ =	vpop (xrf2)  }
0x239: {  	v46 =	vmul.f32 v46, v50;
	v12 =	vperm.xlane v60, v2;
	v60, _, _ =	vpop (xrf2)  }
0x23a: {  	v34 =	vld [tilespmem:s28+$0xFFFFFFF0];
	v23 =	vperm.xlane v42, v10;
	v37 =	vmul.f32 v58, v37;
	v54, _, _ =	vpop (xrf2)  }
0x23b: {  	v43 =	vld [tilespmem:s28+$0xFFFFFFF8];
	(xrf2) =	vadd.scan.msk.f32 $0xffff, v55;
	v55 =	vperm.xlane v54, v2;
	v61 =	vperm.xlane v60, v2;
	v56, _, _ =	vpop (xrf2);
	v0 =	vmov s8  }
0x23c: {  	s4 =	simm.s32 $0x6C0;
	(xrf2) =	vadd.scan.msk.f32 $0xffff, v40;
	v12 =	vnsel vm0, $0x0, v12;
	v0 =	vperm.xlane v49, v0;
	v57, _, _ =	vpop (xrf2);
	v36 =	vmul.f32 v36, v3;
	v3 =	vld [tilespmem:$0x1FF90]  }
0x23d: {  	v47 =	vld [tilespmem:s4+$0xB0];
	v27 =	vperm.xlane v42, v8;
	v12 =	vsel vm1, v12, v55;
	v32 =	vnsel vm0, $0x0, v61;
	(xrf2) =	vadd.scan.msk.f32 $0xffff, v46;
	v60, _, _ =	vpop (xrf2)  }
0x23e: {  	v50 =	vld [tilespmem:s4+$0x90];
	v21 =	vperm.xlane v42, v11;
	(xrf2) =	vadd.scan.msk.f32 $0xffff, v39;
	v0 =	vadd.s32 v4, v0;
	v45 =	vperm.xlane v56, v2;
	v63, _, _ =	vpop (xrf2)  }
0x23f: {  	v41 =	vld [tilespmem:s17+$0x0];
	v61 =	vperm.xlane v57, v2;
	v46 =	vperm.xlane v60, v2;
	(xrf2) =	vadd.scan.msk.f32 $0xffff, v35;
	v58 =	vand.u32 $0xFFFFFF80, v0;
	v54, _, _ =	vpop (xrf2)  }
0x240: {  	s22 =	simm.s32 $0x500;
	v42 =	vld [tilespmem:s21+$0xFFFFFF60];
	v0 =	vand.u32 $0x7F, v0;
	v32 =	vsel vm1, v32, v45;
	(xrf2) =	vadd.scan.msk.f32 $0xffff, v37;
	v37 =	vperm.xlane v54, v2  }
0x241: {  	v52 =	vld [tilespmem:s11+$0xFFFFFFA0];
	v12 =	vsel vm2, v12, v61;
	v61 =	vadd.s32 s22, v58;
	v32 =	vsel vm2, v32, v46;
	[tilespmem:s12+$0xB0] =	vst v3  }
0x242: {  	v37 =	vsel vm3, v32, v37;
	v32 =	vor.u32 v0, v61;
	v0 =	vld [tilespmem:$0x1FFA0];
	[tilespmem:s18+$0xB0] =	vst v44  }
0x243: {  	v3 =	vld [tilespmem:$0x1FFB0]  }
0x244: {  	v49 =	vld [tilespmem:s4+$0xFFFFFF40]  }
0x245: {  	s2 =	simm.s32 $0x26C0;
	v33 =	vld [tilespmem:s11+$0x20]  }
0x246: {  	v45 =	vld [tilespmem:s2+$0xB0];
	v56, _, _ =	vpop (xrf2)  }
0x247: {  	v57, _, _ =	vpop (xrf2);
	v53 =	vld [tilespmem:s23+$0x70]  }
0x248: {  	s0 =	simm.s32 $0x9;
	v59, _, _ =	vpop (xrf2);
	v48 =	vperm.xlane v57, v2;
	v57 =	vmul.f32 v52, v3;
	v3 =	vld [tilespmem:$0x1FFC0]  }
0x249: {  	s14 =	sand.u32 $0x30, s0;
	v39 =	vld [tilespmem:s21+$0xFFFFFFE0];
	v55 =	vperm.xlane v63, v2;
	v60, _, _ =	vpop (xrf2)  }
0x24a: {  	v35 =	vld [tilespmem:s14+$0xA400];
	v38 =	vperm.xlane v60, v2;
	v60 =	vperm.xlane v31, v7  }
0x24b: {  	v54 =	vld [tilespmem:s2+$0x90];
	v46 =	vperm.xlane v56, v2;
	v63 =	vperm.xlane v59, v2  }
0x24c: {  	v58, _, _ =	vpop (xrf2);
	v53 =	vmul.f32 v53, v60;
	v0 =	vmul.f32 v41, v0;
	v41 =	vld [tilespmem:s4+$0x80];
	[tilespmem:s12+$0xFFFFFF80] =	vst v36  }
0x24d: {  	v12 =	vsel vm3, v12, v55;
	v59, _, _ =	vpop (xrf2);
	v60 =	vmul.f32 v45, v47;
	v33 =	vmul.f32 v33, v3;
	v3 =	vld [tilespmem:$0x1FFD0]  }
0x24e: {  	v12 =	vsel vm4, v12, v46;
	v61, _, _ =	vpop (xrf2);
	v52 =	vld [tilespmem:s2+$0x80]  }
0x24f: {  	v56 =	vld [tilespmem:s2+$0x60];
	v12 =	vsel vm5, v12, v63;
	v63 =	vperm.xlane v61, v2;
	(xrf2) =	vadd.scan.msk.f32 $0xffff, v60  }
0x250: {  	v37 =	vsel vm4, v37, v48;
	v48 =	vld [tilespmem:s2+$0xFFFFFF40];
	v61 =	vmul.f32 v54, v50;
	[tilespmem:s12+$0x0] =	vst v0;
	v0 =	vperm.xlane v58, v2  }
0x251: {  	v46 =	vld [tilespmem:s4+$0x60];
	v40 =	vperm.xlane v59, v2;
	v37 =	vsel vm5, v37, v38;
	v58, _, _ =	vpop (xrf2)  }
0x252: {  	(xrf2) =	vadd.scan.msk.f32 $0xffff, v61;
	v44 =	vld [tilespmem:s2+$0x50];
	v0 =	vsel vm6, v12, v0;
	v12 =	vperm.xlane v58, v2;
	v36 =	vmul.f32 v42, v3  }
0x253: {  	v37 =	vsel vm6, v37, v40;
	[tilespmem:s24+$0x70] =	vst v53;
	v0 =	vsel vm7, v0, v63;
	v63 =	vmul.f32 v52, v41;
	v42 =	vld [tilespmem:s4+$0x50]  }
0x254: {  	v59 =	vmul.f32 v39, v51;
	v0 =	vadd.f32 v0, v34;
	v12 =	vsel vm7, v37, v12;
	[tilespmem:s18+$0xFFFFFF60] =	vst v36;
	v36 =	vld [tilespmem:s23+$0x80]  }
0x255: {  	v39 =	vld [tilespmem:s4+$0x40];
	v40 =	vmul.f32 v48, v49;
	[tilespmem:s10+$0xFFFFFFA0] =	vst v57;
	v12 =	vadd.f32 v12, v43;
	(xrf2) =	vadd.scan.msk.f32 $0xffff, v63  }
0x256: {  	s7 =	smov.u32 s31;
	s31 =	simm.s32 $0xF;
	s1 =	simm.s32 $0x4540;
	v45 =	vmul.f32 v56, v46;
	[tilespmem:s10+$0x20] =	vst v33;
	v41 =	vld [tilespmem:s4+$0xFFFFFFC0];
	v33 =	vmul.f32 $1.442695020e+00, v0  }
0x257: {  	s13 =	simm.s32 $0xC;
	s14 =	simm.s32 $0x6840;
	s22 =	sshll.u32 s30, $0x1;
	[tilespmem:s18+$0xFFFFFFE0] =	vst v59;
	v34 =	vmov s0;
	v37 =	vperm.xlane v31, v8;
	v43 =	vld [tilespmem:s2+$0x40];
	v38 =	vmul.f32 $1.442695020e+00, v12  }
.LBB2_13:
0x258: {  	p2 =	slt.u32 s31, $0x3C;
	v0 =	vld [tilespmem:s2+$0xFFFFFFC0];
	(xrf2) =	vadd.scan.msk.f32 $0xffff, v45;
	v12 =	vperm.xlane v35, v34;
	(erf) = vpow2.f32 v33  }
0x259: {  	v33 =	vmul.f32 v44, v42;
	v34 =	vld [tilespmem:s4+$0x70];
	v42, _, _ =	vpop (xrf2);
	v35 =	vmul.f32 v36, v37  }
0x25a: {  	v36 =	vld [tilespmem:s2+$0x70];
	v12 =	vadd.s32 v4, v12;
	(erf) = vpow2.f32 v38  }
0x25b: {  	s8 =	sshll.u32 s0, $0x7;
	s0 =	smov.u32 s13;
	s13 =	smov.u32 s31;
	v37 =	vld [tilespmem:s4+$0xA0];
	(xrf2) =	vadd.scan.msk.f32 $0xffff, v33;
	v33 =	vand.u32 $0xFFFFFF80, v12;
	[tilespmem:s24+$0x80] =	vst v35  }
0x25c: {  	v12 =	vand.u32 $0x7F, v12;
	v35 =	vmul.f32 v43, v39;
	v39, _, _ =	vpop (xrf2);
	v33 =	vadd.s32 s8, v33;
	v38 =	vld [tilespmem:s23+$0x90]  }
0x25d: {  	v0 =	vmul.f32 v0, v41;
	v41 =	vld [tilespmem:s2+$0xA0];
	v12 =	vor.u32 v12, v33  }
0x25e: {  	v43 =	vld [tilespmem:s4+$0xFFFFFF50];
	(xrf2) =	vadd.scan.msk.f32 $0xffff, v35  }
0x25f: {  	v35 =	vld [tilespmem:s2+$0xFFFFFF50];
	v33 =	vmul.f32 v36, v34;
	v48, _, _ =	vpop (xrf2);
	v34 =	vperm.xlane v31, v9  }
0x260: {  	v44 =	vld [tilespmem:s4+$0xFFFFFFD0]  }
0x261: {  	v45 =	vld [tilespmem:s2+$0xFFFFFFD0];
	(xrf2) =	vadd.scan.msk.f32 $0xffff, v33;
	v34 =	vmul.f32 v38, v34;
	v49 =	vpop (erf)  }
0x262: {  	v46 =	vld [tilespmem:s4+$0xFFFFFF60];
	v36 =	vmul.f32 v41, v37;
	v41, _, _ =	vpop (xrf2);
	[tilespmem:v12+s16+$0x0] =	vst.idx.msk $0xff, v49;
	v47 =	vperm.xlane v49, v5  }
0x263: {  	v38 =	vperm.xlane v49, v62;
	v33 =	vperm.xlane v49, v6;
	v12 =	vld [tilespmem:s2+$0xFFFFFF60];
	[tilespmem:s24+$0x90] =	vst v34;
	v50 =	vpop (erf)  }
0x264: {  	v43 =	vmul.f32 v35, v43;
	(xrf2) =	vadd.scan.msk.f32 $0xffff, v36;
	[tilespmem:v32+s16+$0x0] =	vst.idx.msk $0xff, v50;
	v32 =	vperm.xlane v50, v5;
	v37 =	vld [tilespmem:s23+$0xA0]  }
0x265: {  	v36 =	vperm.xlane v50, v62;
	v34 =	vperm.xlane v50, v6;
	v51 =	vld [tilespmem:s4+$0xFFFFFFE0];
	v52, _, _ =	vpop (xrf2)  }
0x266: {  	v53 =	vmul.f32 v45, v44;
	v54 =	vld [tilespmem:s2+$0xFFFFFFE0];
	v45 =	vperm.xlane v49, v7  }
0x267: {  	v44 =	vperm.xlane v50, v7;
	v55 =	vld [tilespmem:s4+$0xFFFFFF70];
	(xrf2) =	vadd.scan.msk.f32 $0xffff, v40;
	v40 =	vperm.xlane v31, v10  }
0x268: {  	v35 =	vperm.xlane v49, v8;
	v12 =	vmul.f32 v12, v46;
	v56 =	vld [tilespmem:s2+$0xFFFFFF70];
	v46, _, _ =	vpop (xrf2)  }
0x269: {  	v57 =	vld [tilespmem:s4+$0xFFFFFFF0];
	v46 =	vperm.xlane v46, v2;
	v40 =	vmul.f32 v37, v40  }
0x26a: {  	v52 =	vperm.xlane v52, v2;
	v37 =	vperm.xlane v50, v8;
	v58 =	vld [tilespmem:s2+$0xFFFFFFF0];
	(xrf2) =	vadd.scan.msk.f32 $0xffff, v0  }
0x26b: {  	v41 =	vperm.xlane v41, v2;
	v0 =	vld [tilespmem:s4+$0xFFFFFF80];
	v51 =	vmul.f32 v54, v51;
	v46 =	vnsel vm0, $0x0, v46;
	v54, _, _ =	vpop (xrf2);
	[tilespmem:s24+$0xA0] =	vst v40  }
0x26c: {  	v40 =	vsel vm1, v46, v52;
	v3 =	vperm.xlane v54, v2;
	v46 =	vperm.xlane v49, v9;
	v54 =	vld [tilespmem:s23+$0xB0]  }
0x26d: {  	s28 =	sadd.s32 $0x18, s28;
	v55 =	vmul.f32 v56, v55;
	v56 =	vld [tilespmem:s2+$0xFFFFFF80];
	v40 =	vsel vm2, v40, v41;
	v41 =	vperm.xlane v48, v2;
	(xrf2) =	vadd.scan.msk.f32 $0xffff, v43  }
0x26e: {  	v39 =	vperm.xlane v39, v2;
	v48 =	vperm.xlane v50, v9;
	v43 =	vld [tilespmem:s28+$0x0];
	v40 =	vsel vm3, v40, v3;
	v52, _, _ =	vpop (xrf2)  }
0x26f: {  	v31 =	vperm.xlane v31, v11;
	v59 =	vld [tilespmem:s4+$0x0];
	v40 =	vsel vm4, v40, v41;
	v3 =	vperm.xlane v52, v2  }
0x270: {  	s8 =	sadd.s32 $0x2, s0;
	v52 =	vmul.f32 v58, v57;
	v57 =	vld [tilespmem:s2+$0x0];
	v39 =	vsel vm5, v40, v39;
	v40 =	vperm.xlane v42, v2;
	(xrf2) =	vadd.scan.msk.f32 $0xffff, v53  }
0x271: {  	s5 =	sand.u32 $0x70, s8;
	v42 =	vperm.xlane v49, v10;
	v53 =	vld [tilespmem:s4+$0xFFFFFF90];
	v39 =	vsel vm6, v39, v3;
	v41, _, _ =	vpop (xrf2);
	v31 =	vmul.f32 v54, v31  }
0x272: {  	v41 =	vperm.xlane v41, v2;
	v0 =	vmul.f32 v56, v0;
	v54 =	vld [tilespmem:s5+$0xA400];
	v39 =	vsel vm7, v39, v40  }
0x273: {  	v40 =	vperm.xlane v50, v10;
	v56 =	vld [tilespmem:s2+$0xFFFFFF90];
	v39 =	vadd.f32 v39, v43;
	(xrf2) =	vadd.scan.msk.f32 $0xffff, v12;
	[tilespmem:s24+$0xB0] =	vst v31  }
0x274: {  	v49 =	vperm.xlane v49, v11;
	v12 =	vnsel vm0, $0x0, v41;
	v31 =	vld [tilespmem:s4+$0x10];
	v43, _, _ =	vpop (xrf2);
	v41 =	vperm.xlane v50, v11  }
0x275: {  	v50 =	vmul.f32 v57, v59;
	v57 =	vld [tilespmem:s2+$0x10];
	v39 =	vmul.f32 $1.442695020e+00, v39  }
0x276: {  	v3 =	vmov s8;
	v43 =	vperm.xlane v43, v2;
	v58 =	vld [tilespmem:s4+$0xFFFFFFA0]  }
0x277: {  	v60 =	vld [tilespmem:s2+$0xFFFFFFA0];
	v54 =	vperm.xlane v54, v3;
	v59, _, _ =	vpop (xrf2);
	(xrf2) =	vadd.scan.msk.f32 $0xffff, v51;
	(erf) = vpow2.f32 v39  }
0x278: {  	s5 =	sadd.s32 $0x1, s0;
	v43 =	vnsel vm0, $0x0, v43;
	v3 =	vperm.xlane v59, v2;
	v51 =	vmul.f32 v56, v53;
	v53 =	vld [tilespmem:s4+$0x20]  }
0x279: {  	s6 =	sand.u32 $0x70, s5;
	s8 =	sshll.u32 s5, $0x7;
	v56 =	vmov s5;
	v59 =	vld [tilespmem:s2+$0x20];
	v54 =	vadd.s32 v4, v54  }
0x27a: {  	s5 =	sadd.s32 $0x80, s8;
	v12 =	vsel vm1, v12, v3;
	v61 =	vld [tilespmem:s4+$0xFFFFFFB0];
	v57 =	vmul.f32 v57, v31;
	v31 =	vand.u32 $0xFFFFFF80, v54;
	(xrf2) =	vadd.scan.msk.f32 $0xffff, v55;
	v39, _, _ =	vpop (xrf2)  }
0x27b: {  	v54 =	vand.u32 $0x7F, v54;
	v55 =	vld [tilespmem:s2+$0xFFFFFFB0];
	v39 =	vperm.xlane v39, v2;
	v3 =	vadd.s32 s5, v31  }
0x27c: {  	v58 =	vmul.f32 v60, v58;
	v60 =	vld [tilespmem:s4+$0x30];
	v54 =	vor.u32 v54, v3  }
0x27d: {  	v62 =	vsel vm1, v43, v39;
	v63 =	vld [tilespmem:s2+$0x30];
	v31, _, _ =	vpop (xrf2);
	(xrf2) =	vadd.scan.msk.f32 $0xffff, v52  }
0x27e: {  	v43 =	vld [tilespmem:s28+$0xFFFFFFF0];
	v3 =	vperm.xlane v31, v2;
	v52 =	vmul.f32 v59, v53  }
0x27f: {  	v39 =	vld [tilespmem:s28+$0xFFFFFFF8]  }
0x280: {  	v12 =	vsel vm2, v12, v3;
	v53 =	vmul.f32 v55, v61;
	v55 =	vld [tilespmem:s6+$0xA400];
	(xrf2) =	vadd.scan.msk.f32 $0xffff, v0;
	v31 =	vpop (erf)  }
0x281: {  	s23 =	sadd.s32 $0x180, s23;
	[tilespmem:v54+s16+$0x0] =	vst.idx.msk $0xff, v31;
	v0, _, _ =	vpop (xrf2);
	v54 =	vld [tilespmem:s1+$0xFFFFFF40]  }
0x282: {  	v0 =	vperm.xlane v0, v2;
	v59 =	vmul.f32 v63, v60;
	v60 =	vld [tilespmem:s23+$0x40]  }
0x283: {  	(xrf2) =	vadd.scan.msk.f32 $0xffff, v50;
	v50 =	vld [tilespmem:s1+$0xFFFFFFC0]  }
0x284: {  	v63 =	vperm.xlane v31, v5;
	v0 =	vsel vm2, v62, v0;
	v61, _, _ =	vpop (xrf2);
	v62 =	vld [tilespmem:s21+$0xFFFFFF70]  }
0x285: {  	v61 =	vperm.xlane v61, v2;
	v3 =	vld [tilespmem:s21+$0xFFFFFFF0];
	v55 =	vperm.xlane v55, v56  }
0x286: {  	(xrf2) =	vadd.scan.msk.f32 $0xffff, v51;
	v47 =	vmul.f32 v54, v47;
	v51 =	vld [tilespmem:s17+$0xFFFFFF90]  }
0x287: {  	v12 =	vsel vm3, v12, v61;
	v54 =	vmul.f32 v60, v63;
	v56, _, _ =	vpop (xrf2);
	v60 =	vld [tilespmem:s17+$0x10];
	v55 =	vadd.s32 v4, v55  }
0x288: {  	s24 =	sadd.s32 $0x180, s24;
	v56 =	vperm.xlane v56, v2;
	[tilespmem:s14+$0xFFFFFF40] =	vst v47;
	v32 =	vmul.f32 v50, v32;
	v47 =	vld [tilespmem:s11+$0xFFFFFFB0];
	v50 =	vand.u32 $0xFFFFFF80, v55  }
0x289: {  	v55 =	vand.u32 $0x7F, v55;
	[tilespmem:s24+$0x40] =	vst v54;
	(xrf2) =	vadd.scan.msk.f32 $0xffff, v57;
	v54 =	vld [tilespmem:s1+$0xFFFFFF50];
	v50 =	vadd.s32 s8, v50  }
0x28a: {  	v61 =	vmul.f32 v62, v29;
	v62 =	vimm.s32 $0x1;
	v0 =	vsel vm3, v0, v56;
	v56 =	vld [tilespmem:s23+$0x50];
	v57, _, _ =	vpop (xrf2);
	[tilespmem:s14+$0xFFFFFFC0] =	vst v32  }
0x28b: {  	v29 =	vmovc v45;
	v32 =	vor.u32 v55, v50;
	v3 =	vmul.f32 v3, v30;
	v57 =	vperm.xlane v57, v2;
	v50 =	vld [tilespmem:s1+$0xFFFFFFD0]  }
0x28c: {  	v30 =	vmovc v44;
	(xrf2) =	vadd.scan.msk.f32 $0xffff, v58;
	[tilespmem:s18+$0xFFFFFF70] =	vst v61;
	v58 =	vmul.f32 v51, v19;
	v60 =	vmul.f32 v60, v18;
	v45 =	vld [tilespmem:s11+$0x30];
	s11 =	smov.u32 s17;
	s17 =	smov.u32 s21;
	s21 =	smov.u32 s1  }
0x28d: {  	v44 =	vperm.xlane v31, v62;
	s1 =	smov.u32 s23;
	v12 =	vsel vm4, v12, v57;
	v51, _, _ =	vpop (xrf2);
	v55 =	vld [tilespmem:s17+$0xFFFFFF80];
	[tilespmem:s18+$0xFFFFFFF0] =	vst v3;
	v3 =	vmul.f32 v47, v17  }
0x28e: {  	v19 =	vmovc v25;
	v25 =	vmov v46;
	v51 =	vperm.xlane v51, v2;
	v38 =	vmul.f32 v54, v38;
	v47 =	vld [tilespmem:s17+$0x0];
	[tilespmem:s12+$0xFFFFFF90] =	vst v58  }
0x28f: {  	v18 =	vmovc v26;
	v26 =	vmov v48;
	v44 =	vmul.f32 v56, v44;
	(xrf2) =	vadd.scan.msk.f32 $0xffff, v52;
	v46 =	vld [tilespmem:s11+$0xFFFFFFA0];
	[tilespmem:s12+$0x10] =	vst v60  }
0x290: {  	v17 =	vmov v13;
	v0 =	vsel vm4, v0, v51;
	v48, _, _ =	vpop (xrf2);
	[tilespmem:s14+$0xFFFFFF50] =	vst v38;
	v36 =	vmul.f32 v50, v36;
	v38 =	vld [tilespmem:s11+$0x20]  }
0x291: {  	v13 =	vmovc v21;
	v21 =	vmov v49;
	v48 =	vperm.xlane v48, v2;
	[tilespmem:s24+$0x50] =	vst v44;
	v44 =	vld [tilespmem:s21+$0xFFFFFF60];
	v45 =	vmul.f32 v45, v16  }
0x292: {  	v16 =	vmovc v20;
	v49 =	vld [tilespmem:s23+$0x60];
	(xrf2) =	vadd.scan.msk.f32 $0xffff, v53;
	[tilespmem:s14+$0xFFFFFFD0] =	vst v36;
	v36 =	vmul.f32 v55, v27;
	v27 =	vmov v35  }
0x293: {  	s5 =	sand.u32 $0x30, s0;
	v12 =	vsel vm5, v12, v48;
	v20, _, _ =	vpop (xrf2);
	v48 =	vld [tilespmem:s21+$0xFFFFFFE0];
	v47 =	vmul.f32 v47, v28;
	[tilespmem:s10+$0xFFFFFFB0] =	vst v3;
	v28 =	vmov v37  }
0x294: {  	s4 =	sadd.s32 $0x180, s4;
	v35 =	vld [tilespmem:s5+$0xA400];
	v50 =	vperm.xlane v20, v2;
	[tilespmem:s18+$0xFFFFFF80] =	vst v36;
	v46 =	vmul.f32 v46, v15;
	v15 =	vmovc v23;
	v23 =	vmov v42  }
0x295: {  	s2 =	sadd.s32 $0x180, s2;
	v37 =	vperm.xlane v31, v6;
	v36 =	vld [tilespmem:s4+$0xB0];
	(xrf2) =	vadd.scan.msk.f32 $0xffff, v59;
	[tilespmem:s18+$0x0] =	vst v47;
	v38 =	vmul.f32 v38, v14;
	v14 =	vmovc v24  }
0x296: {  	v24 =	vmov v40;
	v42 =	vld [tilespmem:s2+$0xB0];
	v0 =	vsel vm5, v0, v50;
	v3, _, _ =	vpop (xrf2);
	v33 =	vmul.f32 v44, v33;
	[tilespmem:s12+$0xFFFFFFA0] =	vst v46  }
0x297: {  	v20 =	vmovc v22;
	v22 =	vmov v41;
	v40 =	vld [tilespmem:s4+$0xFFFFFF40];
	v3 =	vperm.xlane v3, v2;
	v37 =	vmul.f32 v49, v37;
	[tilespmem:s12+$0x20] =	vst v38  }
0x298: {  	v38 =	vld [tilespmem:s4+$0x90];
	[tilespmem:s14+$0xFFFFFF60] =	vst v33;
	v33 =	vmul.f32 v48, v34  }
0x299: {  	v34 =	vld [tilespmem:s2+$0x90];
	v3 =	vsel vm6, v12, v3;
	[tilespmem:s24+$0x60] =	vst v37;
	v12, _, _ =	vpop (xrf2)  }
0x29a: {  	v44 =	vperm.xlane v12, v2;
	v37 =	vld [tilespmem:s23+$0x70];
	[tilespmem:s14+$0xFFFFFFE0] =	vst v33  }
0x29b: {  	v33 =	vld [tilespmem:s4+$0x80];
	v36 =	vmul.f32 v42, v36;
	[tilespmem:s10+$0x30] =	vst v45;
	s10 =	smov.u32 s12;
	s12 =	smov.u32 s18;
	s18 =	smov.u32 s14  }
0x29c: {  	s14 =	smov.u32 s24;
	v41 =	vld [tilespmem:s2+$0x80];
	v0 =	vsel vm6, v0, v44;
	v12, _, _ =	vpop (xrf2)  }
0x29d: {  	v42 =	vperm.xlane v31, v7;
	v45 =	vld [tilespmem:s2+$0xFFFFFF40];
	(xrf2) =	vadd.scan.msk.f32 $0xffff, v36;
	v12 =	vperm.xlane v12, v2  }
0x29e: {  	v46 =	vld [tilespmem:s4+$0x60];
	v34 =	vmul.f32 v34, v38  }
0x29f: {  	v38 =	vld [tilespmem:s2+$0x60];
	v3 =	vsel vm7, v3, v12;
	v12 =	vmul.f32 v37, v42;
	v36, _, _ =	vpop (xrf2)  }
0x2a0: {  	v42 =	vld [tilespmem:s4+$0x50];
	(xrf2) =	vadd.scan.msk.f32 $0xffff, v34;
	v3 =	vadd.f32 v3, v43;
	v34 =	vperm.xlane v36, v2  }
.Ltmp5:
0x2a1: {  	v44 =	vld [tilespmem:s2+$0x50];
	v37 =	vmul.f32 v41, v33;
	[tilespmem:s24+$0x70] =	vst v12;
	(pc) =	sbr.rel @p2 .LBB2_13-.Ltmp5, $4  }
0x2a2: {  	v40 =	vmul.f32 v45, v40;
	v33 =	vmul.f32 $1.442695020e+00, v3;
	v0 =	vsel vm7, v0, v34;
	v36 =	vld [tilespmem:s23+$0x80]  }
0x2a3: {  	v41 =	vld [tilespmem:s4+$0xFFFFFFC0];
	(xrf2) =	vadd.scan.msk.f32 $0xffff, v37;
	v0 =	vadd.f32 v0, v39  }
0x2a4: {  	v39 =	vld [tilespmem:s4+$0x40];
	v45 =	vmul.f32 v38, v46  }
0x2a5: {  	s31 =	sadd.s32 $0x3, s31;
	v34 =	vmov s0;
	v37 =	vperm.xlane v31, v8;
	v43 =	vld [tilespmem:s2+$0x40];
	v38 =	vmul.f32 $1.442695020e+00, v0  }
0x2a6: {  	v3 =	vld [tilespmem:s2+$0xFFFFFFC0]  }
0x2a7: {  	v12 =	vld [tilespmem:s4+$0x70]  }
0x2a8: {  	v46 =	vld [tilespmem:s2+$0x70]  }
0x2a9: {  	v47 =	vld [tilespmem:s4+$0xA0]  }
0x2aa: {  	v48 =	vld [tilespmem:s2+$0xA0]  }
0x2ab: {  	v49 =	vld [tilespmem:s4+$0xFFFFFF50]  }
0x2ac: {  	v50 =	vld [tilespmem:s2+$0xFFFFFF50]  }
0x2ad: {  	v51 =	vld [tilespmem:s4+$0xFFFFFFD0]  }
0x2ae: {  	v52 =	vld [tilespmem:s2+$0xFFFFFFD0]  }
0x2af: {  	v53 =	vld [tilespmem:s4+$0xFFFFFF60]  }
0x2b0: {  	v54 =	vld [tilespmem:s2+$0xFFFFFF60]  }
0x2b1: {  	v55 =	vld [tilespmem:s4+$0xFFFFFFE0]  }
0x2b2: {  	v56 =	vld [tilespmem:s2+$0xFFFFFFE0]  }
0x2b3: {  	v57 =	vld [tilespmem:s4+$0xFFFFFF70]  }
0x2b4: {  	v42 =	vmul.f32 v44, v42;
	v44 =	vld [tilespmem:s2+$0xFFFFFF70]  }
0x2b5: {  	(xrf2) =	vadd.scan.msk.f32 $0xffff, v45;
	v45 =	vld [tilespmem:s2+$0xFFFFFF80];
	v39 =	vmul.f32 v43, v39  }
0x2b6: {  	s31 =	sadd.s32 $0x2, s13;
	v59 =	vld [tilespmem:s4+$0xFFFFFF90];
	(xrf2) =	vadd.scan.msk.f32 $0xffff, v42  }
0x2b7: {  	v61 =	vld [tilespmem:s4+$0x10];
	s5 =	sand.u32 $0x70, s31;
	(xrf2) =	vadd.scan.msk.f32 $0xffff, v39  }
0x2b8: {  	v0 =	vld [tilespmem:s5+$0xA400];
	v12 =	vmul.f32 v46, v12  }
0x2b9: {  	v42 =	vld [tilespmem:s2+$0xFFFFFFF0]  }
0x2ba: {  	v43 =	vld [tilespmem:s4+$0xFFFFFFF0];
	(xrf2) =	vadd.scan.msk.f32 $0xffff, v12  }
0x2bb: {  	v47 =	vmul.f32 v48, v47;
	v48 =	vld [tilespmem:s2+$0x0]  }
0x2bc: {  	v58, _, _ =	vpop (xrf2);
	v39 =	vld [tilespmem:s4+$0xFFFFFF80]  }
0x2bd: {  	v60, _, _ =	vpop (xrf2);
	v12 =	vld [tilespmem:s4+$0x0]  }
0x2be: {  	v3 =	vmul.f32 v3, v41;
	v41, _, _ =	vpop (xrf2);
	(xrf2) =	vadd.scan.msk.f32 $0xffff, v47;
	v47 =	vld [tilespmem:s2+$0xFFFFFF90]  }
0x2bf: {  	v49 =	vmul.f32 v50, v49;
	(xrf2) =	vadd.scan.msk.f32 $0xffff, v40;
	v40 =	vld [tilespmem:s2+$0x10];
	v50, _, _ =	vpop (xrf2)  }
0x2c0: {  	v51 =	vmul.f32 v52, v51;
	(xrf2) =	vadd.scan.msk.f32 $0xffff, v3;
	v3 =	vld [tilespmem:s4+$0xFFFFFFA0];
	v52, _, _ =	vpop (xrf2)  }
0x2c1: {  	v53 =	vmul.f32 v54, v53;
	(xrf2) =	vadd.scan.msk.f32 $0xffff, v49;
	v49 =	vld [tilespmem:s2+$0xFFFFFFA0];
	v63, _, _ =	vpop (xrf2)  }
0x2c2: {  	v55 =	vmul.f32 v56, v55;
	(xrf2) =	vadd.scan.msk.f32 $0xffff, v51;
	v51 =	vld [tilespmem:s4+$0x20];
	v54 =	vperm.xlane v63, v2  }
0x2c3: {  	v44 =	vmul.f32 v44, v57;
	v52 =	vperm.xlane v52, v2;
	(xrf2) =	vadd.scan.msk.f32 $0xffff, v53;
	v53 =	vld [tilespmem:s2+$0x20]  }
0x2c4: {  	v42 =	vmul.f32 v42, v43;
	v50 =	vperm.xlane v50, v2;
	v63, _, _ =	vpop (xrf2);
	(xrf2) =	vadd.scan.msk.f32 $0xffff, v55;
	v55 =	vld [tilespmem:s4+$0xFFFFFFB0];
	v54 =	vnsel vm0, $0x0, v54  }
0x2c5: {  	v41 =	vperm.xlane v41, v2;
	v39 =	vmul.f32 v45, v39;
	(xrf2) =	vadd.scan.msk.f32 $0xffff, v44;
	v44 =	vld [tilespmem:s2+$0xFFFFFFB0];
	v52 =	vsel vm1, v54, v52  }
0x2c6: {  	v12 =	vmul.f32 v48, v12;
	v43 =	vperm.xlane v63, v2;
	(xrf2) =	vadd.scan.msk.f32 $0xffff, v42;
	v42 =	vld [tilespmem:s4+$0x30];
	v57 =	vsel vm2, v52, v50  }
0x2c7: {  	s28 =	sadd.s32 $0x18, s28;
	v47 =	vmul.f32 v47, v59;
	v3 =	vmul.f32 v49, v3;
	(xrf2) =	vadd.scan.msk.f32 $0xffff, v39;
	v52 =	vld [tilespmem:s2+$0x30]  }
0x2c8: {  	v46 =	vld [tilespmem:s28+$0x0];
	v60 =	vperm.xlane v60, v2;
	v40 =	vmul.f32 v40, v61;
	v63, _, _ =	vpop (xrf2);
	(xrf2) =	vadd.scan.msk.f32 $0xffff, v12;
	v43 =	vsel vm3, v57, v43  }
0x2c9: {  	v54 =	vperm.xlane v63, v2;
	(xrf2) =	vadd.scan.msk.f32 $0xffff, v47;
	v41 =	vsel vm4, v43, v41;
	v57, _, _ =	vpop (xrf2)  }
0x2ca: {  	v56 =	vperm.xlane v58, v2;
	v58 =	vmul.f32 v53, v51;
	v41 =	vsel vm5, v41, v60;
	(xrf2) =	vadd.scan.msk.f32 $0xffff, v40;
	v59, _, _ =	vpop (xrf2)  }
0x2cb: {  	v61 =	vmul.f32 v44, v55;
	v60 =	vmov s31;
	v12 =	vsel vm6, v41, v54;
	(xrf2) =	vadd.scan.msk.f32 $0xffff, v3;
	v3, _, _ =	vpop (xrf2)  }
0x2cc: {  	v0 =	vperm.xlane v0, v60;
	v12 =	vsel vm7, v12, v56;
	v39 =	vmul.f32 v52, v42;
	(xrf2) =	vadd.scan.msk.f32 $0xffff, v58;
	v63, _, _ =	vpop (xrf2)  }
0x2cd: {  	(erf) = vpow2.f32 v33;
	v48 =	vperm.xlane v57, v2;
	v12 =	vadd.f32 v12, v46;
	v46, _, _ =	vpop (xrf2);
	(xrf2) =	vadd.scan.msk.f32 $0xffff, v61  }
0x2ce: {  	s8 =	sadd.s32 $0x1, s13;
	(erf) = vpow2.f32 v38;
	v53 =	vperm.xlane v59, v2;
	v0 =	vadd.s32 v4, v0;
	v49, _, _ =	vpop (xrf2);
	(xrf2) =	vadd.scan.msk.f32 $0xffff, v39  }
0x2cf: {  	s4 =	sshll.u32 s8, $0x7;
	v3 =	vperm.xlane v3, v2;
	v40 =	vnsel vm0, $0x0, v48;
	v50 =	vand.u32 $0xFFFFFF80, v0;
	v51, _, _ =	vpop (xrf2)  }
0x2d0: {  	s6 =	sadd.s32 $0x80, s4;
	v54 =	vperm.xlane v63, v2;
	v0 =	vand.u32 $0x7F, v0;
	v12 =	vmul.f32 $1.442695020e+00, v12;
	v52, _, _ =	vpop (xrf2)  }
0x2d1: {  	v43 =	vnsel vm0, $0x0, v53;
	v39 =	vadd.s32 s6, v50;
	v3 =	vsel vm1, v40, v3;
	v55, _, _ =	vpop (xrf2)  }
0x2d2: {  	v33 =	vperm.xlane v46, v2;
	v0 =	vor.u32 v0, v39;
	(erf) = vpow2.f32 v12;
	v56, _, _ =	vpop (xrf2)  }
0x2d3: {  	v40 =	vsel vm1, v43, v54;
	v42 =	vperm.xlane v49, v2;
	v38 =	vperm.xlane v51, v2;
	v57, _, _ =	vpop (xrf2)  }
0x2d4: {  	v3 =	vsel vm2, v3, v33;
	v12 =	vperm.xlane v52, v2;
	v58 =	vperm.xlane v55, v2;
	v59, _, _ =	vpop (xrf2)  }
0x2d5: {  	v40 =	vsel vm2, v40, v42;
	v3 =	vsel vm3, v3, v38;
	v60 =	vperm.xlane v56, v2;
	v61, _, _ =	vpop (xrf2)  }
0x2d6: {  	v63 =	vld [tilespmem:s28+$0xFFFFFFF0];
	v12 =	vsel vm3, v40, v12;
	v3 =	vsel vm4, v3, v58;
	v46 =	vperm.xlane v57, v2;
	v47, _, _ =	vpop (xrf2)  }
0x2d7: {  	v48 =	vld [tilespmem:s28+$0xFFFFFFF8];
	s28 =	sand.u32 $0x30, s13;
	v12 =	vsel vm4, v12, v60;
	v49 =	vperm.xlane v59, v2;
	v39 =	vperm.xlane v61, v2;
	v50, _, _ =	vpop (xrf2)  }
0x2d8: {  	v52 =	vld [tilespmem:s28+$0xA400];
	v3 =	vsel vm5, v3, v46;
	v40 =	vperm.xlane v47, v2;
	v41 =	vperm.xlane v50, v2;
	v51, _, _ =	vpop (xrf2)  }
0x2d9: {  	v33 =	vpop (erf);
	v12 =	vsel vm5, v12, v49;
	v3 =	vsel vm6, v3, v39;
	v53 =	vperm.xlane v51, v2  }
0x2da: {  	s5 =	sand.u32 $0x70, s8;
	v54 =	vperm.xlane v35, v34;
	v34 =	vpop (erf);
	v12 =	vsel vm6, v12, v40;
	v3 =	vsel vm7, v3, v41  }
0x2db: {  	v55 =	vld [tilespmem:s5+$0xA400];
	v35 =	vpop (erf);
	v3 =	vadd.f32 v3, v63;
	v12 =	vsel vm7, v12, v53  }
0x2dc: {  	s6 =	sadd.s32 $0x180, s23;
	v59 =	vmov s13;
	[tilespmem:v0+s16+$0x0] =	vst.idx.msk $0xff, v35;
	v0 =	vadd.f32 v12, v48  }
0x2dd: {  	v56 =	vadd.s32 v4, v54;
	v38 =	vperm.xlane v52, v59;
	v58 =	vld [tilespmem:s6+$0x40];
	v3 =	vmul.f32 $1.442695020e+00, v3  }
0x2de: {  	v57 =	vand.u32 $0xFFFFFF80, v56;
	v60 =	vmov s8;
	v0 =	vmul.f32 $1.442695020e+00, v0  }
0x2df: {  	v42 =	vadd.s32 v4, v38;
	v61 =	vperm.xlane v35, v5;
	(erf) = vpow2.f32 v3  }
0x2e0: {  	s0 =	sshll.u32 s0, $0x7;
	v38 =	vand.u32 $0xFFFFFF80, v42;
	v63 =	vperm.xlane v55, v60;
	(erf) = vpow2.f32 v0  }
0x2e1: {  	v12 =	vadd.s32 s0, v57;
	v3 =	vand.u32 $0x7F, v56;
	v0 =	vmul.f32 v36, v37  }
0x2e2: {  	s8 =	sshll.u32 s13, $0x7;
	v44 =	vadd.s32 v4, v63;
	v3 =	vor.u32 v3, v12;
	v43 =	vmul.f32 v58, v61  }
0x2e3: {  	s13 =	sadd.s32 $0x180, s24;
	v45 =	vand.u32 $0xFFFFFF80, v44;
	v12 =	vand.u32 $0x7F, v42;
	[tilespmem:s24+$0x80] =	vst v0;
	v0 =	vadd.s32 s8, v38  }
0x2e4: {  	v37 =	vand.u32 $0x7F, v44;
	v38 =	vadd.s32 s4, v45;
	[tilespmem:s13+$0x40] =	vst v43;
	v46 =	vld [tilespmem:s23+$0x90];
	v0 =	vor.u32 v12, v0  }
0x2e5: {  	v47 =	vld [tilespmem:s6+$0x50];
	v37 =	vor.u32 v37, v38;
	_ =	sdelay $0x1  }
0x2e6: {  	v48 =	vperm.xlane v31, v9;
	[tilespmem:v3+s16+$0x0] =	vst.idx.msk $0xff, v33  }
0x2e7: {  	[tilespmem:v32+s16+$0x0] =	vst.idx.msk $0xff, v34;
	v49 =	vperm.xlane v35, v62;
	v3 =	vld [tilespmem:s1+$0xFFFFFF40];
	v32 =	vpop (erf)  }
0x2e8: {  	v50 =	vld [tilespmem:s1+$0xFFFFFFC0];
	v39 =	vmul.f32 v46, v48;
	[tilespmem:v0+s16+$0x0] =	vst.idx.msk $0xff, v32;
	v36 =	vpop (erf)  }
0x2e9: {  	v0 =	vmul.f32 v47, v49;
	[tilespmem:v37+s16+$0x0] =	vst.idx.msk $0xff, v36;
	v51 =	vld [tilespmem:s6+$0xFFFFFF40]  }
0x2ea: {  	v52 =	vperm.xlane v33, v5;
	[tilespmem:s24+$0x90] =	vst v39;
	v53 =	vld [tilespmem:s6+$0xFFFFFFC0]  }
0x2eb: {  	v54 =	vperm.xlane v34, v5;
	v55 =	vld [tilespmem:s23+$0xA0];
	[tilespmem:s13+$0x50] =	vst v0  }
0x2ec: {  	v56 =	vperm.xlane v32, v5;
	v0 =	vmul.f32 v3, v52;
	v3 =	vld [tilespmem:s6+$0x60]  }
0x2ed: {  	v39 =	vmul.f32 v50, v54;
	v57 =	vperm.xlane v36, v5  }
0x2ee: {  	v58 =	vperm.xlane v31, v10;
	[tilespmem:s14+$0xFFFFFF40] =	vst v0;
	v0 =	vmul.f32 v51, v56  }
0x2ef: {  	v60 =	vperm.xlane v35, v6;
	[tilespmem:s14+$0xFFFFFFC0] =	vst v39;
	v59 =	vld [tilespmem:s1+$0xFFFFFF50];
	v38 =	vmul.f32 v53, v57  }
0x2f0: {  	v63 =	vld [tilespmem:s1+$0xFFFFFFD0];
	v61 =	vmul.f32 v55, v58;
	[tilespmem:s13+$0xFFFFFF40] =	vst v0  }
0x2f1: {  	v0 =	vmul.f32 v3, v60;
	v3 =	vld [tilespmem:s6+$0xFFFFFF50];
	[tilespmem:s13+$0xFFFFFFC0] =	vst v38  }
0x2f2: {  	v45 =	vperm.xlane v33, v62;
	[tilespmem:s24+$0xA0] =	vst v61;
	v38 =	vld [tilespmem:s6+$0xFFFFFFD0]  }
0x2f3: {  	v46 =	vperm.xlane v34, v62;
	v39 =	vld [tilespmem:s23+$0xB0];
	[tilespmem:s13+$0x60] =	vst v0  }
0x2f4: {  	v48 =	vperm.xlane v32, v62;
	v0 =	vmul.f32 v59, v45;
	v47 =	vld [tilespmem:s6+$0x70]  }
0x2f5: {  	v49 =	vld [tilespmem:s11+$0xFFFFFFB0];
	v50 =	vperm.xlane v36, v62;
	v40 =	vmul.f32 v63, v46  }
0x2f6: {  	v51 =	vld [tilespmem:s11+$0x30];
	[tilespmem:s14+$0xFFFFFF50] =	vst v0;
	v0 =	vmul.f32 v3, v48;
	v3 =	vperm.xlane v31, v11  }
0x2f7: {  	v54 =	vperm.xlane v35, v7;
	[tilespmem:s14+$0xFFFFFFD0] =	vst v40;
	v52 =	vld [tilespmem:s1+$0xFFFFFF60];
	v53 =	vmul.f32 v38, v50  }
0x2f8: {  	v3 =	vmul.f32 v39, v3;
	[tilespmem:s13+$0xFFFFFF50] =	vst v0;
	v0 =	vld [tilespmem:s1+$0xFFFFFFE0]  }
0x2f9: {  	v12 =	vmul.f32 v47, v54;
	[tilespmem:s13+$0xFFFFFFD0] =	vst v53;
	v55 =	vld [tilespmem:s6+$0xFFFFFF60]  }
0x2fa: {  	v17 =	vmul.f32 v49, v17;
	[tilespmem:s24+$0xB0] =	vst v3;
	v3 =	vperm.xlane v33, v6;
	v56 =	vld [tilespmem:s6+$0xFFFFFFE0]  }
0x2fb: {  	v57 =	vperm.xlane v34, v6;
	v61 =	vld [tilespmem:s21+$0xFFFFFFF0];
	v16 =	vmul.f32 v51, v16;
	[tilespmem:s13+$0x70] =	vst v12  }
0x2fc: {  	[tilespmem:s10+$0xFFFFFFB0] =	vst v17;
	v60 =	vperm.xlane v32, v6;
	v59 =	vld [tilespmem:s6+$0x80];
	v3 =	vmul.f32 v52, v3  }
0x2fd: {  	v58 =	vld [tilespmem:s21+$0xFFFFFF70];
	v63 =	vperm.xlane v36, v6;
	[tilespmem:s10+$0x30] =	vst v16;
	v0 =	vmul.f32 v0, v57  }
0x2fe: {  	v40 =	vld [tilespmem:s17+$0xFFFFFF90];
	[tilespmem:s14+$0xFFFFFF60] =	vst v3;
	v3 =	vmul.f32 v55, v60  }
0x2ff: {  	[tilespmem:s14+$0xFFFFFFE0] =	vst v0;
	v0 =	vperm.xlane v35, v8;
	v41 =	vmul.f32 v56, v63;
	v42 =	vld [tilespmem:s1+$0xFFFFFF70]  }
0x300: {  	v16 =	vmul.f32 v61, v30;
	[tilespmem:s13+$0xFFFFFF60] =	vst v3;
	v3 =	vld [tilespmem:s1+$0xFFFFFFF0]  }
0x301: {  	v0 =	vmul.f32 v59, v0;
	[tilespmem:s13+$0xFFFFFFE0] =	vst v41;
	v43 =	vld [tilespmem:s6+$0xFFFFFF70]  }
0x302: {  	v44 =	vperm.xlane v33, v7;
	[tilespmem:s18+$0xFFFFFFF0] =	vst v16;
	v12 =	vmul.f32 v58, v29;
	v45 =	vld [tilespmem:s6+$0xFFFFFFF0]  }
0x303: {  	v46 =	vperm.xlane v34, v7;
	v19 =	vmul.f32 v40, v19;
	[tilespmem:s13+$0x80] =	vst v0;
	v0 =	vld [tilespmem:s17+$0x10]  }
0x304: {  	v48 =	vperm.xlane v32, v7;
	[tilespmem:s18+$0xFFFFFF70] =	vst v12;
	v47 =	vld [tilespmem:s6+$0x90];
	v29 =	vmul.f32 v42, v44  }
0x305: {  	v50 =	vperm.xlane v36, v7;
	[tilespmem:s12+$0xFFFFFF90] =	vst v19;
	v49 =	vld [tilespmem:s21+$0xFFFFFF80];
	v3 =	vmul.f32 v3, v46  }
0x306: {  	v51 =	vld [tilespmem:s21+$0x0];
	[tilespmem:s14+$0xFFFFFF70] =	vst v29;
	v17 =	vmul.f32 v43, v48  }
0x307: {  	[tilespmem:s14+$0xFFFFFFF0] =	vst v3;
	v3 =	vperm.xlane v35, v9;
	v12 =	vmul.f32 v45, v50;
	v52 =	vld [tilespmem:s1+$0xFFFFFF80]  }
0x308: {  	v0 =	vmul.f32 v0, v18;
	[tilespmem:s13+$0xFFFFFF70] =	vst v17;
	v53 =	vld [tilespmem:s1+$0x0]  }
0x309: {  	v3 =	vmul.f32 v47, v3;
	[tilespmem:s13+$0xFFFFFFF0] =	vst v12;
	v54 =	vld [tilespmem:s6+$0xFFFFFF80]  }
0x30a: {  	v55 =	vmul.f32 v49, v27;
	[tilespmem:s12+$0x10] =	vst v0;
	v0 =	vperm.xlane v33, v8;
	v56 =	vld [tilespmem:s6+$0x0]  }
0x30b: {  	v58 =	vperm.xlane v34, v8;
	v57 =	vmul.f32 v51, v28;
	[tilespmem:s13+$0x90] =	vst v3;
	v3 =	vld [tilespmem:s17+$0xFFFFFFA0]  }
0x30c: {  	v60 =	vperm.xlane v32, v8;
	[tilespmem:s18+$0xFFFFFF80] =	vst v55;
	v59 =	vld [tilespmem:s6+$0xA0];
	v0 =	vmul.f32 v52, v0  }
0x30d: {  	v61 =	vperm.xlane v36, v8;
	[tilespmem:s18+$0x0] =	vst v57;
	v63 =	vld [tilespmem:s21+$0xFFFFFF90];
	v17 =	vmul.f32 v53, v58  }
0x30e: {  	v29 =	vld [tilespmem:s21+$0x10];
	[tilespmem:s14+$0xFFFFFF80] =	vst v0;
	v0 =	vmul.f32 v54, v60  }
0x30f: {  	v30 =	vperm.xlane v35, v10;
	[tilespmem:s14+$0x0] =	vst v17;
	v18 =	vmul.f32 v56, v61;
	v31 =	vld [tilespmem:s1+$0xFFFFFF90]  }
0x310: {  	v3 =	vmul.f32 v3, v15;
	[tilespmem:s13+$0xFFFFFF80] =	vst v0;
	v0 =	vld [tilespmem:s1+$0x10]  }
0x311: {  	v37 =	vmul.f32 v59, v30;
	[tilespmem:s13+$0x0] =	vst v18;
	v38 =	vld [tilespmem:s6+$0xFFFFFF90]  }
0x312: {  	v39 =	vmul.f32 v63, v25;
	[tilespmem:s12+$0xFFFFFFA0] =	vst v3;
	v3 =	vperm.xlane v33, v9;
	v18 =	vld [tilespmem:s6+$0x10]  }
0x313: {  	v40 =	vperm.xlane v34, v9;
	v12 =	vmul.f32 v29, v26;
	v41 =	vld [tilespmem:s17+$0x20];
	[tilespmem:s13+$0xA0] =	vst v37  }
0x314: {  	v42 =	vperm.xlane v32, v9;
	[tilespmem:s18+$0xFFFFFF90] =	vst v39;
	v3 =	vmul.f32 v31, v3;
	v43 =	vld [tilespmem:s6+$0xB0]  }
0x315: {  	v44 =	vperm.xlane v36, v9;
	[tilespmem:s18+$0x10] =	vst v12;
	v45 =	vld [tilespmem:s21+$0xFFFFFFA0];
	v0 =	vmul.f32 v0, v40  }
0x316: {  	v46 =	vld [tilespmem:s21+$0x20];
	[tilespmem:s14+$0xFFFFFF90] =	vst v3;
	v3 =	vmul.f32 v38, v42  }
0x317: {  	[tilespmem:s14+$0x10] =	vst v0;
	v0 =	vperm.xlane v35, v11;
	v12 =	vmul.f32 v18, v44;
	v47 =	vld [tilespmem:s1+$0xFFFFFFA0]  }
0x318: {  	v14 =	vmul.f32 v41, v14;
	[tilespmem:s13+$0xFFFFFF90] =	vst v3;
	v3 =	vld [tilespmem:s1+$0x20]  }
0x319: {  	v0 =	vmul.f32 v43, v0;
	v48 =	vld [tilespmem:s6+$0xFFFFFFA0];
	[tilespmem:s13+$0x10] =	vst v12  }
0x31a: {  	v49 =	vperm.xlane v33, v10;
	[tilespmem:s12+$0x20] =	vst v14;
	v50 =	vmul.f32 v45, v23;
	v51 =	vld [tilespmem:s6+$0x20]  }
0x31b: {  	v52 =	vperm.xlane v34, v10;
	v16 =	vmul.f32 v46, v24;
	[tilespmem:s13+$0xB0] =	vst v0;
	v0 =	vld [tilespmem:s17+$0xFFFFFFB0]  }
0x31c: {  	v54 =	vperm.xlane v32, v10;
	v53 =	vld [tilespmem:s17+$0x30];
	[tilespmem:s18+$0xFFFFFFA0] =	vst v50;
	v12 =	vmul.f32 v47, v49  }
0x31d: {  	v55 =	vperm.xlane v36, v10;
	[tilespmem:s18+$0x20] =	vst v16;
	v56 =	vld [tilespmem:s21+$0xFFFFFFB0];
	v3 =	vmul.f32 v3, v52  }
0x31e: {  	v57 =	vld [tilespmem:s21+$0x30];
	[tilespmem:s14+$0xFFFFFFA0] =	vst v12;
	v58 =	vmul.f32 v48, v54  }
0x31f: {  	[tilespmem:s14+$0x20] =	vst v3;
	v3 =	vld [tilespmem:s1+$0xFFFFFFB0];
	v59 =	vmul.f32 v51, v55  }
0x320: {  	v60 =	vld [tilespmem:s1+$0x30];
	v0 =	vmul.f32 v0, v13;
	[tilespmem:s13+$0xFFFFFFA0] =	vst v58  }
0x321: {  	v61 =	vmul.f32 v53, v20;
	[tilespmem:s13+$0x20] =	vst v59;
	v63 =	vld [tilespmem:s6+$0xFFFFFFB0]  }
0x322: {  	v16 =	vmul.f32 v56, v21;
	v14 =	vld [tilespmem:s6+$0x30];
	[tilespmem:s12+$0xFFFFFFB0] =	vst v0;
	v0 =	vperm.xlane v33, v11  }
0x323: {  	v21 =	vperm.xlane v34, v11;
	[tilespmem:s12+$0x30] =	vst v61;
	v22 =	vmul.f32 v57, v22  }
0x324: {  	v23 =	vperm.xlane v32, v11;
	[tilespmem:s18+$0xFFFFFFB0] =	vst v16;
	v0 =	vmul.f32 v3, v0  }
0x325: {  	[tilespmem:s18+$0x30] =	vst v22;
	v3 =	vperm.xlane v36, v11;
	v24 =	vmul.f32 v60, v21  }
0x326: {  	[tilespmem:s14+$0xFFFFFFB0] =	vst v0;
	v0 =	vmul.f32 v63, v23  }
0x327: {  	[tilespmem:s14+$0x30] =	vst v24;
	v3 =	vmul.f32 v14, v3  }
0x328: {  	[tilespmem:s13+$0xFFFFFFB0] =	vst v0  }
0x329: {  	[tilespmem:s13+$0x30] =	vst v3  }
0x32a: {  	v0 =	vld [tilespmem:$0x1F80]  }
0x32b: {  	v3 =	vld [tilespmem:$0x3F80]  }
0x32c: {  	v12 =	vld [tilespmem:$0x1F90]  }
0x32d: {  	v25 =	vld [tilespmem:$0x3F90]  }
0x32e: {  	v26 =	vld [tilespmem:$0x1FA0]  }
0x32f: {  	v27 =	vld [tilespmem:$0x3FA0]  }
0x330: {  	v16 =	vld [tilespmem:$0x1FB0]  }
0x331: {  	v28 =	vld [tilespmem:$0x3FB0]  }
0x332: {  	v29 =	vld [tilespmem:$0x1FC0]  }
0x333: {  	v30 =	vld [tilespmem:$0x3FC0]  }
0x334: {  	v31 =	vld [tilespmem:$0x1FD0]  }
0x335: {  	v32 =	vld [tilespmem:$0x3FD0]  }
0x336: {  	v33 =	vld [tilespmem:$0x1FE0]  }
0x337: {  	v34 =	vld [tilespmem:$0x1FF0];
	v0 =	vmul.f32 v3, v0  }
0x338: {  	v3 =	vld [tilespmem:$0x3FE0];
	v12 =	vmul.f32 v25, v12  }
0x339: {  	v35 =	vld [tilespmem:$0x3FF0];
	(xrf2) =	vadd.scan.msk.f32 $0xffff, v0;
	v0 =	vmul.f32 v27, v26  }
0x33a: {  	v36 =	vmul.f32 v28, v16;
	(xrf2) =	vadd.scan.msk.f32 $0xffff, v12  }
0x33b: {  	(xrf2) =	vadd.scan.msk.f32 $0xffff, v0;
	v0 =	vmul.f32 v30, v29  }
0x33c: {  	v37 =	vmul.f32 v32, v31;
	(xrf2) =	vadd.scan.msk.f32 $0xffff, v36  }
0x33d: {  	(xrf2) =	vadd.scan.msk.f32 $0xffff, v0;
	v0 =	vmul.f32 v3, v33  }
0x33e: {  	v3 =	vmul.f32 v35, v34;
	(xrf2) =	vadd.scan.msk.f32 $0xffff, v37  }
0x33f: {  	(xrf2) =	vadd.scan.msk.f32 $0xffff, v0  }
0x340: {  	(xrf2) =	vadd.scan.msk.f32 $0xffff, v3;
	_ =	sdelay $0x2  }
0x341: {  	v0, _, _ =	vpop (xrf2)  }
0x342: {  	v3, _, _ =	vpop (xrf2);
	v0 =	vperm.xlane v0, v2  }
0x343: {  	v38, _, _ =	vpop (xrf2);
	v3 =	vperm.xlane v3, v2  }
0x344: {  	v39, _, _ =	vpop (xrf2);
	v0 =	vnsel vm0, $0x0, v0;
	v12 =	vperm.xlane v38, v2  }
0x345: {  	v0 =	vsel vm1, v0, v3;
	v3 =	vperm.xlane v39, v2;
	v40, _, _ =	vpop (xrf2)  }
0x346: {  	v0 =	vsel vm2, v0, v12;
	v41 =	vperm.xlane v40, v2;
	v42, _, _ =	vpop (xrf2)  }
0x347: {  	v43 =	vld [tilespmem:$0x61F8];
	v0 =	vsel vm3, v0, v3;
	v3 =	vperm.xlane v42, v2;
	v44, _, _ =	vpop (xrf2)  }
0x348: {  	v0 =	vsel vm4, v0, v41;
	v45 =	vperm.xlane v44, v2;
	v46, _, _ =	vpop (xrf2)  }
0x349: {  	v0 =	vsel vm5, v0, v3;
	v3 =	vperm.xlane v46, v2  }
0x34a: {  	v0 =	vsel vm6, v0, v45  }
0x34b: {  	v0 =	vsel vm7, v0, v3;
	v3 =	vld [tilespmem:$0xA430]  }
0x34c: {  	v0 =	vadd.f32 v0, v43;
	_ =	sdelay $0x1  }
0x34d: {  	v0 =	vmul.f32 $1.442695020e+00, v0;
	_ =	sdelay $0x1  }
0x34e: {  	(erf) = vpow2.f32 v0;
	v0 =	vperm.xlane v3, v2;
	v3 =	vld [tilespmem:$0x1FFF0];
	_ =	sdelay $0x4  }
0x34f: {  	v0 =	vadd.s32 v3, v0;
	_ =	sdelay $0x3  }
0x350: {  	v3 =	vpop (erf)  }
0x351: {  	[tilespmem:v0+s16+$0x0] =	vst.idx.msk $0xff, v3  }
0x352: {  	v0 =	vld [tilespmem:$0x5F80]  }
0x353: {  	v47 =	vld [tilespmem:$0x5F90]  }
0x354: {  	v50 =	vld [tilespmem:$0x5FB0]  }
0x355: {  	v49 =	vperm.xlane v3, v5;
	v48 =	vld [tilespmem:$0x5FA0]  }
0x356: {  	v51 =	vperm.xlane v3, v62;
	v53 =	vperm.xlane v3, v6;
	v54 =	vld [tilespmem:$0x5FD0]  }
0x357: {  	v55 =	vperm.xlane v3, v7;
	v52 =	vld [tilespmem:$0x5FC0];
	v0 =	vmul.f32 v0, v49  }
0x358: {  	v57 =	vperm.xlane v3, v8;
	v58 =	vld [tilespmem:$0x5FF0];
	v12 =	vmul.f32 v47, v51  }
0x359: {  	v60 =	vperm.xlane v3, v9;
	v56 =	vld [tilespmem:$0x5FE0];
	v59 =	vmul.f32 v50, v55;
	[tilespmem:$0x8280] =	vst v0  }
0x35a: {  	v61 =	vperm.xlane v3, v10;
	v0 =	vmul.f32 v48, v53;
	[tilespmem:$0x8290] =	vst v12  }
0x35b: {  	v3 =	vperm.xlane v3, v11;
	v63 =	vmul.f32 v54, v60;
	[tilespmem:$0x82B0] =	vst v59  }
0x35c: {  	[tilespmem:$0x82A0] =	vst v0;
	v0 =	vmul.f32 v52, v57  }
0x35d: {  	p2 =	seq.s32 s30, $0x9F;
	v3 =	vmul.f32 v58, v3;
	[tilespmem:$0x82D0] =	vst v63  }
0x35e: {  	s0 =	sadd.s32 @!p2 $0x2, s22;
	[tilespmem:$0x82C0] =	vst v0;
	v0 =	vmul.f32 v56, v61  }
0x35f: {  	s23 =	rddreg [dreg:$0x2];
	s1 =	sadd.s32 @!p2 s9, s0;
	s0 =	sshll.u32 @!p2 s0, $0x4;
	[tilespmem:$0x82F0] =	vst v3  }
0x360: {  	s24 =	simm.s32 $0x8300;
	s2 =	sshll.u32 @!p2 s1, $0x4;
	s0 =	sand.u32 @!p2 $0x60, s0;
	[tilespmem:$0x82E0] =	vst v0  }
0x361: {  	[spmem:s23] =	stream.indirect.scatter.add.f32 [tilespmem:s25], [sflag:$0x3], $0x80, s24, s29, $0xb8;
	[tilespmem:$0x1F740] =	vst v63  }
0x362: {  	s28 =	simm.s32 $0xA380;
	s2 =	sand.u32 @!p2 $0x3FF80, s2;
	s0 =	sadd.s32 @!p2 s7, s0  }
0x363: {  	[spmem:s3] =	stream.indirect.scatter.add.f32 [tilespmem:s16], [sflag:$0x5], $0x80, s28, s29, $0xb8;
	[tilespmem:$0x1F740] =	vst v63  }
0x364: {  	s4 =	simm.s32 @!p2 $0x6280;
	s0 =	sadd.s32 @!p2 s2, s0;
	s2 =	simm.s32 @!p2 $0x0  }
0x365: {  	[tilespmem:s4], [sflag:$0x7] =	stream.linear.gather @!p2 [hbm4b:s0+s2], $0x80, $0x38;
	[tilespmem:$0x1F740] =	vst v63  }
0x366: {  	s0 =	simm.s32 @!p2 $0x7  }
0x367: {  	_ =	swait.ge @!p2 [sflag:s0], $0x80  }
0x368: {  	s5 =	simm.s32 @!p2 $0x62C0;
	[sflag:s0] =	ssyncset.done @!p2 $0x0  }
0x369: {  	s6 =	rddreg [dreg:$0x5];
	[sflag:s0] =	ssyncadd.s32 @!p2 $0xFFFFFF80;
	s0 =	simm.s32 @!p2 $0x40  }
0x36a: {  	[tilespmem:s2], [sflag:$0x1] =	stream.indirect.gather @!p2 [hbm4b:s6+s0], $0x80, s5, s0, $0xb8;
	[tilespmem:$0x1F740] =	vst v63  }
0x36b: {  	s5 =	simm.s32 @!p2 $0x2000;
	s6 =	rddreg [dreg:$0x6]  }
0x36c: {  	[tilespmem:s5], [sflag:$0x1] =	stream.indirect.gather @!p2 [hbm4b:s6+s0], $0x80, s4, s0, $0xb8;
	[tilespmem:$0x1F740] =	vst v63  }
0x36d: {  	s5 =	simm.s32 @!p2 $0x4000;
	s6 =	rddreg [dreg:$0x7]  }
0x36e: {  	[tilespmem:s5], [sflag:$0x1] =	stream.indirect.gather @!p2 [hbm4b:s6+s0], $0x80, s4, s0, $0xb8;
	[tilespmem:$0x1F740] =	vst v63  }
0x36f: {  	s0 =	sshll.u32 @!p2 s1, $0x6;
	s1 =	rddreg [dreg:$0x8]  }
0x370: {  	s0 =	sadd.s32 @!p2 s1, s0;
	s1 =	simm.s32 @!p2 $0x6000  }
0x371: {  	[tilespmem:s1], [sflag:$0x1] =	stream.linear.gather @!p2 [hbm4b:s0+s2], $0x200, $0x38;
	[tilespmem:$0x1F740] =	vst v63  }
0x372: {  	_ =	swait.ge [sflag:s19], $0x2000  }
0x373: {  	[sflag:s19] =	ssyncset.done $0x0  }
0x374: {  	[sflag:s19] =	ssyncadd.s32 $0xFFFFE000  }
0x375: {  	_ =	swait.ge [sflag:s19], $0x2000  }
0x376: {  	[sflag:s19] =	ssyncset.done $0x0  }
0x377: {  	[sflag:s19] =	ssyncadd.s32 $0xFFFFE000  }
0x378: {  	_ =	swait.ge [sflag:s19], $0x2000  }
.Ltmp6:
0x379: {  	[sflag:s19] =	ssyncset.done $0x0;
	(pc) =	sbr.rel @p1 .LBB2_18-.Ltmp6, $4  }
0x37a: {  	[sflag:s19] =	ssyncadd.s32 $0xFFFFE000  }
0x37b: {  	_ =	swait.ge [sflag:s19], $0x200  }
0x37c: {  	[sflag:s19] =	ssyncset.done $0x0  }
0x37d: {  	s31 =	smov.u32 s7;
	v4 =	vlaneseq.u32;
	s7 =	simm.s32 $0x0;
	v5 =	vimm.s32 $0x0;
	[sflag:s19] =	ssyncadd.s32 $0xFFFFFE00  }
0x37e: {  	s0 =	simm.s32 $0x4  }
0x37f: {  	_ =	swait.ge [sflag:s0], $0x2000  }
0x380: {  	[sflag:s0] =	ssyncset.done $0x0  }
0x381: {  	s28 =	simm.s32 $0x6;
	[sflag:s0] =	ssyncadd.s32 $0xFFFFE000  }
0x382: {  	_ =	swait.ge [sflag:s28], $0x2000  }
0x383: {  	[sflag:s28] =	ssyncset.done $0x0  }
0x384: {  	s0 =	simm.s32 $0x14880;
	[sflag:s28] =	ssyncadd.s32 $0xFFFFE000  }
0x385: {  	v15 =	vld [tilespmem:s0+$0x0]  }
0x386: {  	s1 =	simm.s32 $0x0  }
0x387: {  	v14 =	vmul.u32 $0x80, v4;
	v0 =	vmov s1  }
0x388: {  	v0 =	vshll.u32 v0, $0x7  }
0x389: {  	v13 =	vor.u32 v14, v0  }
0x38a: {  	v0 =	vand.u32 $0x7F, v15;
	v17 =	vadd.s32 $0x4, v15;
	v16 =	vadd.s32 $0x6, v15  }
0x38b: {  	v3 =	vadd.s32 $0x1, v15;
	v12 =	vadd.s32 $0x2, v15;
	v18 =	vadd.s32 $0x5, v15  }
0x38c: {  	v23 =	vand.u32 $0xFFFFFF80, v15;
	v19 =	vand.u32 $0xFFFFFF80, v3;
	v20 =	vand.u32 $0xFFFFFF80, v18  }
0x38d: {  	v21 =	vand.u32 $0x7F, v18;
	v3 =	vand.u32 $0x7F, v3;
	v18 =	vand.u32 $0xFFFFFF80, v12  }
0x38e: {  	v12 =	vand.u32 $0x7F, v12;
	v18 =	vadd.s32 v13, v18;
	v22 =	vadd.s32 v13, v20  }
0x38f: {  	v20 =	vadd.s32 v13, v23;
	v19 =	vadd.s32 v13, v19;
	v23 =	vadd.s32 $0x3, v15  }
0x390: {  	s1 =	simm.s32 $0x10;
	v18 =	vor.u32 v12, v18;
	v20 =	vor.u32 v0, v20;
	v19 =	vor.u32 v3, v19  }
.LBB2_16:
0x391: {  	p1 =	sne.s32 s1, $0x30  }
0x392: {  	v0 =	vand.u32 $0xFFFFFF80, v23;
	v3 =	vand.u32 $0xFFFFFF80, v17;
	v12 =	vor.u32 v21, v22;
	s0 =	sadd.s32 $0x10, s0;
	s2 =	smov.u32 s1;
	s1 =	sadd.s32 $0x10, s1  }
0x393: {  	v21 =	vand.u32 $0x7F, v23;
	v0 =	vadd.s32 v13, v0;
	v3 =	vadd.s32 v13, v3  }
0x394: {  	v17 =	vand.u32 $0x7F, v17;
	v0 =	vor.u32 v21, v0;
	v21 =	vand.u32 $0xFFFFFF80, v16  }
0x395: {  	v15 =	vadd.s32 $0x7, v15;
	v3 =	vor.u32 v17, v3;
	v17 =	vadd.s32 v13, v21  }
0x396: {  	v16 =	vand.u32 $0x7F, v16;
	[tilespmem:v20+s20+$0x0] =	vst.idx.msk $0xffff, v1;
	v20 =	vand.u32 $0xFFFFFF80, v15  }
0x397: {  	v16 =	vor.u32 v16, v17;
	v15 =	vand.u32 $0x7F, v15;
	[tilespmem:v19+s20+$0x0] =	vst.idx.msk $0xffff, v1;
	v13 =	vadd.s32 v13, v20  }
0x398: {  	[tilespmem:v18+s20+$0x0] =	vst.idx.msk $0xffff, v1;
	v15 =	vor.u32 v15, v13  }
0x399: {  	[tilespmem:v0+s20+$0x0] =	vst.idx.msk $0xffff, v1  }
0x39a: {  	v0 =	vmov s2;
	[tilespmem:v3+s20+$0x0] =	vst.idx.msk $0xffff, v1  }
0x39b: {  	v0 =	vshll.u32 v0, $0x7;
	[tilespmem:v12+s20+$0x0] =	vst.idx.msk $0xffff, v1  }
0x39c: {  	[tilespmem:v16+s20+$0x0] =	vst.idx.msk $0xffff, v1  }
0x39d: {  	v13 =	vor.u32 v14, v0;
	[tilespmem:v15+s20+$0x0] =	vst.idx.msk $0xffff, v1  }
0x39e: {  	v15 =	vld [tilespmem:s0+$0x0];
	_ =	sdelay $0x4  }
0x39f: {  	v0 =	vand.u32 $0x7F, v15;
	v17 =	vadd.s32 $0x4, v15;
	v16 =	vadd.s32 $0x6, v15  }
0x3a0: {  	v3 =	vadd.s32 $0x1, v15;
	v12 =	vadd.s32 $0x2, v15;
	v18 =	vadd.s32 $0x5, v15  }
.Ltmp7:
0x3a1: {  	v19 =	vand.u32 $0xFFFFFF80, v3;
	v20 =	vand.u32 $0xFFFFFF80, v18;
	v21 =	vand.u32 $0x7F, v18;
	(pc) =	sbr.rel @p1 .LBB2_16-.Ltmp7, $4  }
0x3a2: {  	v3 =	vand.u32 $0x7F, v3;
	v18 =	vand.u32 $0xFFFFFF80, v12;
	v12 =	vand.u32 $0x7F, v12  }
0x3a3: {  	v23 =	vand.u32 $0xFFFFFF80, v15;
	v18 =	vadd.s32 v13, v18;
	v22 =	vadd.s32 v13, v20  }
0x3a4: {  	v20 =	vadd.s32 v13, v23;
	v19 =	vadd.s32 v13, v19;
	v18 =	vor.u32 v12, v18  }
0x3a5: {  	v23 =	vadd.s32 $0x3, v15;
	v20 =	vor.u32 v0, v20;
	v19 =	vor.u32 v3, v19  }
0x3a6: {  	v0 =	vand.u32 $0xFFFFFF80, v23;
	v3 =	vand.u32 $0xFFFFFF80, v17  }
0x3a7: {  	v12 =	vor.u32 v21, v22;
	v14 =	vand.u32 $0x7F, v23;
	v0 =	vadd.s32 v13, v0  }
0x3a8: {  	v56 =	vand.u32 $0x7F, v17;
	v3 =	vadd.s32 v13, v3;
	v0 =	vor.u32 v14, v0  }
0x3a9: {  	v57 =	vand.u32 $0xFFFFFF80, v16;
	v58 =	vadd.s32 $0x7, v15;
	v3 =	vor.u32 v56, v3  }
0x3aa: {  	[tilespmem:v20+s20+$0x0] =	vst.idx.msk $0xffff, v1;
	v60 =	vand.u32 $0x7F, v16;
	v59 =	vadd.s32 v13, v57;
	v61 =	vand.u32 $0xFFFFFF80, v58  }
0x3ab: {  	[tilespmem:v19+s20+$0x0] =	vst.idx.msk $0xffff, v1;
	v15 =	vor.u32 v60, v59;
	v14 =	vand.u32 $0x7F, v58;
	v63 =	vadd.s32 v13, v61  }
0x3ac: {  	[tilespmem:v18+s20+$0x0] =	vst.idx.msk $0xffff, v1;
	v13 =	vor.u32 v14, v63  }
0x3ad: {  	[tilespmem:v0+s20+$0x0] =	vst.idx.msk $0xffff, v1  }
0x3ae: {  	[tilespmem:v3+s20+$0x0] =	vst.idx.msk $0xffff, v1  }
0x3af: {  	[tilespmem:v12+s20+$0x0] =	vst.idx.msk $0xffff, v1  }
0x3b0: {  	[tilespmem:v15+s20+$0x0] =	vst.idx.msk $0xffff, v1  }
0x3b1: {  	[tilespmem:v13+s20+$0x0] =	vst.idx.msk $0xffff, v1  }
.LBB2_18:
0x3b2: {  	v0 =	vld [tilespmem:$0x10740]  }
0x3b3: {  	v14 =	vld [tilespmem:$0x1FFE0];
	_ =	sdelay $0x2  }
0x3b4: {  	v3 =	vld [tilespmem:$0x10750];
	_ =	sdelay $0x1  }
0x3b5: {  	v12 =	vsub.s32 v0, v14  }
0x3b6: {  	v13 =	vld [tilespmem:$0x10760];
	v12 =	vmin.u32 v12, $0x1400  }
0x3b7: {  	v0 =	vshll.u32 v0, $0x3;
	[tilespmem:$0x12780] =	vst v12;
	v12 =	vshrl.u32 v12, $0x4  }
0x3b8: {  	v0 =	vand.u32 $0x78, v0;
	[tilespmem:$0x14800] =	vst v12;
	v12 =	vsub.s32 v3, v14  }
0x3b9: {  	[tilespmem:$0x14880] =	vst v0;
	v0 =	vmin.u32 v12, $0x1400;
	v12 =	vld [tilespmem:$0x10770]  }
0x3ba: {  	v3 =	vshll.u32 v3, $0x3;
	[tilespmem:$0x12790] =	vst v0;
	v0 =	vshrl.u32 v0, $0x4  }
0x3bb: {  	[tilespmem:$0x14810] =	vst v0;
	v0 =	vand.u32 $0x78, v3;
	v3 =	vsub.s32 v13, v14  }
0x3bc: {  	[tilespmem:$0x14890] =	vst v0;
	v0 =	vmin.u32 v3, $0x1400  }
0x3bd: {  	v3 =	vshll.u32 v13, $0x3;
	[tilespmem:$0x127A0] =	vst v0;
	v0 =	vshrl.u32 v0, $0x4  }
0x3be: {  	[tilespmem:$0x14820] =	vst v0;
	v0 =	vand.u32 $0x78, v3;
	v3 =	vsub.s32 v12, v14  }
0x3bf: {  	[tilespmem:$0x148A0] =	vst v0;
	v0 =	vmin.u32 v3, $0x1400  }
0x3c0: {  	v3 =	vshll.u32 v12, $0x3;
	[tilespmem:$0x127B0] =	vst v0;
	v0 =	vshrl.u32 v0, $0x4  }
0x3c1: {  	[tilespmem:$0x14830] =	vst v0;
	v0 =	vand.u32 $0x78, v3  }
0x3c2: {  	s0 =	simm.s32 $0xA540;
	[tilespmem:$0x148B0] =	vst v0  }
0x3c3: {  	s1 =	simm.s32 $0xC540;
	v0 =	vld [tilespmem:s0+$0xB0]  }
0x3c4: {  	v3 =	vld [tilespmem:s1+$0xB0]  }
0x3c5: {  	v12 =	vld [tilespmem:s0+$0x90]  }
0x3c6: {  	v13 =	vld [tilespmem:s1+$0x90]  }
0x3c7: {  	v14 =	vld [tilespmem:s0+$0x80]  }
0x3c8: {  	v15 =	vld [tilespmem:s1+$0x80]  }
0x3c9: {  	v16 =	vld [tilespmem:s0+$0x60]  }
0x3ca: {  	v17 =	vld [tilespmem:s1+$0x60]  }
0x3cb: {  	v18 =	vld [tilespmem:s0+$0x50]  }
0x3cc: {  	v19 =	vld [tilespmem:s1+$0x50]  }
0x3cd: {  	v20 =	vld [tilespmem:s0+$0x40]  }
0x3ce: {  	v0 =	vmul.f32 v3, v0;
	v3 =	vld [tilespmem:s1+$0x40]  }
0x3cf: {  	v12 =	vmul.f32 v13, v12  }
0x3d0: {  	v13 =	vld [tilespmem:s0+$0x70];
	(xrf2) =	vadd.scan.msk.f32 $0xffff, v0;
	v0 =	vmul.f32 v15, v14  }
0x3d1: {  	v14 =	vld [tilespmem:s1+$0x70];
	(xrf2) =	vadd.scan.msk.f32 $0xffff, v12;
	v12 =	vmul.f32 v17, v16  }
0x3d2: {  	(xrf2) =	vadd.scan.msk.f32 $0xffff, v0;
	v0 =	vmul.f32 v19, v18  }
0x3d3: {  	(xrf2) =	vadd.scan.msk.f32 $0xffff, v12;
	v3 =	vmul.f32 v3, v20  }
0x3d4: {  	(xrf2) =	vadd.scan.msk.f32 $0xffff, v0  }
0x3d5: {  	v12 =	vld [tilespmem:s0+$0xA0];
	(xrf2) =	vadd.scan.msk.f32 $0xffff, v3  }
0x3d6: {  	v0 =	vld [tilespmem:s1+$0xA0];
	v3 =	vmul.f32 v14, v13;
	_ =	sdelay $0x1  }
0x3d7: {  	(xrf2) =	vadd.scan.msk.f32 $0xffff, v3;
	_ =	sdelay $0x1  }
0x3d8: {  	v15, _, _ =	vpop (xrf2)  }
0x3d9: {  	v0 =	vmul.f32 v0, v12;
	v16, _, _ =	vpop (xrf2)  }
0x3da: {  	v18, _, _ =	vpop (xrf2)  }
0x3db: {  	(xrf2) =	vadd.scan.msk.f32 $0xffff, v0;
	v20, _, _ =	vpop (xrf2)  }
0x3dc: {  	v22, _, _ =	vpop (xrf2)  }
0x3dd: {  	v24, _, _ =	vpop (xrf2)  }
0x3de: {  	v21 =	vld [tilespmem:s1+$0xFFFFFFD0];
	v24 =	vperm.xlane v24, v2  }
0x3df: {  	v23 =	vld [tilespmem:s0+$0xFFFFFF60];
	v22 =	vperm.xlane v22, v2  }
0x3e0: {  	v25 =	vld [tilespmem:s1+$0xFFFFFF60];
	v28, _, _ =	vpop (xrf2);
	v24 =	vnsel vm0, $0x0, v24  }
0x3e1: {  	v13 =	vld [tilespmem:s0+$0xFFFFFF40];
	v22 =	vsel vm1, v24, v22;
	v24 =	vperm.xlane v28, v2  }
0x3e2: {  	v14 =	vld [tilespmem:s1+$0xFFFFFF40];
	v20 =	vperm.xlane v20, v2  }
0x3e3: {  	v26 =	vld [tilespmem:s0+$0xFFFFFFE0]  }
0x3e4: {  	s2 =	simm.s32 $0x10490;
	v27 =	vld [tilespmem:s1+$0xFFFFFFE0];
	v18 =	vperm.xlane v18, v2;
	v20 =	vsel vm2, v22, v20  }
0x3e5: {  	v16 =	vperm.xlane v16, v2;
	v22 =	vld [tilespmem:s2+$0x0];
	v20 =	vsel vm3, v20, v24;
	v24, _, _ =	vpop (xrf2)  }
0x3e6: {  	v29 =	vld [tilespmem:s0+$0xFFFFFF70];
	v18 =	vsel vm4, v20, v18;
	v20 =	vperm.xlane v24, v2  }
0x3e7: {  	s4 =	simm.s32 $0x2;
	v30 =	vld [tilespmem:s0+$0xFFFFFFF0];
	v13 =	vmul.f32 v14, v13;
	v15 =	vperm.xlane v15, v2;
	v16 =	vsel vm5, v18, v16  }
0x3e8: {  	s5 =	sand.u32 $0x70, s4;
	v17 =	vld [tilespmem:s0+$0xFFFFFF50];
	v16 =	vsel vm6, v16, v20  }
0x3e9: {  	(xrf2) =	vadd.scan.msk.f32 $0xffff, v13;
	v13 =	vld [tilespmem:s5+$0x14880];
	v15 =	vsel vm7, v16, v15  }
0x3ea: {  	v3 =	vld [tilespmem:s0+$0xFFFFFFC0];
	v15 =	vadd.f32 v15, v22  }
0x3eb: {  	v12 =	vld [tilespmem:s1+$0xFFFFFFC0]  }
0x3ec: {  	v0 =	vld [tilespmem:s1+$0xFFFFFF50];
	v15 =	vmul.f32 $1.442695020e+00, v15  }
0x3ed: {  	v19 =	vld [tilespmem:s0+$0xFFFFFFD0];
	v18 =	vmov s4  }
0x3ee: {  	v28 =	vld [tilespmem:s1+$0xFFFFFF70];
	v13 =	vperm.xlane v13, v18;
	(erf) = vpow2.f32 v15  }
0x3ef: {  	v31 =	vld [tilespmem:s1+$0xFFFFFFB0]  }
0x3f0: {  	s6 =	simm.s32 $0xC6C0;
	v32 =	vld [tilespmem:s1+$0x30];
	v23 =	vmul.f32 v25, v23;
	v3 =	vmul.f32 v12, v3;
	v13 =	vadd.s32 v4, v13  }
0x3f1: {  	s24 =	simm.s32 $0x100;
	v34 =	vld [tilespmem:s6+$0xB0];
	v25 =	vmul.f32 v27, v26;
	v0 =	vmul.f32 v0, v17;
	v22 =	vand.u32 $0xFFFFFF80, v13  }
0x3f2: {  	v26 =	vld [tilespmem:s0+$0x20];
	v19 =	vmul.f32 v21, v19;
	(xrf2) =	vadd.scan.msk.f32 $0xffff, v3;
	v13 =	vand.u32 $0x7F, v13;
	v22 =	vadd.s32 s24, v22  }
0x3f3: {  	v27 =	vld [tilespmem:s1+$0x20];
	(xrf2) =	vadd.scan.msk.f32 $0xffff, v0;
	v22 =	vor.u32 v13, v22;
	v13 =	vmul.f32 v28, v29  }
0x3f4: {  	v21 =	vld [tilespmem:s0+$0xFFFFFFA0];
	(xrf2) =	vadd.scan.msk.f32 $0xffff, v19  }
0x3f5: {  	v14 =	vld [tilespmem:s1+$0xFFFFFFF0];
	(xrf2) =	vadd.scan.msk.f32 $0xffff, v23  }
0x3f6: {  	v12 =	vld [tilespmem:s0+$0xFFFFFF80];
	(xrf2) =	vadd.scan.msk.f32 $0xffff, v25  }
0x3f7: {  	v3 =	vld [tilespmem:s1+$0xFFFFFF80];
	(xrf2) =	vadd.scan.msk.f32 $0xffff, v13;
	v13 =	vpop (erf)  }
0x3f8: {  	s11 =	simm.s32 $0xE540;
	v17 =	vld [tilespmem:s0+$0xFFFFFF90];
	[tilespmem:v22+s20+$0x0] =	vst.idx.msk $0xff, v13  }
0x3f9: {  	v22 =	vld [tilespmem:s11+$0x40]  }
0x3fa: {  	v0 =	vld [tilespmem:s0+$0x0]  }
0x3fb: {  	v25 =	vld [tilespmem:s0+$0xFFFFFFB0]  }
0x3fc: {  	v3 =	vmul.f32 v3, v12;
	v12 =	vld [tilespmem:s6+$0x90];
	v29 =	vperm.xlane v13, v5  }
0x3fd: {  	v18 =	vld [tilespmem:s1+$0x10]  }
0x3fe: {  	v24 =	vld [tilespmem:s1+$0xFFFFFFA0];
	v22 =	vmul.f32 v22, v29  }
0x3ff: {  	s10 =	simm.s32 $0x10840;
	v20 =	vld [tilespmem:s1+$0xFFFFFF90]  }
0x400: {  	v16 =	vld [tilespmem:s1+$0x0];
	[tilespmem:s10+$0x40] =	vst v22  }
0x401: {  	s1 =	simm.s32 $0xA6C0;
	v22 =	vld [tilespmem:s11+$0x50]  }
0x402: {  	v33 =	vld [tilespmem:s1+$0xB0]  }
0x403: {  	v14 =	vmul.f32 v14, v30;
	v15 =	vld [tilespmem:s0+$0x10]  }
0x404: {  	v30 =	vld [tilespmem:s1+$0x90];
	v29 =	vperm.xlane v13, v62  }
0x405: {  	(xrf2) =	vadd.scan.msk.f32 $0xffff, v14;
	v14 =	vld [tilespmem:s1+$0x80]  }
0x406: {  	v0 =	vmul.f32 v16, v0;
	(xrf2) =	vadd.scan.msk.f32 $0xffff, v3;
	v3 =	vld [tilespmem:s6+$0x80];
	v22 =	vmul.f32 v22, v29  }
0x407: {  	v19, _, _ =	vpop (xrf2);
	v16 =	vmul.f32 v20, v17;
	v29 =	vld [tilespmem:s0+$0x30]  }
0x408: {  	v23, _, _ =	vpop (xrf2);
	(xrf2) =	vadd.scan.msk.f32 $0xffff, v0;
	v0 =	vld [tilespmem:s1+$0x60];
	v15 =	vmul.f32 v18, v15;
	[tilespmem:s10+$0x50] =	vst v22  }
0x409: {  	v28, _, _ =	vpop (xrf2);
	v17 =	vmul.f32 v24, v21;
	(xrf2) =	vadd.scan.msk.f32 $0xffff, v16;
	v22 =	vld [tilespmem:s11+$0x60]  }
0x40a: {  	v18 =	vmul.f32 v27, v26;
	v16 =	vld [tilespmem:s6+$0x60];
	(xrf2) =	vadd.scan.msk.f32 $0xffff, v15  }
0x40b: {  	v20 =	vmul.f32 v31, v25;
	v15 =	vld [tilespmem:s1+$0x50];
	(xrf2) =	vadd.scan.msk.f32 $0xffff, v17  }
0x40c: {  	v21, _, _ =	vpop (xrf2);
	v17 =	vld [tilespmem:s6+$0x50];
	v24 =	vmul.f32 v32, v29;
	(xrf2) =	vadd.scan.msk.f32 $0xffff, v18;
	v18 =	vperm.xlane v13, v6  }
0x40d: {  	v25 =	vld [tilespmem:s1+$0x40];
	v26, _, _ =	vpop (xrf2);
	(xrf2) =	vadd.scan.msk.f32 $0xffff, v20;
	v20 =	vmul.f32 v34, v33  }
0x40e: {  	v12 =	vmul.f32 v12, v30;
	v27 =	vld [tilespmem:s6+$0x40];
	v29, _, _ =	vpop (xrf2);
	(xrf2) =	vadd.scan.msk.f32 $0xffff, v24;
	v18 =	vmul.f32 v22, v18  }
0x40f: {  	v3 =	vmul.f32 v3, v14;
	v14 =	vld [tilespmem:s1+$0x70];
	(xrf2) =	vadd.scan.msk.f32 $0xffff, v20  }
0x410: {  	v22, _, _ =	vpop (xrf2);
	v0 =	vmul.f32 v16, v0;
	(xrf2) =	vadd.scan.msk.f32 $0xffff, v12;
	v12 =	vld [tilespmem:s6+$0x70];
	[tilespmem:s10+$0x60] =	vst v18  }
0x411: {  	v20, _, _ =	vpop (xrf2);
	(xrf2) =	vadd.scan.msk.f32 $0xffff, v3;
	v3 =	vmul.f32 v17, v15;
	v18 =	vld [tilespmem:s11+$0x70]  }
0x412: {  	v16, _, _ =	vpop (xrf2);
	(xrf2) =	vadd.scan.msk.f32 $0xffff, v0;
	v0 =	vld [tilespmem:s1+$0xA0]  }
0x413: {  	v17 =	vmul.f32 v27, v25;
	v15, _, _ =	vpop (xrf2);
	(xrf2) =	vadd.scan.msk.f32 $0xffff, v3;
	v3 =	vld [tilespmem:s6+$0xA0]  }
0x414: {  	v27 =	vperm.xlane v13, v7;
	v24, _, _ =	vpop (xrf2)  }
0x415: {  	(xrf2) =	vadd.scan.msk.f32 $0xffff, v17;
	v17 =	vperm.xlane v19, v2;
	v25, _, _ =	vpop (xrf2);
	v12 =	vmul.f32 v12, v14  }
0x416: {  	v19, _, _ =	vpop (xrf2);
	v18 =	vmul.f32 v18, v27;
	v27 =	vperm.xlane v28, v2  }
0x417: {  	v26 =	vperm.xlane v26, v2;
	v14 =	vperm.xlane v23, v2;
	v17 =	vnsel vm0, $0x0, v17;
	v23, _, _ =	vpop (xrf2)  }
0x418: {  	v28, _, _ =	vpop (xrf2);
	(xrf2) =	vadd.scan.msk.f32 $0xffff, v12;
	v0 =	vmul.f32 v3, v0;
	v3 =	vsel vm1, v17, v27;
	v17 =	vperm.xlane v29, v2  }
0x419: {  	v21 =	vperm.xlane v21, v2;
	v20 =	vperm.xlane v20, v2;
	v30, _, _ =	vpop (xrf2);
	[tilespmem:s10+$0x70] =	vst v18  }
0x41a: {  	v16 =	vperm.xlane v16, v2;
	v12 =	vnsel vm0, $0x0, v14;
	v18 =	vperm.xlane v22, v2;
	v22 =	vld [tilespmem:s11+$0x80];
	v27, _, _ =	vpop (xrf2)  }
0x41b: {  	v15 =	vperm.xlane v15, v2;
	v12 =	vsel vm1, v12, v21;
	v3 =	vsel vm2, v3, v26;
	v26, _, _ =	vpop (xrf2)  }
0x41c: {  	v29 =	vperm.xlane v13, v8;
	(xrf2) =	vadd.scan.msk.f32 $0xffff, v0;
	v12 =	vsel vm2, v12, v17;
	v3 =	vsel vm3, v3, v18;
	v17, _, _ =	vpop (xrf2)  }
0x41d: {  	v12 =	vsel vm3, v12, v20;
	v3 =	vsel vm4, v3, v16;
	v16 =	vperm.xlane v24, v2;
	v31, _, _ =	vpop (xrf2)  }
0x41e: {  	v56 =	vld [tilespmem:s1+$0xFFFFFF80];
	v24 =	vperm.xlane v25, v2;
	v12 =	vsel vm4, v12, v15;
	v25, _, _ =	vpop (xrf2)  }
0x41f: {  	v32 =	vld [tilespmem:s1+$0xFFFFFF50];
	v15 =	vperm.xlane v19, v2;
	v3 =	vsel vm5, v3, v16;
	v29 =	vmul.f32 v22, v29;
	v55, _, _ =	vpop (xrf2)  }
0x420: {  	v33 =	vld [tilespmem:s6+$0xFFFFFFF0];
	v12 =	vsel vm5, v12, v24;
	v17 =	vperm.xlane v17, v2;
	v16 =	vperm.xlane v55, v2  }
0x421: {  	v14 =	vld [tilespmem:s2+$0xFFFFFFF0];
	v3 =	vsel vm6, v3, v15;
	v15 =	vperm.xlane v23, v2;
	v24 =	vperm.xlane v25, v2;
	[tilespmem:s10+$0x80] =	vst v29  }
0x422: {  	s8 =	simm.s32 $0x1;
	v25 =	vperm.xlane v28, v2;
	v29 =	vperm.xlane v31, v2;
	v28 =	vld [tilespmem:s11+$0x90];
	v31, _, _ =	vpop (xrf2);
	v16 =	vnsel vm0, $0x0, v16  }
0x423: {  	s14 =	sand.u32 $0x70, s8;
	v21 =	vld [tilespmem:s2+$0xFFFFFFF8];
	v12 =	vsel vm6, v12, v15;
	v15 =	vsel vm1, v16, v24;
	v16 =	vperm.xlane v31, v2  }
0x424: {  	v0 =	vld [tilespmem:s14+$0x14880];
	v3 =	vsel vm7, v3, v25;
	v25 =	vperm.xlane v30, v2;
	v15 =	vsel vm2, v15, v29  }
0x425: {  	s12 =	simm.s32 $0x0;
	s13 =	simm.s32 $0x104A8;
	v18 =	vld [tilespmem:s1+$0xFFFFFF40];
	v30 =	vperm.xlane v13, v9;
	v15 =	vsel vm3, v15, v16;
	v16 =	vperm.xlane v26, v2  }
0x426: {  	s17 =	sand.u32 $0x30, s12;
	v3 =	vadd.f32 v3, v14;
	v29 =	vld [tilespmem:s13+$0x0];
	v26, _, _ =	vpop (xrf2);
	v15 =	vsel vm4, v15, v17  }
0x427: {  	v20 =	vld [tilespmem:s17+$0x14880];
	v17 =	vperm.xlane v26, v2;
	v14 =	vsel vm5, v15, v16;
	v16 =	vmul.f32 v28, v30  }
0x428: {  	v19 =	vld [tilespmem:s6+$0xFFFFFF40];
	v15 =	vperm.xlane v27, v2  }
0x429: {  	s18 =	simm.s32 $0x5;
	v22 =	vld [tilespmem:s1+$0xFFFFFFC0];
	v12 =	vsel vm7, v12, v25;
	v14 =	vsel vm6, v14, v17;
	[tilespmem:s10+$0x90] =	vst v16  }
0x42a: {  	s21 =	sand.u32 $0x70, s18;
	v12 =	vadd.f32 v12, v21;
	v3 =	vmul.f32 $1.442695020e+00, v3;
	v14 =	vsel vm7, v14, v15;
	v15 =	vld [tilespmem:s11+$0xA0]  }
0x42b: {  	v17 =	vld [tilespmem:s21+$0x14880];
	v14 =	vadd.f32 v14, v29  }
0x42c: {  	v23 =	vld [tilespmem:s6+$0xFFFFFFC0];
	v12 =	vmul.f32 $1.442695020e+00, v12;
	(erf) = vpow2.f32 v3  }
0x42d: {  	v24 =	vld [tilespmem:s6+$0xFFFFFF50];
	v16 =	vperm.xlane v13, v10;
	v14 =	vmul.f32 $1.442695020e+00, v14  }
0x42e: {  	v31 =	vld [tilespmem:s1+$0xFFFFFFD0];
	(erf) = vpow2.f32 v12  }
0x42f: {  	v25 =	vld [tilespmem:s1+$0xFFFFFF60];
	v21 =	vmov s18;
	(erf) = vpow2.f32 v14;
	v14 =	vmul.f32 v15, v16  }
0x430: {  	v26 =	vld [tilespmem:s6+$0xFFFFFFD0];
	v17 =	vperm.xlane v17, v21  }
0x431: {  	v3 =	vld [tilespmem:s1+$0xFFFFFFE0];
	[tilespmem:s10+$0xA0] =	vst v14  }
0x432: {  	v15 =	vadd.s32 v4, v17;
	v5 =	vld [tilespmem:s11+$0xB0]  }
0x433: {  	s22 =	simm.s32 $0x280;
	v27 =	vld [tilespmem:s6+$0xFFFFFF60];
	v16 =	vand.u32 $0xFFFFFF80, v15  }
0x434: {  	v28 =	vld [tilespmem:s1+$0xFFFFFF70];
	v14 =	vand.u32 $0x7F, v15;
	v15 =	vadd.s32 s22, v16  }
0x435: {  	v30 =	vld [tilespmem:s1+$0xFFFFFFF0];
	v21 =	vor.u32 v14, v15  }
0x436: {  	v12 =	vld [tilespmem:s6+$0xFFFFFFE0]  }
0x437: {  	v29 =	vld [tilespmem:s6+$0xFFFFFF70];
	v15 =	vpop (erf);
	[tilespmem:$0x1FE20] =	vst v5  }
0x438: {  	v16 =	vpop (erf);
	v35 =	vld [tilespmem:s6+$0xFFFFFF80]  }
0x439: {  	v38 =	vmov s8;
	v39 =	vmov s12;
	v14 =	vpop (erf);
	v36 =	vld [tilespmem:s1+$0x0]  }
0x43a: {  	s12 =	simm.s32 $0xE6C0;
	v0 =	vperm.xlane v0, v38;
	v20 =	vperm.xlane v20, v39;
	v37 =	vld [tilespmem:s6+$0x0];
	[tilespmem:v21+s20+$0x0] =	vst.idx.msk $0xff, v14  }
0x43b: {  	v21 =	vld [tilespmem:s12+$0x40]  }
0x43c: {  	v0 =	vadd.s32 v4, v0;
	v20 =	vadd.s32 v4, v20;
	v40 =	vld [tilespmem:s1+$0xFFFFFF90]  }
0x43d: {  	s23 =	simm.s32 $0x0;
	v41 =	vand.u32 $0xFFFFFF80, v0;
	v42 =	vand.u32 $0xFFFFFF80, v20;
	v5 =	vimm.s32 $0x0;
	v57 =	vld [tilespmem:s6+$0xFFFFFF90]  }
0x43e: {  	s24 =	simm.s32 $0x80;
	v20 =	vand.u32 $0x7F, v20;
	v42 =	vadd.s32 s23, v42;
	v58 =	vld [tilespmem:s1+$0x10];
	v45 =	vperm.xlane v14, v5  }
0x43f: {  	v0 =	vand.u32 $0x7F, v0;
	v41 =	vadd.s32 s24, v41;
	v20 =	vor.u32 v20, v42;
	v43 =	vld [tilespmem:s6+$0x10]  }
0x440: {  	v0 =	vor.u32 v0, v41;
	v44 =	vld [tilespmem:s1+$0xFFFFFFA0];
	v21 =	vmul.f32 v21, v45  }
0x441: {  	s17 =	simm.s32 $0x109C0;
	v59 =	vld [tilespmem:s6+$0xFFFFFFA0]  }
0x442: {  	v60 =	vld [tilespmem:s1+$0x20];
	[tilespmem:s17+$0x40] =	vst v21  }
0x443: {  	v21 =	vld [tilespmem:s12+$0x50]  }
0x444: {  	v61 =	vld [tilespmem:s6+$0x20];
	[tilespmem:v20+s20+$0x0] =	vst.idx.msk $0xff, v15  }
0x445: {  	[tilespmem:v0+s20+$0x0] =	vst.idx.msk $0xff, v16;
	v0 =	vld [tilespmem:s11+$0xFFFFFF40]  }
0x446: {  	v46 =	vld [tilespmem:s1+$0xFFFFFFB0];
	v20 =	vperm.xlane v14, v62  }
0x447: {  	v47 =	vld [tilespmem:s6+$0xFFFFFFB0]  }
0x448: {  	v50 =	vperm.xlane v15, v5;
	v48 =	vld [tilespmem:s11+$0xFFFFFFC0];
	v52 =	vmul.f32 v21, v20  }
0x449: {  	v49 =	vld [tilespmem:s1+$0x30]  }
0x44a: {  	v18 =	vmul.f32 v19, v18;
	v51 =	vld [tilespmem:s6+$0x30];
	v0 =	vmul.f32 v0, v50;
	[tilespmem:s17+$0x50] =	vst v52  }
0x44b: {  	s0 =	simm.s32 $0xA840;
	v22 =	vmul.f32 v23, v22;
	v53 =	vperm.xlane v16, v5;
	v63 =	vld [tilespmem:s12+$0x60]  }
0x44c: {  	(xrf2) =	vadd.scan.msk.f32 $0xffff, v18;
	v23 =	vmul.f32 v26, v31;
	s1 =	simm.s32 $0xC840;
	v34 =	vld [tilespmem:s0+$0xFFFFFFC0];
	[tilespmem:s10+$0xFFFFFF40] =	vst v0;
	v0 =	vmul.f32 v24, v32  }
0x44d: {  	(xrf2) =	vadd.scan.msk.f32 $0xffff, v22;
	v3 =	vmul.f32 v12, v3;
	v12 =	vld [tilespmem:s1+$0xB0];
	v48 =	vmul.f32 v48, v53  }
0x44e: {  	v25 =	vmul.f32 v27, v25;
	v22 =	vperm.xlane v14, v6;
	v53 =	vld [tilespmem:s0+$0x50];
	(xrf2) =	vadd.scan.msk.f32 $0xffff, v0  }
0x44f: {  	[tilespmem:s10+$0xFFFFFFC0] =	vst v48;
	v18 =	vld [tilespmem:s11+$0xFFFFFF50];
	(xrf2) =	vadd.scan.msk.f32 $0xffff, v23  }
0x450: {  	v24 =	vld [tilespmem:s11+$0xFFFFFFD0];
	v23 =	vmul.f32 v29, v28;
	(xrf2) =	vadd.scan.msk.f32 $0xffff, v25;
	v22 =	vmul.f32 v63, v22  }
0x451: {  	v26 =	vmul.f32 v33, v30;
	v0 =	vld [tilespmem:s0+$0xB0];
	(xrf2) =	vadd.scan.msk.f32 $0xffff, v3  }
0x452: {  	v29 =	vld [tilespmem:s1+$0x80];
	(xrf2) =	vadd.scan.msk.f32 $0xffff, v23;
	[tilespmem:s17+$0x60] =	vst v22;
	v22 =	vmul.f32 v35, v56  }
0x453: {  	v27 =	vmul.f32 v37, v36;
	v25 =	vld [tilespmem:s0+$0x90];
	(xrf2) =	vadd.scan.msk.f32 $0xffff, v26  }
0x454: {  	v30 =	vperm.xlane v15, v62;
	v28 =	vmul.f32 v57, v40;
	v3 =	vld [tilespmem:s1+$0x90];
	(xrf2) =	vadd.scan.msk.f32 $0xffff, v22  }
0x455: {  	v23 =	vld [tilespmem:s12+$0x70];
	v22 =	vmul.f32 v43, v58;
	(xrf2) =	vadd.scan.msk.f32 $0xffff, v27  }
0x456: {  	v31, _, _ =	vpop (xrf2);
	v48 =	vmul.f32 v59, v44;
	v18 =	vmul.f32 v18, v30;
	v30 =	vld [tilespmem:s1+$0x50];
	(xrf2) =	vadd.scan.msk.f32 $0xffff, v28  }
0x457: {  	v50, _, _ =	vpop (xrf2);
	v26 =	vld [tilespmem:s0+$0x80];
	v52 =	vmul.f32 v61, v60;
	(xrf2) =	vadd.scan.msk.f32 $0xffff, v22  }
0x458: {  	v57 =	vperm.xlane v14, v7;
	v54, _, _ =	vpop (xrf2);
	v27 =	vld [tilespmem:s0+$0x60];
	v22 =	vmul.f32 v47, v46;
	(xrf2) =	vadd.scan.msk.f32 $0xffff, v48  }
0x459: {  	v0 =	vmul.f32 v12, v0;
	v55, _, _ =	vpop (xrf2);
	v28 =	vld [tilespmem:s1+$0x60];
	(xrf2) =	vadd.scan.msk.f32 $0xffff, v52  }
0x45a: {  	v12 =	vld [tilespmem:s1+$0x40];
	[tilespmem:s10+$0xFFFFFF50] =	vst v18;
	v59, _, _ =	vpop (xrf2);
	v56 =	vmul.f32 v51, v49;
	v18 =	vmul.f32 v23, v57;
	(xrf2) =	vadd.scan.msk.f32 $0xffff, v22  }
0x45b: {  	v60, _, _ =	vpop (xrf2);
	v58 =	vld [tilespmem:s0+$0x40]  }
0x45c: {  	v3 =	vmul.f32 v3, v25;
	v25, _, _ =	vpop (xrf2);
	v23 =	vperm.xlane v16, v62;
	[tilespmem:s17+$0x70] =	vst v18;
	v18 =	vld [tilespmem:s1+$0x70];
	(xrf2) =	vadd.scan.msk.f32 $0xffff, v56  }
0x45d: {  	(xrf2) =	vadd.scan.msk.f32 $0xffff, v0;
	v0 =	vmul.f32 v29, v26;
	v26 =	vld [tilespmem:s0+$0x70];
	v29, _, _ =	vpop (xrf2)  }
0x45e: {  	v23 =	vmul.f32 v24, v23;
	v24 =	vld [tilespmem:s12+$0x80];
	(xrf2) =	vadd.scan.msk.f32 $0xffff, v3;
	v3 =	vmul.f32 v28, v27;
	v27, _, _ =	vpop (xrf2)  }
0x45f: {  	v41 =	vld [tilespmem:s0+$0xFFFFFFD0];
	(xrf2) =	vadd.scan.msk.f32 $0xffff, v0;
	v0 =	vmul.f32 v30, v53;
	v28, _, _ =	vpop (xrf2)  }
0x460: {  	v12 =	vmul.f32 v12, v58;
	(xrf2) =	vadd.scan.msk.f32 $0xffff, v3;
	v3 =	vld [tilespmem:s0+$0xA0];
	v30, _, _ =	vpop (xrf2)  }
0x461: {  	s4 =	simm.s32 $0x4;
	v62 =	vperm.xlane v14, v8;
	(xrf2) =	vadd.scan.msk.f32 $0xffff, v0;
	v0 =	vld [tilespmem:s1+$0xA0];
	v61, _, _ =	vpop (xrf2)  }
0x462: {  	s6 =	sand.u32 $0x70, s4;
	v17 =	vld [tilespmem:s0+$0x30];
	(xrf2) =	vadd.scan.msk.f32 $0xffff, v12;
	v26 =	vmul.f32 v18, v26;
	v63, _, _ =	vpop (xrf2)  }
0x463: {  	v19 =	vld [tilespmem:s6+$0x14880];
	v36 =	vperm.xlane v54, v2;
	v53 =	vmul.f32 v24, v62;
	v52, _, _ =	vpop (xrf2)  }
0x464: {  	v39 =	vld [tilespmem:s1+$0xFFFFFF50];
	v12 =	vperm.xlane v31, v2;
	v54, _, _ =	vpop (xrf2);
	(xrf2) =	vadd.scan.msk.f32 $0xffff, v26;
	v26 =	vperm.xlane v59, v2  }
0x465: {  	v42 =	vld [tilespmem:s1+$0xFFFFFFD0];
	v33 =	vperm.xlane v50, v2;
	v32 =	vperm.xlane v55, v2  }
0x466: {  	v37 =	vld [tilespmem:s0+$0xFFFFFF50];
	v25 =	vperm.xlane v25, v2;
	[tilespmem:s17+$0x80] =	vst v53;
	v12 =	vnsel vm0, $0x0, v12;
	v55, _, _ =	vpop (xrf2);
	v0 =	vmul.f32 v0, v3  }
0x467: {  	v56 =	vperm.xlane v60, v2;
	v58 =	vld [tilespmem:s12+$0x90];
	v12 =	vsel vm1, v12, v36;
	v3 =	vnsel vm0, $0x0, v33;
	v57, _, _ =	vpop (xrf2)  }
0x468: {  	s14 =	simm.s32 $0x104C0;
	v50 =	vld [tilespmem:s1+$0xFFFFFF70];
	v27 =	vperm.xlane v27, v2;
	v3 =	vsel vm1, v3, v32;
	v12 =	vsel vm2, v12, v26;
	(xrf2) =	vadd.scan.msk.f32 $0xffff, v0;
	v26, _, _ =	vpop (xrf2)  }
0x469: {  	v44 =	vld [tilespmem:s14+$0xFFFFFFF0];
	v0 =	vsel vm2, v3, v56;
	v3 =	vperm.xlane v29, v2;
	v12 =	vsel vm3, v12, v25;
	v29, _, _ =	vpop (xrf2)  }
0x46a: {  	v21 =	vld [tilespmem:s13+$0xFFFFFFF0];
	v25 =	vperm.xlane v28, v2;
	v28 =	vperm.xlane v14, v9;
	v12 =	vsel vm4, v12, v27;
	v59, _, _ =	vpop (xrf2)  }
0x46b: {  	v20 =	vld [tilespmem:s13+$0xFFFFFFF8];
	v27 =	vperm.xlane v63, v2;
	v0 =	vsel vm3, v0, v3;
	v3 =	vperm.xlane v30, v2;
	v60, _, _ =	vpop (xrf2)  }
0x46c: {  	v49 =	vld [tilespmem:s0+$0xFFFFFF70];
	v30 =	vperm.xlane v61, v2;
	v28 =	vmul.f32 v58, v28;
	v61, _, _ =	vpop (xrf2)  }
0x46d: {  	v51 =	vld [tilespmem:s0+$0xFFFFFFF0];
	v0 =	vsel vm4, v0, v25;
	v3 =	vsel vm5, v12, v3;
	v12 =	vperm.xlane v61, v2  }
0x46e: {  	v35 =	vld [tilespmem:s1+$0x30];
	v0 =	vsel vm5, v0, v30;
	v30 =	vperm.xlane v59, v2;
	v25 =	vperm.xlane v60, v2  }
0x46f: {  	v43 =	vld [tilespmem:s0+$0xFFFFFF60];
	v3 =	vsel vm6, v3, v27;
	v27 =	vperm.xlane v52, v2;
	v62, _, _ =	vpop (xrf2);
	v12 =	vnsel vm0, $0x0, v12  }
0x470: {  	v46 =	vld [tilespmem:s1+$0xFFFFFF60];
	v63 =	vperm.xlane v54, v2;
	[tilespmem:s17+$0x90] =	vst v28;
	v12 =	vsel vm1, v12, v25;
	v25 =	vperm.xlane v62, v2  }
0x471: {  	v28 =	vld [tilespmem:s12+$0xA0];
	v0 =	vsel vm6, v0, v27;
	v27 =	vperm.xlane v29, v2;
	v12 =	vsel vm2, v12, v30  }
0x472: {  	v3 =	vsel vm7, v3, v63;
	v29 =	vld [tilespmem:s14+$0x0];
	v12 =	vsel vm3, v12, v25;
	v25 =	vperm.xlane v26, v2;
	v26, _, _ =	vpop (xrf2)  }
0x473: {  	v47 =	vld [tilespmem:s0+$0xFFFFFFE0];
	v30 =	vperm.xlane v55, v2;
	v12 =	vsel vm4, v12, v27;
	v26 =	vperm.xlane v26, v2  }
0x474: {  	s21 =	simm.s32 $0x8;
	v48 =	vld [tilespmem:s1+$0xFFFFFFE0];
	v3 =	vadd.f32 v3, v21;
	v12 =	vsel vm5, v12, v25;
	v25 =	vperm.xlane v57, v2  }
0x475: {  	s8 =	simm.s32 $0x3;
	s6 =	sand.u32 $0x70, s21;
	v22 =	vld [tilespmem:s11+$0xFFFFFF60];
	v27 =	vperm.xlane v14, v10;
	v0 =	vsel vm7, v0, v30;
	v12 =	vsel vm6, v12, v26  }
0x476: {  	s13 =	sand.u32 $0x30, s8;
	v21 =	vld [tilespmem:s6+$0x14880];
	v0 =	vadd.f32 v0, v20;
	v12 =	vsel vm7, v12, v25  }
0x477: {  	[tilespmem:s10+$0xFFFFFFD0] =	vst v23;
	v31 =	vld [tilespmem:s13+$0x14880];
	v3 =	vmul.f32 $1.442695020e+00, v3;
	v20 =	vmul.f32 v28, v27;
	v12 =	vadd.f32 v12, v29  }
0x478: {  	v4 =	vlaneseq.u32;
	v23 =	vld [tilespmem:s11+$0xFFFFFFE0];
	v0 =	vmul.f32 $1.442695020e+00, v0  }
0x479: {  	v24 =	vld [tilespmem:s1+$0xFFFFFF40];
	(erf) = vpow2.f32 v3;
	[tilespmem:s17+$0xA0] =	vst v20;
	v20 =	vmov s4;
	v3 =	vmul.f32 $1.442695020e+00, v12  }
0x47a: {  	v18 =	vld [tilespmem:s0+$0xFFFFFF40];
	(erf) = vpow2.f32 v0;
	v0 =	vmov s21;
	v12 =	vperm.xlane v19, v20  }
0x47b: {  	v53 =	vld [tilespmem:s1+$0xFFFFFFF0];
	v20 =	vmov s8;
	v0 =	vperm.xlane v21, v0;
	(erf) = vpow2.f32 v3  }
0x47c: {  	v36 =	vld [tilespmem:s1+$0xFFFFFFC0];
	v3 =	vperm.xlane v31, v20;
	v12 =	vadd.s32 v4, v12  }
0x47d: {  	v33 =	vld [tilespmem:s0+$0xFFFFFFB0];
	v0 =	vadd.s32 v4, v0;
	v20 =	vand.u32 $0xFFFFFF80, v12  }
0x47e: {  	s24 =	simm.s32 $0x200;
	s22 =	simm.s32 $0x400;
	v32 =	vld [tilespmem:s1+$0xFFFFFFB0];
	v21 =	vand.u32 $0xFFFFFF80, v0;
	v0 =	vand.u32 $0x7F, v0;
	v3 =	vadd.s32 v4, v3  }
0x47f: {  	s23 =	simm.s32 $0x180;
	v56 =	vld [tilespmem:s1+$0x0];
	v21 =	vadd.s32 s22, v21;
	v20 =	vadd.s32 s24, v20;
	v25 =	vand.u32 $0xFFFFFF80, v3  }
0x480: {  	v54 =	vld [tilespmem:s0+$0x0];
	v3 =	vand.u32 $0x7F, v3;
	v0 =	vor.u32 v0, v21;
	v25 =	vadd.s32 s23, v25  }
0x481: {  	v58 =	vld [tilespmem:s0+$0x10];
	v12 =	vand.u32 $0x7F, v12;
	v3 =	vor.u32 v3, v25  }
0x482: {  	v59 =	vld [tilespmem:s1+$0x10];
	v45 =	vpop (erf);
	v12 =	vor.u32 v12, v20  }
0x483: {  	v52 =	vld [tilespmem:s0+$0xFFFFFF80];
	v20 =	vpop (erf)  }
0x484: {  	v60 =	vld [tilespmem:s0+$0xFFFFFFA0];
	v21 =	vpop (erf)  }
0x485: {  	s18 =	simm.s32 $0xE840;
	v61 =	vld [tilespmem:s1+$0xFFFFFFA0];
	[tilespmem:v0+s20+$0x0] =	vst.idx.msk $0xff, v21  }
0x486: {  	[tilespmem:v3+s20+$0x0] =	vst.idx.msk $0xff, v45;
	v3 =	vperm.xlane v15, v6;
	v0 =	vld [tilespmem:s18+$0x40]  }
0x487: {  	[tilespmem:v12+s20+$0x0] =	vst.idx.msk $0xff, v20;
	v12 =	vld [tilespmem:s12+$0xFFFFFF40]  }
0x488: {  	v63 =	vld [tilespmem:s1+$0x20];
	v25 =	vperm.xlane v16, v6;
	v3 =	vmul.f32 v22, v3  }
0x489: {  	v62 =	vld [tilespmem:s0+$0x20];
	v22 =	vperm.xlane v21, v5  }
0x48a: {  	v23 =	vmul.f32 v23, v25;
	v25 =	vperm.xlane v45, v5;
	v26 =	vld [tilespmem:s12+$0xFFFFFFC0];
	[tilespmem:s10+$0xFFFFFF60] =	vst v3  }
0x48b: {  	v0 =	vmul.f32 v0, v22;
	v22 =	vld [tilespmem:s11+$0xFFFFFF70]  }
0x48c: {  	v55 =	vld [tilespmem:s0+$0xFFFFFF90];
	s21 =	simm.s32 $0x10B40;
	[tilespmem:s10+$0xFFFFFFE0] =	vst v23;
	v12 =	vmul.f32 v12, v25  }
0x48d: {  	v57 =	vld [tilespmem:s1+$0xFFFFFF90];
	[tilespmem:s21+$0x40] =	vst v0  }
0x48e: {  	v3 =	vperm.xlane v20, v5;
	[tilespmem:s17+$0xFFFFFF40] =	vst v12;
	v12 =	vperm.xlane v15, v7;
	v0 =	vld [tilespmem:s18+$0x50]  }
0x48f: {  	v23 =	vld [tilespmem:s11+$0xFFFFFFF0]  }
0x490: {  	s2 =	simm.s32 $0x7;
	v38 =	vld [tilespmem:s12+$0xB0];
	v3 =	vmul.f32 v26, v3;
	v12 =	vmul.f32 v22, v12;
	v22 =	vimm.s32 $0x1  }
0x491: {  	s4 =	sand.u32 $0x70, s2;
	v25 =	vld [tilespmem:s12+$0xFFFFFF50];
	v22 =	vperm.xlane v21, v22  }
0x492: {  	v30 =	vld [tilespmem:s4+$0x14880];
	[tilespmem:s17+$0xFFFFFFC0] =	vst v3;
	v3 =	vperm.xlane v16, v7  }
0x493: {  	v19 =	vld [tilespmem:s1+$0xFFFFFF80];
	v26 =	vimm.s32 $0x1;
	v0 =	vmul.f32 v0, v22  }
0x494: {  	v31 =	vld [tilespmem:s14+$0xFFFFFFF8];
	v29 =	vperm.xlane v45, v26;
	v3 =	vmul.f32 v23, v3;
	[tilespmem:s10+$0xFFFFFF70] =	vst v12  }
0x495: {  	v28 =	vld [tilespmem:s12+$0xFFFFFFD0];
	[tilespmem:s21+$0x50] =	vst v0;
	v0 =	vperm.xlane v15, v9  }
0x496: {  	[tilespmem:s10+$0xFFFFFFF0] =	vst v3;
	v27 =	vld [tilespmem:s11+$0xFFFFFF80];
	v3 =	vmul.f32 v25, v29  }
0x497: {  	v25 =	vld [tilespmem:s11+$0x0];
	[tilespmem:$0x1FE50] =	vst v0  }
0x498: {  	v23 =	vimm.s32 $0x1;
	[tilespmem:s17+$0xFFFFFF50] =	vst v3;
	v3 =	vperm.xlane v16, v9  }
0x499: {  	v40 =	vperm.xlane v20, v23  }
0x49a: {  	v0 =	vld [tilespmem:s18+$0x60];
	[tilespmem:$0x1FE60] =	vst v3;
	v3 =	vperm.xlane v15, v10  }
0x49b: {  	v28 =	vmul.f32 v28, v40  }
0x49c: {  	[tilespmem:$0x1FEB0] =	vst v3  }
0x49d: {  	[tilespmem:s17+$0xFFFFFFD0] =	vst v28  }
0x49e: {  	v3 =	vld [tilespmem:$0x1FE20];
	_ =	sdelay $0x2  }
0x49f: {  	v13 =	vperm.xlane v13, v11;
	_ =	sdelay $0x1  }
0x4a0: {  	v3 =	vmul.f32 v3, v13;
	_ =	sdelay $0x1  }
0x4a1: {  	s5 =	simm.s32 $0x6;
	v29 =	vld [tilespmem:s12+$0xFFFFFF60];
	v13 =	vmul.f32 v24, v18;
	[tilespmem:$0x1FE70] =	vst v3;
	v3 =	vperm.xlane v16, v10  }
0x4a2: {  	s8 =	sand.u32 $0x30, s5;
	v18 =	vmul.f32 v36, v34;
	v28 =	vld [tilespmem:s12+$0xFFFFFFE0]  }
0x4a3: {  	s13 =	simm.s32 $0xA9C0;
	v24 =	vperm.xlane v21, v6;
	v36 =	vmul.f32 v39, v37;
	(xrf2) =	vadd.scan.msk.f32 $0xffff, v13;
	v40 =	vld [tilespmem:s8+$0x14880];
	[tilespmem:$0x1FEC0] =	vst v3  }
0x4a4: {  	s14 =	simm.s32 $0xC9C0;
	v23 =	vperm.xlane v16, v8;
	v34 =	vmul.f32 v42, v41;
	(xrf2) =	vadd.scan.msk.f32 $0xffff, v18;
	v3 =	vld [tilespmem:s13+$0xB0]  }
0x4a5: {  	v0 =	vmul.f32 v0, v24;
	v18 =	vmul.f32 v46, v43;
	(xrf2) =	vadd.scan.msk.f32 $0xffff, v36;
	v39 =	vld [tilespmem:s14+$0xB0]  }
0x4a6: {  	v13 =	vperm.xlane v16, v11;
	v16 =	vmul.f32 v48, v47;
	v41 =	vld [tilespmem:s13+$0xFFFFFF40];
	(xrf2) =	vadd.scan.msk.f32 $0xffff, v34  }
0x4a7: {  	v12 =	vperm.xlane v45, v7;
	v47 =	vld [tilespmem:s13+$0x90];
	[tilespmem:s21+$0x60] =	vst v0;
	v0 =	vmul.f32 v50, v49;
	(xrf2) =	vadd.scan.msk.f32 $0xffff, v18  }
0x4a8: {  	v48 =	vld [tilespmem:s14+$0x90];
	(xrf2) =	vadd.scan.msk.f32 $0xffff, v16  }
0x4a9: {  	v18 =	vld [tilespmem:s18+$0x70];
	[tilespmem:$0x1FE30] =	vst v12;
	(xrf2) =	vadd.scan.msk.f32 $0xffff, v0;
	v0 =	vperm.xlane v20, v7  }
0x4aa: {  	v53 =	vmul.f32 v53, v51;
	v49 =	vld [tilespmem:s13+$0x80]  }
0x4ab: {  	v16 =	vmul.f32 v19, v52;
	v50 =	vld [tilespmem:s14+$0x80];
	[tilespmem:$0x1FE40] =	vst v0;
	v0 =	vperm.xlane v45, v8  }
0x4ac: {  	v19 =	vmul.f32 v56, v54;
	(xrf2) =	vadd.scan.msk.f32 $0xffff, v53;
	v51 =	vld [tilespmem:s13+$0x60]  }
0x4ad: {  	v34 =	vmul.f32 v57, v55;
	(xrf2) =	vadd.scan.msk.f32 $0xffff, v16;
	v52 =	vld [tilespmem:s14+$0x60];
	[tilespmem:$0x1FE80] =	vst v0;
	v0 =	vperm.xlane v20, v8  }
0x4ae: {  	v56 =	vperm.xlane v21, v7;
	v16 =	vmul.f32 v59, v58;
	(xrf2) =	vadd.scan.msk.f32 $0xffff, v19  }
0x4af: {  	v17 =	vmul.f32 v35, v17;
	v19 =	vmul.f32 v61, v60;
	v53, _, _ =	vpop (xrf2);
	(xrf2) =	vadd.scan.msk.f32 $0xffff, v34;
	v54 =	vld [tilespmem:s13+$0x50];
	[tilespmem:$0x1FEA0] =	vst v0  }
0x4b0: {  	v36 =	vmul.f32 v63, v62;
	v18 =	vmul.f32 v18, v56;
	v55, _, _ =	vpop (xrf2);
	(xrf2) =	vadd.scan.msk.f32 $0xffff, v16;
	v56 =	vld [tilespmem:s14+$0x50]  }
0x4b1: {  	v14 =	vperm.xlane v14, v11;
	v16 =	vmul.f32 v32, v33;
	v57, _, _ =	vpop (xrf2);
	(xrf2) =	vadd.scan.msk.f32 $0xffff, v19;
	v35 =	vld [tilespmem:s13+$0x40]  }
0x4b2: {  	v3 =	vmul.f32 v39, v3;
	v33, _, _ =	vpop (xrf2);
	(xrf2) =	vadd.scan.msk.f32 $0xffff, v36;
	v39 =	vld [tilespmem:s14+$0x40]  }
0x4b3: {  	v0 =	vmul.f32 v38, v14;
	[tilespmem:s21+$0x70] =	vst v18;
	v46 =	vld [tilespmem:s14+$0xFFFFFF40];
	v58, _, _ =	vpop (xrf2);
	(xrf2) =	vadd.scan.msk.f32 $0xffff, v16  }
0x4b4: {  	v32 =	vld [tilespmem:s18+$0x80];
	v59, _, _ =	vpop (xrf2);
	(xrf2) =	vadd.scan.msk.f32 $0xffff, v17  }
0x4b5: {  	v17 =	vmul.f32 v48, v47;
	(xrf2) =	vadd.scan.msk.f32 $0xffff, v3;
	v3 =	vmul.f32 v50, v49;
	v50 =	vld [tilespmem:s13+$0x70];
	[tilespmem:$0x1FE90] =	vst v0  }
0x4b6: {  	v26 =	vperm.xlane v15, v8;
	v14 =	vmul.f32 v52, v51;
	v48, _, _ =	vpop (xrf2);
	v51 =	vld [tilespmem:s14+$0x70]  }
0x4b7: {  	v37 =	vperm.xlane v21, v8;
	v43 =	vperm.xlane v45, v6;
	v60, _, _ =	vpop (xrf2);
	(xrf2) =	vadd.scan.msk.f32 $0xffff, v17  }
0x4b8: {  	v52, _, _ =	vpop (xrf2);
	(xrf2) =	vadd.scan.msk.f32 $0xffff, v3;
	v3 =	vmul.f32 v56, v54;
	v35 =	vmul.f32 v39, v35  }
0x4b9: {  	v63 =	vperm.xlane v53, v2;
	v54 =	vld [tilespmem:s13+$0xA0];
	v32 =	vmul.f32 v32, v37;
	v53, _, _ =	vpop (xrf2);
	(xrf2) =	vadd.scan.msk.f32 $0xffff, v14  }
0x4ba: {  	v18 =	vperm.xlane v45, v9;
	v38 =	vperm.xlane v57, v2;
	v39, _, _ =	vpop (xrf2);
	(xrf2) =	vadd.scan.msk.f32 $0xffff, v3;
	v3 =	vld [tilespmem:s14+$0xA0]  }
0x4bb: {  	v16 =	vperm.xlane v45, v10;
	[tilespmem:s21+$0x80] =	vst v32;
	v56, _, _ =	vpop (xrf2);
	(xrf2) =	vadd.scan.msk.f32 $0xffff, v35;
	v50 =	vmul.f32 v51, v50  }
0x4bc: {  	v33 =	vperm.xlane v33, v2;
	v36 =	vperm.xlane v59, v2;
	v57 =	vld [tilespmem:s18+$0x90];
	v35, _, _ =	vpop (xrf2)  }
0x4bd: {  	v49 =	vnsel vm0, $0x0, v63;
	v0 =	vperm.xlane v21, v9;
	v37 =	vperm.xlane v55, v2;
	v59, _, _ =	vpop (xrf2)  }
0x4be: {  	v55 =	vsel vm1, v49, v38;
	v38 =	vperm.xlane v60, v2;
	v52 =	vperm.xlane v52, v2;
	v63, _, _ =	vpop (xrf2);
	(xrf2) =	vadd.scan.msk.f32 $0xffff, v50  }
0x4bf: {  	v32 =	vnsel vm0, $0x0, v37;
	v51 =	vperm.xlane v58, v2;
	v3 =	vmul.f32 v3, v54;
	v50, _, _ =	vpop (xrf2)  }
0x4c0: {  	v53 =	vperm.xlane v53, v2;
	v37 =	vperm.xlane v48, v2;
	v32 =	vsel vm1, v32, v33;
	v54, _, _ =	vpop (xrf2)  }
0x4c1: {  	v32 =	vsel vm2, v32, v36;
	v51 =	vsel vm2, v55, v51;
	v0 =	vmul.f32 v57, v0;
	(xrf2) =	vadd.scan.msk.f32 $0xffff, v3;
	v57, _, _ =	vpop (xrf2)  }
0x4c2: {  	v62 =	vperm.xlane v39, v2;
	v51 =	vsel vm3, v51, v37;
	v3 =	vsel vm3, v32, v38;
	v39, _, _ =	vpop (xrf2)  }
0x4c3: {  	v60 =	vsel vm4, v51, v52;
	[tilespmem:s21+$0x90] =	vst v0;
	v0 =	vsel vm4, v3, v53;
	v3 =	vperm.xlane v56, v2;
	v52, _, _ =	vpop (xrf2)  }
0x4c4: {  	v35 =	vperm.xlane v35, v2;
	v33 =	vperm.xlane v59, v2;
	v32 =	vsel vm5, v60, v62;
	v53 =	vld [tilespmem:s18+$0xA0];
	v36, _, _ =	vpop (xrf2)  }
0x4c5: {  	v38 =	vperm.xlane v63, v2;
	v50 =	vperm.xlane v50, v2;
	v0 =	vsel vm5, v0, v3;
	v37, _, _ =	vpop (xrf2)  }
0x4c6: {  	v47 =	vld [tilespmem:s13+$0xFFFFFFC0];
	v3 =	vsel vm6, v32, v35;
	v52 =	vperm.xlane v52, v2;
	v35 =	vperm.xlane v37, v2  }
0x4c7: {  	v61 =	vld [tilespmem:s14+$0xFFFFFFC0];
	v3 =	vsel vm7, v3, v38;
	v38 =	vperm.xlane v21, v10;
	v60 =	vperm.xlane v36, v2  }
0x4c8: {  	v34 =	vld [tilespmem:s14+$0xFFFFFFE0];
	v12 =	vsel vm6, v0, v33;
	v3 =	vadd.f32 v3, v44;
	v0, _, _ =	vpop (xrf2);
	v35 =	vnsel vm0, $0x0, v35  }
0x4c9: {  	v24 =	vld [tilespmem:s13+$0x0];
	v44 =	vmul.f32 v53, v38;
	v0 =	vperm.xlane v0, v2;
	v35 =	vsel vm1, v35, v60  }
0x4ca: {  	s1 =	simm.s32 $0x104D8;
	v22 =	vld [tilespmem:s14+$0x0];
	v14 =	vperm.xlane v45, v11;
	v39 =	vperm.xlane v39, v2;
	v35 =	vsel vm2, v35, v52  }
0x4cb: {  	v57 =	vperm.xlane v57, v2;
	v12 =	vsel vm7, v12, v50;
	[tilespmem:s21+$0xA0] =	vst v44;
	v44 =	vld [tilespmem:s1+$0x0];
	v38, _, _ =	vpop (xrf2);
	v0 =	vsel vm3, v35, v0  }
0x4cc: {  	v45 =	vld [tilespmem:s13+$0xFFFFFF50];
	v12 =	vadd.f32 v12, v31;
	v31 =	vperm.xlane v38, v2;
	v0 =	vsel vm4, v0, v39  }
0x4cd: {  	s22 =	simm.s32 $0xB;
	v26 =	vmul.f32 v27, v26;
	v49 =	vld [tilespmem:s13+$0xFFFFFFD0];
	v0 =	vsel vm5, v0, v57;
	v57 =	vperm.xlane v54, v2  }
0x4ce: {  	s23 =	sand.u32 $0x70, s22;
	v27 =	vmov s5;
	v23 =	vmul.f32 v25, v23;
	v48 =	vld [tilespmem:s14+$0xFFFFFF50];
	v0 =	vsel vm6, v0, v31  }
0x4cf: {  	v25 =	vmul.f32 v29, v43;
	v27 =	vperm.xlane v40, v27;
	v31 =	vld [tilespmem:s23+$0x14880];
	v0 =	vsel vm7, v0, v57  }
0x4d0: {  	v58 =	vld [tilespmem:s13+$0xFFFFFF60];
	v43 =	vmul.f32 v61, v47;
	v3 =	vmul.f32 $1.442695020e+00, v3;
	v0 =	vadd.f32 v0, v44  }
0x4d1: {  	[tilespmem:s17+$0xFFFFFF60] =	vst v25;
	v47 =	vld [tilespmem:s13+$0x20];
	v22 =	vmul.f32 v22, v24;
	v12 =	vmul.f32 $1.442695020e+00, v12  }
0x4d2: {  	v24 =	vld [tilespmem:s12+$0xFFFFFF70];
	v62 =	vmov s2;
	(erf) = vpow2.f32 v3;
	v0 =	vmul.f32 $1.442695020e+00, v0  }
0x4d3: {  	v29 =	vmov s22;
	v55 =	vld [tilespmem:s14+$0xFFFFFFD0];
	v30 =	vperm.xlane v30, v62;
	(erf) = vpow2.f32 v12  }
0x4d4: {  	v27 =	vadd.s32 v4, v27;
	v59 =	vld [tilespmem:s13+$0xFFFFFFE0];
	v29 =	vperm.xlane v31, v29;
	(erf) = vpow2.f32 v0  }
0x4d5: {  	s5 =	simm.s32 $0x300;
	v51 =	vld [tilespmem:s14+$0xFFFFFF60];
	v30 =	vadd.s32 v4, v30;
	v31 =	vand.u32 $0xFFFFFF80, v27  }
0x4d6: {  	v63 =	vld [tilespmem:s13+$0xFFFFFFF0];
	v27 =	vand.u32 $0x7F, v27;
	v31 =	vadd.s32 s5, v31;
	v29 =	vadd.s32 v4, v29  }
0x4d7: {  	s6 =	simm.s32 $0x580;
	v56 =	vld [tilespmem:s14+$0xFFFFFF70];
	v62 =	vand.u32 $0xFFFFFF80, v30;
	v27 =	vor.u32 v27, v31;
	v31 =	vand.u32 $0xFFFFFF80, v29  }
0x4d8: {  	s24 =	simm.s32 $0x380;
	v30 =	vand.u32 $0x7F, v30;
	v33 =	vld [tilespmem:s13+$0xFFFFFF70];
	v29 =	vand.u32 $0x7F, v29;
	v31 =	vadd.s32 s6, v31  }
0x4d9: {  	v50 =	vld [tilespmem:s13+$0xFFFFFF90];
	v35 =	vadd.s32 s24, v62;
	v0 =	vimm.s32 $0x1;
	v3 =	vor.u32 v29, v31  }
0x4da: {  	v52 =	vld [tilespmem:s18+$0xB0];
	v30 =	vor.u32 v30, v35  }
0x4db: {  	v53 =	vld [tilespmem:s14+$0xFFFFFFF0];
	v40 =	vpop (erf)  }
0x4dc: {  	v60 =	vld [tilespmem:s13+$0xFFFFFF80];
	v44 =	vperm.xlane v40, v0;
	v0 =	vpop (erf)  }
0x4dd: {  	v42 =	vperm.xlane v20, v6;
	v21 =	vperm.xlane v21, v11;
	v54 =	vld [tilespmem:s14+$0xFFFFFF90];
	[tilespmem:v27+s20+$0x0] =	vst.idx.msk $0xff, v40;
	v31 =	vpop (erf)  }
0x4de: {  	s22 =	simm.s32 $0xE9C0;
	v56 =	vmul.f32 v56, v33;
	[tilespmem:v3+s20+$0x0] =	vst.idx.msk $0xff, v31;
	v3 =	vld [tilespmem:s18+$0xFFFFFF40]  }
0x4df: {  	v12 =	vmul.f32 v28, v42;
	v33 =	vmul.f32 v52, v21;
	[tilespmem:v30+s20+$0x0] =	vst.idx.msk $0xff, v0;
	v21 =	vld [tilespmem:s22+$0x40]  }
0x4e0: {  	v28 =	vmul.f32 v46, v41;
	v53 =	vmul.f32 v53, v63;
	v63 =	vld [tilespmem:s18+$0xFFFFFFC0]  }
0x4e1: {  	v62 =	vld [tilespmem:s14+$0x10];
	v35 =	vmul.f32 v48, v45;
	v61 =	vperm.xlane v40, v5  }
0x4e2: {  	v46 =	vld [tilespmem:s13+$0xFFFFFFA0];
	[tilespmem:s17+$0xFFFFFFE0] =	vst v12;
	v12 =	vmul.f32 v54, v50;
	v54 =	vperm.xlane v31, v5  }
0x4e3: {  	[tilespmem:s10+$0xFFFFFF80] =	vst v26;
	v38 =	vld [tilespmem:s14+$0xFFFFFFA0];
	v45 =	vperm.xlane v0, v5;
	v3 =	vmul.f32 v3, v61  }
0x4e4: {  	[tilespmem:s10+$0x0] =	vst v23;
	v39 =	vld [tilespmem:s14+$0xFFFFFF80];
	(xrf2) =	vadd.scan.msk.f32 $0xffff, v28;
	v21 =	vmul.f32 v21, v54  }
0x4e5: {  	v49 =	vmul.f32 v55, v49;
	(xrf2) =	vadd.scan.msk.f32 $0xffff, v43;
	s23 =	simm.s32 $0x10CC0;
	v57 =	vld [tilespmem:s13+$0x10];
	[tilespmem:s21+$0xFFFFFF40] =	vst v3;
	v3 =	vmul.f32 v63, v45  }
0x4e6: {  	v59 =	vmul.f32 v34, v59;
	v34 =	vld [tilespmem:s1+$0xFFFFFFF0];
	v51 =	vmul.f32 v51, v58;
	(xrf2) =	vadd.scan.msk.f32 $0xffff, v35;
	[tilespmem:s23+$0x40] =	vst v21  }
0x4e7: {  	v35 =	vld [tilespmem:s12+$0xFFFFFFF0];
	(xrf2) =	vadd.scan.msk.f32 $0xffff, v49;
	[tilespmem:s21+$0xFFFFFFC0] =	vst v3  }
0x4e8: {  	(xrf2) =	vadd.scan.msk.f32 $0xffff, v51;
	v21 =	vld [tilespmem:$0x1FE30]  }
0x4e9: {  	v38 =	vmul.f32 v38, v46;
	v52 =	vld [tilespmem:s18+$0xFFFFFF50]  }
0x4ea: {  	v39 =	vmul.f32 v39, v60;
	(xrf2) =	vadd.scan.msk.f32 $0xffff, v59;
	v51 =	vmul.f32 v62, v57;
	v50 =	vld [tilespmem:s22+$0x50]  }
0x4eb: {  	(xrf2) =	vadd.scan.msk.f32 $0xffff, v56;
	v55 =	vperm.xlane v0, v6;
	v30 =	vperm.xlane v0, v7;
	v63 =	vld [tilespmem:$0x1FE40]  }
0x4ec: {  	v58 =	vld [tilespmem:s14+$0x30];
	v62 =	vimm.s32 $0x1;
	(xrf2) =	vadd.scan.msk.f32 $0xffff, v53;
	v28 =	vperm.xlane v0, v8;
	v26 =	vperm.xlane v0, v9  }
0x4ed: {  	(xrf2) =	vadd.scan.msk.f32 $0xffff, v39;
	v29 =	vimm.s32 $0x1;
	v60 =	vperm.xlane v31, v62;
	v54 =	vld [tilespmem:s18+$0xFFFFFFD0];
	v21 =	vmul.f32 v24, v21  }
0x4ee: {  	v49 =	vld [tilespmem:s11+$0xFFFFFF90];
	(xrf2) =	vadd.scan.msk.f32 $0xffff, v22;
	v59, _, _ =	vpop (xrf2);
	v22 =	vperm.xlane v0, v11;
	v32 =	vperm.xlane v0, v29  }
0x4ef: {  	v61, _, _ =	vpop (xrf2);
	(xrf2) =	vadd.scan.msk.f32 $0xffff, v12;
	v45 =	vld [tilespmem:s11+$0x10];
	v12 =	vmul.f32 v50, v60;
	v24 =	vperm.xlane v0, v10;
	[tilespmem:s17+$0xFFFFFF70] =	vst v21  }
0x4f0: {  	v35 =	vmul.f32 v35, v63;
	v0 =	vmul.f32 v52, v44;
	v63, _, _ =	vpop (xrf2);
	v57 =	vld [tilespmem:$0x1FE50]  }
0x4f1: {  	v42 =	vperm.xlane v40, v6;
	(xrf2) =	vadd.scan.msk.f32 $0xffff, v51;
	v3 =	vperm.xlane v59, v2;
	v51, _, _ =	vpop (xrf2);
	v59 =	vld [tilespmem:$0x1FE60];
	[tilespmem:s23+$0x50] =	vst v12  }
0x4f2: {  	v25 =	vperm.xlane v40, v9;
	[tilespmem:s21+$0xFFFFFF50] =	vst v0;
	v0 =	vmul.f32 v54, v32;
	v54, _, _ =	vpop (xrf2);
	(xrf2) =	vadd.scan.msk.f32 $0xffff, v38;
	v38 =	vld [tilespmem:s22+$0x60]  }
0x4f3: {  	v36 =	vld [tilespmem:s13+$0x30];
	v23 =	vperm.xlane v40, v10;
	v29 =	vperm.xlane v40, v7  }
0x4f4: {  	v37 =	vld [tilespmem:s13+$0xFFFFFFB0];
	v27 =	vperm.xlane v40, v8;
	v60 =	vperm.xlane v31, v6  }
0x4f5: {  	s8 =	simm.s32 $0xA;
	v41 =	vld [tilespmem:s14+$0x20];
	v21 =	vperm.xlane v40, v11;
	[tilespmem:s17+$0xFFFFFFF0] =	vst v35;
	v40 =	vmul.f32 v49, v57  }
0x4f6: {  	v48 =	vld [tilespmem:s14+$0xFFFFFFB0];
	s13 =	sand.u32 $0x70, s8;
	[tilespmem:s21+$0xFFFFFFD0] =	vst v0;
	v39 =	vmul.f32 v45, v59  }
0x4f7: {  	v49 =	vld [tilespmem:s13+$0x14880];
	v38 =	vmul.f32 v38, v60;
	[tilespmem:s10+$0xFFFFFF90] =	vst v40  }
0x4f8: {  	s4 =	simm.s32 $0xAB40;
	v43 =	vld [tilespmem:s1+$0xFFFFFFF8];
	[tilespmem:s10+$0x10] =	vst v39  }
0x4f9: {  	v46 =	vld [tilespmem:s4+$0xB0];
	[tilespmem:s23+$0x60] =	vst v38  }
0x4fa: {  	v50 =	vperm.xlane v63, v2;
	v60 =	vld [tilespmem:$0x1FE70]  }
0x4fb: {  	v41 =	vmul.f32 v41, v47;
	v3 =	vnsel vm0, $0x0, v3;
	v53 =	vld [tilespmem:s12+$0xFFFFFF80];
	v0 =	vmov s8  }
0x4fc: {  	v35 =	vperm.xlane v61, v2;
	v3 =	vsel vm1, v3, v50;
	v50 =	vld [tilespmem:s4+$0x90];
	v0 =	vperm.xlane v49, v0  }
0x4fd: {  	s28 =	simm.s32 $0x9;
	v37 =	vmul.f32 v48, v37;
	v44 =	vld [tilespmem:s12+$0x0];
	v56, _, _ =	vpop (xrf2);
	v57 =	vperm.xlane v54, v2  }
0x4fe: {  	v36 =	vmul.f32 v58, v36;
	s14 =	sand.u32 $0x30, s28;
	v12 =	vld [tilespmem:s18+$0xFFFFFF60];
	(xrf2) =	vadd.scan.msk.f32 $0xffff, v41;
	v52 =	vnsel vm0, $0x0, v35;
	v59, _, _ =	vpop (xrf2);
	v0 =	vadd.s32 v4, v0  }
0x4ff: {  	s24 =	simm.s32 $0x500;
	(xrf2) =	vadd.scan.msk.f32 $0xffff, v37;
	v35 =	vld [tilespmem:s14+$0x14880];
	v61, _, _ =	vpop (xrf2);
	v3 =	vsel vm2, v3, v57;
	v57 =	vand.u32 $0xFFFFFF80, v0;
	[tilespmem:s10+$0xB0] =	vst v60  }
0x500: {  	(xrf2) =	vadd.scan.msk.f32 $0xffff, v36;
	v36 =	vperm.xlane v61, v2;
	v61 =	vadd.s32 s24, v57;
	v57 =	vld [tilespmem:$0x1FE90]  }
0x501: {  	v41 =	vld [tilespmem:s18+$0xFFFFFFE0]  }
0x502: {  	v39 =	vperm.xlane v51, v2;
	v40 =	vld [tilespmem:s11+$0xFFFFFFA0]  }
0x503: {  	s2 =	simm.s32 $0xCB40;
	v54, _, _ =	vpop (xrf2);
	v45 =	vld [tilespmem:s11+$0x20]  }
0x504: {  	v47 =	vperm.xlane v56, v2;
	v56, _, _ =	vpop (xrf2);
	v58 =	vsel vm1, v52, v39;
	v39 =	vld [tilespmem:s2+$0xB0]  }
0x505: {  	v48 =	vperm.xlane v56, v2;
	v0 =	vand.u32 $0x7F, v0;
	v56 =	vld [tilespmem:$0x1FE80];
	[tilespmem:s17+$0xB0] =	vst v57  }
0x506: {  	v32 =	vor.u32 v0, v61;
	v0 =	vld [tilespmem:$0x1FEA0];
	[tilespmem:s21+$0xB0] =	vst v33  }
0x507: {  	v15 =	vperm.xlane v15, v11;
	v19 =	vperm.xlane v20, v9;
	v63 =	vsel vm2, v58, v47;
	v58, _, _ =	vpop (xrf2);
	v33 =	vld [tilespmem:$0x1FEB0]  }
0x508: {  	v52 =	vperm.xlane v59, v2;
	v36 =	vsel vm3, v63, v36;
	v63 =	vperm.xlane v58, v2;
	v58 =	vld [tilespmem:$0x1FEC0]  }
0x509: {  	v17 =	vperm.xlane v20, v10;
	v12 =	vmul.f32 v12, v42;
	v42 =	vld [tilespmem:s4+$0x50];
	v59, _, _ =	vpop (xrf2)  }
0x50a: {  	v47 =	vperm.xlane v54, v2;
	v3 =	vsel vm3, v3, v52;
	v52 =	vld [tilespmem:s2+$0x90];
	v38 =	vperm.xlane v59, v2  }
0x50b: {  	v39 =	vmul.f32 v39, v46;
	v51 =	vmul.f32 v53, v56;
	v53 =	vld [tilespmem:s22+$0x70]  }
0x50c: {  	v54 =	vld [tilespmem:s4+$0x80];
	v59, _, _ =	vpop (xrf2);
	v61 =	vperm.xlane v31, v7;
	v0 =	vmul.f32 v44, v0  }
0x50d: {  	v3 =	vsel vm4, v3, v47;
	v60, _, _ =	vpop (xrf2);
	v33 =	vmul.f32 v40, v33;
	v40 =	vmul.f32 v45, v58;
	v45 =	vld [tilespmem:s2+$0x80]  }
0x50e: {  	v49 =	vld [tilespmem:s4+$0xFFFFFF40];
	v3 =	vsel vm5, v3, v63;
	v63 =	vperm.xlane v60, v2;
	(xrf2) =	vadd.scan.msk.f32 $0xffff, v39;
	[tilespmem:s21+$0xFFFFFF60] =	vst v12  }
0x50f: {  	v36 =	vsel vm4, v36, v48;
	v56, _, _ =	vpop (xrf2);
	v57 =	vld [tilespmem:s4+$0x60];
	v12 =	vmul.f32 v52, v50;
	[tilespmem:s17+$0x0] =	vst v0;
	v0 =	vperm.xlane v59, v2  }
0x510: {  	v36 =	vsel vm5, v36, v38;
	v60, _, _ =	vpop (xrf2);
	v48 =	vmul.f32 v53, v61;
	v58 =	vperm.xlane v56, v2;
	v59 =	vld [tilespmem:s2+$0x60]  }
0x511: {  	v47 =	vld [tilespmem:s2+$0xFFFFFF40];
	v36 =	vsel vm6, v36, v63;
	(xrf2) =	vadd.scan.msk.f32 $0xffff, v12;
	v0 =	vsel vm6, v3, v0;
	v3 =	vperm.xlane v60, v2  }
0x512: {  	v61 =	vmul.f32 v41, v55;
	v44 =	vld [tilespmem:s2+$0x50];
	[tilespmem:s23+$0x70] =	vst v48;
	v0 =	vsel vm7, v0, v58;
	v63 =	vmul.f32 v45, v54  }
0x513: {  	v20 =	vperm.xlane v20, v11;
	[tilespmem:s17+$0xFFFFFF80] =	vst v51;
	v0 =	vadd.f32 v0, v34;
	v3 =	vsel vm7, v36, v3;
	v36 =	vld [tilespmem:s22+$0x80]  }
0x514: {  	v37 =	vperm.xlane v31, v8;
	v39 =	vld [tilespmem:s4+$0x40];
	[tilespmem:s21+$0xFFFFFFE0] =	vst v61;
	v3 =	vadd.f32 v3, v43;
	(xrf2) =	vadd.scan.msk.f32 $0xffff, v63  }
0x515: {  	s0 =	simm.s32 $0xC;
	s14 =	simm.s32 $0x10CC0;
	v41 =	vld [tilespmem:s4+$0xFFFFFFC0];
	[tilespmem:s10+$0xFFFFFFA0] =	vst v33;
	v45 =	vmul.f32 v59, v57;
	v33 =	vmul.f32 $1.442695020e+00, v0  }
0x516: {  	s13 =	simm.s32 $0xF;
	s24 =	simm.s32 $0xE9C0;
	[tilespmem:s10+$0x20] =	vst v40;
	v40 =	vmul.f32 v47, v49;
	v34 =	vmov s28;
	v43 =	vld [tilespmem:s2+$0x40];
	v38 =	vmul.f32 $1.442695020e+00, v3  }
.LBB2_19:
0x517: {  	p1 =	slt.u32 s13, $0x3C;
	v0 =	vld [tilespmem:s2+$0xFFFFFFC0];
	(xrf2) =	vadd.scan.msk.f32 $0xffff, v45;
	v3 =	vperm.xlane v35, v34;
	(erf) = vpow2.f32 v33  }
0x518: {  	v12 =	vmul.f32 v44, v42;
	v33 =	vld [tilespmem:s4+$0x70];
	v42, _, _ =	vpop (xrf2);
	v34 =	vmul.f32 v36, v37  }
0x519: {  	v35 =	vld [tilespmem:s2+$0x70];
	v3 =	vadd.s32 v4, v3;
	(erf) = vpow2.f32 v38  }
0x51a: {  	s5 =	sshll.u32 s28, $0x7;
	s28 =	smov.u32 s0;
	s0 =	smov.u32 s13;
	v36 =	vld [tilespmem:s4+$0xA0];
	(xrf2) =	vadd.scan.msk.f32 $0xffff, v12;
	v12 =	vand.u32 $0xFFFFFF80, v3;
	[tilespmem:s23+$0x80] =	vst v34  }
0x51b: {  	v3 =	vand.u32 $0x7F, v3;
	v34 =	vmul.f32 v43, v39;
	v39, _, _ =	vpop (xrf2);
	v12 =	vadd.s32 s5, v12;
	v37 =	vld [tilespmem:s22+$0x90]  }
0x51c: {  	v0 =	vmul.f32 v0, v41;
	v38 =	vld [tilespmem:s2+$0xA0];
	v3 =	vor.u32 v3, v12  }
0x51d: {  	v12 =	vld [tilespmem:s4+$0xFFFFFF50];
	(xrf2) =	vadd.scan.msk.f32 $0xffff, v34  }
0x51e: {  	v34 =	vld [tilespmem:s2+$0xFFFFFF50];
	v33 =	vmul.f32 v35, v33;
	v41, _, _ =	vpop (xrf2);
	v35 =	vperm.xlane v31, v9  }
0x51f: {  	v43 =	vld [tilespmem:s4+$0xFFFFFFD0]  }
0x520: {  	v44 =	vld [tilespmem:s2+$0xFFFFFFD0];
	(xrf2) =	vadd.scan.msk.f32 $0xffff, v33;
	v35 =	vmul.f32 v37, v35;
	v49 =	vpop (erf)  }
0x521: {  	v37 =	vld [tilespmem:s4+$0xFFFFFF60];
	v36 =	vmul.f32 v38, v36;
	v46, _, _ =	vpop (xrf2);
	[tilespmem:v3+s20+$0x0] =	vst.idx.msk $0xff, v49;
	v47 =	vperm.xlane v49, v5  }
0x522: {  	v38 =	vperm.xlane v49, v62;
	v33 =	vperm.xlane v49, v6;
	v3 =	vld [tilespmem:s2+$0xFFFFFF60];
	[tilespmem:s23+$0x90] =	vst v35;
	v50 =	vpop (erf)  }
0x523: {  	v12 =	vmul.f32 v34, v12;
	(xrf2) =	vadd.scan.msk.f32 $0xffff, v36;
	[tilespmem:v32+s20+$0x0] =	vst.idx.msk $0xff, v50;
	v32 =	vperm.xlane v50, v5;
	v48 =	vld [tilespmem:s22+$0xA0]  }
0x524: {  	v36 =	vperm.xlane v50, v62;
	v34 =	vperm.xlane v50, v6;
	v51 =	vld [tilespmem:s4+$0xFFFFFFE0];
	v52, _, _ =	vpop (xrf2)  }
0x525: {  	v45 =	vperm.xlane v49, v7;
	v43 =	vmul.f32 v44, v43;
	v53 =	vld [tilespmem:s2+$0xFFFFFFE0]  }
0x526: {  	v44 =	vperm.xlane v50, v7;
	v54 =	vld [tilespmem:s4+$0xFFFFFF70];
	(xrf2) =	vadd.scan.msk.f32 $0xffff, v40;
	v40 =	vperm.xlane v31, v10  }
0x527: {  	v35 =	vperm.xlane v49, v8;
	v3 =	vmul.f32 v3, v37;
	v55 =	vld [tilespmem:s2+$0xFFFFFF70];
	v37, _, _ =	vpop (xrf2)  }
0x528: {  	v56 =	vld [tilespmem:s4+$0xFFFFFFF0];
	v57 =	vperm.xlane v37, v2;
	v40 =	vmul.f32 v48, v40  }
0x529: {  	v48 =	vperm.xlane v52, v2;
	v37 =	vperm.xlane v50, v8;
	v58 =	vld [tilespmem:s2+$0xFFFFFFF0];
	(xrf2) =	vadd.scan.msk.f32 $0xffff, v0  }
0x52a: {  	v0 =	vld [tilespmem:s4+$0xFFFFFF80];
	v51 =	vmul.f32 v53, v51;
	v52 =	vnsel vm0, $0x0, v57;
	v57 =	vperm.xlane v46, v2;
	v46, _, _ =	vpop (xrf2);
	[tilespmem:s23+$0xA0] =	vst v40  }
0x52b: {  	v40 =	vsel vm1, v52, v48;
	v48 =	vperm.xlane v46, v2;
	v46 =	vperm.xlane v49, v9;
	v52 =	vld [tilespmem:s22+$0xB0]  }
0x52c: {  	s1 =	sadd.s32 $0x18, s1;
	v41 =	vperm.xlane v41, v2;
	v54 =	vmul.f32 v55, v54;
	v55 =	vld [tilespmem:s2+$0xFFFFFF80];
	v40 =	vsel vm2, v40, v57;
	(xrf2) =	vadd.scan.msk.f32 $0xffff, v12  }
0x52d: {  	v39 =	vperm.xlane v39, v2;
	v12 =	vld [tilespmem:s1+$0x0];
	v40 =	vsel vm3, v40, v48;
	v53, _, _ =	vpop (xrf2);
	v48 =	vperm.xlane v50, v9  }
0x52e: {  	v31 =	vperm.xlane v31, v11;
	v57 =	vld [tilespmem:s4+$0x0];
	v40 =	vsel vm4, v40, v41;
	v59 =	vperm.xlane v53, v2  }
0x52f: {  	s5 =	sadd.s32 $0x2, s28;
	v53 =	vmul.f32 v58, v56;
	v56 =	vld [tilespmem:s2+$0x0];
	v39 =	vsel vm5, v40, v39;
	v40 =	vperm.xlane v42, v2;
	(xrf2) =	vadd.scan.msk.f32 $0xffff, v43  }
0x530: {  	s6 =	sand.u32 $0x70, s5;
	v42 =	vperm.xlane v49, v10;
	v43 =	vld [tilespmem:s4+$0xFFFFFF90];
	v39 =	vsel vm6, v39, v59;
	v41, _, _ =	vpop (xrf2);
	v31 =	vmul.f32 v52, v31  }
0x531: {  	v41 =	vperm.xlane v41, v2;
	v0 =	vmul.f32 v55, v0;
	v52 =	vld [tilespmem:s6+$0x14880];
	v58 =	vsel vm7, v39, v40  }
0x532: {  	v40 =	vperm.xlane v50, v10;
	v55 =	vld [tilespmem:s2+$0xFFFFFF90];
	v12 =	vadd.f32 v58, v12;
	(xrf2) =	vadd.scan.msk.f32 $0xffff, v3;
	[tilespmem:s23+$0xB0] =	vst v31  }
0x533: {  	v49 =	vperm.xlane v49, v11;
	v3 =	vnsel vm0, $0x0, v41;
	v31 =	vld [tilespmem:s4+$0x10];
	v39, _, _ =	vpop (xrf2);
	v41 =	vperm.xlane v50, v11  }
0x534: {  	v50 =	vmul.f32 v56, v57;
	v56 =	vld [tilespmem:s2+$0x10];
	v12 =	vmul.f32 $1.442695020e+00, v12  }
0x535: {  	v60 =	vmov s5;
	v39 =	vperm.xlane v39, v2;
	v57 =	vld [tilespmem:s4+$0xFFFFFFA0]  }
0x536: {  	v59 =	vld [tilespmem:s2+$0xFFFFFFA0];
	v52 =	vperm.xlane v52, v60;
	v58, _, _ =	vpop (xrf2);
	(xrf2) =	vadd.scan.msk.f32 $0xffff, v51;
	(erf) = vpow2.f32 v12  }
0x537: {  	s5 =	sadd.s32 $0x1, s28;
	v39 =	vnsel vm0, $0x0, v39;
	v12 =	vperm.xlane v58, v2;
	v51 =	vmul.f32 v55, v43;
	v55 =	vld [tilespmem:s4+$0x20]  }
0x538: {  	s8 =	sshll.u32 s5, $0x7;
	s6 =	sand.u32 $0x70, s5;
	v58 =	vmov s5;
	v60 =	vld [tilespmem:s2+$0x20];
	v43 =	vadd.s32 v4, v52  }
0x539: {  	s5 =	sadd.s32 $0x80, s8;
	v3 =	vsel vm1, v3, v12;
	v12 =	vld [tilespmem:s4+$0xFFFFFFB0];
	v52 =	vmul.f32 v56, v31;
	v31 =	vand.u32 $0xFFFFFF80, v43;
	(xrf2) =	vadd.scan.msk.f32 $0xffff, v54;
	v54, _, _ =	vpop (xrf2)  }
0x53a: {  	v43 =	vand.u32 $0x7F, v43;
	v56 =	vld [tilespmem:s2+$0xFFFFFFB0];
	v54 =	vperm.xlane v54, v2;
	v63 =	vadd.s32 s5, v31  }
0x53b: {  	v57 =	vmul.f32 v59, v57;
	v59 =	vld [tilespmem:s4+$0x30];
	v61 =	vor.u32 v43, v63  }
0x53c: {  	v54 =	vsel vm1, v39, v54;
	v62 =	vld [tilespmem:s2+$0x30];
	v31, _, _ =	vpop (xrf2);
	(xrf2) =	vadd.scan.msk.f32 $0xffff, v53  }
0x53d: {  	v43 =	vld [tilespmem:s1+$0xFFFFFFF0];
	v63 =	vperm.xlane v31, v2;
	v53 =	vmul.f32 v60, v55  }
0x53e: {  	v39 =	vld [tilespmem:s1+$0xFFFFFFF8]  }
0x53f: {  	v3 =	vsel vm2, v3, v63;
	v12 =	vmul.f32 v56, v12;
	v55 =	vld [tilespmem:s6+$0x14880];
	(xrf2) =	vadd.scan.msk.f32 $0xffff, v0;
	v31 =	vpop (erf)  }
0x540: {  	s22 =	sadd.s32 $0x180, s22;
	[tilespmem:v61+s20+$0x0] =	vst.idx.msk $0xff, v31;
	v0, _, _ =	vpop (xrf2);
	v56 =	vld [tilespmem:s24+$0xFFFFFF40]  }
0x541: {  	v0 =	vperm.xlane v0, v2;
	v59 =	vmul.f32 v62, v59;
	v60 =	vld [tilespmem:s22+$0x40]  }
0x542: {  	(xrf2) =	vadd.scan.msk.f32 $0xffff, v50;
	v50 =	vld [tilespmem:s24+$0xFFFFFFC0]  }
0x543: {  	v0 =	vsel vm2, v54, v0;
	v54, _, _ =	vpop (xrf2);
	v61 =	vld [tilespmem:s18+$0xFFFFFF70]  }
0x544: {  	v62 =	vperm.xlane v31, v5;
	v54 =	vperm.xlane v54, v2;
	v63 =	vld [tilespmem:s18+$0xFFFFFFF0]  }
0x545: {  	v55 =	vperm.xlane v55, v58;
	(xrf2) =	vadd.scan.msk.f32 $0xffff, v51;
	v47 =	vmul.f32 v56, v47;
	v51 =	vld [tilespmem:s12+$0xFFFFFF90]  }
0x546: {  	v3 =	vsel vm3, v3, v54;
	v54 =	vmul.f32 v60, v62;
	v62 =	vimm.s32 $0x1;
	v56, _, _ =	vpop (xrf2);
	v58 =	vld [tilespmem:s12+$0x10]  }
0x547: {  	s23 =	sadd.s32 $0x180, s23;
	v55 =	vadd.s32 v4, v55;
	v60 =	vperm.xlane v56, v2;
	[tilespmem:s14+$0xFFFFFF40] =	vst v47;
	v32 =	vmul.f32 v50, v32;
	v47 =	vld [tilespmem:s11+$0xFFFFFFB0]  }
0x548: {  	v50 =	vand.u32 $0xFFFFFF80, v55;
	v55 =	vand.u32 $0x7F, v55;
	[tilespmem:s23+$0x40] =	vst v54;
	(xrf2) =	vadd.scan.msk.f32 $0xffff, v52;
	v52 =	vld [tilespmem:s24+$0xFFFFFF50]  }
0x549: {  	v50 =	vadd.s32 s8, v50;
	v0 =	vsel vm3, v0, v60;
	v54 =	vld [tilespmem:s22+$0x50];
	v56, _, _ =	vpop (xrf2);
	[tilespmem:s14+$0xFFFFFFC0] =	vst v32;
	v60 =	vmul.f32 v61, v29  }
0x54a: {  	v32 =	vor.u32 v55, v50;
	v55 =	vmul.f32 v63, v30;
	v29 =	vmovc v45;
	v56 =	vperm.xlane v56, v2;
	v50 =	vld [tilespmem:s24+$0xFFFFFFD0]  }
0x54b: {  	v30 =	vmovc v44;
	(xrf2) =	vadd.scan.msk.f32 $0xffff, v57;
	[tilespmem:s21+$0xFFFFFF70] =	vst v60;
	v57 =	vmul.f32 v51, v18;
	v58 =	vmul.f32 v58, v19;
	v45 =	vld [tilespmem:s11+$0x30];
	s11 =	smov.u32 s12;
	s12 =	smov.u32 s18;
	s18 =	smov.u32 s24  }
0x54c: {  	v44 =	vperm.xlane v31, v62;
	s24 =	smov.u32 s22;
	v3 =	vsel vm4, v3, v56;
	v51, _, _ =	vpop (xrf2);
	v56 =	vld [tilespmem:s12+$0xFFFFFF80];
	[tilespmem:s21+$0xFFFFFFF0] =	vst v55;
	v47 =	vmul.f32 v47, v15  }
0x54d: {  	v18 =	vmovc v25;
	v25 =	vmov v46;
	v55 =	vperm.xlane v51, v2;
	v38 =	vmul.f32 v52, v38;
	v51 =	vld [tilespmem:s12+$0x0];
	[tilespmem:s17+$0xFFFFFF90] =	vst v57  }
0x54e: {  	v19 =	vmovc v26;
	v26 =	vmov v48;
	v44 =	vmul.f32 v54, v44;
	(xrf2) =	vadd.scan.msk.f32 $0xffff, v53;
	v46 =	vld [tilespmem:s11+$0xFFFFFFA0];
	[tilespmem:s17+$0x10] =	vst v58  }
0x54f: {  	v15 =	vmov v14;
	v0 =	vsel vm4, v0, v55;
	v48, _, _ =	vpop (xrf2);
	[tilespmem:s14+$0xFFFFFF50] =	vst v38;
	v36 =	vmul.f32 v50, v36;
	v38 =	vld [tilespmem:s11+$0x20]  }
0x550: {  	v14 =	vmovc v21;
	v21 =	vmov v49;
	v48 =	vperm.xlane v48, v2;
	[tilespmem:s23+$0x50] =	vst v44;
	v44 =	vld [tilespmem:s18+$0xFFFFFF60];
	v45 =	vmul.f32 v45, v13  }
0x551: {  	v13 =	vmovc v20;
	v49 =	vld [tilespmem:s22+$0x60];
	(xrf2) =	vadd.scan.msk.f32 $0xffff, v12;
	[tilespmem:s14+$0xFFFFFFD0] =	vst v36;
	v12 =	vmul.f32 v56, v27;
	v27 =	vmov v35  }
0x552: {  	s5 =	sand.u32 $0x30, s28;
	v3 =	vsel vm5, v3, v48;
	v20, _, _ =	vpop (xrf2);
	v36 =	vld [tilespmem:s18+$0xFFFFFFE0];
	v48 =	vmul.f32 v51, v28;
	[tilespmem:s10+$0xFFFFFFB0] =	vst v47;
	v28 =	vmov v37  }
0x553: {  	s4 =	sadd.s32 $0x180, s4;
	v35 =	vld [tilespmem:s5+$0x14880];
	v47 =	vperm.xlane v20, v2;
	[tilespmem:s21+$0xFFFFFF80] =	vst v12;
	v12 =	vmul.f32 v46, v16;
	v16 =	vmovc v23;
	v23 =	vmov v42  }
0x554: {  	s2 =	sadd.s32 $0x180, s2;
	v42 =	vperm.xlane v31, v6;
	v37 =	vld [tilespmem:s4+$0xB0];
	(xrf2) =	vadd.scan.msk.f32 $0xffff, v59;
	[tilespmem:s21+$0x0] =	vst v48;
	v38 =	vmul.f32 v38, v17;
	v17 =	vmovc v24  }
0x555: {  	v24 =	vmov v40;
	v46 =	vld [tilespmem:s2+$0xB0];
	v0 =	vsel vm5, v0, v47;
	v20, _, _ =	vpop (xrf2);
	v33 =	vmul.f32 v44, v33;
	[tilespmem:s17+$0xFFFFFFA0] =	vst v12  }
0x556: {  	v12 =	vld [tilespmem:s4+$0xFFFFFF40];
	v40 =	vperm.xlane v20, v2;
	v42 =	vmul.f32 v49, v42;
	[tilespmem:s17+$0x20] =	vst v38;
	v20 =	vmovc v22;
	v22 =	vmov v41  }
0x557: {  	v38 =	vld [tilespmem:s4+$0x90];
	[tilespmem:s14+$0xFFFFFF60] =	vst v33;
	v33 =	vmul.f32 v36, v34  }
0x558: {  	v34 =	vld [tilespmem:s2+$0x90];
	v3 =	vsel vm6, v3, v40;
	[tilespmem:s23+$0x60] =	vst v42;
	v36, _, _ =	vpop (xrf2)  }
0x559: {  	v42 =	vperm.xlane v36, v2;
	v40 =	vld [tilespmem:s22+$0x70];
	[tilespmem:s14+$0xFFFFFFE0] =	vst v33  }
0x55a: {  	v33 =	vld [tilespmem:s4+$0x80];
	v37 =	vmul.f32 v46, v37;
	[tilespmem:s10+$0x30] =	vst v45;
	s10 =	smov.u32 s17;
	s17 =	smov.u32 s21;
	s21 =	smov.u32 s14  }
0x55b: {  	s14 =	smov.u32 s23;
	v41 =	vld [tilespmem:s2+$0x80];
	v0 =	vsel vm6, v0, v42;
	v36, _, _ =	vpop (xrf2)  }
0x55c: {  	v42 =	vperm.xlane v31, v7;
	v45 =	vld [tilespmem:s2+$0xFFFFFF40];
	(xrf2) =	vadd.scan.msk.f32 $0xffff, v37;
	v36 =	vperm.xlane v36, v2  }
0x55d: {  	v46 =	vld [tilespmem:s4+$0x60];
	v34 =	vmul.f32 v34, v38  }
0x55e: {  	v38 =	vld [tilespmem:s2+$0x60];
	v3 =	vsel vm7, v3, v36;
	v36 =	vmul.f32 v40, v42;
	v37, _, _ =	vpop (xrf2)  }
0x55f: {  	v42 =	vld [tilespmem:s4+$0x50];
	(xrf2) =	vadd.scan.msk.f32 $0xffff, v34;
	v3 =	vadd.f32 v3, v43;
	v34 =	vperm.xlane v37, v2  }
.Ltmp8:
0x560: {  	v44 =	vld [tilespmem:s2+$0x50];
	v37 =	vmul.f32 v41, v33;
	[tilespmem:s23+$0x70] =	vst v36;
	(pc) =	sbr.rel @p1 .LBB2_19-.Ltmp8, $4  }
0x561: {  	v40 =	vmul.f32 v45, v12;
	v33 =	vmul.f32 $1.442695020e+00, v3;
	v0 =	vsel vm7, v0, v34;
	v36 =	vld [tilespmem:s22+$0x80]  }
0x562: {  	v41 =	vld [tilespmem:s4+$0xFFFFFFC0];
	(xrf2) =	vadd.scan.msk.f32 $0xffff, v37;
	v0 =	vadd.f32 v0, v39  }
0x563: {  	v39 =	vld [tilespmem:s4+$0x40];
	v45 =	vmul.f32 v38, v46  }
0x564: {  	s13 =	sadd.s32 $0x3, s13;
	v34 =	vmov s28;
	v37 =	vperm.xlane v31, v8;
	v43 =	vld [tilespmem:s2+$0x40];
	v38 =	vmul.f32 $1.442695020e+00, v0  }
0x565: {  	v0 =	vld [tilespmem:s2+$0xFFFFFFC0]  }
0x566: {  	v3 =	vld [tilespmem:s4+$0x70]  }
0x567: {  	v12 =	vld [tilespmem:s2+$0x70]  }
0x568: {  	v46 =	vld [tilespmem:s4+$0xA0]  }
0x569: {  	v47 =	vld [tilespmem:s2+$0xA0]  }
0x56a: {  	v48 =	vld [tilespmem:s4+$0xFFFFFF50]  }
0x56b: {  	v49 =	vld [tilespmem:s2+$0xFFFFFF50]  }
0x56c: {  	v50 =	vld [tilespmem:s4+$0xFFFFFFD0]  }
0x56d: {  	v51 =	vld [tilespmem:s2+$0xFFFFFFD0]  }
0x56e: {  	v52 =	vld [tilespmem:s4+$0xFFFFFF60]  }
0x56f: {  	v53 =	vld [tilespmem:s2+$0xFFFFFF60]  }
0x570: {  	v54 =	vld [tilespmem:s4+$0xFFFFFFE0]  }
0x571: {  	v55 =	vld [tilespmem:s2+$0xFFFFFFE0]  }
0x572: {  	v56 =	vld [tilespmem:s4+$0xFFFFFF70];
	v42 =	vmul.f32 v44, v42  }
0x573: {  	v44 =	vld [tilespmem:s2+$0xFFFFFF70];
	(xrf2) =	vadd.scan.msk.f32 $0xffff, v45  }
0x574: {  	v58 =	vld [tilespmem:s4+$0xFFFFFF90];
	(xrf2) =	vadd.scan.msk.f32 $0xffff, v42;
	v39 =	vmul.f32 v43, v39  }
0x575: {  	v60 =	vld [tilespmem:s4+$0x10]  }
0x576: {  	v42 =	vld [tilespmem:s2+$0xFFFFFFF0];
	(xrf2) =	vadd.scan.msk.f32 $0xffff, v39  }
0x577: {  	v43 =	vld [tilespmem:s4+$0xFFFFFFF0];
	v3 =	vmul.f32 v12, v3  }
0x578: {  	v12 =	vld [tilespmem:s2+$0xFFFFFF80]  }
0x579: {  	v46 =	vmul.f32 v47, v46;
	v47 =	vld [tilespmem:s2+$0x0];
	(xrf2) =	vadd.scan.msk.f32 $0xffff, v3  }
0x57a: {  	v57, _, _ =	vpop (xrf2);
	v44 =	vmul.f32 v44, v56;
	v56 =	vld [tilespmem:s2+$0x30]  }
0x57b: {  	v59, _, _ =	vpop (xrf2);
	v39 =	vld [tilespmem:s4+$0xFFFFFF80];
	(xrf2) =	vadd.scan.msk.f32 $0xffff, v46  }
0x57c: {  	v0 =	vmul.f32 v0, v41;
	v3 =	vld [tilespmem:s4+$0x0];
	v41, _, _ =	vpop (xrf2)  }
0x57d: {  	v48 =	vmul.f32 v49, v48;
	v46 =	vld [tilespmem:s2+$0xFFFFFF90];
	v49, _, _ =	vpop (xrf2);
	(xrf2) =	vadd.scan.msk.f32 $0xffff, v40  }
0x57e: {  	v50 =	vmul.f32 v51, v50;
	v42 =	vmul.f32 v42, v43;
	v43 =	vld [tilespmem:s2+$0xFFFFFFB0];
	v61, _, _ =	vpop (xrf2);
	(xrf2) =	vadd.scan.msk.f32 $0xffff, v0  }
0x57f: {  	v52 =	vmul.f32 v53, v52;
	v0 =	vld [tilespmem:s4+$0xFFFFFFA0];
	(xrf2) =	vadd.scan.msk.f32 $0xffff, v48  }
0x580: {  	v54 =	vmul.f32 v55, v54;
	v48 =	vld [tilespmem:s2+$0xFFFFFFA0];
	(xrf2) =	vadd.scan.msk.f32 $0xffff, v50;
	v63, _, _ =	vpop (xrf2)  }
0x581: {  	v40 =	vld [tilespmem:s2+$0x10];
	(xrf2) =	vadd.scan.msk.f32 $0xffff, v52;
	v53 =	vperm.xlane v63, v2  }
0x582: {  	(erf) = vpow2.f32 v33;
	v51 =	vperm.xlane v61, v2;
	v50 =	vld [tilespmem:s4+$0x20];
	(xrf2) =	vadd.scan.msk.f32 $0xffff, v54  }
0x583: {  	v49 =	vperm.xlane v49, v2;
	v12 =	vmul.f32 v12, v39;
	v52 =	vld [tilespmem:s2+$0x20];
	v61, _, _ =	vpop (xrf2);
	(xrf2) =	vadd.scan.msk.f32 $0xffff, v44;
	v53 =	vnsel vm0, $0x0, v53  }
0x584: {  	v3 =	vmul.f32 v47, v3;
	v46 =	vmul.f32 v46, v58;
	v54 =	vld [tilespmem:s4+$0xFFFFFFB0];
	(xrf2) =	vadd.scan.msk.f32 $0xffff, v42;
	v51 =	vsel vm1, v53, v51  }
0x585: {  	s1 =	sadd.s32 $0x18, s1;
	s5 =	sadd.s32 $0x2, s0;
	v63 =	vperm.xlane v61, v2;
	v55, _, _ =	vpop (xrf2);
	v0 =	vmul.f32 v48, v0;
	(xrf2) =	vadd.scan.msk.f32 $0xffff, v12;
	v49 =	vsel vm2, v51, v49;
	v51 =	vld [tilespmem:s4+$0x30]  }
0x586: {  	v45 =	vld [tilespmem:s1+$0x0];
	s6 =	sand.u32 $0x70, s5;
	v41 =	vperm.xlane v41, v2;
	v40 =	vmul.f32 v40, v60;
	(xrf2) =	vadd.scan.msk.f32 $0xffff, v3  }
0x587: {  	(erf) = vpow2.f32 v38;
	v53 =	vperm.xlane v59, v2;
	v3 =	vld [tilespmem:s6+$0x14880];
	v60, _, _ =	vpop (xrf2);
	(xrf2) =	vadd.scan.msk.f32 $0xffff, v46;
	v39 =	vsel vm3, v49, v63  }
0x588: {  	v58 =	vperm.xlane v55, v2;
	v63 =	vmul.f32 v52, v50;
	(xrf2) =	vadd.scan.msk.f32 $0xffff, v40;
	v47, _, _ =	vpop (xrf2);
	v39 =	vsel vm4, v39, v41  }
0x589: {  	v59 =	vperm.xlane v57, v2;
	v48 =	vmul.f32 v43, v54;
	(xrf2) =	vadd.scan.msk.f32 $0xffff, v0;
	v0, _, _ =	vpop (xrf2);
	v39 =	vsel vm5, v39, v53  }
0x58a: {  	v49 =	vmov s5;
	v50, _, _ =	vpop (xrf2);
	(xrf2) =	vadd.scan.msk.f32 $0xffff, v63;
	v61 =	vsel vm6, v39, v58;
	v12 =	vmul.f32 v56, v51  }
0x58b: {  	v40 =	vperm.xlane v47, v2;
	v0 =	vperm.xlane v0, v2;
	v52, _, _ =	vpop (xrf2);
	(xrf2) =	vadd.scan.msk.f32 $0xffff, v48;
	v33 =	vsel vm7, v61, v59  }
0x58c: {  	v3 =	vperm.xlane v3, v49;
	v57 =	vperm.xlane v50, v2;
	v53, _, _ =	vpop (xrf2);
	v33 =	vadd.f32 v33, v45;
	(xrf2) =	vadd.scan.msk.f32 $0xffff, v12  }
0x58d: {  	v40 =	vnsel vm0, $0x0, v40;
	v51 =	vperm.xlane v60, v2;
	v59 =	vperm.xlane v52, v2;
	v54, _, _ =	vpop (xrf2)  }
0x58e: {  	v3 =	vadd.s32 v4, v3;
	v38 =	vperm.xlane v53, v2;
	v55, _, _ =	vpop (xrf2);
	v33 =	vmul.f32 $1.442695020e+00, v33  }
0x58f: {  	s4 =	sadd.s32 $0x1, s0;
	v39 =	vnsel vm0, $0x0, v51;
	v56 =	vand.u32 $0xFFFFFF80, v3;
	v3 =	vand.u32 $0x7F, v3;
	v58, _, _ =	vpop (xrf2)  }
0x590: {  	s2 =	sshll.u32 s4, $0x7;
	v12 =	vperm.xlane v54, v2;
	v0 =	vsel vm1, v39, v0;
	v60, _, _ =	vpop (xrf2);
	(erf) = vpow2.f32 v33  }
0x591: {  	s8 =	sadd.s32 $0x80, s2;
	v39 =	vsel vm1, v40, v57;
	v63 =	vperm.xlane v55, v2;
	v0 =	vsel vm2, v0, v59;
	v61, _, _ =	vpop (xrf2)  }
0x592: {  	v42 =	vperm.xlane v58, v2;
	v38 =	vsel vm2, v39, v38;
	v33 =	vadd.s32 s8, v56;
	v45, _, _ =	vpop (xrf2)  }
0x593: {  	v0 =	vsel vm3, v0, v12;
	v46 =	vperm.xlane v60, v2;
	v3 =	vor.u32 v3, v33;
	v47, _, _ =	vpop (xrf2)  }
0x594: {  	v48 =	vld [tilespmem:s1+$0xFFFFFFF0];
	v33 =	vsel vm3, v38, v63;
	v0 =	vsel vm4, v0, v42;
	v49 =	vperm.xlane v61, v2;
	v50, _, _ =	vpop (xrf2)  }
0x595: {  	v51 =	vld [tilespmem:s1+$0xFFFFFFF8];
	v12 =	vsel vm4, v33, v46;
	v52 =	vperm.xlane v45, v2;
	v39 =	vperm.xlane v47, v2;
	v53, _, _ =	vpop (xrf2)  }
0x596: {  	s13 =	sand.u32 $0x30, s0;
	v0 =	vsel vm5, v0, v49;
	v54 =	vperm.xlane v50, v2;
	v55 =	vperm.xlane v53, v2;
	v56, _, _ =	vpop (xrf2)  }
0x597: {  	s5 =	sand.u32 $0x70, s4;
	v57 =	vld [tilespmem:s13+$0x14880];
	v12 =	vsel vm5, v12, v52;
	v33 =	vpop (erf);
	v0 =	vsel vm6, v0, v39;
	v43 =	vperm.xlane v56, v2  }
0x598: {  	v58 =	vperm.xlane v35, v34;
	v59 =	vld [tilespmem:s5+$0x14880];
	v34 =	vpop (erf);
	v12 =	vsel vm6, v12, v54;
	v0 =	vsel vm7, v0, v55  }
0x599: {  	v0 =	vadd.f32 v0, v48;
	v35 =	vpop (erf);
	v12 =	vsel vm7, v12, v43  }
0x59a: {  	s1 =	sadd.s32 $0x180, s22;
	v60 =	vadd.s32 v4, v58;
	[tilespmem:v3+s20+$0x0] =	vst.idx.msk $0xff, v35;
	v3 =	vadd.f32 v12, v51  }
0x59b: {  	v61 =	vand.u32 $0xFFFFFF80, v60;
	v45 =	vmov s0;
	v0 =	vmul.f32 $1.442695020e+00, v0;
	v63 =	vld [tilespmem:s1+$0x40]  }
0x59c: {  	v46 =	vmov s4;
	v39 =	vperm.xlane v57, v45;
	v3 =	vmul.f32 $1.442695020e+00, v3  }
0x59d: {  	v40 =	vand.u32 $0x7F, v60;
	v38 =	vperm.xlane v59, v46;
	(erf) = vpow2.f32 v0  }
0x59e: {  	s6 =	sshll.u32 s28, $0x7;
	v47 =	vadd.s32 v4, v39;
	v0 =	vperm.xlane v35, v5;
	(erf) = vpow2.f32 v3  }
0x59f: {  	v48 =	vadd.s32 v4, v38;
	v12 =	vadd.s32 s6, v61;
	v3 =	vmul.f32 v36, v37  }
0x5a0: {  	s8 =	sshll.u32 s0, $0x7;
	v49 =	vand.u32 $0xFFFFFF80, v47;
	v12 =	vor.u32 v40, v12;
	v0 =	vmul.f32 v63, v0  }
0x5a1: {  	s13 =	sadd.s32 $0x180, s23;
	v38 =	vadd.s32 s8, v49;
	v36 =	vand.u32 $0x7F, v47;
	[tilespmem:s23+$0x80] =	vst v3;
	v3 =	vand.u32 $0xFFFFFF80, v48  }
0x5a2: {  	v37 =	vand.u32 $0x7F, v48;
	v50 =	vld [tilespmem:s22+$0x90];
	[tilespmem:s13+$0x40] =	vst v0;
	v0 =	vadd.s32 s2, v3;
	v3 =	vor.u32 v36, v38  }
0x5a3: {  	v51 =	vld [tilespmem:s1+$0x50];
	v0 =	vor.u32 v37, v0;
	_ =	sdelay $0x1  }
0x5a4: {  	v52 =	vperm.xlane v31, v9;
	[tilespmem:v12+s20+$0x0] =	vst.idx.msk $0xff, v33  }
0x5a5: {  	[tilespmem:v32+s20+$0x0] =	vst.idx.msk $0xff, v34;
	v53 =	vperm.xlane v35, v62;
	v12 =	vld [tilespmem:s24+$0xFFFFFF40];
	v32 =	vpop (erf)  }
0x5a6: {  	v54 =	vld [tilespmem:s24+$0xFFFFFFC0];
	v39 =	vmul.f32 v50, v52;
	[tilespmem:v3+s20+$0x0] =	vst.idx.msk $0xff, v32;
	v36 =	vpop (erf)  }
0x5a7: {  	v3 =	vmul.f32 v51, v53;
	[tilespmem:v0+s20+$0x0] =	vst.idx.msk $0xff, v36;
	v0 =	vld [tilespmem:s1+$0xFFFFFF40]  }
0x5a8: {  	v55 =	vperm.xlane v33, v5;
	[tilespmem:s23+$0x90] =	vst v39;
	v56 =	vld [tilespmem:s1+$0xFFFFFFC0]  }
0x5a9: {  	v57 =	vperm.xlane v34, v5;
	v58 =	vld [tilespmem:s22+$0xA0];
	[tilespmem:s13+$0x50] =	vst v3  }
0x5aa: {  	v60 =	vperm.xlane v32, v5;
	v3 =	vmul.f32 v12, v55;
	v59 =	vld [tilespmem:s1+$0x60]  }
0x5ab: {  	v39 =	vmul.f32 v54, v57;
	v61 =	vperm.xlane v36, v5  }
0x5ac: {  	v42 =	vld [tilespmem:s11+$0xFFFFFFB0];
	v63 =	vperm.xlane v31, v10;
	[tilespmem:s14+$0xFFFFFF40] =	vst v3;
	v0 =	vmul.f32 v0, v60  }
0x5ad: {  	v44 =	vperm.xlane v35, v6;
	[tilespmem:s14+$0xFFFFFFC0] =	vst v39;
	v3 =	vld [tilespmem:s24+$0xFFFFFF50];
	v38 =	vmul.f32 v56, v61  }
0x5ae: {  	v46 =	vld [tilespmem:s24+$0xFFFFFFD0];
	v45 =	vmul.f32 v58, v63;
	[tilespmem:s13+$0xFFFFFF40] =	vst v0  }
0x5af: {  	v0 =	vmul.f32 v59, v44;
	v47 =	vld [tilespmem:s1+$0xFFFFFF50];
	[tilespmem:s13+$0xFFFFFFC0] =	vst v38  }
0x5b0: {  	v48 =	vperm.xlane v33, v62;
	[tilespmem:s23+$0xA0] =	vst v45;
	v38 =	vld [tilespmem:s1+$0xFFFFFFD0]  }
0x5b1: {  	v15 =	vmul.f32 v42, v15;
	v49 =	vperm.xlane v34, v62;
	v50 =	vld [tilespmem:s22+$0xB0];
	[tilespmem:s13+$0x60] =	vst v0  }
0x5b2: {  	v51 =	vperm.xlane v32, v62;
	v0 =	vmul.f32 v3, v48;
	v3 =	vld [tilespmem:s1+$0x70]  }
0x5b3: {  	v53 =	vperm.xlane v36, v62;
	v39 =	vmul.f32 v46, v49  }
0x5b4: {  	v42 =	vld [tilespmem:s11+$0x30];
	[tilespmem:s14+$0xFFFFFF50] =	vst v0;
	v0 =	vperm.xlane v31, v11;
	v12 =	vmul.f32 v47, v51  }
0x5b5: {  	v56 =	vperm.xlane v35, v7;
	[tilespmem:s14+$0xFFFFFFD0] =	vst v39;
	v55 =	vld [tilespmem:s24+$0xFFFFFF60];
	v38 =	vmul.f32 v38, v53  }
0x5b6: {  	v57 =	vld [tilespmem:s24+$0xFFFFFFE0];
	v0 =	vmul.f32 v50, v0;
	[tilespmem:s13+$0xFFFFFF50] =	vst v12  }
0x5b7: {  	v3 =	vmul.f32 v3, v56;
	[tilespmem:s13+$0xFFFFFFD0] =	vst v38;
	v58 =	vld [tilespmem:s1+$0xFFFFFF60]  }
0x5b8: {  	[tilespmem:s23+$0xB0] =	vst v0;
	v0 =	vperm.xlane v33, v6;
	v59 =	vld [tilespmem:s1+$0xFFFFFFE0]  }
0x5b9: {  	v13 =	vmul.f32 v42, v13;
	v60 =	vperm.xlane v34, v6;
	[tilespmem:s13+$0x70] =	vst v3;
	v3 =	vld [tilespmem:s12+$0xFFFFFF90]  }
0x5ba: {  	[tilespmem:s10+$0xFFFFFFB0] =	vst v15;
	v63 =	vperm.xlane v32, v6;
	v0 =	vmul.f32 v55, v0;
	v61 =	vld [tilespmem:s1+$0x80]  }
0x5bb: {  	[tilespmem:s10+$0x30] =	vst v13;
	v52 =	vld [tilespmem:s18+$0xFFFFFF70];
	v41 =	vperm.xlane v36, v6;
	v12 =	vmul.f32 v57, v60  }
0x5bc: {  	v54 =	vld [tilespmem:s18+$0xFFFFFFF0];
	[tilespmem:s14+$0xFFFFFF60] =	vst v0;
	v0 =	vmul.f32 v58, v63  }
0x5bd: {  	v43 =	vperm.xlane v35, v8;
	[tilespmem:s14+$0xFFFFFFE0] =	vst v12;
	v44 =	vld [tilespmem:s24+$0xFFFFFF70];
	v31 =	vmul.f32 v59, v41  }
0x5be: {  	v3 =	vmul.f32 v3, v18;
	[tilespmem:s13+$0xFFFFFF60] =	vst v0;
	v0 =	vld [tilespmem:s24+$0xFFFFFFF0]  }
0x5bf: {  	v12 =	vmul.f32 v61, v43;
	[tilespmem:s13+$0xFFFFFFE0] =	vst v31;
	v45 =	vld [tilespmem:s1+$0xFFFFFF70]  }
0x5c0: {  	v29 =	vmul.f32 v52, v29;
	v46 =	vperm.xlane v33, v7;
	[tilespmem:s17+$0xFFFFFF90] =	vst v3;
	v3 =	vld [tilespmem:s1+$0xFFFFFFF0]  }
0x5c1: {  	v40 =	vld [tilespmem:s12+$0x10];
	v30 =	vmul.f32 v54, v30;
	v47 =	vperm.xlane v34, v7;
	[tilespmem:s13+$0x80] =	vst v12  }
0x5c2: {  	[tilespmem:s21+$0xFFFFFF70] =	vst v29;
	v50 =	vperm.xlane v32, v7;
	v49 =	vld [tilespmem:s1+$0x90];
	v29 =	vmul.f32 v44, v46  }
0x5c3: {  	v52 =	vperm.xlane v36, v7;
	[tilespmem:s21+$0xFFFFFFF0] =	vst v30;
	v48 =	vld [tilespmem:s18+$0xFFFFFF80];
	v0 =	vmul.f32 v0, v47  }
0x5c4: {  	v51 =	vld [tilespmem:s18+$0x0];
	[tilespmem:s14+$0xFFFFFF70] =	vst v29;
	v18 =	vmul.f32 v45, v50  }
0x5c5: {  	v54 =	vld [tilespmem:s24+$0xFFFFFF80];
	[tilespmem:s14+$0xFFFFFFF0] =	vst v0;
	v0 =	vperm.xlane v35, v9;
	v3 =	vmul.f32 v3, v52  }
0x5c6: {  	v19 =	vmul.f32 v40, v19;
	[tilespmem:s13+$0xFFFFFF70] =	vst v18;
	v55 =	vld [tilespmem:s24+$0x0]  }
0x5c7: {  	v0 =	vmul.f32 v49, v0;
	[tilespmem:s13+$0xFFFFFFF0] =	vst v3;
	v3 =	vld [tilespmem:s1+$0xFFFFFF80]  }
0x5c8: {  	[tilespmem:s17+$0x10] =	vst v19;
	v56 =	vperm.xlane v33, v8;
	v12 =	vmul.f32 v48, v27;
	v57 =	vld [tilespmem:s1+$0x0]  }
0x5c9: {  	v15 =	vmul.f32 v51, v28;
	v58 =	vperm.xlane v34, v8;
	[tilespmem:s13+$0x90] =	vst v0;
	v0 =	vld [tilespmem:s12+$0x20]  }
0x5ca: {  	v60 =	vperm.xlane v32, v8;
	[tilespmem:s21+$0xFFFFFF80] =	vst v12;
	v19 =	vmul.f32 v54, v56;
	v59 =	vld [tilespmem:s1+$0xA0]  }
0x5cb: {  	[tilespmem:s21+$0x0] =	vst v15;
	v61 =	vperm.xlane v36, v8;
	v63 =	vld [tilespmem:s18+$0xFFFFFF90];
	v18 =	vmul.f32 v55, v58  }
0x5cc: {  	v30 =	vld [tilespmem:s18+$0x10];
	[tilespmem:s14+$0xFFFFFF80] =	vst v19;
	v3 =	vmul.f32 v3, v60  }
0x5cd: {  	v31 =	vperm.xlane v35, v10;
	v37 =	vld [tilespmem:s24+$0xFFFFFF90];
	[tilespmem:s14+$0x0] =	vst v18;
	v12 =	vmul.f32 v57, v61  }
0x5ce: {  	v0 =	vmul.f32 v0, v17;
	[tilespmem:s13+$0xFFFFFF80] =	vst v3;
	v3 =	vld [tilespmem:s24+$0x10]  }
0x5cf: {  	v15 =	vmul.f32 v59, v31;
	[tilespmem:s13+$0x0] =	vst v12;
	v38 =	vld [tilespmem:s1+$0xFFFFFF90]  }
0x5d0: {  	v39 =	vmul.f32 v63, v25;
	[tilespmem:s17+$0x20] =	vst v0;
	v0 =	vperm.xlane v33, v9;
	v40 =	vld [tilespmem:s1+$0x10]  }
0x5d1: {  	v41 =	vperm.xlane v34, v9;
	v53 =	vld [tilespmem:s12+$0xFFFFFFA0];
	v19 =	vmul.f32 v30, v26;
	[tilespmem:s13+$0xA0] =	vst v15  }
0x5d2: {  	v43 =	vperm.xlane v32, v9;
	[tilespmem:s21+$0xFFFFFF90] =	vst v39;
	v0 =	vmul.f32 v37, v0;
	v44 =	vld [tilespmem:s1+$0xB0]  }
0x5d3: {  	v45 =	vperm.xlane v36, v9;
	v46 =	vld [tilespmem:s18+$0xFFFFFFA0];
	[tilespmem:s21+$0x10] =	vst v19;
	v3 =	vmul.f32 v3, v41  }
0x5d4: {  	v47 =	vld [tilespmem:s18+$0x20];
	[tilespmem:s14+$0xFFFFFF90] =	vst v0;
	v0 =	vmul.f32 v38, v43  }
0x5d5: {  	[tilespmem:s14+$0x10] =	vst v3;
	v3 =	vperm.xlane v35, v11;
	v48 =	vmul.f32 v40, v45;
	v49 =	vld [tilespmem:s24+$0xFFFFFFA0]  }
0x5d6: {  	v16 =	vmul.f32 v53, v16;
	[tilespmem:s13+$0xFFFFFF90] =	vst v0;
	v0 =	vld [tilespmem:s24+$0x20]  }
0x5d7: {  	v3 =	vmul.f32 v44, v3;
	[tilespmem:s13+$0x10] =	vst v48;
	v50 =	vld [tilespmem:s1+$0xFFFFFFA0]  }
0x5d8: {  	v51 =	vperm.xlane v33, v10;
	[tilespmem:s17+$0xFFFFFFA0] =	vst v16;
	v15 =	vmul.f32 v46, v23;
	v17 =	vld [tilespmem:s1+$0x20]  }
0x5d9: {  	v52 =	vld [tilespmem:s12+$0xFFFFFFB0];
	v12 =	vmul.f32 v47, v24;
	[tilespmem:s13+$0xB0] =	vst v3;
	v3 =	vperm.xlane v34, v10  }
0x5da: {  	v53 =	vperm.xlane v32, v10;
	v54 =	vld [tilespmem:s12+$0x30];
	[tilespmem:s21+$0xFFFFFFA0] =	vst v15;
	v13 =	vmul.f32 v49, v51  }
0x5db: {  	v55 =	vperm.xlane v36, v10;
	[tilespmem:s21+$0x20] =	vst v12;
	v0 =	vmul.f32 v0, v3;
	v3 =	vld [tilespmem:s18+$0xFFFFFFB0]  }
0x5dc: {  	v57 =	vld [tilespmem:s18+$0x30];
	[tilespmem:s14+$0xFFFFFFA0] =	vst v13;
	v56 =	vmul.f32 v50, v53  }
0x5dd: {  	[tilespmem:s14+$0x20] =	vst v0;
	v0 =	vmul.f32 v17, v55;
	v58 =	vld [tilespmem:s24+$0xFFFFFFB0]  }
0x5de: {  	v14 =	vmul.f32 v52, v14;
	[tilespmem:s13+$0xFFFFFFA0] =	vst v56;
	v59 =	vld [tilespmem:s24+$0x30]  }
0x5df: {  	v60 =	vmul.f32 v54, v20;
	[tilespmem:s13+$0x20] =	vst v0;
	v0 =	vld [tilespmem:s1+$0xFFFFFFB0]  }
0x5e0: {  	v61 =	vperm.xlane v33, v11;
	[tilespmem:s17+$0xFFFFFFB0] =	vst v14;
	v3 =	vmul.f32 v3, v21;
	v63 =	vld [tilespmem:s1+$0x30]  }
0x5e1: {  	[tilespmem:s17+$0x30] =	vst v60;
	v15 =	vmul.f32 v57, v22;
	v21 =	vperm.xlane v34, v11  }
0x5e2: {  	v23 =	vperm.xlane v32, v11;
	[tilespmem:s21+$0xFFFFFFB0] =	vst v3;
	v3 =	vmul.f32 v58, v61  }
0x5e3: {  	v24 =	vperm.xlane v36, v11;
	[tilespmem:s21+$0x30] =	vst v15;
	v13 =	vmul.f32 v59, v21  }
0x5e4: {  	[tilespmem:s14+$0xFFFFFFB0] =	vst v3;
	v0 =	vmul.f32 v0, v23  }
0x5e5: {  	[tilespmem:s14+$0x30] =	vst v13;
	v3 =	vmul.f32 v63, v24  }
0x5e6: {  	[tilespmem:s13+$0xFFFFFFB0] =	vst v0  }
0x5e7: {  	[tilespmem:s13+$0x30] =	vst v3  }
0x5e8: {  	v0 =	vld [tilespmem:$0xC400]  }
0x5e9: {  	v3 =	vld [tilespmem:$0xE400]  }
0x5ea: {  	v25 =	vld [tilespmem:$0xC410]  }
0x5eb: {  	v13 =	vld [tilespmem:$0xE410]  }
0x5ec: {  	v26 =	vld [tilespmem:$0xC420]  }
0x5ed: {  	v15 =	vld [tilespmem:$0xE420]  }
0x5ee: {  	v27 =	vld [tilespmem:$0xC430]  }
0x5ef: {  	v28 =	vld [tilespmem:$0xE430]  }
0x5f0: {  	v29 =	vld [tilespmem:$0xC440]  }
0x5f1: {  	v30 =	vld [tilespmem:$0xE440]  }
0x5f2: {  	v31 =	vld [tilespmem:$0xC450]  }
0x5f3: {  	v32 =	vld [tilespmem:$0xE450]  }
0x5f4: {  	v33 =	vld [tilespmem:$0xC460]  }
0x5f5: {  	v34 =	vld [tilespmem:$0xC470];
	v0 =	vmul.f32 v3, v0  }
0x5f6: {  	v3 =	vld [tilespmem:$0xE460];
	v12 =	vmul.f32 v13, v25  }
0x5f7: {  	v35 =	vld [tilespmem:$0xE470];
	(xrf2) =	vadd.scan.msk.f32 $0xffff, v0;
	v0 =	vmul.f32 v15, v26  }
0x5f8: {  	v36 =	vmul.f32 v28, v27;
	(xrf2) =	vadd.scan.msk.f32 $0xffff, v12  }
0x5f9: {  	(xrf2) =	vadd.scan.msk.f32 $0xffff, v0;
	v0 =	vmul.f32 v30, v29  }
0x5fa: {  	v37 =	vmul.f32 v32, v31;
	(xrf2) =	vadd.scan.msk.f32 $0xffff, v36  }
0x5fb: {  	(xrf2) =	vadd.scan.msk.f32 $0xffff, v0;
	v0 =	vmul.f32 v3, v33  }
0x5fc: {  	v3 =	vmul.f32 v35, v34;
	(xrf2) =	vadd.scan.msk.f32 $0xffff, v37  }
0x5fd: {  	(xrf2) =	vadd.scan.msk.f32 $0xffff, v0  }
0x5fe: {  	(xrf2) =	vadd.scan.msk.f32 $0xffff, v3;
	_ =	sdelay $0x2  }
0x5ff: {  	v0, _, _ =	vpop (xrf2)  }
0x600: {  	v3, _, _ =	vpop (xrf2);
	v0 =	vperm.xlane v0, v2  }
0x601: {  	v38, _, _ =	vpop (xrf2);
	v3 =	vperm.xlane v3, v2  }
0x602: {  	v39, _, _ =	vpop (xrf2);
	v0 =	vnsel vm0, $0x0, v0;
	v12 =	vperm.xlane v38, v2  }
0x603: {  	v0 =	vsel vm1, v0, v3;
	v3 =	vperm.xlane v39, v2;
	v40, _, _ =	vpop (xrf2)  }
0x604: {  	v0 =	vsel vm2, v0, v12;
	v41 =	vperm.xlane v40, v2;
	v42, _, _ =	vpop (xrf2)  }
0x605: {  	v43 =	vld [tilespmem:$0x10678];
	v0 =	vsel vm3, v0, v3;
	v3 =	vperm.xlane v42, v2;
	v44, _, _ =	vpop (xrf2)  }
0x606: {  	v0 =	vsel vm4, v0, v41;
	v45 =	vperm.xlane v44, v2;
	v46, _, _ =	vpop (xrf2)  }
0x607: {  	v0 =	vsel vm5, v0, v3;
	v3 =	vperm.xlane v46, v2  }
0x608: {  	v0 =	vsel vm6, v0, v45  }
0x609: {  	v0 =	vsel vm7, v0, v3;
	v3 =	vld [tilespmem:$0x148B0]  }
0x60a: {  	v0 =	vadd.f32 v0, v43;
	_ =	sdelay $0x1  }
0x60b: {  	v0 =	vmul.f32 $1.442695020e+00, v0;
	_ =	sdelay $0x1  }
0x60c: {  	(erf) = vpow2.f32 v0;
	v0 =	vperm.xlane v3, v2;
	v3 =	vld [tilespmem:$0x1FFF0];
	_ =	sdelay $0x4  }
0x60d: {  	v0 =	vadd.s32 v3, v0;
	_ =	sdelay $0x3  }
0x60e: {  	v3 =	vpop (erf)  }
0x60f: {  	[tilespmem:v0+s20+$0x0] =	vst.idx.msk $0xff, v3  }
0x610: {  	v0 =	vld [tilespmem:$0x10400]  }
0x611: {  	v47 =	vld [tilespmem:$0x10410]  }
0x612: {  	v50 =	vld [tilespmem:$0x10430]  }
0x613: {  	v49 =	vperm.xlane v3, v5;
	v48 =	vld [tilespmem:$0x10420]  }
0x614: {  	v51 =	vperm.xlane v3, v62;
	v53 =	vperm.xlane v3, v6;
	v54 =	vld [tilespmem:$0x10450]  }
0x615: {  	v55 =	vperm.xlane v3, v7;
	v52 =	vld [tilespmem:$0x10440];
	v0 =	vmul.f32 v0, v49  }
0x616: {  	v57 =	vperm.xlane v3, v8;
	v58 =	vld [tilespmem:$0x10470];
	v12 =	vmul.f32 v47, v51  }
0x617: {  	v60 =	vperm.xlane v3, v9;
	v56 =	vld [tilespmem:$0x10460];
	v59 =	vmul.f32 v50, v55;
	[tilespmem:$0x12700] =	vst v0  }
0x618: {  	v61 =	vperm.xlane v3, v10;
	v0 =	vmul.f32 v48, v53;
	[tilespmem:$0x12710] =	vst v12  }
0x619: {  	v3 =	vperm.xlane v3, v11;
	v63 =	vmul.f32 v54, v60;
	[tilespmem:$0x12730] =	vst v59  }
0x61a: {  	[tilespmem:$0x12720] =	vst v0;
	v0 =	vmul.f32 v52, v57  }
0x61b: {  	s30 =	sadd.s32 $0x1, s30;
	v3 =	vmul.f32 v58, v3;
	[tilespmem:$0x12750] =	vst v63  }
0x61c: {  	p1 =	sne.s32 s30, $0xA0;
	[tilespmem:$0x12740] =	vst v0;
	v0 =	vmul.f32 v56, v61  }
.Ltmp9:
0x61d: {  	[tilespmem:$0x12770] =	vst v3;
	(pc) =	sbr.rel @p1 .LBB2_8-.Ltmp9, $4  }
0x61e: {  	s22 =	rddreg [dreg:$0x2];
	s23 =	simm.s32 $0x12780;
	s24 =	simm.s32 $0x10780;
	[tilespmem:$0x12760] =	vst v0  }
0x61f: {  	[spmem:s22] =	stream.indirect.scatter.add.f32 [tilespmem:s24], [sflag:$0x4], $0x80, s23, s29, $0xb8;
	[tilespmem:$0x1F740] =	vst v63  }
0x620: {  	s28 =	simm.s32 $0x14800  }
0x621: {  	v4 =	vlaneseq.u32;
	v5 =	vimm.s32 $0x0;
	[spmem:s3] =	stream.indirect.scatter.add.f32 [tilespmem:s20], [sflag:$0x6], $0x80, s28, s29, $0xb8;
	[tilespmem:$0x1F740] =	vst v63  }
0x622: {  	s0 =	simm.s32 $0x3  }
0x623: {  	_ =	swait.ge [sflag:s0], $0x2000  }
0x624: {  	[sflag:s0] =	ssyncset.done $0x0  }
0x625: {  	s23 =	simm.s32 $0x4;
	[sflag:s0] =	ssyncadd.s32 $0xFFFFE000  }
0x626: {  	_ =	swait.ge [sflag:s23], $0x2000  }
0x627: {  	[sflag:s23] =	ssyncset.done $0x0  }
0x628: {  	s24 =	simm.s32 $0x5;
	[sflag:s23] =	ssyncadd.s32 $0xFFFFE000  }
0x629: {  	_ =	swait.ge [sflag:s24], $0x2000  }
0x62a: {  	[sflag:s24] =	ssyncset.done $0x0  }
0x62b: {  	s28 =	simm.s32 $0x6;
	[sflag:s24] =	ssyncadd.s32 $0xFFFFE000  }
0x62c: {  	_ =	swait.ge [sflag:s28], $0x2000  }
0x62d: {  	[sflag:s28] =	ssyncset.done $0x0  }
0x62e: {  	[sflag:s28] =	ssyncadd.s32 $0xFFFFE000  }
0x62f: {  	[bflag:$0x0] =	sbarrier.arrive $0xFFFF  }
0x630: {  	s30 =	rddreg [dreg:$0xb]  }
0x631: {  	[tilespmem:s16], [sflag:$0x7] =	stream.linear.gather [spmem:s30], $0xA00, $0x38;
	[tilespmem:$0x1F740] =	vst v63  }
0x632: {  	_ =	swait.ge [sflag:s26], $0xA00  }
0x633: {  	s1 =	simm.s32 $0x0;
	[sflag:s26] =	ssyncset.done $0x0  }
0x634: {  	s0 =	simm.s32 $0x0;
	s14 =	rddreg [dreg:$0xc];
	[sflag:s26] =	ssyncadd.s32 $0xFFFFF600  }
.LBB2_22:
0x635: {  	s2 =	sshll.u32 s1, $0x5;
	s4 =	sshll.u32 s1, $0x1  }
0x636: {  	s2 =	sadd.s32 s9, s2;
	s5 =	sadd.s32 $0x0, s4  }
0x637: {  	s8 =	sand.u32 $0x78, s0;
	s6 =	sshll.u32 s2, $0x7;
	s5 =	sshll.u32 s5, $0x7  }
0x638: {  	s17 =	rddreg [dreg:$0x2];
	s6 =	sand.u32 $0x3FFFFF80, s6;
	s8 =	sor.u32 s8, s5  }
0x639: {  	s5 =	sadd.s32 s6, s17;
	v0 =	vmov s8  }
0x63a: {  	[tilespmem:s25], [sflag:$0x7] =	stream.linear.gather [spmem:s5], $0x1000, $0x38;
	[tilespmem:$0x1F740] =	vst v63  }
0x63b: {  	_ =	swait.ge [sflag:s26], $0x1000  }
0x63c: {  	[sflag:s26] =	ssyncset.done $0x0  }
0x63d: {  	[sflag:s26] =	ssyncadd.s32 $0xFFFFF000  }
0x63e: {  	v0 =	vld.idx.msk [tilespmem:v0+s16+$0x0], $0xffff;
	_ =	sdelay $0x4  }
0x63f: {  	v0 =	vmax.f32 v0, $9.999999970e-07  }
0x640: {  	(erf) = vrcp.f32 v0;
	_ =	sdelay $0x3  }
0x641: {  	s10 =	simm.s32 $0x6340  }
0x642: {  	v0 =	vld [tilespmem:s10+$0xFFFFFFC0];
	_ =	sdelay $0x1  }
0x643: {  	s18 =	sor.u32 $0x1, s8  }
0x644: {  	v3 =	vmov s18  }
0x645: {  	v12 =	vpop (erf)  }
0x646: {  	v0 =	vmul.f32 v12, v0;
	_ =	sdelay $0x1  }
0x647: {  	[tilespmem:s10+$0xFFFFFFC0] =	vst v0  }
0x648: {  	v0 =	vld.idx.msk [tilespmem:v3+s16+$0x0], $0xffff;
	_ =	sdelay $0x4  }
0x649: {  	v0 =	vmax.f32 v0, $9.999999970e-07  }
0x64a: {  	(erf) = vrcp.f32 v0;
	_ =	sdelay $0x4  }
0x64b: {  	v0 =	vld [tilespmem:s10+$0xFFFFFFD0];
	_ =	sdelay $0x1  }
0x64c: {  	s21 =	sor.u32 $0x2, s8  }
0x64d: {  	v3 =	vmov s21  }
0x64e: {  	v57 =	vpop (erf)  }
0x64f: {  	v0 =	vmul.f32 v57, v0;
	_ =	sdelay $0x1  }
0x650: {  	[tilespmem:s10+$0xFFFFFFD0] =	vst v0  }
0x651: {  	v0 =	vld.idx.msk [tilespmem:v3+s16+$0x0], $0xffff;
	_ =	sdelay $0x4  }
0x652: {  	v0 =	vmax.f32 v0, $9.999999970e-07  }
0x653: {  	(erf) = vrcp.f32 v0;
	_ =	sdelay $0x4  }
0x654: {  	v0 =	vld [tilespmem:s10+$0xFFFFFFE0];
	_ =	sdelay $0x1  }
0x655: {  	s22 =	sor.u32 $0x3, s8  }
0x656: {  	v3 =	vmov s22  }
0x657: {  	v58 =	vpop (erf)  }
0x658: {  	v0 =	vmul.f32 v58, v0;
	_ =	sdelay $0x1  }
0x659: {  	[tilespmem:s10+$0xFFFFFFE0] =	vst v0  }
0x65a: {  	v0 =	vld.idx.msk [tilespmem:v3+s16+$0x0], $0xffff;
	_ =	sdelay $0x4  }
0x65b: {  	v0 =	vmax.f32 v0, $9.999999970e-07  }
0x65c: {  	(erf) = vrcp.f32 v0;
	_ =	sdelay $0x4  }
0x65d: {  	v0 =	vld [tilespmem:s10+$0xFFFFFFF0];
	_ =	sdelay $0x1  }
0x65e: {  	s23 =	sor.u32 $0x4, s8  }
0x65f: {  	v3 =	vmov s23  }
0x660: {  	v59 =	vpop (erf)  }
0x661: {  	v0 =	vmul.f32 v59, v0;
	_ =	sdelay $0x1  }
0x662: {  	[tilespmem:s10+$0xFFFFFFF0] =	vst v0  }
0x663: {  	v0 =	vld.idx.msk [tilespmem:v3+s16+$0x0], $0xffff;
	_ =	sdelay $0x4  }
0x664: {  	v0 =	vmax.f32 v0, $9.999999970e-07  }
0x665: {  	(erf) = vrcp.f32 v0;
	_ =	sdelay $0x4  }
0x666: {  	v0 =	vld [tilespmem:s10+$0x0];
	_ =	sdelay $0x1  }
0x667: {  	s24 =	sor.u32 $0x5, s8  }
0x668: {  	v3 =	vmov s24  }
0x669: {  	v60 =	vpop (erf)  }
0x66a: {  	v0 =	vmul.f32 v60, v0;
	_ =	sdelay $0x1  }
0x66b: {  	[tilespmem:s10+$0x0] =	vst v0  }
0x66c: {  	v0 =	vld.idx.msk [tilespmem:v3+s16+$0x0], $0xffff;
	_ =	sdelay $0x4  }
0x66d: {  	v0 =	vmax.f32 v0, $9.999999970e-07  }
0x66e: {  	(erf) = vrcp.f32 v0;
	_ =	sdelay $0x4  }
0x66f: {  	v0 =	vld [tilespmem:s10+$0x10];
	_ =	sdelay $0x1  }
0x670: {  	s28 =	sor.u32 $0x6, s8  }
0x671: {  	v3 =	vmov s28  }
0x672: {  	v61 =	vpop (erf)  }
0x673: {  	v0 =	vmul.f32 v61, v0;
	_ =	sdelay $0x1  }
0x674: {  	[tilespmem:s10+$0x10] =	vst v0  }
0x675: {  	v0 =	vld.idx.msk [tilespmem:v3+s16+$0x0], $0xffff;
	_ =	sdelay $0x4  }
0x676: {  	v0 =	vmax.f32 v0, $9.999999970e-07  }
0x677: {  	(erf) = vrcp.f32 v0;
	_ =	sdelay $0x4  }
0x678: {  	v0 =	vld [tilespmem:s10+$0x20];
	_ =	sdelay $0x1  }
0x679: {  	s30 =	sor.u32 $0x7, s8  }
0x67a: {  	v3 =	vmov s30  }
0x67b: {  	v63 =	vpop (erf)  }
0x67c: {  	v0 =	vmul.f32 v63, v0;
	_ =	sdelay $0x1  }
0x67d: {  	[tilespmem:s10+$0x20] =	vst v0  }
0x67e: {  	v0 =	vld.idx.msk [tilespmem:v3+s16+$0x0], $0xffff;
	_ =	sdelay $0x4  }
0x67f: {  	v0 =	vmax.f32 v0, $9.999999970e-07  }
0x680: {  	(erf) = vrcp.f32 v0;
	_ =	sdelay $0x3  }
0x681: {  	s12 =	simm.s32 $0x2;
	s11 =	simm.s32 $0x0;
	s8 =	simm.s32 $0x0  }
.LBB2_23:
0x682: {  	p1 =	sne.s32 s12, $0x1F;
	s5 =	sadd.s32 s4, s8;
	v0 =	vld [tilespmem:s10+$0x30];
	s11 =	sadd.s32 $0x8, s11  }
0x683: {  	s6 =	sand.u32 $0x78, s11;
	s5 =	sshll.u32 s5, $0x7  }
0x684: {  	s13 =	sor.u32 s6, s5  }
0x685: {  	v3 =	vmov s13  }
0x686: {  	v12 =	vpop (erf)  }
0x687: {  	v0 =	vmul.f32 v12, v0;
	_ =	sdelay $0x1  }
0x688: {  	[tilespmem:s10+$0x30] =	vst v0  }
0x689: {  	v0 =	vld.idx.msk [tilespmem:v3+s16+$0x0], $0xffff;
	_ =	sdelay $0x5  }
0x68a: {  	v0 =	vmax.f32 v0, $9.999999970e-07  }
0x68b: {  	(erf) = vrcp.f32 v0;
	_ =	sdelay $0x3  }
0x68c: {  	s10 =	sadd.s32 $0x80, s10  }
0x68d: {  	v0 =	vld [tilespmem:s10+$0xFFFFFFC0];
	_ =	sdelay $0x1  }
0x68e: {  	s5 =	sor.u32 $0x1, s13  }
0x68f: {  	v3 =	vmov s5  }
0x690: {  	v12 =	vpop (erf)  }
0x691: {  	v0 =	vmul.f32 v12, v0;
	_ =	sdelay $0x1  }
0x692: {  	[tilespmem:s10+$0xFFFFFFC0] =	vst v0  }
0x693: {  	v0 =	vld.idx.msk [tilespmem:v3+s16+$0x0], $0xffff;
	_ =	sdelay $0x5  }
0x694: {  	v0 =	vmax.f32 v0, $9.999999970e-07  }
0x695: {  	(erf) = vrcp.f32 v0;
	_ =	sdelay $0x4  }
0x696: {  	v0 =	vld [tilespmem:s10+$0xFFFFFFD0];
	_ =	sdelay $0x1  }
0x697: {  	s5 =	sor.u32 $0x2, s13  }
0x698: {  	v3 =	vmov s5  }
0x699: {  	v12 =	vpop (erf)  }
0x69a: {  	v0 =	vmul.f32 v12, v0;
	_ =	sdelay $0x1  }
0x69b: {  	[tilespmem:s10+$0xFFFFFFD0] =	vst v0  }
0x69c: {  	v0 =	vld.idx.msk [tilespmem:v3+s16+$0x0], $0xffff;
	_ =	sdelay $0x5  }
0x69d: {  	v0 =	vmax.f32 v0, $9.999999970e-07  }
0x69e: {  	(erf) = vrcp.f32 v0;
	_ =	sdelay $0x4  }
0x69f: {  	v0 =	vld [tilespmem:s10+$0xFFFFFFE0];
	_ =	sdelay $0x1  }
0x6a0: {  	s5 =	sor.u32 $0x3, s13  }
0x6a1: {  	v3 =	vmov s5  }
0x6a2: {  	v12 =	vpop (erf)  }
0x6a3: {  	v0 =	vmul.f32 v12, v0;
	_ =	sdelay $0x1  }
0x6a4: {  	[tilespmem:s10+$0xFFFFFFE0] =	vst v0  }
0x6a5: {  	v0 =	vld.idx.msk [tilespmem:v3+s16+$0x0], $0xffff;
	_ =	sdelay $0x5  }
0x6a6: {  	v0 =	vmax.f32 v0, $9.999999970e-07  }
0x6a7: {  	(erf) = vrcp.f32 v0;
	_ =	sdelay $0x4  }
0x6a8: {  	v0 =	vld [tilespmem:s10+$0xFFFFFFF0];
	_ =	sdelay $0x1  }
0x6a9: {  	s5 =	sor.u32 $0x4, s13  }
0x6aa: {  	v3 =	vmov s5  }
0x6ab: {  	v12 =	vpop (erf)  }
0x6ac: {  	v0 =	vmul.f32 v12, v0;
	_ =	sdelay $0x1  }
0x6ad: {  	[tilespmem:s10+$0xFFFFFFF0] =	vst v0  }
0x6ae: {  	v0 =	vld.idx.msk [tilespmem:v3+s16+$0x0], $0xffff;
	_ =	sdelay $0x5  }
0x6af: {  	v0 =	vmax.f32 v0, $9.999999970e-07  }
0x6b0: {  	(erf) = vrcp.f32 v0;
	_ =	sdelay $0x4  }
0x6b1: {  	v0 =	vld [tilespmem:s10+$0x0];
	_ =	sdelay $0x1  }
0x6b2: {  	s5 =	sor.u32 $0x5, s13  }
0x6b3: {  	v3 =	vmov s5  }
0x6b4: {  	v12 =	vpop (erf)  }
0x6b5: {  	v0 =	vmul.f32 v12, v0;
	_ =	sdelay $0x1  }
0x6b6: {  	[tilespmem:s10+$0x0] =	vst v0  }
0x6b7: {  	v0 =	vld.idx.msk [tilespmem:v3+s16+$0x0], $0xffff;
	_ =	sdelay $0x5  }
0x6b8: {  	v0 =	vmax.f32 v0, $9.999999970e-07  }
0x6b9: {  	(erf) = vrcp.f32 v0;
	_ =	sdelay $0x4  }
0x6ba: {  	v0 =	vld [tilespmem:s10+$0x10];
	_ =	sdelay $0x1  }
0x6bb: {  	s5 =	sor.u32 $0x6, s13  }
0x6bc: {  	v3 =	vmov s5  }
0x6bd: {  	v12 =	vpop (erf)  }
0x6be: {  	v0 =	vmul.f32 v12, v0;
	_ =	sdelay $0x1  }
0x6bf: {  	[tilespmem:s10+$0x10] =	vst v0  }
0x6c0: {  	v0 =	vld.idx.msk [tilespmem:v3+s16+$0x0], $0xffff;
	_ =	sdelay $0x5  }
0x6c1: {  	v0 =	vmax.f32 v0, $9.999999970e-07  }
0x6c2: {  	(erf) = vrcp.f32 v0;
	_ =	sdelay $0x4  }
0x6c3: {  	v0 =	vld [tilespmem:s10+$0x20];
	_ =	sdelay $0x1  }
0x6c4: {  	s5 =	sor.u32 $0x7, s13  }
0x6c5: {  	v3 =	vmov s5  }
0x6c6: {  	v12 =	vpop (erf)  }
0x6c7: {  	v0 =	vmul.f32 v12, v0;
	_ =	sdelay $0x1  }
0x6c8: {  	[tilespmem:s10+$0x20] =	vst v0  }
0x6c9: {  	v0 =	vld.idx.msk [tilespmem:v3+s16+$0x0], $0xffff;
	_ =	sdelay $0x5  }
0x6ca: {  	v0 =	vmax.f32 v0, $9.999999970e-07  }
.Ltmp10:
0x6cb: {  	(erf) = vrcp.f32 v0;
	(pc) =	sbr.rel @p1 .LBB2_23-.Ltmp10, $2  }
0x6cc: {  	_ =	sdelay $0x2  }
0x6cd: {  	s8 =	sshrl.u32 s12, $0x4;
	s12 =	sadd.s32 $0x1, s12  }
0x6ce: {  	s4 =	sadd.s32 s4, s8;
	v0 =	vld [tilespmem:s10+$0x30];
	s5 =	sadd.s32 $0x8, s11  }
0x6cf: {  	s5 =	sand.u32 $0x78, s5;
	s4 =	sshll.u32 s4, $0x7  }
0x6d0: {  	s17 =	sor.u32 s5, s4  }
0x6d1: {  	v3 =	vmov s17  }
0x6d2: {  	v12 =	vpop (erf)  }
0x6d3: {  	v0 =	vmul.f32 v12, v0;
	_ =	sdelay $0x1  }
0x6d4: {  	[tilespmem:s10+$0x30] =	vst v0  }
0x6d5: {  	v0 =	vld.idx.msk [tilespmem:v3+s16+$0x0], $0xffff;
	_ =	sdelay $0x4  }
0x6d6: {  	v0 =	vmax.f32 v0, $9.999999970e-07  }
0x6d7: {  	(erf) = vrcp.f32 v0;
	_ =	sdelay $0x3  }
0x6d8: {  	s18 =	sadd.s32 $0x80, s10  }
0x6d9: {  	v0 =	vld [tilespmem:s18+$0xFFFFFFC0];
	_ =	sdelay $0x1  }
0x6da: {  	s5 =	sor.u32 $0x1, s17  }
0x6db: {  	v3 =	vmov s5  }
0x6dc: {  	v56 =	vpop (erf)  }
0x6dd: {  	v0 =	vmul.f32 v56, v0;
	_ =	sdelay $0x1  }
0x6de: {  	[tilespmem:s18+$0xFFFFFFC0] =	vst v0  }
0x6df: {  	v0 =	vld.idx.msk [tilespmem:v3+s16+$0x0], $0xffff;
	_ =	sdelay $0x4  }
0x6e0: {  	v0 =	vmax.f32 v0, $9.999999970e-07  }
0x6e1: {  	(erf) = vrcp.f32 v0;
	_ =	sdelay $0x4  }
0x6e2: {  	v0 =	vld [tilespmem:s18+$0xFFFFFFD0];
	_ =	sdelay $0x1  }
0x6e3: {  	s21 =	sor.u32 $0x2, s17  }
0x6e4: {  	v3 =	vmov s21  }
0x6e5: {  	v57 =	vpop (erf)  }
0x6e6: {  	v0 =	vmul.f32 v57, v0;
	_ =	sdelay $0x1  }
0x6e7: {  	[tilespmem:s18+$0xFFFFFFD0] =	vst v0  }
0x6e8: {  	v0 =	vld.idx.msk [tilespmem:v3+s16+$0x0], $0xffff;
	_ =	sdelay $0x4  }
0x6e9: {  	v0 =	vmax.f32 v0, $9.999999970e-07  }
0x6ea: {  	(erf) = vrcp.f32 v0;
	_ =	sdelay $0x4  }
0x6eb: {  	v0 =	vld [tilespmem:s18+$0xFFFFFFE0];
	_ =	sdelay $0x1  }
0x6ec: {  	s22 =	sor.u32 $0x3, s17  }
0x6ed: {  	v3 =	vmov s22  }
0x6ee: {  	v58 =	vpop (erf)  }
0x6ef: {  	v0 =	vmul.f32 v58, v0;
	_ =	sdelay $0x1  }
0x6f0: {  	[tilespmem:s18+$0xFFFFFFE0] =	vst v0  }
0x6f1: {  	v0 =	vld.idx.msk [tilespmem:v3+s16+$0x0], $0xffff;
	_ =	sdelay $0x4  }
0x6f2: {  	v0 =	vmax.f32 v0, $9.999999970e-07  }
0x6f3: {  	(erf) = vrcp.f32 v0;
	_ =	sdelay $0x4  }
0x6f4: {  	v0 =	vld [tilespmem:s18+$0xFFFFFFF0];
	_ =	sdelay $0x1  }
0x6f5: {  	s23 =	sor.u32 $0x4, s17  }
0x6f6: {  	v3 =	vmov s23  }
0x6f7: {  	v59 =	vpop (erf)  }
0x6f8: {  	v0 =	vmul.f32 v59, v0;
	_ =	sdelay $0x1  }
0x6f9: {  	[tilespmem:s18+$0xFFFFFFF0] =	vst v0  }
0x6fa: {  	v0 =	vld.idx.msk [tilespmem:v3+s16+$0x0], $0xffff;
	_ =	sdelay $0x4  }
0x6fb: {  	v0 =	vmax.f32 v0, $9.999999970e-07  }
0x6fc: {  	(erf) = vrcp.f32 v0;
	_ =	sdelay $0x4  }
0x6fd: {  	v0 =	vld [tilespmem:s18+$0x0];
	_ =	sdelay $0x1  }
0x6fe: {  	s24 =	sor.u32 $0x5, s17  }
0x6ff: {  	v3 =	vmov s24  }
0x700: {  	v60 =	vpop (erf)  }
0x701: {  	v0 =	vmul.f32 v60, v0;
	_ =	sdelay $0x1  }
0x702: {  	[tilespmem:s18+$0x0] =	vst v0  }
0x703: {  	v0 =	vld.idx.msk [tilespmem:v3+s16+$0x0], $0xffff;
	_ =	sdelay $0x4  }
0x704: {  	v0 =	vmax.f32 v0, $9.999999970e-07  }
0x705: {  	(erf) = vrcp.f32 v0;
	_ =	sdelay $0x4  }
0x706: {  	v0 =	vld [tilespmem:s18+$0x10];
	_ =	sdelay $0x1  }
0x707: {  	s28 =	sor.u32 $0x6, s17  }
0x708: {  	v3 =	vmov s28  }
0x709: {  	v61 =	vpop (erf)  }
0x70a: {  	v0 =	vmul.f32 v61, v0;
	_ =	sdelay $0x1  }
0x70b: {  	[tilespmem:s18+$0x10] =	vst v0  }
0x70c: {  	v0 =	vld.idx.msk [tilespmem:v3+s16+$0x0], $0xffff;
	_ =	sdelay $0x4  }
0x70d: {  	v0 =	vmax.f32 v0, $9.999999970e-07  }
0x70e: {  	(erf) = vrcp.f32 v0;
	_ =	sdelay $0x4  }
0x70f: {  	v0 =	vld [tilespmem:s18+$0x20];
	_ =	sdelay $0x1  }
0x710: {  	s30 =	sor.u32 $0x7, s17  }
0x711: {  	v3 =	vmov s30  }
0x712: {  	v63 =	vpop (erf)  }
0x713: {  	v0 =	vmul.f32 v63, v0;
	_ =	sdelay $0x1  }
0x714: {  	[tilespmem:s18+$0x20] =	vst v0  }
0x715: {  	v0 =	vld.idx.msk [tilespmem:v3+s16+$0x0], $0xffff;
	_ =	sdelay $0x4  }
0x716: {  	v0 =	vmax.f32 v0, $9.999999970e-07  }
0x717: {  	(erf) = vrcp.f32 v0;
	_ =	sdelay $0x4  }
0x718: {  	v0 =	vld [tilespmem:s18+$0x30];
	_ =	sdelay $0x3  }
0x719: {  	v3 =	vpop (erf)  }
0x71a: {  	s1 =	sadd.s32 $0x1, s1;
	v0 =	vmul.f32 v3, v0  }
0x71b: {  	s2 =	sshll.u32 s2, $0x4;
	p1 =	sne.s32 s1, $0xA  }
.Ltmp11:
0x71c: {  	s2 =	sadd.s32 s2, s14;
	[tilespmem:s18+$0x30] =	vst v0;
	(pc) =	sbr.rel @p1 .LBB2_22-.Ltmp11, $4  }
0x71d: {  	[hbm4b:s2+s7] =	stream.linear.scatter [tilespmem:s25], [sflag:$0x7], $0x1000, $0x38;
	[tilespmem:$0x1F740] =	vst v63  }
0x71e: {  	_ =	swait.ge [sflag:s26], $0x1000  }
0x71f: {  	[sflag:s26] =	ssyncset.done $0x0  }
0x720: {  	[sflag:s26] =	ssyncadd.s32 $0xFFFFF000  }
0x721: {  	s1 =	rddreg [dreg:$0x18]  }
0x722: {  	s0 =	rddreg [dreg:$0xe];
	s1 =	sadd.s32 $0x1, s1  }
0x723: {  	p1 =	sne.s32 s1, s0  }
.Ltmp12:
0x724: {  	_ = 	snop;
	(pc) =	sbr.rel @p1 .LBB2_1-.Ltmp12, $1  }
0x725: {  	_ =	sdelay $0x3  }
0x726: {  	_ =	sfence.sel $0x180000  }
0x727: {  	[bflag:$0x0] =	sbarrier.arrive $0xFFFF  }
0x728: {  	_ =	strace $0x90000047  }
0x729: {  	[bflag:$0x2] =	sbarrier.arrive $0xFFFF  }
0x72a: {  	s0 =	rddreg [dreg:$0x4]  }
0x72b: {  	s0 =	sadd.s32 @!p0 $0x100000, s0  }
0x72c: {  	[sflag:s0] =	ssyncadd.tile.s32 @!p0 $0x1;
	_ =	shalt  }
.Lfunc_end2:
_tile_overlayer_lowered:
.L_overlay_start_2:
0x72d: {  	(tag) =	ssettag $0x2  }
0x72e: {  	s0 =	rddreg [dreg:$0x0];
	s2 =	stileid.u32  }
0x72f: {  	s1 =	rddreg [dreg:$0x1];
	p0 =	sne.s32 s2, $0x0  }
0x730: {  	s3 =	rddreg [dreg:$0x2];
	[bflag:$0x3] =	sbarrier.arrive $0xFFFF;
	s2 =	simm.s32 @!p0 $0x1C07  }
0x731: {  	[timem:s3], [sflag:s2] =	dma.local @!p0 [hbm:s0], s1  }
0x732: {  	s0 =	simm.s32 @!p0 $0x7  }
0x733: {  	_ =	swait.ge @!p0 [sflag:s0], s1  }
0x734: {  	s1 =	ssub.s32 @!p0 $0x0, s1;
	[sflag:s0] =	ssyncset.done @!p0 $0x0  }
0x735: {  	[sflag:s0] =	ssyncadd.s32 @!p0 s1  }
0x736: {  	[bflag:$0x3] =	sbarrier.arrive $0xFFFF  }
0x737: {  	_ =	shalt  }

</sc_bundles>
